<compile_context>
chip_gen: v7x
topology: tpu7x:2x2x1
jax: 0.10.2.dev20260603
libtpu: 0.0.44.dev20260713+nightly
codegen_flags: <defaults>
</compile_context>

<pallas_src>
import functools

import jax
import jax.numpy as jnp
from jax import lax
from jax.experimental import pallas as pl
from jax.experimental.pallas import tpu as pltpu
from jax.experimental.pallas import tpu_sc as plsc

N = 10000
D = 128
NW = 32
CH = 128

@functools.cache
def _sc_mesh():
    return plsc.VectorSubcoreMesh(core_axis_name="c", subcore_axis_name="s")



def _affine(x, w, b, block_rows):
    rows, k = x.shape
    dout = w.shape[1]
    grid = (rows // block_rows,)

    def body(x_ref, w_ref, b_ref, o_ref):
        o_ref[...] = (
            jnp.dot(x_ref[...], w_ref[...], preferred_element_type=jnp.float32)
            + b_ref[...]
        )

    return pl.pallas_call(
        body,
        grid=grid,
        in_specs=[
            pl.BlockSpec((block_rows, k), lambda i: (i, 0)),
            pl.BlockSpec((k, dout), lambda i: (0, 0)),
            pl.BlockSpec((1, dout), lambda i: (0, 0)),
        ],
        out_specs=pl.BlockSpec((block_rows, dout), lambda i: (i, 0)),
        out_shape=jax.ShapeDtypeStruct((rows, dout), jnp.float32),
    )(x, w, b.reshape(1, dout))


def _node_update(x, agg2, w1, b1, w2, b2, g, b, wa, wb, bb):

    def body(x_ref, a_ref, w1_ref, b1_ref, w2_ref, b2_ref,
             g_ref, bb_ref, wa_ref, wb_ref, pb_ref, o_ref, y1_ref, y2_ref):
        xv = x_ref[...]
        h = xv + a_ref[0] + a_ref[1]
        h = jnp.maximum(
            jnp.dot(h, w1_ref[...], preferred_element_type=jnp.float32)
            + b1_ref[...],
            0.0,
        )
        h = jnp.dot(h, w2_ref[...], preferred_element_type=jnp.float32) + b2_ref[...]
        mu = jnp.mean(h, axis=0, keepdims=True)
        var = jnp.mean((h - mu) ** 2, axis=0, keepdims=True)
        h = (h - mu) / jnp.sqrt(var + 1e-5) * g_ref[...] + bb_ref[...]
        xn = (xv + jnp.maximum(h, 0.0)) * 0.5
        o_ref[...] = xn
        y1_ref[...] = jnp.dot(xn, wa_ref[...], preferred_element_type=jnp.float32)
        y2_ref[...] = (
            jnp.dot(xn, wb_ref[...], preferred_element_type=jnp.float32)
            + pb_ref[...]
        )

    return pl.pallas_call(
        body,
        out_shape=(
            jax.ShapeDtypeStruct((N, D), jnp.float32),
            jax.ShapeDtypeStruct((N, D), jnp.float32),
            jax.ShapeDtypeStruct((N, D), jnp.float32),
        ),
    )(x, agg2, w1, b1.reshape(1, D), w2, b2.reshape(1, D),
      g.reshape(1, D), b.reshape(1, D), wa, wb, bb.reshape(1, D))


def _edge_mlp(ea, gsum, w1e, w2, b2, block_rows):
    rows = ea.shape[0]
    grid = (rows // block_rows,)

    def body(ea_ref, g_ref, w1e_ref, w2_ref, b2_ref, o_ref):
        eav = ea_ref[...]
        t = jnp.maximum(
            g_ref[...]
            + jnp.dot(eav, w1e_ref[...], preferred_element_type=jnp.float32),
            0.0,
        )
        o_ref[...] = eav + (
            jnp.dot(t, w2_ref[...], preferred_element_type=jnp.float32)
            + b2_ref[...]
        ) * 0.5

    return pl.pallas_call(
        body,
        grid=grid,
        in_specs=[
            pl.BlockSpec((block_rows, D), lambda i: (i, 0)),
            pl.BlockSpec((block_rows, D), lambda i: (i, 0)),
            pl.BlockSpec((D, D), lambda i: (0, 0)),
            pl.BlockSpec((D, D), lambda i: (0, 0)),
            pl.BlockSpec((1, D), lambda i: (0, 0)),
        ],
        out_specs=pl.BlockSpec((block_rows, D), lambda i: (i, 0)),
        out_shape=jax.ShapeDtypeStruct((rows, D), jnp.float32),
    )(ea, gsum, w1e, w2, b2.reshape(1, D))


def _head_mlp(eah, gh, w1e, w2, b2, block_rows):
    rows = eah.shape[0]
    nc = w2.shape[1]
    grid = (rows // block_rows,)

    def body(ea_ref, g_ref, w1e_ref, w2_ref, b2_ref, o_ref):
        t = jnp.maximum(
            g_ref[...]
            + jnp.dot(ea_ref[...], w1e_ref[...], preferred_element_type=jnp.float32),
            0.0,
        )
        o_ref[...] = (
            jnp.dot(t, w2_ref[...], preferred_element_type=jnp.float32)
            + b2_ref[...]
        )

    return pl.pallas_call(
        body,
        grid=grid,
        in_specs=[
            pl.BlockSpec((block_rows, D), lambda i: (i, 0)),
            pl.BlockSpec((block_rows, D), lambda i: (i, 0)),
            pl.BlockSpec((D, D), lambda i: (0, 0)),
            pl.BlockSpec((D, nc), lambda i: (0, 0)),
            pl.BlockSpec((1, nc), lambda i: (0, 0)),
        ],
        out_specs=pl.BlockSpec((block_rows, nc), lambda i: (i, 0)),
        out_shape=jax.ShapeDtypeStruct((rows, nc), jnp.float32),
    )(eah, gh, w1e, w2, b2.reshape(1, nc))



def _agg(x1, ea, src_mat, dst_mat, zeros):
    nchunks = src_mat.shape[0]
    CA = src_mat.shape[1]
    niter = (nchunks + NW - 1) // NW
    RZ = 624
    TAIL = N - 16 * RZ

    @functools.partial(
        pl.kernel,
        out_type=jax.ShapeDtypeStruct((2, N, D), jnp.float32),
        mesh=_sc_mesh(),
        scratch_types=[
            pltpu.VMEM((2, 1, CA), jnp.int32),
            pltpu.VMEM((2, 1, CA), jnp.int32),
            pltpu.VMEM((2, CA, D), jnp.float32),
            pltpu.VMEM((2, CA, D), jnp.float32),
            pltpu.VMEM_SHARED((N, D), jnp.float32),
            pltpu.SemaphoreType.DMA,
            pltpu.SemaphoreType.DMA,
        ],
    )
    def k(x_hbm, ea_hbm, src_hbm, dst_hbm, z_hbm, out_hbm,
          idxs, idxd, bufx, bufe, agg_sh, sga, sgb):
        c = lax.axis_index("c")
        s = lax.axis_index("s")
        wid = s * 2 + c

        pltpu.sync_copy(z_hbm.at[pl.ds(s * RZ, RZ)], agg_sh.at[pl.ds(s * RZ, RZ)])

        @pl.when(s == 0)
        def _():
            pltpu.sync_copy(z_hbm.at[pl.ds(16 * RZ, TAIL)],
                            agg_sh.at[pl.ds(16 * RZ, TAIL)])

        plsc.subcore_barrier()

        def chunk_of(j):
            return wid + j * NW

        def start_in(j, slot, sem):
            ck = chunk_of(j)
            pltpu.sync_copy(src_hbm.at[pl.ds(ck, 1)], idxs.at[slot])
            pltpu.sync_copy(dst_hbm.at[pl.ds(ck, 1)], idxd.at[slot])
            pltpu.async_copy(x_hbm.at[idxs.at[slot, 0]], bufx.at[slot], sem)
            pltpu.async_copy(ea_hbm.at[pl.ds(ck * CA, CA)], bufe.at[slot], sem)

        def finish(j, slot, sem):
            ck = chunk_of(j)
            pltpu.make_async_copy(x_hbm.at[idxs.at[slot, 0]],
                                  bufx.at[slot], sem).wait()
            pltpu.make_async_copy(ea_hbm.at[pl.ds(ck * CA, CA)],
                                  bufe.at[slot], sem).wait()
            _add_rows(bufx.at[slot], bufx.at[slot], bufe.at[slot],
                      relu=True, ch=CA)
            pltpu.sync_copy(bufx.at[slot], agg_sh.at[idxd.at[slot, 0]], add=True)

        @pl.when(chunk_of(0) < nchunks)
        def _():
            start_in(0, 0, sga)

        @pl.loop(0, (niter + 1) // 2)
        def _(p):
            j0 = 2 * p
            j1 = j0 + 1

            @pl.when(chunk_of(j1) < nchunks)
            def _():
                start_in(j1, 1, sgb)

            @pl.when(chunk_of(j0) < nchunks)
            def _():
                finish(j0, 0, sga)

            @pl.when(chunk_of(j0 + 2) < nchunks)
            def _():
                start_in(j0 + 2, 0, sga)

            @pl.when(chunk_of(j1) < nchunks)
            def _():
                finish(j1, 1, sgb)

        plsc.subcore_barrier()

        pltpu.sync_copy(agg_sh.at[pl.ds(s * RZ, RZ)],
                        out_hbm.at[c, pl.ds(s * RZ, RZ)])

        @pl.when(s == 0)
        def _():
            pltpu.sync_copy(agg_sh.at[pl.ds(16 * RZ, TAIL)],
                            out_hbm.at[c, pl.ds(16 * RZ, TAIL)])

    return k(x1, ea, src_mat, dst_mat, zeros)


def _pad_chunks(mat, maxc):
    nchunks = mat.shape[0]
    pad = NW * maxc - nchunks
    if pad:
        mat = jnp.pad(mat, ((0, pad), (0, 0)))
    return mat


def _add_rows(dst, a, b, relu, ch):

    @pl.loop(0, ch)
    def _(r):
        for cc in range(D // 16):
            sl = (pl.ds(r, 1), pl.ds(cc * 16, 16))
            v = a.at[sl][...] + b.at[sl][...]
            if relu:
                v = jnp.maximum(v, 0.0)
            dst.at[sl][...] = v


def _gather_add2(y1, y2, a_mat, b_mat):
    nchunks = a_mat.shape[0]
    rows = nchunks * CH
    maxc = (-(-nchunks // NW) + 7) // 8 * 8
    a_mat = _pad_chunks(a_mat, maxc)
    b_mat = _pad_chunks(b_mat, maxc)

    @functools.partial(
        pl.kernel,
        out_type=jax.ShapeDtypeStruct((rows, D), jnp.float32),
        mesh=_sc_mesh(),
        scratch_types=[
            pltpu.VMEM((maxc, CH), jnp.int32),
            pltpu.VMEM((maxc, CH), jnp.int32),
            pltpu.VMEM((2, CH, D), jnp.float32),
            pltpu.VMEM((2, CH, D), jnp.float32),
            pltpu.VMEM((2, CH, D), jnp.float32),
            pltpu.SemaphoreType.DMA,
            pltpu.SemaphoreType.DMA,
            pltpu.SemaphoreType.DMA,
            pltpu.SemaphoreType.DMA,
        ],
    )
    def k(y1_hbm, y2_hbm, a_hbm, b_hbm, out_hbm,
          idxa, idxb, bufa, bufb, bufo, sga, sgb, soa, sob):
        wid = lax.axis_index("s") * 2 + lax.axis_index("c")
        base = wid * maxc
        cnt = jnp.maximum(jnp.minimum(nchunks - base, maxc), 0)
        pltpu.sync_copy(a_hbm.at[pl.ds(base, maxc)], idxa)
        pltpu.sync_copy(b_hbm.at[pl.ds(base, maxc)], idxb)

        def start_gathers(j, slot, sem):
            pltpu.async_copy(y1_hbm.at[idxa.at[j]], bufa.at[slot], sem)
            pltpu.async_copy(y2_hbm.at[idxb.at[j]], bufb.at[slot], sem)

        def wait_gathers(j, slot, sem):
            pltpu.make_async_copy(y1_hbm.at[idxa.at[j]], bufa.at[slot], sem).wait()
            pltpu.make_async_copy(y2_hbm.at[idxb.at[j]], bufb.at[slot], sem).wait()

        def out_copy(j, slot, sem):
            return pltpu.make_async_copy(
                bufo.at[slot], out_hbm.at[pl.ds((base + j) * CH, CH)], sem)

        @pl.when(cnt > 0)
        def _():
            start_gathers(0, 0, sga)

        @pl.loop(0, maxc // 2)
        def _(p):
            j0 = 2 * p
            j1 = j0 + 1

            @pl.when(j1 < cnt)
            def _():
                start_gathers(j1, 1, sgb)

            @pl.when(j0 < cnt)
            def _():
                wait_gathers(j0, 0, sga)

                @pl.when(p > 0)
                def _():
                    out_copy(j0 - 2, 0, soa).wait()

                _add_rows(bufo.at[0], bufa.at[0], bufb.at[0], relu=False, ch=CH)
                out_copy(j0, 0, soa).start()

            @pl.when(j0 + 2 < cnt)
            def _():
                start_gathers(j0 + 2, 0, sga)

            @pl.when(j1 < cnt)
            def _():
                wait_gathers(j1, 1, sgb)

                @pl.when(p > 0)
                def _():
                    out_copy(j1 - 2, 1, sob).wait()

                _add_rows(bufo.at[1], bufa.at[1], bufb.at[1], relu=False, ch=CH)
                out_copy(j1, 1, sob).start()

        @pl.when(cnt > 0)
        def _():
            out_copy(cnt - 1 - (cnt + 1) % 2, 0, soa).wait()

        @pl.when(cnt > 1)
        def _():
            out_copy(cnt - 1 - cnt % 2, 1, sob).wait()

    return k(y1, y2, a_mat, b_mat)



def kernel(x, edge_index, edge_attr, pos_edge_index, pos_edge_attr,
           neg_edge_index, neg_edge_attr,
           node_W, node_b, edge_W, edge_b,
           convW1, convb1, convW2, convb2, bnG, bnB,
           emlpW1, emlpb1, emlpW2, emlpb2,
           decW1, decb1, decW2, decb2):
    E = edge_attr.shape[0]
    L = convW1.shape[0]

    CA = 80
    src_mat = edge_index[0].reshape(E // CH, CH).astype(jnp.int32)
    dst_mat = edge_index[1].reshape(E // CH, CH).astype(jnp.int32)
    srca_mat = edge_index[0].reshape(E // CA, CA).astype(jnp.int32)
    dsta_mat = edge_index[1].reshape(E // CA, CA).astype(jnp.int32)
    pn_index = jnp.concatenate([pos_edge_index, neg_edge_index], axis=1)
    EH = pn_index.shape[1]
    pn_a = pn_index[0].reshape(EH // CH, CH).astype(jnp.int32)
    pn_b = pn_index[1].reshape(EH // CH, CH).astype(jnp.int32)
    zeros = jnp.zeros((N, D), jnp.float32)

    x1 = _affine(x, node_W, node_b, 2000)
    ea = _affine(edge_attr, edge_W, edge_b, 3200)
    pn_attr = jnp.concatenate([pos_edge_attr, neg_edge_attr], axis=0)
    pn_ea = _affine(pn_attr, edge_W, edge_b, 4096)

    for i in range(L):
        last = i + 1 == L
        wa, wb, bb = ((decW1[0:D], decW1[D:2 * D], decb1) if last else
                      (emlpW1[i][0:D], emlpW1[i][D:2 * D], emlpb1[i]))
        agg2 = _agg(x1, ea, srca_mat, dsta_mat, zeros)
        x1, y1, y2 = _node_update(x1, agg2, convW1[i], convb1[i],
                                  convW2[i], convb2[i], bnG[i], bnB[i],
                                  wa, wb, bb)
        if last:
            break
        gsum = _gather_add2(y1, y2, src_mat, dst_mat)
        ea = _edge_mlp(ea, gsum, emlpW1[i][2 * D:3 * D], emlpW2[i],
                       emlpb2[i], 3200)

    gh = _gather_add2(y1, y2, pn_a, pn_b)
    return _head_mlp(pn_ea, gh, decW1[2 * D:3 * D], decW2, decb2, 4096)

# --- scband reference (transcript-rebuilt; emitter-appended) ---
"""Pipeline reference for scband-gine-78159814853192 (READ-ONLY COPY).

The authoritative reference and input builder live on the scoring server;
editing this copy changes nothing except your own understanding.
"""

import jax, jax.numpy as jnp
import numpy as np

N_NODES = 10000
N_EDGES = 320000
N_POS = 65536
N_NEG = 65536
D_FEAT = 128
D_EDGE = 16
H = 128
L = 2
NC = 2


def _lin_init(k, fan_in, fan_out):
    return jax.random.normal(k, (fan_in, fan_out), jnp.float32) / np.sqrt(fan_in)


def setup_inputs(seed: int = 0) -> dict:
    key = jax.random.key(seed)
    ks = jax.random.split(key, 32)
    x = jax.random.normal(ks[0], (N_NODES, D_FEAT), jnp.float32)
    edge_index = jax.random.randint(ks[1], (2, N_EDGES), 0, N_NODES)
    edge_attr = jax.random.normal(ks[2], (N_EDGES, D_EDGE), jnp.float32)
    pos_edge_index = jax.random.randint(ks[3], (2, N_POS), 0, N_NODES)
    pos_edge_attr = jax.random.normal(ks[4], (N_POS, D_EDGE), jnp.float32)
    neg_edge_index = jax.random.randint(ks[5], (2, N_NEG), 0, N_NODES)
    neg_edge_attr = jax.random.normal(ks[6], (N_NEG, D_EDGE), jnp.float32)

    node_W = _lin_init(ks[7], D_FEAT, H)
    node_b = jnp.zeros((H,), jnp.float32)
    edge_W = _lin_init(ks[8], D_EDGE, H)
    edge_b = jnp.zeros((H,), jnp.float32)

    convW1 = jnp.stack([_lin_init(ks[9 + i], H, H) for i in range(L)])
    convb1 = jnp.zeros((L, H), jnp.float32)
    convW2 = jnp.stack([_lin_init(ks[11 + i], H, H) for i in range(L)])
    convb2 = jnp.zeros((L, H), jnp.float32)
    bnG = jnp.ones((L, H), jnp.float32)
    bnB = jnp.zeros((L, H), jnp.float32)
    emlpW1 = jnp.stack([_lin_init(ks[13 + i], 3 * H, H) for i in range(L)])
    emlpb1 = jnp.zeros((L, H), jnp.float32)
    emlpW2 = jnp.stack([_lin_init(ks[15 + i], H, H) for i in range(L)])
    emlpb2 = jnp.zeros((L, H), jnp.float32)

    decW1 = _lin_init(ks[17], 3 * H, H)
    decb1 = jnp.zeros((H,), jnp.float32)
    decW2 = _lin_init(ks[18], H, NC)
    decb2 = jnp.zeros((NC,), jnp.float32)

    return dict(x=x, edge_index=edge_index, edge_attr=edge_attr,
                pos_edge_index=pos_edge_index, pos_edge_attr=pos_edge_attr,
                neg_edge_index=neg_edge_index, neg_edge_attr=neg_edge_attr,
                node_W=node_W, node_b=node_b, edge_W=edge_W, edge_b=edge_b,
                convW1=convW1, convb1=convb1, convW2=convW2, convb2=convb2,
                bnG=bnG, bnB=bnB,
                emlpW1=emlpW1, emlpb1=emlpb1, emlpW2=emlpW2, emlpb2=emlpb2,
                decW1=decW1, decb1=decb1, decW2=decW2, decb2=decb2)


def _batch_norm(h, g, b):
    mu = h.mean(axis=0)
    var = ((h - mu) ** 2).mean(axis=0)
    return (h - mu) / jnp.sqrt(var + 1e-5) * g + b


def reference(x, edge_index, edge_attr, pos_edge_index, pos_edge_attr,
              neg_edge_index, neg_edge_attr,
              node_W, node_b, edge_W, edge_b,
              convW1, convb1, convW2, convb2, bnG, bnB,
              emlpW1, emlpb1, emlpW2, emlpb2,
              decW1, decb1, decW2, decb2):
    x = x @ node_W + node_b
    ea = edge_attr @ edge_W + edge_b
    pea = pos_edge_attr @ edge_W + edge_b
    nea = neg_edge_attr @ edge_W + edge_b
    src, dst = edge_index[0], edge_index[1]
    for i in range(L):
        # GINEConv: out = nn((1+eps)*x_i + sum_j relu(x_j + e_ji)), eps=0
        msg = jax.nn.relu(x[src] + ea)
        agg = jax.ops.segment_sum(msg, dst, num_segments=x.shape[0])
        h = x + agg
        h = jax.nn.relu(h @ convW1[i] + convb1[i]) @ convW2[i] + convb2[i]
        h = _batch_norm(h, bnG[i], bnB[i])
        x = (x + jax.nn.relu(h)) / 2.0
        # edge update (edge_updates=True)
        e_in = jnp.concatenate([x[src], x[dst], ea], axis=-1)
        ea = ea + (jax.nn.relu(e_in @ emlpW1[i] + emlpb1[i]) @ emlpW2[i] + emlpb2[i]) / 2.0
    # LinkPredHead (dropout inactive / deterministic)
    def head(ei2, ea2):
        h2 = jnp.concatenate([x[ei2[0]], x[ei2[1]], ea2], axis=-1)
        h2 = jax.nn.relu(h2 @ decW1 + decb1)
        return h2 @ decW2 + decb2
    pos = head(pos_edge_index, pea)
    neg = head(neg_edge_index, nea)
    return jnp.concatenate([pos, neg], axis=0)

if __name__ == "__main__":
    import jax
    _d = setup_inputs()
    print(jax.jit(kernel)(*tuple(_d.values())))

</pallas_src>

<mosaic_0001>
#map = affine_map<(d0, d1) -> (0, 0)>
module attributes {stable_mosaic.version = 14 : i64} {
  func.func @k(%arg0: i32, %arg1: i32, %arg2: memref<10000x128xf32, #tpu.memory_space<hbm>>, %arg3: memref<10000x128xf32, #tpu.memory_space<hbm>>, %arg4: memref<2560x128xi32, #tpu.memory_space<hbm>>, %arg5: memref<2560x128xi32, #tpu.memory_space<hbm>>, %arg6: memref<320000x128xf32, #tpu.memory_space<hbm>>, %arg7: memref<80x128xi32, #tpu.memory_space<vmem>>, %arg8: memref<80x128xi32, #tpu.memory_space<vmem>>, %arg9: memref<2x128x128xf32, #tpu.memory_space<vmem>>, %arg10: memref<2x128x128xf32, #tpu.memory_space<vmem>>, %arg11: memref<2x128x128xf32, #tpu.memory_space<vmem>>, %arg12: memref<!tpu.dma_semaphore, #tpu.memory_space<semaphore_mem>>, %arg13: memref<!tpu.dma_semaphore, #tpu.memory_space<semaphore_mem>>, %arg14: memref<!tpu.dma_semaphore, #tpu.memory_space<semaphore_mem>>, %arg15: memref<!tpu.dma_semaphore, #tpu.memory_space<semaphore_mem>>) attributes {dimension_semantics = [#tpu.dimension_semantics<core_parallel>, #tpu.dimension_semantics<subcore_parallel>], iteration_bounds = array<i64: 2, 16>, scalar_prefetch = 0 : i64, scratch_operands = 9 : i64, tpu.core_type = #tpu.core_type<sc_vector_subcore>, window_params = [{transform_indices = #map}, {transform_indices = #map}, {transform_indices = #map}, {transform_indices = #map}, {transform_indices = #map}]} {
    %mul3A = arith.constant 2 : i32
    %mul3A_0 = arith.muli %arg1, %mul3A : i32
    %add3A = arith.addi %mul3A_0, %arg0 : i32
    %mul3A_1 = arith.constant 80 : i32
    %mul3A_2 = arith.muli %add3A, %mul3A_1 : i32
    %sub3A = arith.constant 2500 : i32
    %sub3A_3 = arith.subi %sub3A, %mul3A_2 : i32
    %min3A = arith.constant 80 : i32
    %min3A_4 = arith.minsi %sub3A_3, %min3A : i32
    %max3A = arith.constant 0 : i32
    %max3A_5 = arith.maxsi %min3A_4, %max3A : i32
    "tpu.region"() ({
      %run_scoped3A = tpu.sem_alloc : memref<!tpu.dma_semaphore, #tpu.memory_space<semaphore_mem>>
      %dma_start3A = arith.constant 0 : i32
      %dma_start3A_22 = tpu.memref_slice %arg4[%mul3A_2, %dma_start3A] : memref<2560x128xi32, #tpu.memory_space<hbm>> -> memref<80x128xi32, #tpu.memory_space<hbm>>
      %dma_start3A_23 = arith.constant 0 : i32
      %dma_start3A_24 = tpu.memref_slice %arg4[%mul3A_2, %dma_start3A_23] : memref<2560x128xi32, #tpu.memory_space<hbm>> -> memref<80x128xi32, #tpu.memory_space<hbm>>
      tpu.enqueue_dma source(%dma_start3A_24 : memref<80x128xi32, #tpu.memory_space<hbm>>) target(%arg7 : memref<80x128xi32, #tpu.memory_space<vmem>>) target_semaphore(%run_scoped3A : memref<!tpu.dma_semaphore, #tpu.memory_space<semaphore_mem>>)
      %dma_wait3A = arith.constant 0 : i32
      %dma_wait3A_25 = tpu.memref_slice %arg4[%mul3A_2, %dma_wait3A] : memref<2560x128xi32, #tpu.memory_space<hbm>> -> memref<80x128xi32, #tpu.memory_space<hbm>>
      %dma_wait3A_26 = arith.constant 0 : i32
      %dma_wait3A_27 = tpu.memref_slice %arg4[%mul3A_2, %dma_wait3A_26] : memref<2560x128xi32, #tpu.memory_space<hbm>> -> memref<80x128xi32, #tpu.memory_space<hbm>>
      tpu.wait_dma2 semaphore(%run_scoped3A : memref<!tpu.dma_semaphore, #tpu.memory_space<semaphore_mem>>) src(%dma_wait3A_27 : memref<80x128xi32, #tpu.memory_space<hbm>>) dst(%arg7 : memref<80x128xi32, #tpu.memory_space<vmem>>)
      tpu.yield
    }) : () -> ()
    "tpu.region"() ({
      %run_scoped3A = tpu.sem_alloc : memref<!tpu.dma_semaphore, #tpu.memory_space<semaphore_mem>>
      %dma_start3A = arith.constant 0 : i32
      %dma_start3A_22 = tpu.memref_slice %arg5[%mul3A_2, %dma_start3A] : memref<2560x128xi32, #tpu.memory_space<hbm>> -> memref<80x128xi32, #tpu.memory_space<hbm>>
      %dma_start3A_23 = arith.constant 0 : i32
      %dma_start3A_24 = tpu.memref_slice %arg5[%mul3A_2, %dma_start3A_23] : memref<2560x128xi32, #tpu.memory_space<hbm>> -> memref<80x128xi32, #tpu.memory_space<hbm>>
      tpu.enqueue_dma source(%dma_start3A_24 : memref<80x128xi32, #tpu.memory_space<hbm>>) target(%arg8 : memref<80x128xi32, #tpu.memory_space<vmem>>) target_semaphore(%run_scoped3A : memref<!tpu.dma_semaphore, #tpu.memory_space<semaphore_mem>>)
      %dma_wait3A = arith.constant 0 : i32
      %dma_wait3A_25 = tpu.memref_slice %arg5[%mul3A_2, %dma_wait3A] : memref<2560x128xi32, #tpu.memory_space<hbm>> -> memref<80x128xi32, #tpu.memory_space<hbm>>
      %dma_wait3A_26 = arith.constant 0 : i32
      %dma_wait3A_27 = tpu.memref_slice %arg5[%mul3A_2, %dma_wait3A_26] : memref<2560x128xi32, #tpu.memory_space<hbm>> -> memref<80x128xi32, #tpu.memory_space<hbm>>
      tpu.wait_dma2 semaphore(%run_scoped3A : memref<!tpu.dma_semaphore, #tpu.memory_space<semaphore_mem>>) src(%dma_wait3A_27 : memref<80x128xi32, #tpu.memory_space<hbm>>) dst(%arg8 : memref<80x128xi32, #tpu.memory_space<vmem>>)
      tpu.yield
    }) : () -> ()
    %gt3A = arith.constant 0 : i32
    %gt3A_6 = arith.cmpi sgt, %max3A_5, %gt3A : i32
    %convert_element_type3A = arith.extui %gt3A_6 : i1 to i32
    %cond3A = arith.constant 0 : i32
    %cond3A_7 = arith.cmpi ne, %convert_element_type3A, %cond3A : i32
    scf.if %cond3A_7 {
      %dma_start3A = arith.constant 0 : i32
      %dma_start3A_22 = arith.constant 0 : i32
      %dma_start3A_23 = arith.constant 0 : i32
      %dma_start3A_24 = arith.constant 0 : i32
      %dma_start3A_25 = tpu.memref_slice %arg9[%dma_start3A_22, %dma_start3A_23, %dma_start3A_24] : memref<2x128x128xf32, #tpu.memory_space<vmem>> -> memref<1x128x128xf32, #tpu.memory_space<vmem>>
      %dma_start3A_26 = tpu.memref_squeeze %dma_start3A_25 : memref<1x128x128xf32, #tpu.memory_space<vmem>> -> memref<128x128xf32, #tpu.memory_space<vmem>>
      %dma_start3A_27 = arith.constant 0 : i32
      %dma_start3A_28 = tpu.memref_slice %arg7[%dma_start3A, %dma_start3A_27] : memref<80x128xi32, #tpu.memory_space<vmem>> -> memref<1x128xi32, #tpu.memory_space<vmem>>
      %dma_start3A_29 = tpu.memref_squeeze %dma_start3A_28 : memref<1x128xi32, #tpu.memory_space<vmem>> -> memref<128xi32, #tpu.memory_space<vmem>>
      %dma_start3A_30 = arith.constant 0 : i32
      %dma_start3A_31 = arith.constant 0 : i32
      %dma_start3A_32 = tpu.memref_slice %arg2[%dma_start3A_30, %dma_start3A_31] : memref<10000x128xf32, #tpu.memory_space<hbm>> -> memref<10000x128xf32, #tpu.memory_space<hbm>>
      tpu.enqueue_indirect_dma source(%dma_start3A_32 : memref<10000x128xf32, #tpu.memory_space<hbm>>) target(%dma_start3A_26 : memref<128x128xf32, #tpu.memory_space<vmem>>) offsets(%dma_start3A_29 : memref<128xi32, #tpu.memory_space<vmem>>) semaphore(%arg12 : memref<!tpu.dma_semaphore, #tpu.memory_space<semaphore_mem>>)
      %dma_start3A_33 = arith.constant 0 : i32
      %dma_start3A_34 = arith.constant 0 : i32
      %dma_start3A_35 = arith.constant 0 : i32
      %dma_start3A_36 = arith.constant 0 : i32
      %dma_start3A_37 = tpu.memref_slice %arg10[%dma_start3A_34, %dma_start3A_35, %dma_start3A_36] : memref<2x128x128xf32, #tpu.memory_space<vmem>> -> memref<1x128x128xf32, #tpu.memory_space<vmem>>
      %dma_start3A_38 = tpu.memref_squeeze %dma_start3A_37 : memref<1x128x128xf32, #tpu.memory_space<vmem>> -> memref<128x128xf32, #tpu.memory_space<vmem>>
      %dma_start3A_39 = arith.constant 0 : i32
      %dma_start3A_40 = tpu.memref_slice %arg8[%dma_start3A_33, %dma_start3A_39] : memref<80x128xi32, #tpu.memory_space<vmem>> -> memref<1x128xi32, #tpu.memory_space<vmem>>
      %dma_start3A_41 = tpu.memref_squeeze %dma_start3A_40 : memref<1x128xi32, #tpu.memory_space<vmem>> -> memref<128xi32, #tpu.memory_space<vmem>>
      %dma_start3A_42 = arith.constant 0 : i32
      %dma_start3A_43 = arith.constant 0 : i32
      %dma_start3A_44 = tpu.memref_slice %arg3[%dma_start3A_42, %dma_start3A_43] : memref<10000x128xf32, #tpu.memory_space<hbm>> -> memref<10000x128xf32, #tpu.memory_space<hbm>>
      tpu.enqueue_indirect_dma source(%dma_start3A_44 : memref<10000x128xf32, #tpu.memory_space<hbm>>) target(%dma_start3A_38 : memref<128x128xf32, #tpu.memory_space<vmem>>) offsets(%dma_start3A_41 : memref<128xi32, #tpu.memory_space<vmem>>) semaphore(%arg12 : memref<!tpu.dma_semaphore, #tpu.memory_space<semaphore_mem>>)
    } else {
    }
    %scan3A = arith.constant 0 : i32
    %scan3A_8 = arith.constant 40 : i32
    %scan3A_9 = arith.addi %scan3A, %scan3A_8 : i32
    %scan3A_10 = arith.constant 1 : i32
    scf.for %scan3A_22 = %scan3A to %scan3A_9 step %scan3A_10  : i32 {
      %mul3A_23 = arith.constant 1 : i32
      %mul3A_24 = arith.muli %scan3A_22, %mul3A_23 : i32
      %add3A_25 = arith.constant 0 : i32
      %add3A_26 = arith.addi %add3A_25, %mul3A_24 : i32
      %mul3A_27 = arith.constant 2 : i32
      %mul3A_28 = arith.muli %mul3A_27, %add3A_26 : i32
      %add3A_29 = arith.constant 1 : i32
      %add3A_30 = arith.addi %mul3A_28, %add3A_29 : i32
      %lt3A = arith.cmpi slt, %add3A_30, %max3A_5 : i32
      %convert_element_type3A_31 = arith.extui %lt3A : i1 to i32
      %cond3A_32 = arith.constant 0 : i32
      %cond3A_33 = arith.cmpi ne, %convert_element_type3A_31, %cond3A_32 : i32
      scf.if %cond3A_33 {
        %dma_start3A = arith.constant 1 : i32
        %dma_start3A_48 = arith.constant 0 : i32
        %dma_start3A_49 = arith.constant 0 : i32
        %dma_start3A_50 = tpu.memref_slice %arg9[%dma_start3A, %dma_start3A_48, %dma_start3A_49] : memref<2x128x128xf32, #tpu.memory_space<vmem>> -> memref<1x128x128xf32, #tpu.memory_space<vmem>>
        %dma_start3A_51 = tpu.memref_squeeze %dma_start3A_50 : memref<1x128x128xf32, #tpu.memory_space<vmem>> -> memref<128x128xf32, #tpu.memory_space<vmem>>
        %dma_start3A_52 = arith.constant 0 : i32
        %dma_start3A_53 = tpu.memref_slice %arg7[%add3A_30, %dma_start3A_52] : memref<80x128xi32, #tpu.memory_space<vmem>> -> memref<1x128xi32, #tpu.memory_space<vmem>>
        %dma_start3A_54 = tpu.memref_squeeze %dma_start3A_53 : memref<1x128xi32, #tpu.memory_space<vmem>> -> memref<128xi32, #tpu.memory_space<vmem>>
        %dma_start3A_55 = arith.constant 0 : i32
        %dma_start3A_56 = arith.constant 0 : i32
        %dma_start3A_57 = tpu.memref_slice %arg2[%dma_start3A_55, %dma_start3A_56] : memref<10000x128xf32, #tpu.memory_space<hbm>> -> memref<10000x128xf32, #tpu.memory_space<hbm>>
        tpu.enqueue_indirect_dma source(%dma_start3A_57 : memref<10000x128xf32, #tpu.memory_space<hbm>>) target(%dma_start3A_51 : memref<128x128xf32, #tpu.memory_space<vmem>>) offsets(%dma_start3A_54 : memref<128xi32, #tpu.memory_space<vmem>>) semaphore(%arg13 : memref<!tpu.dma_semaphore, #tpu.memory_space<semaphore_mem>>)
        %dma_start3A_58 = arith.constant 1 : i32
        %dma_start3A_59 = arith.constant 0 : i32
        %dma_start3A_60 = arith.constant 0 : i32
        %dma_start3A_61 = tpu.memref_slice %arg10[%dma_start3A_58, %dma_start3A_59, %dma_start3A_60] : memref<2x128x128xf32, #tpu.memory_space<vmem>> -> memref<1x128x128xf32, #tpu.memory_space<vmem>>
        %dma_start3A_62 = tpu.memref_squeeze %dma_start3A_61 : memref<1x128x128xf32, #tpu.memory_space<vmem>> -> memref<128x128xf32, #tpu.memory_space<vmem>>
        %dma_start3A_63 = arith.constant 0 : i32
        %dma_start3A_64 = tpu.memref_slice %arg8[%add3A_30, %dma_start3A_63] : memref<80x128xi32, #tpu.memory_space<vmem>> -> memref<1x128xi32, #tpu.memory_space<vmem>>
        %dma_start3A_65 = tpu.memref_squeeze %dma_start3A_64 : memref<1x128xi32, #tpu.memory_space<vmem>> -> memref<128xi32, #tpu.memory_space<vmem>>
        %dma_start3A_66 = arith.constant 0 : i32
        %dma_start3A_67 = arith.constant 0 : i32
        %dma_start3A_68 = tpu.memref_slice %arg3[%dma_start3A_66, %dma_start3A_67] : memref<10000x128xf32, #tpu.memory_space<hbm>> -> memref<10000x128xf32, #tpu.memory_space<hbm>>
        tpu.enqueue_indirect_dma source(%dma_start3A_68 : memref<10000x128xf32, #tpu.memory_space<hbm>>) target(%dma_start3A_62 : memref<128x128xf32, #tpu.memory_space<vmem>>) offsets(%dma_start3A_65 : memref<128xi32, #tpu.memory_space<vmem>>) semaphore(%arg13 : memref<!tpu.dma_semaphore, #tpu.memory_space<semaphore_mem>>)
      } else {
      }
      %lt3A_34 = arith.cmpi slt, %mul3A_28, %max3A_5 : i32
      %convert_element_type3A_35 = arith.extui %lt3A_34 : i1 to i32
      %cond3A_36 = arith.constant 0 : i32
      %cond3A_37 = arith.cmpi ne, %convert_element_type3A_35, %cond3A_36 : i32
      scf.if %cond3A_37 {
        %dma_wait3A = arith.constant 0 : i32
        %dma_wait3A_48 = arith.constant 0 : i32
        %dma_wait3A_49 = arith.constant 0 : i32
        %dma_wait3A_50 = tpu.memref_slice %arg9[%dma_wait3A, %dma_wait3A_48, %dma_wait3A_49] : memref<2x128x128xf32, #tpu.memory_space<vmem>> -> memref<1x128x128xf32, #tpu.memory_space<vmem>>
        %dma_wait3A_51 = tpu.memref_squeeze %dma_wait3A_50 : memref<1x128x128xf32, #tpu.memory_space<vmem>> -> memref<128x128xf32, #tpu.memory_space<vmem>>
        %dma_wait3A_52 = arith.constant 0 : i32
        %dma_wait3A_53 = tpu.memref_slice %arg7[%mul3A_28, %dma_wait3A_52] : memref<80x128xi32, #tpu.memory_space<vmem>> -> memref<1x128xi32, #tpu.memory_space<vmem>>
        %dma_wait3A_54 = tpu.memref_squeeze %dma_wait3A_53 : memref<1x128xi32, #tpu.memory_space<vmem>> -> memref<128xi32, #tpu.memory_space<vmem>>
        %dma_wait3A_55 = arith.constant 0 : i32
        %dma_wait3A_56 = arith.constant 0 : i32
        %dma_wait3A_57 = tpu.memref_slice %arg2[%dma_wait3A_55, %dma_wait3A_56] : memref<10000x128xf32, #tpu.memory_space<hbm>> -> memref<10000x128xf32, #tpu.memory_space<hbm>>
        tpu.wait_indirect_dma semaphore(%arg12 : memref<!tpu.dma_semaphore, #tpu.memory_space<semaphore_mem>>) src(%dma_wait3A_57 : memref<10000x128xf32, #tpu.memory_space<hbm>>) dst(%dma_wait3A_51 : memref<128x128xf32, #tpu.memory_space<vmem>>)
        %dma_wait3A_58 = arith.constant 0 : i32
        %dma_wait3A_59 = arith.constant 0 : i32
        %dma_wait3A_60 = arith.constant 0 : i32
        %dma_wait3A_61 = tpu.memref_slice %arg10[%dma_wait3A_58, %dma_wait3A_59, %dma_wait3A_60] : memref<2x128x128xf32, #tpu.memory_space<vmem>> -> memref<1x128x128xf32, #tpu.memory_space<vmem>>
        %dma_wait3A_62 = tpu.memref_squeeze %dma_wait3A_61 : memref<1x128x128xf32, #tpu.memory_space<vmem>> -> memref<128x128xf32, #tpu.memory_space<vmem>>
        %dma_wait3A_63 = arith.constant 0 : i32
        %dma_wait3A_64 = tpu.memref_slice %arg8[%mul3A_28, %dma_wait3A_63] : memref<80x128xi32, #tpu.memory_space<vmem>> -> memref<1x128xi32, #tpu.memory_space<vmem>>
        %dma_wait3A_65 = tpu.memref_squeeze %dma_wait3A_64 : memref<1x128xi32, #tpu.memory_space<vmem>> -> memref<128xi32, #tpu.memory_space<vmem>>
        %dma_wait3A_66 = arith.constant 0 : i32
        %dma_wait3A_67 = arith.constant 0 : i32
        %dma_wait3A_68 = tpu.memref_slice %arg3[%dma_wait3A_66, %dma_wait3A_67] : memref<10000x128xf32, #tpu.memory_space<hbm>> -> memref<10000x128xf32, #tpu.memory_space<hbm>>
        tpu.wait_indirect_dma semaphore(%arg12 : memref<!tpu.dma_semaphore, #tpu.memory_space<semaphore_mem>>) src(%dma_wait3A_68 : memref<10000x128xf32, #tpu.memory_space<hbm>>) dst(%dma_wait3A_62 : memref<128x128xf32, #tpu.memory_space<vmem>>)
        %gt3A_69 = arith.constant 0 : i32
        %gt3A_70 = arith.cmpi sgt, %add3A_26, %gt3A_69 : i32
        %convert_element_type3A_71 = arith.extui %gt3A_70 : i1 to i32
        %cond3A_72 = arith.constant 0 : i32
        %cond3A_73 = arith.cmpi ne, %convert_element_type3A_71, %cond3A_72 : i32
        scf.if %cond3A_73 {
          %sub3A_97 = arith.constant 2 : i32
          %sub3A_98 = arith.subi %mul3A_28, %sub3A_97 : i32
          %add3A_99 = arith.addi %mul3A_2, %sub3A_98 : i32
          %mul3A_100 = arith.constant 128 : i32
          %mul3A_101 = arith.muli %add3A_99, %mul3A_100 : i32
          %dma_wait3A_102 = arith.constant 0 : i32
          %dma_wait3A_103 = arith.constant 0 : i32
          %dma_wait3A_104 = arith.constant 0 : i32
          %dma_wait3A_105 = tpu.memref_slice %arg11[%dma_wait3A_102, %dma_wait3A_103, %dma_wait3A_104] : memref<2x128x128xf32, #tpu.memory_space<vmem>> -> memref<1x128x128xf32, #tpu.memory_space<vmem>>
          %dma_wait3A_106 = tpu.memref_squeeze %dma_wait3A_105 : memref<1x128x128xf32, #tpu.memory_space<vmem>> -> memref<128x128xf32, #tpu.memory_space<vmem>>
          %dma_wait3A_107 = arith.constant 0 : i32
          %dma_wait3A_108 = tpu.memref_slice %arg6[%mul3A_101, %dma_wait3A_107] : memref<320000x128xf32, #tpu.memory_space<hbm>> -> memref<128x128xf32, #tpu.memory_space<hbm>>
          %dma_wait3A_109 = arith.constant 0 : i32
          %dma_wait3A_110 = tpu.memref_slice %arg6[%mul3A_101, %dma_wait3A_109] : memref<320000x128xf32, #tpu.memory_space<hbm>> -> memref<128x128xf32, #tpu.memory_space<hbm>>
          %dma_wait3A_111 = arith.constant 0 : i32
          %dma_wait3A_112 = arith.constant 0 : i32
          %dma_wait3A_113 = tpu.memref_slice %arg11[%dma_wait3A_102, %dma_wait3A_111, %dma_wait3A_112] : memref<2x128x128xf32, #tpu.memory_space<vmem>> -> memref<1x128x128xf32, #tpu.memory_space<vmem>>
          %dma_wait3A_114 = tpu.memref_squeeze %dma_wait3A_113 : memref<1x128x128xf32, #tpu.memory_space<vmem>> -> memref<128x128xf32, #tpu.memory_space<vmem>>
          tpu.wait_dma2 semaphore(%arg14 : memref<!tpu.dma_semaphore, #tpu.memory_space<semaphore_mem>>) src(%dma_wait3A_114 : memref<128x128xf32, #tpu.memory_space<vmem>>) dst(%dma_wait3A_110 : memref<128x128xf32, #tpu.memory_space<hbm>>)
        } else {
        }
        %scan3A_74 = arith.constant 0 : i32
        %scan3A_75 = arith.constant 0 : i32
        %scan3A_76 = arith.constant 0 : i32
        %scan3A_77 = arith.constant 0 : i32
        %scan3A_78 = arith.constant 128 : i32
        %scan3A_79 = arith.addi %scan3A_77, %scan3A_78 : i32
        %scan3A_80 = arith.constant 1 : i32
        scf.for %scan3A_97 = %scan3A_77 to %scan3A_79 step %scan3A_80  : i32 {
          %mul3A_98 = arith.constant 1 : i32
          %mul3A_99 = arith.muli %scan3A_97, %mul3A_98 : i32
          %add3A_100 = arith.constant 0 : i32
          %add3A_101 = arith.addi %add3A_100, %mul3A_99 : i32
          %get3A = arith.constant 0 : i32
          %get3A_102 = arith.constant 0 : i32
          %get3A_103 = tpu.memref_slice %arg9[%scan3A_74, %get3A, %get3A_102] : memref<2x128x128xf32, #tpu.memory_space<vmem>> -> memref<1x128x128xf32, #tpu.memory_space<vmem>>
          %get3A_104 = tpu.memref_squeeze %get3A_103 : memref<1x128x128xf32, #tpu.memory_space<vmem>> -> memref<128x128xf32, #tpu.memory_space<vmem>>
          %get3A_105 = arith.index_cast %add3A_101 : i32 to index
          %get3A_106 = arith.constant 0 : index
          %get3A_107 = tpu.vector_load %get3A_104[%get3A_105, %get3A_106] {strides = array<i32>} : memref<128x128xf32, #tpu.memory_space<vmem>>, vector<1x16xf32>,
          %get3A_108 = vector.shape_cast %get3A_107 : vector<1x16xf32> to vector<1x16xf32>
          %get3A_109 = arith.constant 0 : i32
          %get3A_110 = arith.constant 0 : i32
          %get3A_111 = tpu.memref_slice %arg10[%scan3A_75, %get3A_109, %get3A_110] : memref<2x128x128xf32, #tpu.memory_space<vmem>> -> memref<1x128x128xf32, #tpu.memory_space<vmem>>
          %get3A_112 = tpu.memref_squeeze %get3A_111 : memref<1x128x128xf32, #tpu.memory_space<vmem>> -> memref<128x128xf32, #tpu.memory_space<vmem>>
          %get3A_113 = arith.index_cast %add3A_101 : i32 to index
          %get3A_114 = arith.constant 0 : index
          %get3A_115 = tpu.vector_load %get3A_112[%get3A_113, %get3A_114] {strides = array<i32>} : memref<128x128xf32, #tpu.memory_space<vmem>>, vector<1x16xf32>,
          %get3A_116 = vector.shape_cast %get3A_115 : vector<1x16xf32> to vector<1x16xf32>
          %add3A_117 = arith.addf %get3A_108, %get3A_116 : vector<1x16xf32>
          %swap3A = arith.constant 0 : i32
          %swap3A_118 = arith.constant 0 : i32
          %swap3A_119 = tpu.memref_slice %arg11[%scan3A_76, %swap3A, %swap3A_118] : memref<2x128x128xf32, #tpu.memory_space<vmem>> -> memref<1x128x128xf32, #tpu.memory_space<vmem>>
          %swap3A_120 = tpu.memref_squeeze %swap3A_119 : memref<1x128x128xf32, #tpu.memory_space<vmem>> -> memref<128x128xf32, #tpu.memory_space<vmem>>
          %swap3A_121 = arith.index_cast %add3A_101 : i32 to index
          %swap3A_122 = arith.constant 0 : index
          %swap3A_123 = tpu.vector_load %swap3A_120[%swap3A_121, %swap3A_122] {strides = array<i32>} : memref<128x128xf32, #tpu.memory_space<vmem>>, vector<1x16xf32>,
          %swap3A_124 = vector.shape_cast %swap3A_123 : vector<1x16xf32> to vector<1x16xf32>
          %swap3A_125 = vector.shape_cast %add3A_117 : vector<1x16xf32> to vector<1x16xf32>
          tpu.vector_store %swap3A_120[%swap3A_121, %swap3A_122], %swap3A_125 {strides = array<i32>} : memref<128x128xf32, #tpu.memory_space<vmem>>, vector<1x16xf32>,
          %get3A_126 = arith.constant 0 : i32
          %get3A_127 = arith.constant 0 : i32
          %get3A_128 = tpu.memref_slice %arg9[%scan3A_74, %get3A_126, %get3A_127] : memref<2x128x128xf32, #tpu.memory_space<vmem>> -> memref<1x128x128xf32, #tpu.memory_space<vmem>>
          %get3A_129 = tpu.memref_squeeze %get3A_128 : memref<1x128x128xf32, #tpu.memory_space<vmem>> -> memref<128x128xf32, #tpu.memory_space<vmem>>
          %get3A_130 = arith.index_cast %add3A_101 : i32 to index
          %get3A_131 = arith.constant 16 : index
          %get3A_132 = tpu.vector_load %get3A_129[%get3A_130, %get3A_131] {strides = array<i32>} : memref<128x128xf32, #tpu.memory_space<vmem>>, vector<1x16xf32>,
          %get3A_133 = vector.shape_cast %get3A_132 : vector<1x16xf32> to vector<1x16xf32>
          %get3A_134 = arith.constant 0 : i32
          %get3A_135 = arith.constant 0 : i32
          %get3A_136 = tpu.memref_slice %arg10[%scan3A_75, %get3A_134, %get3A_135] : memref<2x128x128xf32, #tpu.memory_space<vmem>> -> memref<1x128x128xf32, #tpu.memory_space<vmem>>
          %get3A_137 = tpu.memref_squeeze %get3A_136 : memref<1x128x128xf32, #tpu.memory_space<vmem>> -> memref<128x128xf32, #tpu.memory_space<vmem>>
          %get3A_138 = arith.index_cast %add3A_101 : i32 to index
          %get3A_139 = arith.constant 16 : index
          %get3A_140 = tpu.vector_load %get3A_137[%get3A_138, %get3A_139] {strides = array<i32>} : memref<128x128xf32, #tpu.memory_space<vmem>>, vector<1x16xf32>,
          %get3A_141 = vector.shape_cast %get3A_140 : vector<1x16xf32> to vector<1x16xf32>
          %add3A_142 = arith.addf %get3A_133, %get3A_141 : vector<1x16xf32>
          %swap3A_143 = arith.constant 0 : i32
          %swap3A_144 = arith.constant 0 : i32
          %swap3A_145 = tpu.memref_slice %arg11[%scan3A_76, %swap3A_143, %swap3A_144] : memref<2x128x128xf32, #tpu.memory_space<vmem>> -> memref<1x128x128xf32, #tpu.memory_space<vmem>>
          %swap3A_146 = tpu.memref_squeeze %swap3A_145 : memref<1x128x128xf32, #tpu.memory_space<vmem>> -> memref<128x128xf32, #tpu.memory_space<vmem>>
          %swap3A_147 = arith.index_cast %add3A_101 : i32 to index
          %swap3A_148 = arith.constant 16 : index
          %swap3A_149 = tpu.vector_load %swap3A_146[%swap3A_147, %swap3A_148] {strides = array<i32>} : memref<128x128xf32, #tpu.memory_space<vmem>>, vector<1x16xf32>,
          %swap3A_150 = vector.shape_cast %swap3A_149 : vector<1x16xf32> to vector<1x16xf32>
          %swap3A_151 = vector.shape_cast %add3A_142 : vector<1x16xf32> to vector<1x16xf32>
          tpu.vector_store %swap3A_146[%swap3A_147, %swap3A_148], %swap3A_151 {strides = array<i32>} : memref<128x128xf32, #tpu.memory_space<vmem>>, vector<1x16xf32>,
          %get3A_152 = arith.constant 0 : i32
          %get3A_153 = arith.constant 0 : i32
          %get3A_154 = tpu.memref_slice %arg9[%scan3A_74, %get3A_152, %get3A_153] : memref<2x128x128xf32, #tpu.memory_space<vmem>> -> memref<1x128x128xf32, #tpu.memory_space<vmem>>
          %get3A_155 = tpu.memref_squeeze %get3A_154 : memref<1x128x128xf32, #tpu.memory_space<vmem>> -> memref<128x128xf32, #tpu.memory_space<vmem>>
          %get3A_156 = arith.index_cast %add3A_101 : i32 to index
          %get3A_157 = arith.constant 32 : index
          %get3A_158 = tpu.vector_load %get3A_155[%get3A_156, %get3A_157] {strides = array<i32>} : memref<128x128xf32, #tpu.memory_space<vmem>>, vector<1x16xf32>,
          %get3A_159 = vector.shape_cast %get3A_158 : vector<1x16xf32> to vector<1x16xf32>
          %get3A_160 = arith.constant 0 : i32
          %get3A_161 = arith.constant 0 : i32
          %get3A_162 = tpu.memref_slice %arg10[%scan3A_75, %get3A_160, %get3A_161] : memref<2x128x128xf32, #tpu.memory_space<vmem>> -> memref<1x128x128xf32, #tpu.memory_space<vmem>>
          %get3A_163 = tpu.memref_squeeze %get3A_162 : memref<1x128x128xf32, #tpu.memory_space<vmem>> -> memref<128x128xf32, #tpu.memory_space<vmem>>
          %get3A_164 = arith.index_cast %add3A_101 : i32 to index
          %get3A_165 = arith.constant 32 : index
          %get3A_166 = tpu.vector_load %get3A_163[%get3A_164, %get3A_165] {strides = array<i32>} : memref<128x128xf32, #tpu.memory_space<vmem>>, vector<1x16xf32>,
          %get3A_167 = vector.shape_cast %get3A_166 : vector<1x16xf32> to vector<1x16xf32>
          %add3A_168 = arith.addf %get3A_159, %get3A_167 : vector<1x16xf32>
          %swap3A_169 = arith.constant 0 : i32
          %swap3A_170 = arith.constant 0 : i32
          %swap3A_171 = tpu.memref_slice %arg11[%scan3A_76, %swap3A_169, %swap3A_170] : memref<2x128x128xf32, #tpu.memory_space<vmem>> -> memref<1x128x128xf32, #tpu.memory_space<vmem>>
          %swap3A_172 = tpu.memref_squeeze %swap3A_171 : memref<1x128x128xf32, #tpu.memory_space<vmem>> -> memref<128x128xf32, #tpu.memory_space<vmem>>
          %swap3A_173 = arith.index_cast %add3A_101 : i32 to index
          %swap3A_174 = arith.constant 32 : index
          %swap3A_175 = tpu.vector_load %swap3A_172[%swap3A_173, %swap3A_174] {strides = array<i32>} : memref<128x128xf32, #tpu.memory_space<vmem>>, vector<1x16xf32>,
          %swap3A_176 = vector.shape_cast %swap3A_175 : vector<1x16xf32> to vector<1x16xf32>
          %swap3A_177 = vector.shape_cast %add3A_168 : vector<1x16xf32> to vector<1x16xf32>
          tpu.vector_store %swap3A_172[%swap3A_173, %swap3A_174], %swap3A_177 {strides = array<i32>} : memref<128x128xf32, #tpu.memory_space<vmem>>, vector<1x16xf32>,
          %get3A_178 = arith.constant 0 : i32
          %get3A_179 = arith.constant 0 : i32
          %get3A_180 = tpu.memref_slice %arg9[%scan3A_74, %get3A_178, %get3A_179] : memref<2x128x128xf32, #tpu.memory_space<vmem>> -> memref<1x128x128xf32, #tpu.memory_space<vmem>>
          %get3A_181 = tpu.memref_squeeze %get3A_180 : memref<1x128x128xf32, #tpu.memory_space<vmem>> -> memref<128x128xf32, #tpu.memory_space<vmem>>
          %get3A_182 = arith.index_cast %add3A_101 : i32 to index
          %get3A_183 = arith.constant 48 : index
          %get3A_184 = tpu.vector_load %get3A_181[%get3A_182, %get3A_183] {strides = array<i32>} : memref<128x128xf32, #tpu.memory_space<vmem>>, vector<1x16xf32>,
          %get3A_185 = vector.shape_cast %get3A_184 : vector<1x16xf32> to vector<1x16xf32>
          %get3A_186 = arith.constant 0 : i32
          %get3A_187 = arith.constant 0 : i32
          %get3A_188 = tpu.memref_slice %arg10[%scan3A_75, %get3A_186, %get3A_187] : memref<2x128x128xf32, #tpu.memory_space<vmem>> -> memref<1x128x128xf32, #tpu.memory_space<vmem>>
          %get3A_189 = tpu.memref_squeeze %get3A_188 : memref<1x128x128xf32, #tpu.memory_space<vmem>> -> memref<128x128xf32, #tpu.memory_space<vmem>>
          %get3A_190 = arith.index_cast %add3A_101 : i32 to index
          %get3A_191 = arith.constant 48 : index
          %get3A_192 = tpu.vector_load %get3A_189[%get3A_190, %get3A_191] {strides = array<i32>} : memref<128x128xf32, #tpu.memory_space<vmem>>, vector<1x16xf32>,
          %get3A_193 = vector.shape_cast %get3A_192 : vector<1x16xf32> to vector<1x16xf32>
          %add3A_194 = arith.addf %get3A_185, %get3A_193 : vector<1x16xf32>
          %swap3A_195 = arith.constant 0 : i32
          %swap3A_196 = arith.constant 0 : i32
          %swap3A_197 = tpu.memref_slice %arg11[%scan3A_76, %swap3A_195, %swap3A_196] : memref<2x128x128xf32, #tpu.memory_space<vmem>> -> memref<1x128x128xf32, #tpu.memory_space<vmem>>
          %swap3A_198 = tpu.memref_squeeze %swap3A_197 : memref<1x128x128xf32, #tpu.memory_space<vmem>> -> memref<128x128xf32, #tpu.memory_space<vmem>>
          %swap3A_199 = arith.index_cast %add3A_101 : i32 to index
          %swap3A_200 = arith.constant 48 : index
          %swap3A_201 = tpu.vector_load %swap3A_198[%swap3A_199, %swap3A_200] {strides = array<i32>} : memref<128x128xf32, #tpu.memory_space<vmem>>, vector<1x16xf32>,
          %swap3A_202 = vector.shape_cast %swap3A_201 : vector<1x16xf32> to vector<1x16xf32>
          %swap3A_203 = vector.shape_cast %add3A_194 : vector<1x16xf32> to vector<1x16xf32>
          tpu.vector_store %swap3A_198[%swap3A_199, %swap3A_200], %swap3A_203 {strides = array<i32>} : memref<128x128xf32, #tpu.memory_space<vmem>>, vector<1x16xf32>,
          %get3A_204 = arith.constant 0 : i32
          %get3A_205 = arith.constant 0 : i32
          %get3A_206 = tpu.memref_slice %arg9[%scan3A_74, %get3A_204, %get3A_205] : memref<2x128x128xf32, #tpu.memory_space<vmem>> -> memref<1x128x128xf32, #tpu.memory_space<vmem>>
          %get3A_207 = tpu.memref_squeeze %get3A_206 : memref<1x128x128xf32, #tpu.memory_space<vmem>> -> memref<128x128xf32, #tpu.memory_space<vmem>>
          %get3A_208 = arith.index_cast %add3A_101 : i32 to index
          %get3A_209 = arith.constant 64 : index
          %get3A_210 = tpu.vector_load %get3A_207[%get3A_208, %get3A_209] {strides = array<i32>} : memref<128x128xf32, #tpu.memory_space<vmem>>, vector<1x16xf32>,
          %get3A_211 = vector.shape_cast %get3A_210 : vector<1x16xf32> to vector<1x16xf32>
          %get3A_212 = arith.constant 0 : i32
          %get3A_213 = arith.constant 0 : i32
          %get3A_214 = tpu.memref_slice %arg10[%scan3A_75, %get3A_212, %get3A_213] : memref<2x128x128xf32, #tpu.memory_space<vmem>> -> memref<1x128x128xf32, #tpu.memory_space<vmem>>
          %get3A_215 = tpu.memref_squeeze %get3A_214 : memref<1x128x128xf32, #tpu.memory_space<vmem>> -> memref<128x128xf32, #tpu.memory_space<vmem>>
          %get3A_216 = arith.index_cast %add3A_101 : i32 to index
          %get3A_217 = arith.constant 64 : index
          %get3A_218 = tpu.vector_load %get3A_215[%get3A_216, %get3A_217] {strides = array<i32>} : memref<128x128xf32, #tpu.memory_space<vmem>>, vector<1x16xf32>,
          %get3A_219 = vector.shape_cast %get3A_218 : vector<1x16xf32> to vector<1x16xf32>
          %add3A_220 = arith.addf %get3A_211, %get3A_219 : vector<1x16xf32>
          %swap3A_221 = arith.constant 0 : i32
          %swap3A_222 = arith.constant 0 : i32
          %swap3A_223 = tpu.memref_slice %arg11[%scan3A_76, %swap3A_221, %swap3A_222] : memref<2x128x128xf32, #tpu.memory_space<vmem>> -> memref<1x128x128xf32, #tpu.memory_space<vmem>>
          %swap3A_224 = tpu.memref_squeeze %swap3A_223 : memref<1x128x128xf32, #tpu.memory_space<vmem>> -> memref<128x128xf32, #tpu.memory_space<vmem>>
          %swap3A_225 = arith.index_cast %add3A_101 : i32 to index
          %swap3A_226 = arith.constant 64 : index
          %swap3A_227 = tpu.vector_load %swap3A_224[%swap3A_225, %swap3A_226] {strides = array<i32>} : memref<128x128xf32, #tpu.memory_space<vmem>>, vector<1x16xf32>,
          %swap3A_228 = vector.shape_cast %swap3A_227 : vector<1x16xf32> to vector<1x16xf32>
          %swap3A_229 = vector.shape_cast %add3A_220 : vector<1x16xf32> to vector<1x16xf32>
          tpu.vector_store %swap3A_224[%swap3A_225, %swap3A_226], %swap3A_229 {strides = array<i32>} : memref<128x128xf32, #tpu.memory_space<vmem>>, vector<1x16xf32>,
          %get3A_230 = arith.constant 0 : i32
          %get3A_231 = arith.constant 0 : i32
          %get3A_232 = tpu.memref_slice %arg9[%scan3A_74, %get3A_230, %get3A_231] : memref<2x128x128xf32, #tpu.memory_space<vmem>> -> memref<1x128x128xf32, #tpu.memory_space<vmem>>
          %get3A_233 = tpu.memref_squeeze %get3A_232 : memref<1x128x128xf32, #tpu.memory_space<vmem>> -> memref<128x128xf32, #tpu.memory_space<vmem>>
          %get3A_234 = arith.index_cast %add3A_101 : i32 to index
          %get3A_235 = arith.constant 80 : index
          %get3A_236 = tpu.vector_load %get3A_233[%get3A_234, %get3A_235] {strides = array<i32>} : memref<128x128xf32, #tpu.memory_space<vmem>>, vector<1x16xf32>,
          %get3A_237 = vector.shape_cast %get3A_236 : vector<1x16xf32> to vector<1x16xf32>
          %get3A_238 = arith.constant 0 : i32
          %get3A_239 = arith.constant 0 : i32
          %get3A_240 = tpu.memref_slice %arg10[%scan3A_75, %get3A_238, %get3A_239] : memref<2x128x128xf32, #tpu.memory_space<vmem>> -> memref<1x128x128xf32, #tpu.memory_space<vmem>>
          %get3A_241 = tpu.memref_squeeze %get3A_240 : memref<1x128x128xf32, #tpu.memory_space<vmem>> -> memref<128x128xf32, #tpu.memory_space<vmem>>
          %get3A_242 = arith.index_cast %add3A_101 : i32 to index
          %get3A_243 = arith.constant 80 : index
          %get3A_244 = tpu.vector_load %get3A_241[%get3A_242, %get3A_243] {strides = array<i32>} : memref<128x128xf32, #tpu.memory_space<vmem>>, vector<1x16xf32>,
          %get3A_245 = vector.shape_cast %get3A_244 : vector<1x16xf32> to vector<1x16xf32>
          %add3A_246 = arith.addf %get3A_237, %get3A_245 : vector<1x16xf32>
          %swap3A_247 = arith.constant 0 : i32
          %swap3A_248 = arith.constant 0 : i32
          %swap3A_249 = tpu.memref_slice %arg11[%scan3A_76, %swap3A_247, %swap3A_248] : memref<2x128x128xf32, #tpu.memory_space<vmem>> -> memref<1x128x128xf32, #tpu.memory_space<vmem>>
          %swap3A_250 = tpu.memref_squeeze %swap3A_249 : memref<1x128x128xf32, #tpu.memory_space<vmem>> -> memref<128x128xf32, #tpu.memory_space<vmem>>
          %swap3A_251 = arith.index_cast %add3A_101 : i32 to index
          %swap3A_252 = arith.constant 80 : index
          %swap3A_253 = tpu.vector_load %swap3A_250[%swap3A_251, %swap3A_252] {strides = array<i32>} : memref<128x128xf32, #tpu.memory_space<vmem>>, vector<1x16xf32>,
          %swap3A_254 = vector.shape_cast %swap3A_253 : vector<1x16xf32> to vector<1x16xf32>
          %swap3A_255 = vector.shape_cast %add3A_246 : vector<1x16xf32> to vector<1x16xf32>
          tpu.vector_store %swap3A_250[%swap3A_251, %swap3A_252], %swap3A_255 {strides = array<i32>} : memref<128x128xf32, #tpu.memory_space<vmem>>, vector<1x16xf32>,
          %get3A_256 = arith.constant 0 : i32
          %get3A_257 = arith.constant 0 : i32
          %get3A_258 = tpu.memref_slice %arg9[%scan3A_74, %get3A_256, %get3A_257] : memref<2x128x128xf32, #tpu.memory_space<vmem>> -> memref<1x128x128xf32, #tpu.memory_space<vmem>>
          %get3A_259 = tpu.memref_squeeze %get3A_258 : memref<1x128x128xf32, #tpu.memory_space<vmem>> -> memref<128x128xf32, #tpu.memory_space<vmem>>
          %get3A_260 = arith.index_cast %add3A_101 : i32 to index
          %get3A_261 = arith.constant 96 : index
          %get3A_262 = tpu.vector_load %get3A_259[%get3A_260, %get3A_261] {strides = array<i32>} : memref<128x128xf32, #tpu.memory_space<vmem>>, vector<1x16xf32>,
          %get3A_263 = vector.shape_cast %get3A_262 : vector<1x16xf32> to vector<1x16xf32>
          %get3A_264 = arith.constant 0 : i32
          %get3A_265 = arith.constant 0 : i32
          %get3A_266 = tpu.memref_slice %arg10[%scan3A_75, %get3A_264, %get3A_265] : memref<2x128x128xf32, #tpu.memory_space<vmem>> -> memref<1x128x128xf32, #tpu.memory_space<vmem>>
          %get3A_267 = tpu.memref_squeeze %get3A_266 : memref<1x128x128xf32, #tpu.memory_space<vmem>> -> memref<128x128xf32, #tpu.memory_space<vmem>>
          %get3A_268 = arith.index_cast %add3A_101 : i32 to index
          %get3A_269 = arith.constant 96 : index
          %get3A_270 = tpu.vector_load %get3A_267[%get3A_268, %get3A_269] {strides = array<i32>} : memref<128x128xf32, #tpu.memory_space<vmem>>, vector<1x16xf32>,
          %get3A_271 = vector.shape_cast %get3A_270 : vector<1x16xf32> to vector<1x16xf32>
          %add3A_272 = arith.addf %get3A_263, %get3A_271 : vector<1x16xf32>
          %swap3A_273 = arith.constant 0 : i32
          %swap3A_274 = arith.constant 0 : i32
          %swap3A_275 = tpu.memref_slice %arg11[%scan3A_76, %swap3A_273, %swap3A_274] : memref<2x128x128xf32, #tpu.memory_space<vmem>> -> memref<1x128x128xf32, #tpu.memory_space<vmem>>
          %swap3A_276 = tpu.memref_squeeze %swap3A_275 : memref<1x128x128xf32, #tpu.memory_space<vmem>> -> memref<128x128xf32, #tpu.memory_space<vmem>>
          %swap3A_277 = arith.index_cast %add3A_101 : i32 to index
          %swap3A_278 = arith.constant 96 : index
          %swap3A_279 = tpu.vector_load %swap3A_276[%swap3A_277, %swap3A_278] {strides = array<i32>} : memref<128x128xf32, #tpu.memory_space<vmem>>, vector<1x16xf32>,
          %swap3A_280 = vector.shape_cast %swap3A_279 : vector<1x16xf32> to vector<1x16xf32>
          %swap3A_281 = vector.shape_cast %add3A_272 : vector<1x16xf32> to vector<1x16xf32>
          tpu.vector_store %swap3A_276[%swap3A_277, %swap3A_278], %swap3A_281 {strides = array<i32>} : memref<128x128xf32, #tpu.memory_space<vmem>>, vector<1x16xf32>,
          %get3A_282 = arith.constant 0 : i32
          %get3A_283 = arith.constant 0 : i32
          %get3A_284 = tpu.memref_slice %arg9[%scan3A_74, %get3A_282, %get3A_283] : memref<2x128x128xf32, #tpu.memory_space<vmem>> -> memref<1x128x128xf32, #tpu.memory_space<vmem>>
          %get3A_285 = tpu.memref_squeeze %get3A_284 : memref<1x128x128xf32, #tpu.memory_space<vmem>> -> memref<128x128xf32, #tpu.memory_space<vmem>>
          %get3A_286 = arith.index_cast %add3A_101 : i32 to index
          %get3A_287 = arith.constant 112 : index
          %get3A_288 = tpu.vector_load %get3A_285[%get3A_286, %get3A_287] {strides = array<i32>} : memref<128x128xf32, #tpu.memory_space<vmem>>, vector<1x16xf32>,
          %get3A_289 = vector.shape_cast %get3A_288 : vector<1x16xf32> to vector<1x16xf32>
          %get3A_290 = arith.constant 0 : i32
          %get3A_291 = arith.constant 0 : i32
          %get3A_292 = tpu.memref_slice %arg10[%scan3A_75, %get3A_290, %get3A_291] : memref<2x128x128xf32, #tpu.memory_space<vmem>> -> memref<1x128x128xf32, #tpu.memory_space<vmem>>
          %get3A_293 = tpu.memref_squeeze %get3A_292 : memref<1x128x128xf32, #tpu.memory_space<vmem>> -> memref<128x128xf32, #tpu.memory_space<vmem>>
          %get3A_294 = arith.index_cast %add3A_101 : i32 to index
          %get3A_295 = arith.constant 112 : index
          %get3A_296 = tpu.vector_load %get3A_293[%get3A_294, %get3A_295] {strides = array<i32>} : memref<128x128xf32, #tpu.memory_space<vmem>>, vector<1x16xf32>,
          %get3A_297 = vector.shape_cast %get3A_296 : vector<1x16xf32> to vector<1x16xf32>
          %add3A_298 = arith.addf %get3A_289, %get3A_297 : vector<1x16xf32>
          %swap3A_299 = arith.constant 0 : i32
          %swap3A_300 = arith.constant 0 : i32
          %swap3A_301 = tpu.memref_slice %arg11[%scan3A_76, %swap3A_299, %swap3A_300] : memref<2x128x128xf32, #tpu.memory_space<vmem>> -> memref<1x128x128xf32, #tpu.memory_space<vmem>>
          %swap3A_302 = tpu.memref_squeeze %swap3A_301 : memref<1x128x128xf32, #tpu.memory_space<vmem>> -> memref<128x128xf32, #tpu.memory_space<vmem>>
          %swap3A_303 = arith.index_cast %add3A_101 : i32 to index
          %swap3A_304 = arith.constant 112 : index
          %swap3A_305 = tpu.vector_load %swap3A_302[%swap3A_303, %swap3A_304] {strides = array<i32>} : memref<128x128xf32, #tpu.memory_space<vmem>>, vector<1x16xf32>,
          %swap3A_306 = vector.shape_cast %swap3A_305 : vector<1x16xf32> to vector<1x16xf32>
          %swap3A_307 = vector.shape_cast %add3A_298 : vector<1x16xf32> to vector<1x16xf32>
          tpu.vector_store %swap3A_302[%swap3A_303, %swap3A_304], %swap3A_307 {strides = array<i32>} : memref<128x128xf32, #tpu.memory_space<vmem>>, vector<1x16xf32>,
        }
        %scan3A_81 = arith.constant 128 : i32
        %add3A_82 = arith.addi %mul3A_2, %mul3A_28 : i32
        %mul3A_83 = arith.constant 128 : i32
        %mul3A_84 = arith.muli %add3A_82, %mul3A_83 : i32
        %dma_start3A = arith.constant 0 : i32
        %dma_start3A_85 = arith.constant 0 : i32
        %dma_start3A_86 = arith.constant 0 : i32
        %dma_start3A_87 = tpu.memref_slice %arg11[%dma_start3A, %dma_start3A_85, %dma_start3A_86] : memref<2x128x128xf32, #tpu.memory_space<vmem>> -> memref<1x128x128xf32, #tpu.memory_space<vmem>>
        %dma_start3A_88 = tpu.memref_squeeze %dma_start3A_87 : memref<1x128x128xf32, #tpu.memory_space<vmem>> -> memref<128x128xf32, #tpu.memory_space<vmem>>
        %dma_start3A_89 = arith.constant 0 : i32
        %dma_start3A_90 = tpu.memref_slice %arg6[%mul3A_84, %dma_start3A_89] : memref<320000x128xf32, #tpu.memory_space<hbm>> -> memref<128x128xf32, #tpu.memory_space<hbm>>
        %dma_start3A_91 = arith.constant 0 : i32
        %dma_start3A_92 = tpu.memref_slice %arg6[%mul3A_84, %dma_start3A_91] : memref<320000x128xf32, #tpu.memory_space<hbm>> -> memref<128x128xf32, #tpu.memory_space<hbm>>
        %dma_start3A_93 = arith.constant 0 : i32
        %dma_start3A_94 = arith.constant 0 : i32
        %dma_start3A_95 = tpu.memref_slice %arg11[%dma_start3A, %dma_start3A_93, %dma_start3A_94] : memref<2x128x128xf32, #tpu.memory_space<vmem>> -> memref<1x128x128xf32, #tpu.memory_space<vmem>>
        %dma_start3A_96 = tpu.memref_squeeze %dma_start3A_95 : memref<1x128x128xf32, #tpu.memory_space<vmem>> -> memref<128x128xf32, #tpu.memory_space<vmem>>
        tpu.enqueue_dma source(%dma_start3A_96 : memref<128x128xf32, #tpu.memory_space<vmem>>) target(%dma_start3A_92 : memref<128x128xf32, #tpu.memory_space<hbm>>) target_semaphore(%arg14 : memref<!tpu.dma_semaphore, #tpu.memory_space<semaphore_mem>>)
      } else {
      }
      %add3A_38 = arith.constant 2 : i32
      %add3A_39 = arith.addi %mul3A_28, %add3A_38 : i32
      %lt3A_40 = arith.cmpi slt, %add3A_39, %max3A_5 : i32
      %convert_element_type3A_41 = arith.extui %lt3A_40 : i1 to i32
      %cond3A_42 = arith.constant 0 : i32
      %cond3A_43 = arith.cmpi ne, %convert_element_type3A_41, %cond3A_42 : i32
      scf.if %cond3A_43 {
        %add3A_48 = arith.constant 2 : i32
        %add3A_49 = arith.addi %mul3A_28, %add3A_48 : i32
        %dma_start3A = arith.constant 0 : i32
        %dma_start3A_50 = arith.constant 0 : i32
        %dma_start3A_51 = arith.constant 0 : i32
        %dma_start3A_52 = tpu.memref_slice %arg9[%dma_start3A, %dma_start3A_50, %dma_start3A_51] : memref<2x128x128xf32, #tpu.memory_space<vmem>> -> memref<1x128x128xf32, #tpu.memory_space<vmem>>
        %dma_start3A_53 = tpu.memref_squeeze %dma_start3A_52 : memref<1x128x128xf32, #tpu.memory_space<vmem>> -> memref<128x128xf32, #tpu.memory_space<vmem>>
        %dma_start3A_54 = arith.constant 0 : i32
        %dma_start3A_55 = tpu.memref_slice %arg7[%add3A_49, %dma_start3A_54] : memref<80x128xi32, #tpu.memory_space<vmem>> -> memref<1x128xi32, #tpu.memory_space<vmem>>
        %dma_start3A_56 = tpu.memref_squeeze %dma_start3A_55 : memref<1x128xi32, #tpu.memory_space<vmem>> -> memref<128xi32, #tpu.memory_space<vmem>>
        %dma_start3A_57 = arith.constant 0 : i32
        %dma_start3A_58 = arith.constant 0 : i32
        %dma_start3A_59 = tpu.memref_slice %arg2[%dma_start3A_57, %dma_start3A_58] : memref<10000x128xf32, #tpu.memory_space<hbm>> -> memref<10000x128xf32, #tpu.memory_space<hbm>>
        tpu.enqueue_indirect_dma source(%dma_start3A_59 : memref<10000x128xf32, #tpu.memory_space<hbm>>) target(%dma_start3A_53 : memref<128x128xf32, #tpu.memory_space<vmem>>) offsets(%dma_start3A_56 : memref<128xi32, #tpu.memory_space<vmem>>) semaphore(%arg12 : memref<!tpu.dma_semaphore, #tpu.memory_space<semaphore_mem>>)
        %dma_start3A_60 = arith.constant 0 : i32
        %dma_start3A_61 = arith.constant 0 : i32
        %dma_start3A_62 = arith.constant 0 : i32
        %dma_start3A_63 = tpu.memref_slice %arg10[%dma_start3A_60, %dma_start3A_61, %dma_start3A_62] : memref<2x128x128xf32, #tpu.memory_space<vmem>> -> memref<1x128x128xf32, #tpu.memory_space<vmem>>
        %dma_start3A_64 = tpu.memref_squeeze %dma_start3A_63 : memref<1x128x128xf32, #tpu.memory_space<vmem>> -> memref<128x128xf32, #tpu.memory_space<vmem>>
        %dma_start3A_65 = arith.constant 0 : i32
        %dma_start3A_66 = tpu.memref_slice %arg8[%add3A_49, %dma_start3A_65] : memref<80x128xi32, #tpu.memory_space<vmem>> -> memref<1x128xi32, #tpu.memory_space<vmem>>
        %dma_start3A_67 = tpu.memref_squeeze %dma_start3A_66 : memref<1x128xi32, #tpu.memory_space<vmem>> -> memref<128xi32, #tpu.memory_space<vmem>>
        %dma_start3A_68 = arith.constant 0 : i32
        %dma_start3A_69 = arith.constant 0 : i32
        %dma_start3A_70 = tpu.memref_slice %arg3[%dma_start3A_68, %dma_start3A_69] : memref<10000x128xf32, #tpu.memory_space<hbm>> -> memref<10000x128xf32, #tpu.memory_space<hbm>>
        tpu.enqueue_indirect_dma source(%dma_start3A_70 : memref<10000x128xf32, #tpu.memory_space<hbm>>) target(%dma_start3A_64 : memref<128x128xf32, #tpu.memory_space<vmem>>) offsets(%dma_start3A_67 : memref<128xi32, #tpu.memory_space<vmem>>) semaphore(%arg12 : memref<!tpu.dma_semaphore, #tpu.memory_space<semaphore_mem>>)
      } else {
      }
      %lt3A_44 = arith.cmpi slt, %add3A_30, %max3A_5 : i32
      %convert_element_type3A_45 = arith.extui %lt3A_44 : i1 to i32
      %cond3A_46 = arith.constant 0 : i32
      %cond3A_47 = arith.cmpi ne, %convert_element_type3A_45, %cond3A_46 : i32
      scf.if %cond3A_47 {
        %dma_wait3A = arith.constant 1 : i32
        %dma_wait3A_48 = arith.constant 0 : i32
        %dma_wait3A_49 = arith.constant 0 : i32
        %dma_wait3A_50 = tpu.memref_slice %arg9[%dma_wait3A, %dma_wait3A_48, %dma_wait3A_49] : memref<2x128x128xf32, #tpu.memory_space<vmem>> -> memref<1x128x128xf32, #tpu.memory_space<vmem>>
        %dma_wait3A_51 = tpu.memref_squeeze %dma_wait3A_50 : memref<1x128x128xf32, #tpu.memory_space<vmem>> -> memref<128x128xf32, #tpu.memory_space<vmem>>
        %dma_wait3A_52 = arith.constant 0 : i32
        %dma_wait3A_53 = tpu.memref_slice %arg7[%add3A_30, %dma_wait3A_52] : memref<80x128xi32, #tpu.memory_space<vmem>> -> memref<1x128xi32, #tpu.memory_space<vmem>>
        %dma_wait3A_54 = tpu.memref_squeeze %dma_wait3A_53 : memref<1x128xi32, #tpu.memory_space<vmem>> -> memref<128xi32, #tpu.memory_space<vmem>>
        %dma_wait3A_55 = arith.constant 0 : i32
        %dma_wait3A_56 = arith.constant 0 : i32
        %dma_wait3A_57 = tpu.memref_slice %arg2[%dma_wait3A_55, %dma_wait3A_56] : memref<10000x128xf32, #tpu.memory_space<hbm>> -> memref<10000x128xf32, #tpu.memory_space<hbm>>
        tpu.wait_indirect_dma semaphore(%arg13 : memref<!tpu.dma_semaphore, #tpu.memory_space<semaphore_mem>>) src(%dma_wait3A_57 : memref<10000x128xf32, #tpu.memory_space<hbm>>) dst(%dma_wait3A_51 : memref<128x128xf32, #tpu.memory_space<vmem>>)
        %dma_wait3A_58 = arith.constant 1 : i32
        %dma_wait3A_59 = arith.constant 0 : i32
        %dma_wait3A_60 = arith.constant 0 : i32
        %dma_wait3A_61 = tpu.memref_slice %arg10[%dma_wait3A_58, %dma_wait3A_59, %dma_wait3A_60] : memref<2x128x128xf32, #tpu.memory_space<vmem>> -> memref<1x128x128xf32, #tpu.memory_space<vmem>>
        %dma_wait3A_62 = tpu.memref_squeeze %dma_wait3A_61 : memref<1x128x128xf32, #tpu.memory_space<vmem>> -> memref<128x128xf32, #tpu.memory_space<vmem>>
        %dma_wait3A_63 = arith.constant 0 : i32
        %dma_wait3A_64 = tpu.memref_slice %arg8[%add3A_30, %dma_wait3A_63] : memref<80x128xi32, #tpu.memory_space<vmem>> -> memref<1x128xi32, #tpu.memory_space<vmem>>
        %dma_wait3A_65 = tpu.memref_squeeze %dma_wait3A_64 : memref<1x128xi32, #tpu.memory_space<vmem>> -> memref<128xi32, #tpu.memory_space<vmem>>
        %dma_wait3A_66 = arith.constant 0 : i32
        %dma_wait3A_67 = arith.constant 0 : i32
        %dma_wait3A_68 = tpu.memref_slice %arg3[%dma_wait3A_66, %dma_wait3A_67] : memref<10000x128xf32, #tpu.memory_space<hbm>> -> memref<10000x128xf32, #tpu.memory_space<hbm>>
        tpu.wait_indirect_dma semaphore(%arg13 : memref<!tpu.dma_semaphore, #tpu.memory_space<semaphore_mem>>) src(%dma_wait3A_68 : memref<10000x128xf32, #tpu.memory_space<hbm>>) dst(%dma_wait3A_62 : memref<128x128xf32, #tpu.memory_space<vmem>>)
        %gt3A_69 = arith.constant 0 : i32
        %gt3A_70 = arith.cmpi sgt, %add3A_26, %gt3A_69 : i32
        %convert_element_type3A_71 = arith.extui %gt3A_70 : i1 to i32
        %cond3A_72 = arith.constant 0 : i32
        %cond3A_73 = arith.cmpi ne, %convert_element_type3A_71, %cond3A_72 : i32
        scf.if %cond3A_73 {
          %sub3A_97 = arith.constant 2 : i32
          %sub3A_98 = arith.subi %add3A_30, %sub3A_97 : i32
          %add3A_99 = arith.addi %mul3A_2, %sub3A_98 : i32
          %mul3A_100 = arith.constant 128 : i32
          %mul3A_101 = arith.muli %add3A_99, %mul3A_100 : i32
          %dma_wait3A_102 = arith.constant 1 : i32
          %dma_wait3A_103 = arith.constant 0 : i32
          %dma_wait3A_104 = arith.constant 0 : i32
          %dma_wait3A_105 = tpu.memref_slice %arg11[%dma_wait3A_102, %dma_wait3A_103, %dma_wait3A_104] : memref<2x128x128xf32, #tpu.memory_space<vmem>> -> memref<1x128x128xf32, #tpu.memory_space<vmem>>
          %dma_wait3A_106 = tpu.memref_squeeze %dma_wait3A_105 : memref<1x128x128xf32, #tpu.memory_space<vmem>> -> memref<128x128xf32, #tpu.memory_space<vmem>>
          %dma_wait3A_107 = arith.constant 0 : i32
          %dma_wait3A_108 = tpu.memref_slice %arg6[%mul3A_101, %dma_wait3A_107] : memref<320000x128xf32, #tpu.memory_space<hbm>> -> memref<128x128xf32, #tpu.memory_space<hbm>>
          %dma_wait3A_109 = arith.constant 0 : i32
          %dma_wait3A_110 = tpu.memref_slice %arg6[%mul3A_101, %dma_wait3A_109] : memref<320000x128xf32, #tpu.memory_space<hbm>> -> memref<128x128xf32, #tpu.memory_space<hbm>>
          %dma_wait3A_111 = arith.constant 0 : i32
          %dma_wait3A_112 = arith.constant 0 : i32
          %dma_wait3A_113 = tpu.memref_slice %arg11[%dma_wait3A_102, %dma_wait3A_111, %dma_wait3A_112] : memref<2x128x128xf32, #tpu.memory_space<vmem>> -> memref<1x128x128xf32, #tpu.memory_space<vmem>>
          %dma_wait3A_114 = tpu.memref_squeeze %dma_wait3A_113 : memref<1x128x128xf32, #tpu.memory_space<vmem>> -> memref<128x128xf32, #tpu.memory_space<vmem>>
          tpu.wait_dma2 semaphore(%arg15 : memref<!tpu.dma_semaphore, #tpu.memory_space<semaphore_mem>>) src(%dma_wait3A_114 : memref<128x128xf32, #tpu.memory_space<vmem>>) dst(%dma_wait3A_110 : memref<128x128xf32, #tpu.memory_space<hbm>>)
        } else {
        }
        %scan3A_74 = arith.constant 1 : i32
        %scan3A_75 = arith.constant 1 : i32
        %scan3A_76 = arith.constant 1 : i32
        %scan3A_77 = arith.constant 0 : i32
        %scan3A_78 = arith.constant 128 : i32
        %scan3A_79 = arith.addi %scan3A_77, %scan3A_78 : i32
        %scan3A_80 = arith.constant 1 : i32
        scf.for %scan3A_97 = %scan3A_77 to %scan3A_79 step %scan3A_80  : i32 {
          %mul3A_98 = arith.constant 1 : i32
          %mul3A_99 = arith.muli %scan3A_97, %mul3A_98 : i32
          %add3A_100 = arith.constant 0 : i32
          %add3A_101 = arith.addi %add3A_100, %mul3A_99 : i32
          %get3A = arith.constant 0 : i32
          %get3A_102 = arith.constant 0 : i32
          %get3A_103 = tpu.memref_slice %arg9[%scan3A_74, %get3A, %get3A_102] : memref<2x128x128xf32, #tpu.memory_space<vmem>> -> memref<1x128x128xf32, #tpu.memory_space<vmem>>
          %get3A_104 = tpu.memref_squeeze %get3A_103 : memref<1x128x128xf32, #tpu.memory_space<vmem>> -> memref<128x128xf32, #tpu.memory_space<vmem>>
          %get3A_105 = arith.index_cast %add3A_101 : i32 to index
          %get3A_106 = arith.constant 0 : index
          %get3A_107 = tpu.vector_load %get3A_104[%get3A_105, %get3A_106] {strides = array<i32>} : memref<128x128xf32, #tpu.memory_space<vmem>>, vector<1x16xf32>,
          %get3A_108 = vector.shape_cast %get3A_107 : vector<1x16xf32> to vector<1x16xf32>
          %get3A_109 = arith.constant 0 : i32
          %get3A_110 = arith.constant 0 : i32
          %get3A_111 = tpu.memref_slice %arg10[%scan3A_75, %get3A_109, %get3A_110] : memref<2x128x128xf32, #tpu.memory_space<vmem>> -> memref<1x128x128xf32, #tpu.memory_space<vmem>>
          %get3A_112 = tpu.memref_squeeze %get3A_111 : memref<1x128x128xf32, #tpu.memory_space<vmem>> -> memref<128x128xf32, #tpu.memory_space<vmem>>
          %get3A_113 = arith.index_cast %add3A_101 : i32 to index
          %get3A_114 = arith.constant 0 : index
          %get3A_115 = tpu.vector_load %get3A_112[%get3A_113, %get3A_114] {strides = array<i32>} : memref<128x128xf32, #tpu.memory_space<vmem>>, vector<1x16xf32>,
          %get3A_116 = vector.shape_cast %get3A_115 : vector<1x16xf32> to vector<1x16xf32>
          %add3A_117 = arith.addf %get3A_108, %get3A_116 : vector<1x16xf32>
          %swap3A = arith.constant 0 : i32
          %swap3A_118 = arith.constant 0 : i32
          %swap3A_119 = tpu.memref_slice %arg11[%scan3A_76, %swap3A, %swap3A_118] : memref<2x128x128xf32, #tpu.memory_space<vmem>> -> memref<1x128x128xf32, #tpu.memory_space<vmem>>
          %swap3A_120 = tpu.memref_squeeze %swap3A_119 : memref<1x128x128xf32, #tpu.memory_space<vmem>> -> memref<128x128xf32, #tpu.memory_space<vmem>>
          %swap3A_121 = arith.index_cast %add3A_101 : i32 to index
          %swap3A_122 = arith.constant 0 : index
          %swap3A_123 = tpu.vector_load %swap3A_120[%swap3A_121, %swap3A_122] {strides = array<i32>} : memref<128x128xf32, #tpu.memory_space<vmem>>, vector<1x16xf32>,
          %swap3A_124 = vector.shape_cast %swap3A_123 : vector<1x16xf32> to vector<1x16xf32>
          %swap3A_125 = vector.shape_cast %add3A_117 : vector<1x16xf32> to vector<1x16xf32>
          tpu.vector_store %swap3A_120[%swap3A_121, %swap3A_122], %swap3A_125 {strides = array<i32>} : memref<128x128xf32, #tpu.memory_space<vmem>>, vector<1x16xf32>,
          %get3A_126 = arith.constant 0 : i32
          %get3A_127 = arith.constant 0 : i32
          %get3A_128 = tpu.memref_slice %arg9[%scan3A_74, %get3A_126, %get3A_127] : memref<2x128x128xf32, #tpu.memory_space<vmem>> -> memref<1x128x128xf32, #tpu.memory_space<vmem>>
          %get3A_129 = tpu.memref_squeeze %get3A_128 : memref<1x128x128xf32, #tpu.memory_space<vmem>> -> memref<128x128xf32, #tpu.memory_space<vmem>>
          %get3A_130 = arith.index_cast %add3A_101 : i32 to index
          %get3A_131 = arith.constant 16 : index
          %get3A_132 = tpu.vector_load %get3A_129[%get3A_130, %get3A_131] {strides = array<i32>} : memref<128x128xf32, #tpu.memory_space<vmem>>, vector<1x16xf32>,
          %get3A_133 = vector.shape_cast %get3A_132 : vector<1x16xf32> to vector<1x16xf32>
          %get3A_134 = arith.constant 0 : i32
          %get3A_135 = arith.constant 0 : i32
          %get3A_136 = tpu.memref_slice %arg10[%scan3A_75, %get3A_134, %get3A_135] : memref<2x128x128xf32, #tpu.memory_space<vmem>> -> memref<1x128x128xf32, #tpu.memory_space<vmem>>
          %get3A_137 = tpu.memref_squeeze %get3A_136 : memref<1x128x128xf32, #tpu.memory_space<vmem>> -> memref<128x128xf32, #tpu.memory_space<vmem>>
          %get3A_138 = arith.index_cast %add3A_101 : i32 to index
          %get3A_139 = arith.constant 16 : index
          %get3A_140 = tpu.vector_load %get3A_137[%get3A_138, %get3A_139] {strides = array<i32>} : memref<128x128xf32, #tpu.memory_space<vmem>>, vector<1x16xf32>,
          %get3A_141 = vector.shape_cast %get3A_140 : vector<1x16xf32> to vector<1x16xf32>
          %add3A_142 = arith.addf %get3A_133, %get3A_141 : vector<1x16xf32>
          %swap3A_143 = arith.constant 0 : i32
          %swap3A_144 = arith.constant 0 : i32
          %swap3A_145 = tpu.memref_slice %arg11[%scan3A_76, %swap3A_143, %swap3A_144] : memref<2x128x128xf32, #tpu.memory_space<vmem>> -> memref<1x128x128xf32, #tpu.memory_space<vmem>>
          %swap3A_146 = tpu.memref_squeeze %swap3A_145 : memref<1x128x128xf32, #tpu.memory_space<vmem>> -> memref<128x128xf32, #tpu.memory_space<vmem>>
          %swap3A_147 = arith.index_cast %add3A_101 : i32 to index
          %swap3A_148 = arith.constant 16 : index
          %swap3A_149 = tpu.vector_load %swap3A_146[%swap3A_147, %swap3A_148] {strides = array<i32>} : memref<128x128xf32, #tpu.memory_space<vmem>>, vector<1x16xf32>,
          %swap3A_150 = vector.shape_cast %swap3A_149 : vector<1x16xf32> to vector<1x16xf32>
          %swap3A_151 = vector.shape_cast %add3A_142 : vector<1x16xf32> to vector<1x16xf32>
          tpu.vector_store %swap3A_146[%swap3A_147, %swap3A_148], %swap3A_151 {strides = array<i32>} : memref<128x128xf32, #tpu.memory_space<vmem>>, vector<1x16xf32>,
          %get3A_152 = arith.constant 0 : i32
          %get3A_153 = arith.constant 0 : i32
          %get3A_154 = tpu.memref_slice %arg9[%scan3A_74, %get3A_152, %get3A_153] : memref<2x128x128xf32, #tpu.memory_space<vmem>> -> memref<1x128x128xf32, #tpu.memory_space<vmem>>
          %get3A_155 = tpu.memref_squeeze %get3A_154 : memref<1x128x128xf32, #tpu.memory_space<vmem>> -> memref<128x128xf32, #tpu.memory_space<vmem>>
          %get3A_156 = arith.index_cast %add3A_101 : i32 to index
          %get3A_157 = arith.constant 32 : index
          %get3A_158 = tpu.vector_load %get3A_155[%get3A_156, %get3A_157] {strides = array<i32>} : memref<128x128xf32, #tpu.memory_space<vmem>>, vector<1x16xf32>,
          %get3A_159 = vector.shape_cast %get3A_158 : vector<1x16xf32> to vector<1x16xf32>
          %get3A_160 = arith.constant 0 : i32
          %get3A_161 = arith.constant 0 : i32
          %get3A_162 = tpu.memref_slice %arg10[%scan3A_75, %get3A_160, %get3A_161] : memref<2x128x128xf32, #tpu.memory_space<vmem>> -> memref<1x128x128xf32, #tpu.memory_space<vmem>>
          %get3A_163 = tpu.memref_squeeze %get3A_162 : memref<1x128x128xf32, #tpu.memory_space<vmem>> -> memref<128x128xf32, #tpu.memory_space<vmem>>
          %get3A_164 = arith.index_cast %add3A_101 : i32 to index
          %get3A_165 = arith.constant 32 : index
          %get3A_166 = tpu.vector_load %get3A_163[%get3A_164, %get3A_165] {strides = array<i32>} : memref<128x128xf32, #tpu.memory_space<vmem>>, vector<1x16xf32>,
          %get3A_167 = vector.shape_cast %get3A_166 : vector<1x16xf32> to vector<1x16xf32>
          %add3A_168 = arith.addf %get3A_159, %get3A_167 : vector<1x16xf32>
          %swap3A_169 = arith.constant 0 : i32
          %swap3A_170 = arith.constant 0 : i32
          %swap3A_171 = tpu.memref_slice %arg11[%scan3A_76, %swap3A_169, %swap3A_170] : memref<2x128x128xf32, #tpu.memory_space<vmem>> -> memref<1x128x128xf32, #tpu.memory_space<vmem>>
          %swap3A_172 = tpu.memref_squeeze %swap3A_171 : memref<1x128x128xf32, #tpu.memory_space<vmem>> -> memref<128x128xf32, #tpu.memory_space<vmem>>
          %swap3A_173 = arith.index_cast %add3A_101 : i32 to index
          %swap3A_174 = arith.constant 32 : index
          %swap3A_175 = tpu.vector_load %swap3A_172[%swap3A_173, %swap3A_174] {strides = array<i32>} : memref<128x128xf32, #tpu.memory_space<vmem>>, vector<1x16xf32>,
          %swap3A_176 = vector.shape_cast %swap3A_175 : vector<1x16xf32> to vector<1x16xf32>
          %swap3A_177 = vector.shape_cast %add3A_168 : vector<1x16xf32> to vector<1x16xf32>
          tpu.vector_store %swap3A_172[%swap3A_173, %swap3A_174], %swap3A_177 {strides = array<i32>} : memref<128x128xf32, #tpu.memory_space<vmem>>, vector<1x16xf32>,
          %get3A_178 = arith.constant 0 : i32
          %get3A_179 = arith.constant 0 : i32
          %get3A_180 = tpu.memref_slice %arg9[%scan3A_74, %get3A_178, %get3A_179] : memref<2x128x128xf32, #tpu.memory_space<vmem>> -> memref<1x128x128xf32, #tpu.memory_space<vmem>>
          %get3A_181 = tpu.memref_squeeze %get3A_180 : memref<1x128x128xf32, #tpu.memory_space<vmem>> -> memref<128x128xf32, #tpu.memory_space<vmem>>
          %get3A_182 = arith.index_cast %add3A_101 : i32 to index
          %get3A_183 = arith.constant 48 : index
          %get3A_184 = tpu.vector_load %get3A_181[%get3A_182, %get3A_183] {strides = array<i32>} : memref<128x128xf32, #tpu.memory_space<vmem>>, vector<1x16xf32>,
          %get3A_185 = vector.shape_cast %get3A_184 : vector<1x16xf32> to vector<1x16xf32>
          %get3A_186 = arith.constant 0 : i32
          %get3A_187 = arith.constant 0 : i32
          %get3A_188 = tpu.memref_slice %arg10[%scan3A_75, %get3A_186, %get3A_187] : memref<2x128x128xf32, #tpu.memory_space<vmem>> -> memref<1x128x128xf32, #tpu.memory_space<vmem>>
          %get3A_189 = tpu.memref_squeeze %get3A_188 : memref<1x128x128xf32, #tpu.memory_space<vmem>> -> memref<128x128xf32, #tpu.memory_space<vmem>>
          %get3A_190 = arith.index_cast %add3A_101 : i32 to index
          %get3A_191 = arith.constant 48 : index
          %get3A_192 = tpu.vector_load %get3A_189[%get3A_190, %get3A_191] {strides = array<i32>} : memref<128x128xf32, #tpu.memory_space<vmem>>, vector<1x16xf32>,
          %get3A_193 = vector.shape_cast %get3A_192 : vector<1x16xf32> to vector<1x16xf32>
          %add3A_194 = arith.addf %get3A_185, %get3A_193 : vector<1x16xf32>
          %swap3A_195 = arith.constant 0 : i32
          %swap3A_196 = arith.constant 0 : i32
          %swap3A_197 = tpu.memref_slice %arg11[%scan3A_76, %swap3A_195, %swap3A_196] : memref<2x128x128xf32, #tpu.memory_space<vmem>> -> memref<1x128x128xf32, #tpu.memory_space<vmem>>
          %swap3A_198 = tpu.memref_squeeze %swap3A_197 : memref<1x128x128xf32, #tpu.memory_space<vmem>> -> memref<128x128xf32, #tpu.memory_space<vmem>>
          %swap3A_199 = arith.index_cast %add3A_101 : i32 to index
          %swap3A_200 = arith.constant 48 : index
          %swap3A_201 = tpu.vector_load %swap3A_198[%swap3A_199, %swap3A_200] {strides = array<i32>} : memref<128x128xf32, #tpu.memory_space<vmem>>, vector<1x16xf32>,
          %swap3A_202 = vector.shape_cast %swap3A_201 : vector<1x16xf32> to vector<1x16xf32>
          %swap3A_203 = vector.shape_cast %add3A_194 : vector<1x16xf32> to vector<1x16xf32>
          tpu.vector_store %swap3A_198[%swap3A_199, %swap3A_200], %swap3A_203 {strides = array<i32>} : memref<128x128xf32, #tpu.memory_space<vmem>>, vector<1x16xf32>,
          %get3A_204 = arith.constant 0 : i32
          %get3A_205 = arith.constant 0 : i32
          %get3A_206 = tpu.memref_slice %arg9[%scan3A_74, %get3A_204, %get3A_205] : memref<2x128x128xf32, #tpu.memory_space<vmem>> -> memref<1x128x128xf32, #tpu.memory_space<vmem>>
          %get3A_207 = tpu.memref_squeeze %get3A_206 : memref<1x128x128xf32, #tpu.memory_space<vmem>> -> memref<128x128xf32, #tpu.memory_space<vmem>>
          %get3A_208 = arith.index_cast %add3A_101 : i32 to index
          %get3A_209 = arith.constant 64 : index
          %get3A_210 = tpu.vector_load %get3A_207[%get3A_208, %get3A_209] {strides = array<i32>} : memref<128x128xf32, #tpu.memory_space<vmem>>, vector<1x16xf32>,
          %get3A_211 = vector.shape_cast %get3A_210 : vector<1x16xf32> to vector<1x16xf32>
          %get3A_212 = arith.constant 0 : i32
          %get3A_213 = arith.constant 0 : i32
          %get3A_214 = tpu.memref_slice %arg10[%scan3A_75, %get3A_212, %get3A_213] : memref<2x128x128xf32, #tpu.memory_space<vmem>> -> memref<1x128x128xf32, #tpu.memory_space<vmem>>
          %get3A_215 = tpu.memref_squeeze %get3A_214 : memref<1x128x128xf32, #tpu.memory_space<vmem>> -> memref<128x128xf32, #tpu.memory_space<vmem>>
          %get3A_216 = arith.index_cast %add3A_101 : i32 to index
          %get3A_217 = arith.constant 64 : index
          %get3A_218 = tpu.vector_load %get3A_215[%get3A_216, %get3A_217] {strides = array<i32>} : memref<128x128xf32, #tpu.memory_space<vmem>>, vector<1x16xf32>,
          %get3A_219 = vector.shape_cast %get3A_218 : vector<1x16xf32> to vector<1x16xf32>
          %add3A_220 = arith.addf %get3A_211, %get3A_219 : vector<1x16xf32>
          %swap3A_221 = arith.constant 0 : i32
          %swap3A_222 = arith.constant 0 : i32
          %swap3A_223 = tpu.memref_slice %arg11[%scan3A_76, %swap3A_221, %swap3A_222] : memref<2x128x128xf32, #tpu.memory_space<vmem>> -> memref<1x128x128xf32, #tpu.memory_space<vmem>>
          %swap3A_224 = tpu.memref_squeeze %swap3A_223 : memref<1x128x128xf32, #tpu.memory_space<vmem>> -> memref<128x128xf32, #tpu.memory_space<vmem>>
          %swap3A_225 = arith.index_cast %add3A_101 : i32 to index
          %swap3A_226 = arith.constant 64 : index
          %swap3A_227 = tpu.vector_load %swap3A_224[%swap3A_225, %swap3A_226] {strides = array<i32>} : memref<128x128xf32, #tpu.memory_space<vmem>>, vector<1x16xf32>,
          %swap3A_228 = vector.shape_cast %swap3A_227 : vector<1x16xf32> to vector<1x16xf32>
          %swap3A_229 = vector.shape_cast %add3A_220 : vector<1x16xf32> to vector<1x16xf32>
          tpu.vector_store %swap3A_224[%swap3A_225, %swap3A_226], %swap3A_229 {strides = array<i32>} : memref<128x128xf32, #tpu.memory_space<vmem>>, vector<1x16xf32>,
          %get3A_230 = arith.constant 0 : i32
          %get3A_231 = arith.constant 0 : i32
          %get3A_232 = tpu.memref_slice %arg9[%scan3A_74, %get3A_230, %get3A_231] : memref<2x128x128xf32, #tpu.memory_space<vmem>> -> memref<1x128x128xf32, #tpu.memory_space<vmem>>
          %get3A_233 = tpu.memref_squeeze %get3A_232 : memref<1x128x128xf32, #tpu.memory_space<vmem>> -> memref<128x128xf32, #tpu.memory_space<vmem>>
          %get3A_234 = arith.index_cast %add3A_101 : i32 to index
          %get3A_235 = arith.constant 80 : index
          %get3A_236 = tpu.vector_load %get3A_233[%get3A_234, %get3A_235] {strides = array<i32>} : memref<128x128xf32, #tpu.memory_space<vmem>>, vector<1x16xf32>,
          %get3A_237 = vector.shape_cast %get3A_236 : vector<1x16xf32> to vector<1x16xf32>
          %get3A_238 = arith.constant 0 : i32
          %get3A_239 = arith.constant 0 : i32
          %get3A_240 = tpu.memref_slice %arg10[%scan3A_75, %get3A_238, %get3A_239] : memref<2x128x128xf32, #tpu.memory_space<vmem>> -> memref<1x128x128xf32, #tpu.memory_space<vmem>>
          %get3A_241 = tpu.memref_squeeze %get3A_240 : memref<1x128x128xf32, #tpu.memory_space<vmem>> -> memref<128x128xf32, #tpu.memory_space<vmem>>
          %get3A_242 = arith.index_cast %add3A_101 : i32 to index
          %get3A_243 = arith.constant 80 : index
          %get3A_244 = tpu.vector_load %get3A_241[%get3A_242, %get3A_243] {strides = array<i32>} : memref<128x128xf32, #tpu.memory_space<vmem>>, vector<1x16xf32>,
          %get3A_245 = vector.shape_cast %get3A_244 : vector<1x16xf32> to vector<1x16xf32>
          %add3A_246 = arith.addf %get3A_237, %get3A_245 : vector<1x16xf32>
          %swap3A_247 = arith.constant 0 : i32
          %swap3A_248 = arith.constant 0 : i32
          %swap3A_249 = tpu.memref_slice %arg11[%scan3A_76, %swap3A_247, %swap3A_248] : memref<2x128x128xf32, #tpu.memory_space<vmem>> -> memref<1x128x128xf32, #tpu.memory_space<vmem>>
          %swap3A_250 = tpu.memref_squeeze %swap3A_249 : memref<1x128x128xf32, #tpu.memory_space<vmem>> -> memref<128x128xf32, #tpu.memory_space<vmem>>
          %swap3A_251 = arith.index_cast %add3A_101 : i32 to index
          %swap3A_252 = arith.constant 80 : index
          %swap3A_253 = tpu.vector_load %swap3A_250[%swap3A_251, %swap3A_252] {strides = array<i32>} : memref<128x128xf32, #tpu.memory_space<vmem>>, vector<1x16xf32>,
          %swap3A_254 = vector.shape_cast %swap3A_253 : vector<1x16xf32> to vector<1x16xf32>
          %swap3A_255 = vector.shape_cast %add3A_246 : vector<1x16xf32> to vector<1x16xf32>
          tpu.vector_store %swap3A_250[%swap3A_251, %swap3A_252], %swap3A_255 {strides = array<i32>} : memref<128x128xf32, #tpu.memory_space<vmem>>, vector<1x16xf32>,
          %get3A_256 = arith.constant 0 : i32
          %get3A_257 = arith.constant 0 : i32
          %get3A_258 = tpu.memref_slice %arg9[%scan3A_74, %get3A_256, %get3A_257] : memref<2x128x128xf32, #tpu.memory_space<vmem>> -> memref<1x128x128xf32, #tpu.memory_space<vmem>>
          %get3A_259 = tpu.memref_squeeze %get3A_258 : memref<1x128x128xf32, #tpu.memory_space<vmem>> -> memref<128x128xf32, #tpu.memory_space<vmem>>
          %get3A_260 = arith.index_cast %add3A_101 : i32 to index
          %get3A_261 = arith.constant 96 : index
          %get3A_262 = tpu.vector_load %get3A_259[%get3A_260, %get3A_261] {strides = array<i32>} : memref<128x128xf32, #tpu.memory_space<vmem>>, vector<1x16xf32>,
          %get3A_263 = vector.shape_cast %get3A_262 : vector<1x16xf32> to vector<1x16xf32>
          %get3A_264 = arith.constant 0 : i32
          %get3A_265 = arith.constant 0 : i32
          %get3A_266 = tpu.memref_slice %arg10[%scan3A_75, %get3A_264, %get3A_265] : memref<2x128x128xf32, #tpu.memory_space<vmem>> -> memref<1x128x128xf32, #tpu.memory_space<vmem>>
          %get3A_267 = tpu.memref_squeeze %get3A_266 : memref<1x128x128xf32, #tpu.memory_space<vmem>> -> memref<128x128xf32, #tpu.memory_space<vmem>>
          %get3A_268 = arith.index_cast %add3A_101 : i32 to index
          %get3A_269 = arith.constant 96 : index
          %get3A_270 = tpu.vector_load %get3A_267[%get3A_268, %get3A_269] {strides = array<i32>} : memref<128x128xf32, #tpu.memory_space<vmem>>, vector<1x16xf32>,
          %get3A_271 = vector.shape_cast %get3A_270 : vector<1x16xf32> to vector<1x16xf32>
          %add3A_272 = arith.addf %get3A_263, %get3A_271 : vector<1x16xf32>
          %swap3A_273 = arith.constant 0 : i32
          %swap3A_274 = arith.constant 0 : i32
          %swap3A_275 = tpu.memref_slice %arg11[%scan3A_76, %swap3A_273, %swap3A_274] : memref<2x128x128xf32, #tpu.memory_space<vmem>> -> memref<1x128x128xf32, #tpu.memory_space<vmem>>
          %swap3A_276 = tpu.memref_squeeze %swap3A_275 : memref<1x128x128xf32, #tpu.memory_space<vmem>> -> memref<128x128xf32, #tpu.memory_space<vmem>>
          %swap3A_277 = arith.index_cast %add3A_101 : i32 to index
          %swap3A_278 = arith.constant 96 : index
          %swap3A_279 = tpu.vector_load %swap3A_276[%swap3A_277, %swap3A_278] {strides = array<i32>} : memref<128x128xf32, #tpu.memory_space<vmem>>, vector<1x16xf32>,
          %swap3A_280 = vector.shape_cast %swap3A_279 : vector<1x16xf32> to vector<1x16xf32>
          %swap3A_281 = vector.shape_cast %add3A_272 : vector<1x16xf32> to vector<1x16xf32>
          tpu.vector_store %swap3A_276[%swap3A_277, %swap3A_278], %swap3A_281 {strides = array<i32>} : memref<128x128xf32, #tpu.memory_space<vmem>>, vector<1x16xf32>,
          %get3A_282 = arith.constant 0 : i32
          %get3A_283 = arith.constant 0 : i32
          %get3A_284 = tpu.memref_slice %arg9[%scan3A_74, %get3A_282, %get3A_283] : memref<2x128x128xf32, #tpu.memory_space<vmem>> -> memref<1x128x128xf32, #tpu.memory_space<vmem>>
          %get3A_285 = tpu.memref_squeeze %get3A_284 : memref<1x128x128xf32, #tpu.memory_space<vmem>> -> memref<128x128xf32, #tpu.memory_space<vmem>>
          %get3A_286 = arith.index_cast %add3A_101 : i32 to index
          %get3A_287 = arith.constant 112 : index
          %get3A_288 = tpu.vector_load %get3A_285[%get3A_286, %get3A_287] {strides = array<i32>} : memref<128x128xf32, #tpu.memory_space<vmem>>, vector<1x16xf32>,
          %get3A_289 = vector.shape_cast %get3A_288 : vector<1x16xf32> to vector<1x16xf32>
          %get3A_290 = arith.constant 0 : i32
          %get3A_291 = arith.constant 0 : i32
          %get3A_292 = tpu.memref_slice %arg10[%scan3A_75, %get3A_290, %get3A_291] : memref<2x128x128xf32, #tpu.memory_space<vmem>> -> memref<1x128x128xf32, #tpu.memory_space<vmem>>
          %get3A_293 = tpu.memref_squeeze %get3A_292 : memref<1x128x128xf32, #tpu.memory_space<vmem>> -> memref<128x128xf32, #tpu.memory_space<vmem>>
          %get3A_294 = arith.index_cast %add3A_101 : i32 to index
          %get3A_295 = arith.constant 112 : index
          %get3A_296 = tpu.vector_load %get3A_293[%get3A_294, %get3A_295] {strides = array<i32>} : memref<128x128xf32, #tpu.memory_space<vmem>>, vector<1x16xf32>,
          %get3A_297 = vector.shape_cast %get3A_296 : vector<1x16xf32> to vector<1x16xf32>
          %add3A_298 = arith.addf %get3A_289, %get3A_297 : vector<1x16xf32>
          %swap3A_299 = arith.constant 0 : i32
          %swap3A_300 = arith.constant 0 : i32
          %swap3A_301 = tpu.memref_slice %arg11[%scan3A_76, %swap3A_299, %swap3A_300] : memref<2x128x128xf32, #tpu.memory_space<vmem>> -> memref<1x128x128xf32, #tpu.memory_space<vmem>>
          %swap3A_302 = tpu.memref_squeeze %swap3A_301 : memref<1x128x128xf32, #tpu.memory_space<vmem>> -> memref<128x128xf32, #tpu.memory_space<vmem>>
          %swap3A_303 = arith.index_cast %add3A_101 : i32 to index
          %swap3A_304 = arith.constant 112 : index
          %swap3A_305 = tpu.vector_load %swap3A_302[%swap3A_303, %swap3A_304] {strides = array<i32>} : memref<128x128xf32, #tpu.memory_space<vmem>>, vector<1x16xf32>,
          %swap3A_306 = vector.shape_cast %swap3A_305 : vector<1x16xf32> to vector<1x16xf32>
          %swap3A_307 = vector.shape_cast %add3A_298 : vector<1x16xf32> to vector<1x16xf32>
          tpu.vector_store %swap3A_302[%swap3A_303, %swap3A_304], %swap3A_307 {strides = array<i32>} : memref<128x128xf32, #tpu.memory_space<vmem>>, vector<1x16xf32>,
        }
        %scan3A_81 = arith.constant 128 : i32
        %add3A_82 = arith.addi %mul3A_2, %add3A_30 : i32
        %mul3A_83 = arith.constant 128 : i32
        %mul3A_84 = arith.muli %add3A_82, %mul3A_83 : i32
        %dma_start3A = arith.constant 1 : i32
        %dma_start3A_85 = arith.constant 0 : i32
        %dma_start3A_86 = arith.constant 0 : i32
        %dma_start3A_87 = tpu.memref_slice %arg11[%dma_start3A, %dma_start3A_85, %dma_start3A_86] : memref<2x128x128xf32, #tpu.memory_space<vmem>> -> memref<1x128x128xf32, #tpu.memory_space<vmem>>
        %dma_start3A_88 = tpu.memref_squeeze %dma_start3A_87 : memref<1x128x128xf32, #tpu.memory_space<vmem>> -> memref<128x128xf32, #tpu.memory_space<vmem>>
        %dma_start3A_89 = arith.constant 0 : i32
        %dma_start3A_90 = tpu.memref_slice %arg6[%mul3A_84, %dma_start3A_89] : memref<320000x128xf32, #tpu.memory_space<hbm>> -> memref<128x128xf32, #tpu.memory_space<hbm>>
        %dma_start3A_91 = arith.constant 0 : i32
        %dma_start3A_92 = tpu.memref_slice %arg6[%mul3A_84, %dma_start3A_91] : memref<320000x128xf32, #tpu.memory_space<hbm>> -> memref<128x128xf32, #tpu.memory_space<hbm>>
        %dma_start3A_93 = arith.constant 0 : i32
        %dma_start3A_94 = arith.constant 0 : i32
        %dma_start3A_95 = tpu.memref_slice %arg11[%dma_start3A, %dma_start3A_93, %dma_start3A_94] : memref<2x128x128xf32, #tpu.memory_space<vmem>> -> memref<1x128x128xf32, #tpu.memory_space<vmem>>
        %dma_start3A_96 = tpu.memref_squeeze %dma_start3A_95 : memref<1x128x128xf32, #tpu.memory_space<vmem>> -> memref<128x128xf32, #tpu.memory_space<vmem>>
        tpu.enqueue_dma source(%dma_start3A_96 : memref<128x128xf32, #tpu.memory_space<vmem>>) target(%dma_start3A_92 : memref<128x128xf32, #tpu.memory_space<hbm>>) target_semaphore(%arg15 : memref<!tpu.dma_semaphore, #tpu.memory_space<semaphore_mem>>)
      } else {
      }
    }
    %scan3A_11 = arith.constant 40 : i32
    %gt3A_12 = arith.constant 0 : i32
    %gt3A_13 = arith.cmpi sgt, %max3A_5, %gt3A_12 : i32
    %convert_element_type3A_14 = arith.extui %gt3A_13 : i1 to i32
    %cond3A_15 = arith.constant 0 : i32
    %cond3A_16 = arith.cmpi ne, %convert_element_type3A_14, %cond3A_15 : i32
    scf.if %cond3A_16 {
      %sub3A_22 = arith.constant 1 : i32
      %sub3A_23 = arith.subi %max3A_5, %sub3A_22 : i32
      %add3A_24 = arith.constant 1 : i32
      %add3A_25 = arith.addi %max3A_5, %add3A_24 : i32
      %jit3A = arith.constant 2 : i32
      %eq3A = arith.constant 0 : i32
      %eq3A_26 = arith.cmpi eq, %jit3A, %eq3A : i32
      %jit3A_27 = arith.constant 1 : i32
      %select_n3A = arith.select %eq3A_26, %jit3A_27, %jit3A : i32
      %rem3A = arith.remsi %add3A_25, %select_n3A : i32
      %ne3A = arith.constant 0 : i32
      %ne3A_28 = arith.cmpi ne, %rem3A, %ne3A : i32
      %lt3A = arith.constant 0 : i32
      %lt3A_29 = arith.cmpi slt, %rem3A, %lt3A : i32
      %lt3A_30 = arith.constant 0 : i32
      %lt3A_31 = arith.cmpi slt, %select_n3A, %lt3A_30 : i32
      %ne3A_32 = arith.xori %lt3A_29, %lt3A_31 : i1
      %and3A = arith.andi %ne3A_32, %ne3A_28 : i1
      %add3A_33 = arith.addi %rem3A, %select_n3A : i32
      %select_n3A_34 = arith.select %and3A, %add3A_33, %rem3A : i32
      %sub3A_35 = arith.subi %sub3A_23, %select_n3A_34 : i32
      %add3A_36 = arith.addi %mul3A_2, %sub3A_35 : i32
      %mul3A_37 = arith.constant 128 : i32
      %mul3A_38 = arith.muli %add3A_36, %mul3A_37 : i32
      %dma_wait3A = arith.constant 0 : i32
      %dma_wait3A_39 = arith.constant 0 : i32
      %dma_wait3A_40 = arith.constant 0 : i32
      %dma_wait3A_41 = tpu.memref_slice %arg11[%dma_wait3A, %dma_wait3A_39, %dma_wait3A_40] : memref<2x128x128xf32, #tpu.memory_space<vmem>> -> memref<1x128x128xf32, #tpu.memory_space<vmem>>
      %dma_wait3A_42 = tpu.memref_squeeze %dma_wait3A_41 : memref<1x128x128xf32, #tpu.memory_space<vmem>> -> memref<128x128xf32, #tpu.memory_space<vmem>>
      %dma_wait3A_43 = arith.constant 0 : i32
      %dma_wait3A_44 = tpu.memref_slice %arg6[%mul3A_38, %dma_wait3A_43] : memref<320000x128xf32, #tpu.memory_space<hbm>> -> memref<128x128xf32, #tpu.memory_space<hbm>>
      %dma_wait3A_45 = arith.constant 0 : i32
      %dma_wait3A_46 = tpu.memref_slice %arg6[%mul3A_38, %dma_wait3A_45] : memref<320000x128xf32, #tpu.memory_space<hbm>> -> memref<128x128xf32, #tpu.memory_space<hbm>>
      %dma_wait3A_47 = arith.constant 0 : i32
      %dma_wait3A_48 = arith.constant 0 : i32
      %dma_wait3A_49 = tpu.memref_slice %arg11[%dma_wait3A, %dma_wait3A_47, %dma_wait3A_48] : memref<2x128x128xf32, #tpu.memory_space<vmem>> -> memref<1x128x128xf32, #tpu.memory_space<vmem>>
      %dma_wait3A_50 = tpu.memref_squeeze %dma_wait3A_49 : memref<1x128x128xf32, #tpu.memory_space<vmem>> -> memref<128x128xf32, #tpu.memory_space<vmem>>
      tpu.wait_dma2 semaphore(%arg14 : memref<!tpu.dma_semaphore, #tpu.memory_space<semaphore_mem>>) src(%dma_wait3A_50 : memref<128x128xf32, #tpu.memory_space<vmem>>) dst(%dma_wait3A_46 : memref<128x128xf32, #tpu.memory_space<hbm>>)
    } else {
    }
    %gt3A_17 = arith.constant 1 : i32
    %gt3A_18 = arith.cmpi sgt, %max3A_5, %gt3A_17 : i32
    %convert_element_type3A_19 = arith.extui %gt3A_18 : i1 to i32
    %cond3A_20 = arith.constant 0 : i32
    %cond3A_21 = arith.cmpi ne, %convert_element_type3A_19, %cond3A_20 : i32
    scf.if %cond3A_21 {
      %sub3A_22 = arith.constant 1 : i32
      %sub3A_23 = arith.subi %max3A_5, %sub3A_22 : i32
      %jit3A = arith.constant 2 : i32
      %eq3A = arith.constant 0 : i32
      %eq3A_24 = arith.cmpi eq, %jit3A, %eq3A : i32
      %jit3A_25 = arith.constant 1 : i32
      %select_n3A = arith.select %eq3A_24, %jit3A_25, %jit3A : i32
      %rem3A = arith.remsi %max3A_5, %select_n3A : i32
      %ne3A = arith.constant 0 : i32
      %ne3A_26 = arith.cmpi ne, %rem3A, %ne3A : i32
      %lt3A = arith.constant 0 : i32
      %lt3A_27 = arith.cmpi slt, %rem3A, %lt3A : i32
      %lt3A_28 = arith.constant 0 : i32
      %lt3A_29 = arith.cmpi slt, %select_n3A, %lt3A_28 : i32
      %ne3A_30 = arith.xori %lt3A_27, %lt3A_29 : i1
      %and3A = arith.andi %ne3A_30, %ne3A_26 : i1
      %add3A_31 = arith.addi %rem3A, %select_n3A : i32
      %select_n3A_32 = arith.select %and3A, %add3A_31, %rem3A : i32
      %sub3A_33 = arith.subi %sub3A_23, %select_n3A_32 : i32
      %add3A_34 = arith.addi %mul3A_2, %sub3A_33 : i32
      %mul3A_35 = arith.constant 128 : i32
      %mul3A_36 = arith.muli %add3A_34, %mul3A_35 : i32
      %dma_wait3A = arith.constant 1 : i32
      %dma_wait3A_37 = arith.constant 0 : i32
      %dma_wait3A_38 = arith.constant 0 : i32
      %dma_wait3A_39 = tpu.memref_slice %arg11[%dma_wait3A, %dma_wait3A_37, %dma_wait3A_38] : memref<2x128x128xf32, #tpu.memory_space<vmem>> -> memref<1x128x128xf32, #tpu.memory_space<vmem>>
      %dma_wait3A_40 = tpu.memref_squeeze %dma_wait3A_39 : memref<1x128x128xf32, #tpu.memory_space<vmem>> -> memref<128x128xf32, #tpu.memory_space<vmem>>
      %dma_wait3A_41 = arith.constant 0 : i32
      %dma_wait3A_42 = tpu.memref_slice %arg6[%mul3A_36, %dma_wait3A_41] : memref<320000x128xf32, #tpu.memory_space<hbm>> -> memref<128x128xf32, #tpu.memory_space<hbm>>
      %dma_wait3A_43 = arith.constant 0 : i32
      %dma_wait3A_44 = tpu.memref_slice %arg6[%mul3A_36, %dma_wait3A_43] : memref<320000x128xf32, #tpu.memory_space<hbm>> -> memref<128x128xf32, #tpu.memory_space<hbm>>
      %dma_wait3A_45 = arith.constant 0 : i32
      %dma_wait3A_46 = arith.constant 0 : i32
      %dma_wait3A_47 = tpu.memref_slice %arg11[%dma_wait3A, %dma_wait3A_45, %dma_wait3A_46] : memref<2x128x128xf32, #tpu.memory_space<vmem>> -> memref<1x128x128xf32, #tpu.memory_space<vmem>>
      %dma_wait3A_48 = tpu.memref_squeeze %dma_wait3A_47 : memref<1x128x128xf32, #tpu.memory_space<vmem>> -> memref<128x128xf32, #tpu.memory_space<vmem>>
      tpu.wait_dma2 semaphore(%arg15 : memref<!tpu.dma_semaphore, #tpu.memory_space<semaphore_mem>>) src(%dma_wait3A_48 : memref<128x128xf32, #tpu.memory_space<vmem>>) dst(%dma_wait3A_44 : memref<128x128xf32, #tpu.memory_space<hbm>>)
    } else {
    }
    return
  }
}

#map = affine_map<(d0, d1) -> (0, 0)>
#map1 = affine_map<(d0, d1) -> (0, 0, 0)>
module attributes {stable_mosaic.version = 14 : i64} {
  func.func @k(%arg0: i32, %arg1: i32, %arg2: memref<10000x128xf32, #tpu.memory_space<hbm>>, %arg3: memref<320000x128xf32, #tpu.memory_space<hbm>>, %arg4: memref<4000x80xi32, #tpu.memory_space<hbm>>, %arg5: memref<4000x80xi32, #tpu.memory_space<hbm>>, %arg6: memref<10000x128xf32, #tpu.memory_space<hbm>>, %arg7: memref<2x10000x128xf32, #tpu.memory_space<hbm>>, %arg8: memref<2x1x80xi32, #tpu.memory_space<vmem>>, %arg9: memref<2x1x80xi32, #tpu.memory_space<vmem>>, %arg10: memref<2x80x128xf32, #tpu.memory_space<vmem>>, %arg11: memref<2x80x128xf32, #tpu.memory_space<vmem>>, %arg12: memref<10000x128xf32, #tpu.memory_space<vmem_shared>>, %arg13: memref<!tpu.dma_semaphore, #tpu.memory_space<semaphore_mem>>, %arg14: memref<!tpu.dma_semaphore, #tpu.memory_space<semaphore_mem>>) attributes {dimension_semantics = [#tpu.dimension_semantics<core_parallel>, #tpu.dimension_semantics<subcore_parallel>], iteration_bounds = array<i64: 2, 16>, scalar_prefetch = 0 : i64, scratch_operands = 7 : i64, tpu.core_type = #tpu.core_type<sc_vector_subcore>, window_params = [{transform_indices = #map}, {transform_indices = #map}, {transform_indices = #map}, {transform_indices = #map}, {transform_indices = #map}, {transform_indices = #map1}]} {
    %mul3A = arith.constant 2 : i32
    %mul3A_0 = arith.muli %arg1, %mul3A : i32
    %add3A = arith.addi %mul3A_0, %arg0 : i32
    %mul3A_1 = arith.constant 624 : i32
    %mul3A_2 = arith.muli %arg1, %mul3A_1 : i32
    %mul3A_3 = arith.constant 624 : i32
    %mul3A_4 = arith.muli %arg1, %mul3A_3 : i32
    "tpu.region"() ({
      %run_scoped3A = tpu.sem_alloc : memref<!tpu.dma_semaphore, #tpu.memory_space<semaphore_mem>>
      %dma_start3A = arith.constant 0 : i32
      %dma_start3A_27 = tpu.memref_slice %arg12[%mul3A_4, %dma_start3A] : memref<10000x128xf32, #tpu.memory_space<vmem_shared>> -> memref<624x128xf32, #tpu.memory_space<vmem_shared>>
      %dma_start3A_28 = arith.constant 0 : i32
      %dma_start3A_29 = tpu.memref_slice %arg6[%mul3A_2, %dma_start3A_28] : memref<10000x128xf32, #tpu.memory_space<hbm>> -> memref<624x128xf32, #tpu.memory_space<hbm>>
      tpu.enqueue_dma source(%dma_start3A_29 : memref<624x128xf32, #tpu.memory_space<hbm>>) target(%dma_start3A_27 : memref<624x128xf32, #tpu.memory_space<vmem_shared>>) target_semaphore(%run_scoped3A : memref<!tpu.dma_semaphore, #tpu.memory_space<semaphore_mem>>)
      %dma_wait3A = arith.constant 0 : i32
      %dma_wait3A_30 = tpu.memref_slice %arg12[%mul3A_4, %dma_wait3A] : memref<10000x128xf32, #tpu.memory_space<vmem_shared>> -> memref<624x128xf32, #tpu.memory_space<vmem_shared>>
      %dma_wait3A_31 = arith.constant 0 : i32
      %dma_wait3A_32 = tpu.memref_slice %arg6[%mul3A_2, %dma_wait3A_31] : memref<10000x128xf32, #tpu.memory_space<hbm>> -> memref<624x128xf32, #tpu.memory_space<hbm>>
      tpu.wait_dma2 semaphore(%run_scoped3A : memref<!tpu.dma_semaphore, #tpu.memory_space<semaphore_mem>>) src(%dma_wait3A_32 : memref<624x128xf32, #tpu.memory_space<hbm>>) dst(%dma_wait3A_30 : memref<624x128xf32, #tpu.memory_space<vmem_shared>>)
      tpu.yield
    }) : () -> ()
    %eq3A = arith.constant 0 : i32
    %eq3A_5 = arith.cmpi eq, %arg1, %eq3A : i32
    %convert_element_type3A = arith.extui %eq3A_5 : i1 to i32
    %cond3A = arith.constant 0 : i32
    %cond3A_6 = arith.cmpi ne, %convert_element_type3A, %cond3A : i32
    scf.if %cond3A_6 {
      "tpu.region"() ({
        %run_scoped3A = tpu.sem_alloc : memref<!tpu.dma_semaphore, #tpu.memory_space<semaphore_mem>>
        %dma_start3A = arith.constant 9984 : i32
        %dma_start3A_27 = arith.constant 0 : i32
        %dma_start3A_28 = tpu.memref_slice %arg12[%dma_start3A, %dma_start3A_27] : memref<10000x128xf32, #tpu.memory_space<vmem_shared>> -> memref<16x128xf32, #tpu.memory_space<vmem_shared>>
        %dma_start3A_29 = arith.constant 9984 : i32
        %dma_start3A_30 = arith.constant 0 : i32
        %dma_start3A_31 = tpu.memref_slice %arg6[%dma_start3A_29, %dma_start3A_30] : memref<10000x128xf32, #tpu.memory_space<hbm>> -> memref<16x128xf32, #tpu.memory_space<hbm>>
        tpu.enqueue_dma source(%dma_start3A_31 : memref<16x128xf32, #tpu.memory_space<hbm>>) target(%dma_start3A_28 : memref<16x128xf32, #tpu.memory_space<vmem_shared>>) target_semaphore(%run_scoped3A : memref<!tpu.dma_semaphore, #tpu.memory_space<semaphore_mem>>)
        %dma_wait3A = arith.constant 9984 : i32
        %dma_wait3A_32 = arith.constant 0 : i32
        %dma_wait3A_33 = tpu.memref_slice %arg12[%dma_wait3A, %dma_wait3A_32] : memref<10000x128xf32, #tpu.memory_space<vmem_shared>> -> memref<16x128xf32, #tpu.memory_space<vmem_shared>>
        %dma_wait3A_34 = arith.constant 9984 : i32
        %dma_wait3A_35 = arith.constant 0 : i32
        %dma_wait3A_36 = tpu.memref_slice %arg6[%dma_wait3A_34, %dma_wait3A_35] : memref<10000x128xf32, #tpu.memory_space<hbm>> -> memref<16x128xf32, #tpu.memory_space<hbm>>
        tpu.wait_dma2 semaphore(%run_scoped3A : memref<!tpu.dma_semaphore, #tpu.memory_space<semaphore_mem>>) src(%dma_wait3A_36 : memref<16x128xf32, #tpu.memory_space<hbm>>) dst(%dma_wait3A_33 : memref<16x128xf32, #tpu.memory_space<vmem_shared>>)
        tpu.yield
      }) : () -> ()
    } else {
    }
    %barrier3A = arith.constant 0 : index
    tpu.barrier barrier_id(%barrier3A)
    %add3A_7 = arith.constant 0 : i32
    %add3A_8 = arith.addi %add3A, %add3A_7 : i32
    %lt3A = arith.constant 4000 : i32
    %lt3A_9 = arith.cmpi slt, %add3A_8, %lt3A : i32
    %convert_element_type3A_10 = arith.extui %lt3A_9 : i1 to i32
    %cond3A_11 = arith.constant 0 : i32
    %cond3A_12 = arith.cmpi ne, %convert_element_type3A_10, %cond3A_11 : i32
    scf.if %cond3A_12 {
      %add3A_27 = arith.constant 0 : i32
      %add3A_28 = arith.addi %add3A, %add3A_27 : i32
      %run_scoped3A = arith.constant 0 : i32
      "tpu.region"() ({
        %run_scoped3A_57 = tpu.sem_alloc : memref<!tpu.dma_semaphore, #tpu.memory_space<semaphore_mem>>
        %dma_start3A_58 = arith.constant 0 : i32
        %dma_start3A_59 = arith.constant 0 : i32
        %dma_start3A_60 = tpu.memref_slice %arg8[%run_scoped3A, %dma_start3A_58, %dma_start3A_59] : memref<2x1x80xi32, #tpu.memory_space<vmem>> -> memref<1x1x80xi32, #tpu.memory_space<vmem>>
        %dma_start3A_61 = tpu.memref_squeeze %dma_start3A_60 : memref<1x1x80xi32, #tpu.memory_space<vmem>> -> memref<1x80xi32, #tpu.memory_space<vmem>>
        %dma_start3A_62 = arith.constant 0 : i32
        %dma_start3A_63 = tpu.memref_slice %arg4[%add3A_28, %dma_start3A_62] : memref<4000x80xi32, #tpu.memory_space<hbm>> -> memref<1x80xi32, #tpu.memory_space<hbm>>
        %dma_start3A_64 = arith.constant 0 : i32
        %dma_start3A_65 = arith.constant 0 : i32
        %dma_start3A_66 = tpu.memref_slice %arg8[%run_scoped3A, %dma_start3A_64, %dma_start3A_65] : memref<2x1x80xi32, #tpu.memory_space<vmem>> -> memref<1x1x80xi32, #tpu.memory_space<vmem>>
        %dma_start3A_67 = tpu.memref_squeeze %dma_start3A_66 : memref<1x1x80xi32, #tpu.memory_space<vmem>> -> memref<1x80xi32, #tpu.memory_space<vmem>>
        %dma_start3A_68 = arith.constant 0 : i32
        %dma_start3A_69 = tpu.memref_slice %arg4[%add3A_28, %dma_start3A_68] : memref<4000x80xi32, #tpu.memory_space<hbm>> -> memref<1x80xi32, #tpu.memory_space<hbm>>
        tpu.enqueue_dma source(%dma_start3A_69 : memref<1x80xi32, #tpu.memory_space<hbm>>) target(%dma_start3A_67 : memref<1x80xi32, #tpu.memory_space<vmem>>) target_semaphore(%run_scoped3A_57 : memref<!tpu.dma_semaphore, #tpu.memory_space<semaphore_mem>>)
        %dma_wait3A = arith.constant 0 : i32
        %dma_wait3A_70 = arith.constant 0 : i32
        %dma_wait3A_71 = tpu.memref_slice %arg8[%run_scoped3A, %dma_wait3A, %dma_wait3A_70] : memref<2x1x80xi32, #tpu.memory_space<vmem>> -> memref<1x1x80xi32, #tpu.memory_space<vmem>>
        %dma_wait3A_72 = tpu.memref_squeeze %dma_wait3A_71 : memref<1x1x80xi32, #tpu.memory_space<vmem>> -> memref<1x80xi32, #tpu.memory_space<vmem>>
        %dma_wait3A_73 = arith.constant 0 : i32
        %dma_wait3A_74 = tpu.memref_slice %arg4[%add3A_28, %dma_wait3A_73] : memref<4000x80xi32, #tpu.memory_space<hbm>> -> memref<1x80xi32, #tpu.memory_space<hbm>>
        %dma_wait3A_75 = arith.constant 0 : i32
        %dma_wait3A_76 = arith.constant 0 : i32
        %dma_wait3A_77 = tpu.memref_slice %arg8[%run_scoped3A, %dma_wait3A_75, %dma_wait3A_76] : memref<2x1x80xi32, #tpu.memory_space<vmem>> -> memref<1x1x80xi32, #tpu.memory_space<vmem>>
        %dma_wait3A_78 = tpu.memref_squeeze %dma_wait3A_77 : memref<1x1x80xi32, #tpu.memory_space<vmem>> -> memref<1x80xi32, #tpu.memory_space<vmem>>
        %dma_wait3A_79 = arith.constant 0 : i32
        %dma_wait3A_80 = tpu.memref_slice %arg4[%add3A_28, %dma_wait3A_79] : memref<4000x80xi32, #tpu.memory_space<hbm>> -> memref<1x80xi32, #tpu.memory_space<hbm>>
        tpu.wait_dma2 semaphore(%run_scoped3A_57 : memref<!tpu.dma_semaphore, #tpu.memory_space<semaphore_mem>>) src(%dma_wait3A_80 : memref<1x80xi32, #tpu.memory_space<hbm>>) dst(%dma_wait3A_78 : memref<1x80xi32, #tpu.memory_space<vmem>>)
        tpu.yield
      }) : () -> ()
      %run_scoped3A_29 = arith.constant 0 : i32
      "tpu.region"() ({
        %run_scoped3A_57 = tpu.sem_alloc : memref<!tpu.dma_semaphore, #tpu.memory_space<semaphore_mem>>
        %dma_start3A_58 = arith.constant 0 : i32
        %dma_start3A_59 = arith.constant 0 : i32
        %dma_start3A_60 = tpu.memref_slice %arg9[%run_scoped3A_29, %dma_start3A_58, %dma_start3A_59] : memref<2x1x80xi32, #tpu.memory_space<vmem>> -> memref<1x1x80xi32, #tpu.memory_space<vmem>>
        %dma_start3A_61 = tpu.memref_squeeze %dma_start3A_60 : memref<1x1x80xi32, #tpu.memory_space<vmem>> -> memref<1x80xi32, #tpu.memory_space<vmem>>
        %dma_start3A_62 = arith.constant 0 : i32
        %dma_start3A_63 = tpu.memref_slice %arg5[%add3A_28, %dma_start3A_62] : memref<4000x80xi32, #tpu.memory_space<hbm>> -> memref<1x80xi32, #tpu.memory_space<hbm>>
        %dma_start3A_64 = arith.constant 0 : i32
        %dma_start3A_65 = arith.constant 0 : i32
        %dma_start3A_66 = tpu.memref_slice %arg9[%run_scoped3A_29, %dma_start3A_64, %dma_start3A_65] : memref<2x1x80xi32, #tpu.memory_space<vmem>> -> memref<1x1x80xi32, #tpu.memory_space<vmem>>
        %dma_start3A_67 = tpu.memref_squeeze %dma_start3A_66 : memref<1x1x80xi32, #tpu.memory_space<vmem>> -> memref<1x80xi32, #tpu.memory_space<vmem>>
        %dma_start3A_68 = arith.constant 0 : i32
        %dma_start3A_69 = tpu.memref_slice %arg5[%add3A_28, %dma_start3A_68] : memref<4000x80xi32, #tpu.memory_space<hbm>> -> memref<1x80xi32, #tpu.memory_space<hbm>>
        tpu.enqueue_dma source(%dma_start3A_69 : memref<1x80xi32, #tpu.memory_space<hbm>>) target(%dma_start3A_67 : memref<1x80xi32, #tpu.memory_space<vmem>>) target_semaphore(%run_scoped3A_57 : memref<!tpu.dma_semaphore, #tpu.memory_space<semaphore_mem>>)
        %dma_wait3A = arith.constant 0 : i32
        %dma_wait3A_70 = arith.constant 0 : i32
        %dma_wait3A_71 = tpu.memref_slice %arg9[%run_scoped3A_29, %dma_wait3A, %dma_wait3A_70] : memref<2x1x80xi32, #tpu.memory_space<vmem>> -> memref<1x1x80xi32, #tpu.memory_space<vmem>>
        %dma_wait3A_72 = tpu.memref_squeeze %dma_wait3A_71 : memref<1x1x80xi32, #tpu.memory_space<vmem>> -> memref<1x80xi32, #tpu.memory_space<vmem>>
        %dma_wait3A_73 = arith.constant 0 : i32
        %dma_wait3A_74 = tpu.memref_slice %arg5[%add3A_28, %dma_wait3A_73] : memref<4000x80xi32, #tpu.memory_space<hbm>> -> memref<1x80xi32, #tpu.memory_space<hbm>>
        %dma_wait3A_75 = arith.constant 0 : i32
        %dma_wait3A_76 = arith.constant 0 : i32
        %dma_wait3A_77 = tpu.memref_slice %arg9[%run_scoped3A_29, %dma_wait3A_75, %dma_wait3A_76] : memref<2x1x80xi32, #tpu.memory_space<vmem>> -> memref<1x1x80xi32, #tpu.memory_space<vmem>>
        %dma_wait3A_78 = tpu.memref_squeeze %dma_wait3A_77 : memref<1x1x80xi32, #tpu.memory_space<vmem>> -> memref<1x80xi32, #tpu.memory_space<vmem>>
        %dma_wait3A_79 = arith.constant 0 : i32
        %dma_wait3A_80 = tpu.memref_slice %arg5[%add3A_28, %dma_wait3A_79] : memref<4000x80xi32, #tpu.memory_space<hbm>> -> memref<1x80xi32, #tpu.memory_space<hbm>>
        tpu.wait_dma2 semaphore(%run_scoped3A_57 : memref<!tpu.dma_semaphore, #tpu.memory_space<semaphore_mem>>) src(%dma_wait3A_80 : memref<1x80xi32, #tpu.memory_space<hbm>>) dst(%dma_wait3A_78 : memref<1x80xi32, #tpu.memory_space<vmem>>)
        tpu.yield
      }) : () -> ()
      %dma_start3A = arith.constant 0 : i32
      %dma_start3A_30 = arith.constant 0 : i32
      %dma_start3A_31 = arith.constant 0 : i32
      %dma_start3A_32 = arith.constant 0 : i32
      %dma_start3A_33 = arith.constant 0 : i32
      %dma_start3A_34 = tpu.memref_slice %arg10[%dma_start3A_31, %dma_start3A_32, %dma_start3A_33] : memref<2x80x128xf32, #tpu.memory_space<vmem>> -> memref<1x80x128xf32, #tpu.memory_space<vmem>>
      %dma_start3A_35 = tpu.memref_squeeze %dma_start3A_34 : memref<1x80x128xf32, #tpu.memory_space<vmem>> -> memref<80x128xf32, #tpu.memory_space<vmem>>
      %dma_start3A_36 = arith.constant 0 : i32
      %dma_start3A_37 = tpu.memref_slice %arg8[%dma_start3A, %dma_start3A_30, %dma_start3A_36] : memref<2x1x80xi32, #tpu.memory_space<vmem>> -> memref<1x1x80xi32, #tpu.memory_space<vmem>>
      %dma_start3A_38 = tpu.memref_squeeze %dma_start3A_37 : memref<1x1x80xi32, #tpu.memory_space<vmem>> -> memref<80xi32, #tpu.memory_space<vmem>>
      %dma_start3A_39 = arith.constant 0 : i32
      %dma_start3A_40 = arith.constant 0 : i32
      %dma_start3A_41 = tpu.memref_slice %arg2[%dma_start3A_39, %dma_start3A_40] : memref<10000x128xf32, #tpu.memory_space<hbm>> -> memref<10000x128xf32, #tpu.memory_space<hbm>>
      tpu.enqueue_indirect_dma source(%dma_start3A_41 : memref<10000x128xf32, #tpu.memory_space<hbm>>) target(%dma_start3A_35 : memref<80x128xf32, #tpu.memory_space<vmem>>) offsets(%dma_start3A_38 : memref<80xi32, #tpu.memory_space<vmem>>) semaphore(%arg13 : memref<!tpu.dma_semaphore, #tpu.memory_space<semaphore_mem>>)
      %mul3A_42 = arith.constant 80 : i32
      %mul3A_43 = arith.muli %add3A_28, %mul3A_42 : i32
      %dma_start3A_44 = arith.constant 0 : i32
      %dma_start3A_45 = arith.constant 0 : i32
      %dma_start3A_46 = arith.constant 0 : i32
      %dma_start3A_47 = tpu.memref_slice %arg11[%dma_start3A_44, %dma_start3A_45, %dma_start3A_46] : memref<2x80x128xf32, #tpu.memory_space<vmem>> -> memref<1x80x128xf32, #tpu.memory_space<vmem>>
      %dma_start3A_48 = tpu.memref_squeeze %dma_start3A_47 : memref<1x80x128xf32, #tpu.memory_space<vmem>> -> memref<80x128xf32, #tpu.memory_space<vmem>>
      %dma_start3A_49 = arith.constant 0 : i32
      %dma_start3A_50 = tpu.memref_slice %arg3[%mul3A_43, %dma_start3A_49] : memref<320000x128xf32, #tpu.memory_space<hbm>> -> memref<80x128xf32, #tpu.memory_space<hbm>>
      %dma_start3A_51 = arith.constant 0 : i32
      %dma_start3A_52 = arith.constant 0 : i32
      %dma_start3A_53 = tpu.memref_slice %arg11[%dma_start3A_44, %dma_start3A_51, %dma_start3A_52] : memref<2x80x128xf32, #tpu.memory_space<vmem>> -> memref<1x80x128xf32, #tpu.memory_space<vmem>>
      %dma_start3A_54 = tpu.memref_squeeze %dma_start3A_53 : memref<1x80x128xf32, #tpu.memory_space<vmem>> -> memref<80x128xf32, #tpu.memory_space<vmem>>
      %dma_start3A_55 = arith.constant 0 : i32
      %dma_start3A_56 = tpu.memref_slice %arg3[%mul3A_43, %dma_start3A_55] : memref<320000x128xf32, #tpu.memory_space<hbm>> -> memref<80x128xf32, #tpu.memory_space<hbm>>
      tpu.enqueue_dma source(%dma_start3A_56 : memref<80x128xf32, #tpu.memory_space<hbm>>) target(%dma_start3A_54 : memref<80x128xf32, #tpu.memory_space<vmem>>) target_semaphore(%arg13 : memref<!tpu.dma_semaphore, #tpu.memory_space<semaphore_mem>>)
    } else {
    }
    %scan3A = arith.constant 0 : i32
    %scan3A_13 = arith.constant 63 : i32
    %scan3A_14 = arith.addi %scan3A, %scan3A_13 : i32
    %scan3A_15 = arith.constant 1 : i32
    scf.for %scan3A_27 = %scan3A to %scan3A_14 step %scan3A_15  : i32 {
      %mul3A_28 = arith.constant 1 : i32
      %mul3A_29 = arith.muli %scan3A_27, %mul3A_28 : i32
      %add3A_30 = arith.constant 0 : i32
      %add3A_31 = arith.addi %add3A_30, %mul3A_29 : i32
      %mul3A_32 = arith.constant 2 : i32
      %mul3A_33 = arith.muli %mul3A_32, %add3A_31 : i32
      %add3A_34 = arith.constant 1 : i32
      %add3A_35 = arith.addi %mul3A_33, %add3A_34 : i32
      %mul3A_36 = arith.constant 32 : i32
      %mul3A_37 = arith.muli %add3A_35, %mul3A_36 : i32
      %add3A_38 = arith.addi %add3A, %mul3A_37 : i32
      %lt3A_39 = arith.constant 4000 : i32
      %lt3A_40 = arith.cmpi slt, %add3A_38, %lt3A_39 : i32
      %convert_element_type3A_41 = arith.extui %lt3A_40 : i1 to i32
      %cond3A_42 = arith.constant 0 : i32
      %cond3A_43 = arith.cmpi ne, %convert_element_type3A_41, %cond3A_42 : i32
      scf.if %cond3A_43 {
        %mul3A_70 = arith.constant 32 : i32
        %mul3A_71 = arith.muli %add3A_35, %mul3A_70 : i32
        %add3A_72 = arith.addi %add3A, %mul3A_71 : i32
        %run_scoped3A = arith.constant 1 : i32
        "tpu.region"() ({
          %run_scoped3A_101 = tpu.sem_alloc : memref<!tpu.dma_semaphore, #tpu.memory_space<semaphore_mem>>
          %dma_start3A_102 = arith.constant 0 : i32
          %dma_start3A_103 = arith.constant 0 : i32
          %dma_start3A_104 = tpu.memref_slice %arg8[%run_scoped3A, %dma_start3A_102, %dma_start3A_103] : memref<2x1x80xi32, #tpu.memory_space<vmem>> -> memref<1x1x80xi32, #tpu.memory_space<vmem>>
          %dma_start3A_105 = tpu.memref_squeeze %dma_start3A_104 : memref<1x1x80xi32, #tpu.memory_space<vmem>> -> memref<1x80xi32, #tpu.memory_space<vmem>>
          %dma_start3A_106 = arith.constant 0 : i32
          %dma_start3A_107 = tpu.memref_slice %arg4[%add3A_72, %dma_start3A_106] : memref<4000x80xi32, #tpu.memory_space<hbm>> -> memref<1x80xi32, #tpu.memory_space<hbm>>
          %dma_start3A_108 = arith.constant 0 : i32
          %dma_start3A_109 = arith.constant 0 : i32
          %dma_start3A_110 = tpu.memref_slice %arg8[%run_scoped3A, %dma_start3A_108, %dma_start3A_109] : memref<2x1x80xi32, #tpu.memory_space<vmem>> -> memref<1x1x80xi32, #tpu.memory_space<vmem>>
          %dma_start3A_111 = tpu.memref_squeeze %dma_start3A_110 : memref<1x1x80xi32, #tpu.memory_space<vmem>> -> memref<1x80xi32, #tpu.memory_space<vmem>>
          %dma_start3A_112 = arith.constant 0 : i32
          %dma_start3A_113 = tpu.memref_slice %arg4[%add3A_72, %dma_start3A_112] : memref<4000x80xi32, #tpu.memory_space<hbm>> -> memref<1x80xi32, #tpu.memory_space<hbm>>
          tpu.enqueue_dma source(%dma_start3A_113 : memref<1x80xi32, #tpu.memory_space<hbm>>) target(%dma_start3A_111 : memref<1x80xi32, #tpu.memory_space<vmem>>) target_semaphore(%run_scoped3A_101 : memref<!tpu.dma_semaphore, #tpu.memory_space<semaphore_mem>>)
          %dma_wait3A = arith.constant 0 : i32
          %dma_wait3A_114 = arith.constant 0 : i32
          %dma_wait3A_115 = tpu.memref_slice %arg8[%run_scoped3A, %dma_wait3A, %dma_wait3A_114] : memref<2x1x80xi32, #tpu.memory_space<vmem>> -> memref<1x1x80xi32, #tpu.memory_space<vmem>>
          %dma_wait3A_116 = tpu.memref_squeeze %dma_wait3A_115 : memref<1x1x80xi32, #tpu.memory_space<vmem>> -> memref<1x80xi32, #tpu.memory_space<vmem>>
          %dma_wait3A_117 = arith.constant 0 : i32
          %dma_wait3A_118 = tpu.memref_slice %arg4[%add3A_72, %dma_wait3A_117] : memref<4000x80xi32, #tpu.memory_space<hbm>> -> memref<1x80xi32, #tpu.memory_space<hbm>>
          %dma_wait3A_119 = arith.constant 0 : i32
          %dma_wait3A_120 = arith.constant 0 : i32
          %dma_wait3A_121 = tpu.memref_slice %arg8[%run_scoped3A, %dma_wait3A_119, %dma_wait3A_120] : memref<2x1x80xi32, #tpu.memory_space<vmem>> -> memref<1x1x80xi32, #tpu.memory_space<vmem>>
          %dma_wait3A_122 = tpu.memref_squeeze %dma_wait3A_121 : memref<1x1x80xi32, #tpu.memory_space<vmem>> -> memref<1x80xi32, #tpu.memory_space<vmem>>
          %dma_wait3A_123 = arith.constant 0 : i32
          %dma_wait3A_124 = tpu.memref_slice %arg4[%add3A_72, %dma_wait3A_123] : memref<4000x80xi32, #tpu.memory_space<hbm>> -> memref<1x80xi32, #tpu.memory_space<hbm>>
          tpu.wait_dma2 semaphore(%run_scoped3A_101 : memref<!tpu.dma_semaphore, #tpu.memory_space<semaphore_mem>>) src(%dma_wait3A_124 : memref<1x80xi32, #tpu.memory_space<hbm>>) dst(%dma_wait3A_122 : memref<1x80xi32, #tpu.memory_space<vmem>>)
          tpu.yield
        }) : () -> ()
        %run_scoped3A_73 = arith.constant 1 : i32
        "tpu.region"() ({
          %run_scoped3A_101 = tpu.sem_alloc : memref<!tpu.dma_semaphore, #tpu.memory_space<semaphore_mem>>
          %dma_start3A_102 = arith.constant 0 : i32
          %dma_start3A_103 = arith.constant 0 : i32
          %dma_start3A_104 = tpu.memref_slice %arg9[%run_scoped3A_73, %dma_start3A_102, %dma_start3A_103] : memref<2x1x80xi32, #tpu.memory_space<vmem>> -> memref<1x1x80xi32, #tpu.memory_space<vmem>>
          %dma_start3A_105 = tpu.memref_squeeze %dma_start3A_104 : memref<1x1x80xi32, #tpu.memory_space<vmem>> -> memref<1x80xi32, #tpu.memory_space<vmem>>
          %dma_start3A_106 = arith.constant 0 : i32
          %dma_start3A_107 = tpu.memref_slice %arg5[%add3A_72, %dma_start3A_106] : memref<4000x80xi32, #tpu.memory_space<hbm>> -> memref<1x80xi32, #tpu.memory_space<hbm>>
          %dma_start3A_108 = arith.constant 0 : i32
          %dma_start3A_109 = arith.constant 0 : i32
          %dma_start3A_110 = tpu.memref_slice %arg9[%run_scoped3A_73, %dma_start3A_108, %dma_start3A_109] : memref<2x1x80xi32, #tpu.memory_space<vmem>> -> memref<1x1x80xi32, #tpu.memory_space<vmem>>
          %dma_start3A_111 = tpu.memref_squeeze %dma_start3A_110 : memref<1x1x80xi32, #tpu.memory_space<vmem>> -> memref<1x80xi32, #tpu.memory_space<vmem>>
          %dma_start3A_112 = arith.constant 0 : i32
          %dma_start3A_113 = tpu.memref_slice %arg5[%add3A_72, %dma_start3A_112] : memref<4000x80xi32, #tpu.memory_space<hbm>> -> memref<1x80xi32, #tpu.memory_space<hbm>>
          tpu.enqueue_dma source(%dma_start3A_113 : memref<1x80xi32, #tpu.memory_space<hbm>>) target(%dma_start3A_111 : memref<1x80xi32, #tpu.memory_space<vmem>>) target_semaphore(%run_scoped3A_101 : memref<!tpu.dma_semaphore, #tpu.memory_space<semaphore_mem>>)
          %dma_wait3A = arith.constant 0 : i32
          %dma_wait3A_114 = arith.constant 0 : i32
          %dma_wait3A_115 = tpu.memref_slice %arg9[%run_scoped3A_73, %dma_wait3A, %dma_wait3A_114] : memref<2x1x80xi32, #tpu.memory_space<vmem>> -> memref<1x1x80xi32, #tpu.memory_space<vmem>>
          %dma_wait3A_116 = tpu.memref_squeeze %dma_wait3A_115 : memref<1x1x80xi32, #tpu.memory_space<vmem>> -> memref<1x80xi32, #tpu.memory_space<vmem>>
          %dma_wait3A_117 = arith.constant 0 : i32
          %dma_wait3A_118 = tpu.memref_slice %arg5[%add3A_72, %dma_wait3A_117] : memref<4000x80xi32, #tpu.memory_space<hbm>> -> memref<1x80xi32, #tpu.memory_space<hbm>>
          %dma_wait3A_119 = arith.constant 0 : i32
          %dma_wait3A_120 = arith.constant 0 : i32
          %dma_wait3A_121 = tpu.memref_slice %arg9[%run_scoped3A_73, %dma_wait3A_119, %dma_wait3A_120] : memref<2x1x80xi32, #tpu.memory_space<vmem>> -> memref<1x1x80xi32, #tpu.memory_space<vmem>>
          %dma_wait3A_122 = tpu.memref_squeeze %dma_wait3A_121 : memref<1x1x80xi32, #tpu.memory_space<vmem>> -> memref<1x80xi32, #tpu.memory_space<vmem>>
          %dma_wait3A_123 = arith.constant 0 : i32
          %dma_wait3A_124 = tpu.memref_slice %arg5[%add3A_72, %dma_wait3A_123] : memref<4000x80xi32, #tpu.memory_space<hbm>> -> memref<1x80xi32, #tpu.memory_space<hbm>>
          tpu.wait_dma2 semaphore(%run_scoped3A_101 : memref<!tpu.dma_semaphore, #tpu.memory_space<semaphore_mem>>) src(%dma_wait3A_124 : memref<1x80xi32, #tpu.memory_space<hbm>>) dst(%dma_wait3A_122 : memref<1x80xi32, #tpu.memory_space<vmem>>)
          tpu.yield
        }) : () -> ()
        %dma_start3A = arith.constant 1 : i32
        %dma_start3A_74 = arith.constant 0 : i32
        %dma_start3A_75 = arith.constant 1 : i32
        %dma_start3A_76 = arith.constant 0 : i32
        %dma_start3A_77 = arith.constant 0 : i32
        %dma_start3A_78 = tpu.memref_slice %arg10[%dma_start3A_75, %dma_start3A_76, %dma_start3A_77] : memref<2x80x128xf32, #tpu.memory_space<vmem>> -> memref<1x80x128xf32, #tpu.memory_space<vmem>>
        %dma_start3A_79 = tpu.memref_squeeze %dma_start3A_78 : memref<1x80x128xf32, #tpu.memory_space<vmem>> -> memref<80x128xf32, #tpu.memory_space<vmem>>
        %dma_start3A_80 = arith.constant 0 : i32
        %dma_start3A_81 = tpu.memref_slice %arg8[%dma_start3A, %dma_start3A_74, %dma_start3A_80] : memref<2x1x80xi32, #tpu.memory_space<vmem>> -> memref<1x1x80xi32, #tpu.memory_space<vmem>>
        %dma_start3A_82 = tpu.memref_squeeze %dma_start3A_81 : memref<1x1x80xi32, #tpu.memory_space<vmem>> -> memref<80xi32, #tpu.memory_space<vmem>>
        %dma_start3A_83 = arith.constant 0 : i32
        %dma_start3A_84 = arith.constant 0 : i32
        %dma_start3A_85 = tpu.memref_slice %arg2[%dma_start3A_83, %dma_start3A_84] : memref<10000x128xf32, #tpu.memory_space<hbm>> -> memref<10000x128xf32, #tpu.memory_space<hbm>>
        tpu.enqueue_indirect_dma source(%dma_start3A_85 : memref<10000x128xf32, #tpu.memory_space<hbm>>) target(%dma_start3A_79 : memref<80x128xf32, #tpu.memory_space<vmem>>) offsets(%dma_start3A_82 : memref<80xi32, #tpu.memory_space<vmem>>) semaphore(%arg14 : memref<!tpu.dma_semaphore, #tpu.memory_space<semaphore_mem>>)
        %mul3A_86 = arith.constant 80 : i32
        %mul3A_87 = arith.muli %add3A_72, %mul3A_86 : i32
        %dma_start3A_88 = arith.constant 1 : i32
        %dma_start3A_89 = arith.constant 0 : i32
        %dma_start3A_90 = arith.constant 0 : i32
        %dma_start3A_91 = tpu.memref_slice %arg11[%dma_start3A_88, %dma_start3A_89, %dma_start3A_90] : memref<2x80x128xf32, #tpu.memory_space<vmem>> -> memref<1x80x128xf32, #tpu.memory_space<vmem>>
        %dma_start3A_92 = tpu.memref_squeeze %dma_start3A_91 : memref<1x80x128xf32, #tpu.memory_space<vmem>> -> memref<80x128xf32, #tpu.memory_space<vmem>>
        %dma_start3A_93 = arith.constant 0 : i32
        %dma_start3A_94 = tpu.memref_slice %arg3[%mul3A_87, %dma_start3A_93] : memref<320000x128xf32, #tpu.memory_space<hbm>> -> memref<80x128xf32, #tpu.memory_space<hbm>>
        %dma_start3A_95 = arith.constant 0 : i32
        %dma_start3A_96 = arith.constant 0 : i32
        %dma_start3A_97 = tpu.memref_slice %arg11[%dma_start3A_88, %dma_start3A_95, %dma_start3A_96] : memref<2x80x128xf32, #tpu.memory_space<vmem>> -> memref<1x80x128xf32, #tpu.memory_space<vmem>>
        %dma_start3A_98 = tpu.memref_squeeze %dma_start3A_97 : memref<1x80x128xf32, #tpu.memory_space<vmem>> -> memref<80x128xf32, #tpu.memory_space<vmem>>
        %dma_start3A_99 = arith.constant 0 : i32
        %dma_start3A_100 = tpu.memref_slice %arg3[%mul3A_87, %dma_start3A_99] : memref<320000x128xf32, #tpu.memory_space<hbm>> -> memref<80x128xf32, #tpu.memory_space<hbm>>
        tpu.enqueue_dma source(%dma_start3A_100 : memref<80x128xf32, #tpu.memory_space<hbm>>) target(%dma_start3A_98 : memref<80x128xf32, #tpu.memory_space<vmem>>) target_semaphore(%arg14 : memref<!tpu.dma_semaphore, #tpu.memory_space<semaphore_mem>>)
      } else {
      }
      %mul3A_44 = arith.constant 32 : i32
      %mul3A_45 = arith.muli %mul3A_33, %mul3A_44 : i32
      %add3A_46 = arith.addi %add3A, %mul3A_45 : i32
      %lt3A_47 = arith.constant 4000 : i32
      %lt3A_48 = arith.cmpi slt, %add3A_46, %lt3A_47 : i32
      %convert_element_type3A_49 = arith.extui %lt3A_48 : i1 to i32
      %cond3A_50 = arith.constant 0 : i32
      %cond3A_51 = arith.cmpi ne, %convert_element_type3A_49, %cond3A_50 : i32
      scf.if %cond3A_51 {
        %mul3A_70 = arith.constant 32 : i32
        %mul3A_71 = arith.muli %mul3A_33, %mul3A_70 : i32
        %add3A_72 = arith.addi %add3A, %mul3A_71 : i32
        %dma_wait3A = arith.constant 0 : i32
        %dma_wait3A_73 = arith.constant 0 : i32
        %dma_wait3A_74 = arith.constant 0 : i32
        %dma_wait3A_75 = arith.constant 0 : i32
        %dma_wait3A_76 = arith.constant 0 : i32
        %dma_wait3A_77 = tpu.memref_slice %arg10[%dma_wait3A_74, %dma_wait3A_75, %dma_wait3A_76] : memref<2x80x128xf32, #tpu.memory_space<vmem>> -> memref<1x80x128xf32, #tpu.memory_space<vmem>>
        %dma_wait3A_78 = tpu.memref_squeeze %dma_wait3A_77 : memref<1x80x128xf32, #tpu.memory_space<vmem>> -> memref<80x128xf32, #tpu.memory_space<vmem>>
        %dma_wait3A_79 = arith.constant 0 : i32
        %dma_wait3A_80 = tpu.memref_slice %arg8[%dma_wait3A, %dma_wait3A_73, %dma_wait3A_79] : memref<2x1x80xi32, #tpu.memory_space<vmem>> -> memref<1x1x80xi32, #tpu.memory_space<vmem>>
        %dma_wait3A_81 = tpu.memref_squeeze %dma_wait3A_80 : memref<1x1x80xi32, #tpu.memory_space<vmem>> -> memref<80xi32, #tpu.memory_space<vmem>>
        %dma_wait3A_82 = arith.constant 0 : i32
        %dma_wait3A_83 = arith.constant 0 : i32
        %dma_wait3A_84 = tpu.memref_slice %arg2[%dma_wait3A_82, %dma_wait3A_83] : memref<10000x128xf32, #tpu.memory_space<hbm>> -> memref<10000x128xf32, #tpu.memory_space<hbm>>
        tpu.wait_indirect_dma semaphore(%arg13 : memref<!tpu.dma_semaphore, #tpu.memory_space<semaphore_mem>>) src(%dma_wait3A_84 : memref<10000x128xf32, #tpu.memory_space<hbm>>) dst(%dma_wait3A_78 : memref<80x128xf32, #tpu.memory_space<vmem>>)
        %mul3A_85 = arith.constant 80 : i32
        %mul3A_86 = arith.muli %add3A_72, %mul3A_85 : i32
        %dma_wait3A_87 = arith.constant 0 : i32
        %dma_wait3A_88 = arith.constant 0 : i32
        %dma_wait3A_89 = arith.constant 0 : i32
        %dma_wait3A_90 = tpu.memref_slice %arg11[%dma_wait3A_87, %dma_wait3A_88, %dma_wait3A_89] : memref<2x80x128xf32, #tpu.memory_space<vmem>> -> memref<1x80x128xf32, #tpu.memory_space<vmem>>
        %dma_wait3A_91 = tpu.memref_squeeze %dma_wait3A_90 : memref<1x80x128xf32, #tpu.memory_space<vmem>> -> memref<80x128xf32, #tpu.memory_space<vmem>>
        %dma_wait3A_92 = arith.constant 0 : i32
        %dma_wait3A_93 = tpu.memref_slice %arg3[%mul3A_86, %dma_wait3A_92] : memref<320000x128xf32, #tpu.memory_space<hbm>> -> memref<80x128xf32, #tpu.memory_space<hbm>>
        %dma_wait3A_94 = arith.constant 0 : i32
        %dma_wait3A_95 = arith.constant 0 : i32
        %dma_wait3A_96 = tpu.memref_slice %arg11[%dma_wait3A_87, %dma_wait3A_94, %dma_wait3A_95] : memref<2x80x128xf32, #tpu.memory_space<vmem>> -> memref<1x80x128xf32, #tpu.memory_space<vmem>>
        %dma_wait3A_97 = tpu.memref_squeeze %dma_wait3A_96 : memref<1x80x128xf32, #tpu.memory_space<vmem>> -> memref<80x128xf32, #tpu.memory_space<vmem>>
        %dma_wait3A_98 = arith.constant 0 : i32
        %dma_wait3A_99 = tpu.memref_slice %arg3[%mul3A_86, %dma_wait3A_98] : memref<320000x128xf32, #tpu.memory_space<hbm>> -> memref<80x128xf32, #tpu.memory_space<hbm>>
        tpu.wait_dma2 semaphore(%arg13 : memref<!tpu.dma_semaphore, #tpu.memory_space<semaphore_mem>>) src(%dma_wait3A_99 : memref<80x128xf32, #tpu.memory_space<hbm>>) dst(%dma_wait3A_97 : memref<80x128xf32, #tpu.memory_space<vmem>>)
        %scan3A_100 = arith.constant 0 : i32
        %scan3A_101 = arith.constant 0 : i32
        %scan3A_102 = arith.constant 0 : i32
        %scan3A_103 = arith.constant 0 : i32
        %scan3A_104 = arith.constant 80 : i32
        %scan3A_105 = arith.addi %scan3A_103, %scan3A_104 : i32
        %scan3A_106 = arith.constant 1 : i32
        scf.for %scan3A_110 = %scan3A_103 to %scan3A_105 step %scan3A_106  : i32 {
          %mul3A_111 = arith.constant 1 : i32
          %mul3A_112 = arith.muli %scan3A_110, %mul3A_111 : i32
          %add3A_113 = arith.constant 0 : i32
          %add3A_114 = arith.addi %add3A_113, %mul3A_112 : i32
          %get3A = arith.constant 0 : i32
          %get3A_115 = arith.constant 0 : i32
          %get3A_116 = tpu.memref_slice %arg10[%scan3A_100, %get3A, %get3A_115] : memref<2x80x128xf32, #tpu.memory_space<vmem>> -> memref<1x80x128xf32, #tpu.memory_space<vmem>>
          %get3A_117 = tpu.memref_squeeze %get3A_116 : memref<1x80x128xf32, #tpu.memory_space<vmem>> -> memref<80x128xf32, #tpu.memory_space<vmem>>
          %get3A_118 = arith.index_cast %add3A_114 : i32 to index
          %get3A_119 = arith.constant 0 : index
          %get3A_120 = tpu.vector_load %get3A_117[%get3A_118, %get3A_119] {strides = array<i32>} : memref<80x128xf32, #tpu.memory_space<vmem>>, vector<1x16xf32>,
          %get3A_121 = vector.shape_cast %get3A_120 : vector<1x16xf32> to vector<1x16xf32>
          %get3A_122 = arith.constant 0 : i32
          %get3A_123 = arith.constant 0 : i32
          %get3A_124 = tpu.memref_slice %arg11[%scan3A_101, %get3A_122, %get3A_123] : memref<2x80x128xf32, #tpu.memory_space<vmem>> -> memref<1x80x128xf32, #tpu.memory_space<vmem>>
          %get3A_125 = tpu.memref_squeeze %get3A_124 : memref<1x80x128xf32, #tpu.memory_space<vmem>> -> memref<80x128xf32, #tpu.memory_space<vmem>>
          %get3A_126 = arith.index_cast %add3A_114 : i32 to index
          %get3A_127 = arith.constant 0 : index
          %get3A_128 = tpu.vector_load %get3A_125[%get3A_126, %get3A_127] {strides = array<i32>} : memref<80x128xf32, #tpu.memory_space<vmem>>, vector<1x16xf32>,
          %get3A_129 = vector.shape_cast %get3A_128 : vector<1x16xf32> to vector<1x16xf32>
          %add3A_130 = arith.addf %get3A_121, %get3A_129 : vector<1x16xf32>
          %max3A = arith.constant 0.000000e+00 : f32
          %max3A_131 = vector.broadcast %max3A : f32 to vector<1x16xf32>
          %max3A_132 = arith.maximumf %add3A_130, %max3A_131 : vector<1x16xf32>
          %swap3A = arith.constant 0 : i32
          %swap3A_133 = arith.constant 0 : i32
          %swap3A_134 = tpu.memref_slice %arg10[%scan3A_102, %swap3A, %swap3A_133] : memref<2x80x128xf32, #tpu.memory_space<vmem>> -> memref<1x80x128xf32, #tpu.memory_space<vmem>>
          %swap3A_135 = tpu.memref_squeeze %swap3A_134 : memref<1x80x128xf32, #tpu.memory_space<vmem>> -> memref<80x128xf32, #tpu.memory_space<vmem>>
          %swap3A_136 = arith.index_cast %add3A_114 : i32 to index
          %swap3A_137 = arith.constant 0 : index
          %swap3A_138 = tpu.vector_load %swap3A_135[%swap3A_136, %swap3A_137] {strides = array<i32>} : memref<80x128xf32, #tpu.memory_space<vmem>>, vector<1x16xf32>,
          %swap3A_139 = vector.shape_cast %swap3A_138 : vector<1x16xf32> to vector<1x16xf32>
          %swap3A_140 = vector.shape_cast %max3A_132 : vector<1x16xf32> to vector<1x16xf32>
          tpu.vector_store %swap3A_135[%swap3A_136, %swap3A_137], %swap3A_140 {strides = array<i32>} : memref<80x128xf32, #tpu.memory_space<vmem>>, vector<1x16xf32>,
          %get3A_141 = arith.constant 0 : i32
          %get3A_142 = arith.constant 0 : i32
          %get3A_143 = tpu.memref_slice %arg10[%scan3A_100, %get3A_141, %get3A_142] : memref<2x80x128xf32, #tpu.memory_space<vmem>> -> memref<1x80x128xf32, #tpu.memory_space<vmem>>
          %get3A_144 = tpu.memref_squeeze %get3A_143 : memref<1x80x128xf32, #tpu.memory_space<vmem>> -> memref<80x128xf32, #tpu.memory_space<vmem>>
          %get3A_145 = arith.index_cast %add3A_114 : i32 to index
          %get3A_146 = arith.constant 16 : index
          %get3A_147 = tpu.vector_load %get3A_144[%get3A_145, %get3A_146] {strides = array<i32>} : memref<80x128xf32, #tpu.memory_space<vmem>>, vector<1x16xf32>,
          %get3A_148 = vector.shape_cast %get3A_147 : vector<1x16xf32> to vector<1x16xf32>
          %get3A_149 = arith.constant 0 : i32
          %get3A_150 = arith.constant 0 : i32
          %get3A_151 = tpu.memref_slice %arg11[%scan3A_101, %get3A_149, %get3A_150] : memref<2x80x128xf32, #tpu.memory_space<vmem>> -> memref<1x80x128xf32, #tpu.memory_space<vmem>>
          %get3A_152 = tpu.memref_squeeze %get3A_151 : memref<1x80x128xf32, #tpu.memory_space<vmem>> -> memref<80x128xf32, #tpu.memory_space<vmem>>
          %get3A_153 = arith.index_cast %add3A_114 : i32 to index
          %get3A_154 = arith.constant 16 : index
          %get3A_155 = tpu.vector_load %get3A_152[%get3A_153, %get3A_154] {strides = array<i32>} : memref<80x128xf32, #tpu.memory_space<vmem>>, vector<1x16xf32>,
          %get3A_156 = vector.shape_cast %get3A_155 : vector<1x16xf32> to vector<1x16xf32>
          %add3A_157 = arith.addf %get3A_148, %get3A_156 : vector<1x16xf32>
          %max3A_158 = arith.constant 0.000000e+00 : f32
          %max3A_159 = vector.broadcast %max3A_158 : f32 to vector<1x16xf32>
          %max3A_160 = arith.maximumf %add3A_157, %max3A_159 : vector<1x16xf32>
          %swap3A_161 = arith.constant 0 : i32
          %swap3A_162 = arith.constant 0 : i32
          %swap3A_163 = tpu.memref_slice %arg10[%scan3A_102, %swap3A_161, %swap3A_162] : memref<2x80x128xf32, #tpu.memory_space<vmem>> -> memref<1x80x128xf32, #tpu.memory_space<vmem>>
          %swap3A_164 = tpu.memref_squeeze %swap3A_163 : memref<1x80x128xf32, #tpu.memory_space<vmem>> -> memref<80x128xf32, #tpu.memory_space<vmem>>
          %swap3A_165 = arith.index_cast %add3A_114 : i32 to index
          %swap3A_166 = arith.constant 16 : index
          %swap3A_167 = tpu.vector_load %swap3A_164[%swap3A_165, %swap3A_166] {strides = array<i32>} : memref<80x128xf32, #tpu.memory_space<vmem>>, vector<1x16xf32>,
          %swap3A_168 = vector.shape_cast %swap3A_167 : vector<1x16xf32> to vector<1x16xf32>
          %swap3A_169 = vector.shape_cast %max3A_160 : vector<1x16xf32> to vector<1x16xf32>
          tpu.vector_store %swap3A_164[%swap3A_165, %swap3A_166], %swap3A_169 {strides = array<i32>} : memref<80x128xf32, #tpu.memory_space<vmem>>, vector<1x16xf32>,
          %get3A_170 = arith.constant 0 : i32
          %get3A_171 = arith.constant 0 : i32
          %get3A_172 = tpu.memref_slice %arg10[%scan3A_100, %get3A_170, %get3A_171] : memref<2x80x128xf32, #tpu.memory_space<vmem>> -> memref<1x80x128xf32, #tpu.memory_space<vmem>>
          %get3A_173 = tpu.memref_squeeze %get3A_172 : memref<1x80x128xf32, #tpu.memory_space<vmem>> -> memref<80x128xf32, #tpu.memory_space<vmem>>
          %get3A_174 = arith.index_cast %add3A_114 : i32 to index
          %get3A_175 = arith.constant 32 : index
          %get3A_176 = tpu.vector_load %get3A_173[%get3A_174, %get3A_175] {strides = array<i32>} : memref<80x128xf32, #tpu.memory_space<vmem>>, vector<1x16xf32>,
          %get3A_177 = vector.shape_cast %get3A_176 : vector<1x16xf32> to vector<1x16xf32>
          %get3A_178 = arith.constant 0 : i32
          %get3A_179 = arith.constant 0 : i32
          %get3A_180 = tpu.memref_slice %arg11[%scan3A_101, %get3A_178, %get3A_179] : memref<2x80x128xf32, #tpu.memory_space<vmem>> -> memref<1x80x128xf32, #tpu.memory_space<vmem>>
          %get3A_181 = tpu.memref_squeeze %get3A_180 : memref<1x80x128xf32, #tpu.memory_space<vmem>> -> memref<80x128xf32, #tpu.memory_space<vmem>>
          %get3A_182 = arith.index_cast %add3A_114 : i32 to index
          %get3A_183 = arith.constant 32 : index
          %get3A_184 = tpu.vector_load %get3A_181[%get3A_182, %get3A_183] {strides = array<i32>} : memref<80x128xf32, #tpu.memory_space<vmem>>, vector<1x16xf32>,
          %get3A_185 = vector.shape_cast %get3A_184 : vector<1x16xf32> to vector<1x16xf32>
          %add3A_186 = arith.addf %get3A_177, %get3A_185 : vector<1x16xf32>
          %max3A_187 = arith.constant 0.000000e+00 : f32
          %max3A_188 = vector.broadcast %max3A_187 : f32 to vector<1x16xf32>
          %max3A_189 = arith.maximumf %add3A_186, %max3A_188 : vector<1x16xf32>
          %swap3A_190 = arith.constant 0 : i32
          %swap3A_191 = arith.constant 0 : i32
          %swap3A_192 = tpu.memref_slice %arg10[%scan3A_102, %swap3A_190, %swap3A_191] : memref<2x80x128xf32, #tpu.memory_space<vmem>> -> memref<1x80x128xf32, #tpu.memory_space<vmem>>
          %swap3A_193 = tpu.memref_squeeze %swap3A_192 : memref<1x80x128xf32, #tpu.memory_space<vmem>> -> memref<80x128xf32, #tpu.memory_space<vmem>>
          %swap3A_194 = arith.index_cast %add3A_114 : i32 to index
          %swap3A_195 = arith.constant 32 : index
          %swap3A_196 = tpu.vector_load %swap3A_193[%swap3A_194, %swap3A_195] {strides = array<i32>} : memref<80x128xf32, #tpu.memory_space<vmem>>, vector<1x16xf32>,
          %swap3A_197 = vector.shape_cast %swap3A_196 : vector<1x16xf32> to vector<1x16xf32>
          %swap3A_198 = vector.shape_cast %max3A_189 : vector<1x16xf32> to vector<1x16xf32>
          tpu.vector_store %swap3A_193[%swap3A_194, %swap3A_195], %swap3A_198 {strides = array<i32>} : memref<80x128xf32, #tpu.memory_space<vmem>>, vector<1x16xf32>,
          %get3A_199 = arith.constant 0 : i32
          %get3A_200 = arith.constant 0 : i32
          %get3A_201 = tpu.memref_slice %arg10[%scan3A_100, %get3A_199, %get3A_200] : memref<2x80x128xf32, #tpu.memory_space<vmem>> -> memref<1x80x128xf32, #tpu.memory_space<vmem>>
          %get3A_202 = tpu.memref_squeeze %get3A_201 : memref<1x80x128xf32, #tpu.memory_space<vmem>> -> memref<80x128xf32, #tpu.memory_space<vmem>>
          %get3A_203 = arith.index_cast %add3A_114 : i32 to index
          %get3A_204 = arith.constant 48 : index
          %get3A_205 = tpu.vector_load %get3A_202[%get3A_203, %get3A_204] {strides = array<i32>} : memref<80x128xf32, #tpu.memory_space<vmem>>, vector<1x16xf32>,
          %get3A_206 = vector.shape_cast %get3A_205 : vector<1x16xf32> to vector<1x16xf32>
          %get3A_207 = arith.constant 0 : i32
          %get3A_208 = arith.constant 0 : i32
          %get3A_209 = tpu.memref_slice %arg11[%scan3A_101, %get3A_207, %get3A_208] : memref<2x80x128xf32, #tpu.memory_space<vmem>> -> memref<1x80x128xf32, #tpu.memory_space<vmem>>
          %get3A_210 = tpu.memref_squeeze %get3A_209 : memref<1x80x128xf32, #tpu.memory_space<vmem>> -> memref<80x128xf32, #tpu.memory_space<vmem>>
          %get3A_211 = arith.index_cast %add3A_114 : i32 to index
          %get3A_212 = arith.constant 48 : index
          %get3A_213 = tpu.vector_load %get3A_210[%get3A_211, %get3A_212] {strides = array<i32>} : memref<80x128xf32, #tpu.memory_space<vmem>>, vector<1x16xf32>,
          %get3A_214 = vector.shape_cast %get3A_213 : vector<1x16xf32> to vector<1x16xf32>
          %add3A_215 = arith.addf %get3A_206, %get3A_214 : vector<1x16xf32>
          %max3A_216 = arith.constant 0.000000e+00 : f32
          %max3A_217 = vector.broadcast %max3A_216 : f32 to vector<1x16xf32>
          %max3A_218 = arith.maximumf %add3A_215, %max3A_217 : vector<1x16xf32>
          %swap3A_219 = arith.constant 0 : i32
          %swap3A_220 = arith.constant 0 : i32
          %swap3A_221 = tpu.memref_slice %arg10[%scan3A_102, %swap3A_219, %swap3A_220] : memref<2x80x128xf32, #tpu.memory_space<vmem>> -> memref<1x80x128xf32, #tpu.memory_space<vmem>>
          %swap3A_222 = tpu.memref_squeeze %swap3A_221 : memref<1x80x128xf32, #tpu.memory_space<vmem>> -> memref<80x128xf32, #tpu.memory_space<vmem>>
          %swap3A_223 = arith.index_cast %add3A_114 : i32 to index
          %swap3A_224 = arith.constant 48 : index
          %swap3A_225 = tpu.vector_load %swap3A_222[%swap3A_223, %swap3A_224] {strides = array<i32>} : memref<80x128xf32, #tpu.memory_space<vmem>>, vector<1x16xf32>,
          %swap3A_226 = vector.shape_cast %swap3A_225 : vector<1x16xf32> to vector<1x16xf32>
          %swap3A_227 = vector.shape_cast %max3A_218 : vector<1x16xf32> to vector<1x16xf32>
          tpu.vector_store %swap3A_222[%swap3A_223, %swap3A_224], %swap3A_227 {strides = array<i32>} : memref<80x128xf32, #tpu.memory_space<vmem>>, vector<1x16xf32>,
          %get3A_228 = arith.constant 0 : i32
          %get3A_229 = arith.constant 0 : i32
          %get3A_230 = tpu.memref_slice %arg10[%scan3A_100, %get3A_228, %get3A_229] : memref<2x80x128xf32, #tpu.memory_space<vmem>> -> memref<1x80x128xf32, #tpu.memory_space<vmem>>
          %get3A_231 = tpu.memref_squeeze %get3A_230 : memref<1x80x128xf32, #tpu.memory_space<vmem>> -> memref<80x128xf32, #tpu.memory_space<vmem>>
          %get3A_232 = arith.index_cast %add3A_114 : i32 to index
          %get3A_233 = arith.constant 64 : index
          %get3A_234 = tpu.vector_load %get3A_231[%get3A_232, %get3A_233] {strides = array<i32>} : memref<80x128xf32, #tpu.memory_space<vmem>>, vector<1x16xf32>,
          %get3A_235 = vector.shape_cast %get3A_234 : vector<1x16xf32> to vector<1x16xf32>
          %get3A_236 = arith.constant 0 : i32
          %get3A_237 = arith.constant 0 : i32
          %get3A_238 = tpu.memref_slice %arg11[%scan3A_101, %get3A_236, %get3A_237] : memref<2x80x128xf32, #tpu.memory_space<vmem>> -> memref<1x80x128xf32, #tpu.memory_space<vmem>>
          %get3A_239 = tpu.memref_squeeze %get3A_238 : memref<1x80x128xf32, #tpu.memory_space<vmem>> -> memref<80x128xf32, #tpu.memory_space<vmem>>
          %get3A_240 = arith.index_cast %add3A_114 : i32 to index
          %get3A_241 = arith.constant 64 : index
          %get3A_242 = tpu.vector_load %get3A_239[%get3A_240, %get3A_241] {strides = array<i32>} : memref<80x128xf32, #tpu.memory_space<vmem>>, vector<1x16xf32>,
          %get3A_243 = vector.shape_cast %get3A_242 : vector<1x16xf32> to vector<1x16xf32>
          %add3A_244 = arith.addf %get3A_235, %get3A_243 : vector<1x16xf32>
          %max3A_245 = arith.constant 0.000000e+00 : f32
          %max3A_246 = vector.broadcast %max3A_245 : f32 to vector<1x16xf32>
          %max3A_247 = arith.maximumf %add3A_244, %max3A_246 : vector<1x16xf32>
          %swap3A_248 = arith.constant 0 : i32
          %swap3A_249 = arith.constant 0 : i32
          %swap3A_250 = tpu.memref_slice %arg10[%scan3A_102, %swap3A_248, %swap3A_249] : memref<2x80x128xf32, #tpu.memory_space<vmem>> -> memref<1x80x128xf32, #tpu.memory_space<vmem>>
          %swap3A_251 = tpu.memref_squeeze %swap3A_250 : memref<1x80x128xf32, #tpu.memory_space<vmem>> -> memref<80x128xf32, #tpu.memory_space<vmem>>
          %swap3A_252 = arith.index_cast %add3A_114 : i32 to index
          %swap3A_253 = arith.constant 64 : index
          %swap3A_254 = tpu.vector_load %swap3A_251[%swap3A_252, %swap3A_253] {strides = array<i32>} : memref<80x128xf32, #tpu.memory_space<vmem>>, vector<1x16xf32>,
          %swap3A_255 = vector.shape_cast %swap3A_254 : vector<1x16xf32> to vector<1x16xf32>
          %swap3A_256 = vector.shape_cast %max3A_247 : vector<1x16xf32> to vector<1x16xf32>
          tpu.vector_store %swap3A_251[%swap3A_252, %swap3A_253], %swap3A_256 {strides = array<i32>} : memref<80x128xf32, #tpu.memory_space<vmem>>, vector<1x16xf32>,
          %get3A_257 = arith.constant 0 : i32
          %get3A_258 = arith.constant 0 : i32
          %get3A_259 = tpu.memref_slice %arg10[%scan3A_100, %get3A_257, %get3A_258] : memref<2x80x128xf32, #tpu.memory_space<vmem>> -> memref<1x80x128xf32, #tpu.memory_space<vmem>>
          %get3A_260 = tpu.memref_squeeze %get3A_259 : memref<1x80x128xf32, #tpu.memory_space<vmem>> -> memref<80x128xf32, #tpu.memory_space<vmem>>
          %get3A_261 = arith.index_cast %add3A_114 : i32 to index
          %get3A_262 = arith.constant 80 : index
          %get3A_263 = tpu.vector_load %get3A_260[%get3A_261, %get3A_262] {strides = array<i32>} : memref<80x128xf32, #tpu.memory_space<vmem>>, vector<1x16xf32>,
          %get3A_264 = vector.shape_cast %get3A_263 : vector<1x16xf32> to vector<1x16xf32>
          %get3A_265 = arith.constant 0 : i32
          %get3A_266 = arith.constant 0 : i32
          %get3A_267 = tpu.memref_slice %arg11[%scan3A_101, %get3A_265, %get3A_266] : memref<2x80x128xf32, #tpu.memory_space<vmem>> -> memref<1x80x128xf32, #tpu.memory_space<vmem>>
          %get3A_268 = tpu.memref_squeeze %get3A_267 : memref<1x80x128xf32, #tpu.memory_space<vmem>> -> memref<80x128xf32, #tpu.memory_space<vmem>>
          %get3A_269 = arith.index_cast %add3A_114 : i32 to index
          %get3A_270 = arith.constant 80 : index
          %get3A_271 = tpu.vector_load %get3A_268[%get3A_269, %get3A_270] {strides = array<i32>} : memref<80x128xf32, #tpu.memory_space<vmem>>, vector<1x16xf32>,
          %get3A_272 = vector.shape_cast %get3A_271 : vector<1x16xf32> to vector<1x16xf32>
          %add3A_273 = arith.addf %get3A_264, %get3A_272 : vector<1x16xf32>
          %max3A_274 = arith.constant 0.000000e+00 : f32
          %max3A_275 = vector.broadcast %max3A_274 : f32 to vector<1x16xf32>
          %max3A_276 = arith.maximumf %add3A_273, %max3A_275 : vector<1x16xf32>
          %swap3A_277 = arith.constant 0 : i32
          %swap3A_278 = arith.constant 0 : i32
          %swap3A_279 = tpu.memref_slice %arg10[%scan3A_102, %swap3A_277, %swap3A_278] : memref<2x80x128xf32, #tpu.memory_space<vmem>> -> memref<1x80x128xf32, #tpu.memory_space<vmem>>
          %swap3A_280 = tpu.memref_squeeze %swap3A_279 : memref<1x80x128xf32, #tpu.memory_space<vmem>> -> memref<80x128xf32, #tpu.memory_space<vmem>>
          %swap3A_281 = arith.index_cast %add3A_114 : i32 to index
          %swap3A_282 = arith.constant 80 : index
          %swap3A_283 = tpu.vector_load %swap3A_280[%swap3A_281, %swap3A_282] {strides = array<i32>} : memref<80x128xf32, #tpu.memory_space<vmem>>, vector<1x16xf32>,
          %swap3A_284 = vector.shape_cast %swap3A_283 : vector<1x16xf32> to vector<1x16xf32>
          %swap3A_285 = vector.shape_cast %max3A_276 : vector<1x16xf32> to vector<1x16xf32>
          tpu.vector_store %swap3A_280[%swap3A_281, %swap3A_282], %swap3A_285 {strides = array<i32>} : memref<80x128xf32, #tpu.memory_space<vmem>>, vector<1x16xf32>,
          %get3A_286 = arith.constant 0 : i32
          %get3A_287 = arith.constant 0 : i32
          %get3A_288 = tpu.memref_slice %arg10[%scan3A_100, %get3A_286, %get3A_287] : memref<2x80x128xf32, #tpu.memory_space<vmem>> -> memref<1x80x128xf32, #tpu.memory_space<vmem>>
          %get3A_289 = tpu.memref_squeeze %get3A_288 : memref<1x80x128xf32, #tpu.memory_space<vmem>> -> memref<80x128xf32, #tpu.memory_space<vmem>>
          %get3A_290 = arith.index_cast %add3A_114 : i32 to index
          %get3A_291 = arith.constant 96 : index
          %get3A_292 = tpu.vector_load %get3A_289[%get3A_290, %get3A_291] {strides = array<i32>} : memref<80x128xf32, #tpu.memory_space<vmem>>, vector<1x16xf32>,
          %get3A_293 = vector.shape_cast %get3A_292 : vector<1x16xf32> to vector<1x16xf32>
          %get3A_294 = arith.constant 0 : i32
          %get3A_295 = arith.constant 0 : i32
          %get3A_296 = tpu.memref_slice %arg11[%scan3A_101, %get3A_294, %get3A_295] : memref<2x80x128xf32, #tpu.memory_space<vmem>> -> memref<1x80x128xf32, #tpu.memory_space<vmem>>
          %get3A_297 = tpu.memref_squeeze %get3A_296 : memref<1x80x128xf32, #tpu.memory_space<vmem>> -> memref<80x128xf32, #tpu.memory_space<vmem>>
          %get3A_298 = arith.index_cast %add3A_114 : i32 to index
          %get3A_299 = arith.constant 96 : index
          %get3A_300 = tpu.vector_load %get3A_297[%get3A_298, %get3A_299] {strides = array<i32>} : memref<80x128xf32, #tpu.memory_space<vmem>>, vector<1x16xf32>,
          %get3A_301 = vector.shape_cast %get3A_300 : vector<1x16xf32> to vector<1x16xf32>
          %add3A_302 = arith.addf %get3A_293, %get3A_301 : vector<1x16xf32>
          %max3A_303 = arith.constant 0.000000e+00 : f32
          %max3A_304 = vector.broadcast %max3A_303 : f32 to vector<1x16xf32>
          %max3A_305 = arith.maximumf %add3A_302, %max3A_304 : vector<1x16xf32>
          %swap3A_306 = arith.constant 0 : i32
          %swap3A_307 = arith.constant 0 : i32
          %swap3A_308 = tpu.memref_slice %arg10[%scan3A_102, %swap3A_306, %swap3A_307] : memref<2x80x128xf32, #tpu.memory_space<vmem>> -> memref<1x80x128xf32, #tpu.memory_space<vmem>>
          %swap3A_309 = tpu.memref_squeeze %swap3A_308 : memref<1x80x128xf32, #tpu.memory_space<vmem>> -> memref<80x128xf32, #tpu.memory_space<vmem>>
          %swap3A_310 = arith.index_cast %add3A_114 : i32 to index
          %swap3A_311 = arith.constant 96 : index
          %swap3A_312 = tpu.vector_load %swap3A_309[%swap3A_310, %swap3A_311] {strides = array<i32>} : memref<80x128xf32, #tpu.memory_space<vmem>>, vector<1x16xf32>,
          %swap3A_313 = vector.shape_cast %swap3A_312 : vector<1x16xf32> to vector<1x16xf32>
          %swap3A_314 = vector.shape_cast %max3A_305 : vector<1x16xf32> to vector<1x16xf32>
          tpu.vector_store %swap3A_309[%swap3A_310, %swap3A_311], %swap3A_314 {strides = array<i32>} : memref<80x128xf32, #tpu.memory_space<vmem>>, vector<1x16xf32>,
          %get3A_315 = arith.constant 0 : i32
          %get3A_316 = arith.constant 0 : i32
          %get3A_317 = tpu.memref_slice %arg10[%scan3A_100, %get3A_315, %get3A_316] : memref<2x80x128xf32, #tpu.memory_space<vmem>> -> memref<1x80x128xf32, #tpu.memory_space<vmem>>
          %get3A_318 = tpu.memref_squeeze %get3A_317 : memref<1x80x128xf32, #tpu.memory_space<vmem>> -> memref<80x128xf32, #tpu.memory_space<vmem>>
          %get3A_319 = arith.index_cast %add3A_114 : i32 to index
          %get3A_320 = arith.constant 112 : index
          %get3A_321 = tpu.vector_load %get3A_318[%get3A_319, %get3A_320] {strides = array<i32>} : memref<80x128xf32, #tpu.memory_space<vmem>>, vector<1x16xf32>,
          %get3A_322 = vector.shape_cast %get3A_321 : vector<1x16xf32> to vector<1x16xf32>
          %get3A_323 = arith.constant 0 : i32
          %get3A_324 = arith.constant 0 : i32
          %get3A_325 = tpu.memref_slice %arg11[%scan3A_101, %get3A_323, %get3A_324] : memref<2x80x128xf32, #tpu.memory_space<vmem>> -> memref<1x80x128xf32, #tpu.memory_space<vmem>>
          %get3A_326 = tpu.memref_squeeze %get3A_325 : memref<1x80x128xf32, #tpu.memory_space<vmem>> -> memref<80x128xf32, #tpu.memory_space<vmem>>
          %get3A_327 = arith.index_cast %add3A_114 : i32 to index
          %get3A_328 = arith.constant 112 : index
          %get3A_329 = tpu.vector_load %get3A_326[%get3A_327, %get3A_328] {strides = array<i32>} : memref<80x128xf32, #tpu.memory_space<vmem>>, vector<1x16xf32>,
          %get3A_330 = vector.shape_cast %get3A_329 : vector<1x16xf32> to vector<1x16xf32>
          %add3A_331 = arith.addf %get3A_322, %get3A_330 : vector<1x16xf32>
          %max3A_332 = arith.constant 0.000000e+00 : f32
          %max3A_333 = vector.broadcast %max3A_332 : f32 to vector<1x16xf32>
          %max3A_334 = arith.maximumf %add3A_331, %max3A_333 : vector<1x16xf32>
          %swap3A_335 = arith.constant 0 : i32
          %swap3A_336 = arith.constant 0 : i32
          %swap3A_337 = tpu.memref_slice %arg10[%scan3A_102, %swap3A_335, %swap3A_336] : memref<2x80x128xf32, #tpu.memory_space<vmem>> -> memref<1x80x128xf32, #tpu.memory_space<vmem>>
          %swap3A_338 = tpu.memref_squeeze %swap3A_337 : memref<1x80x128xf32, #tpu.memory_space<vmem>> -> memref<80x128xf32, #tpu.memory_space<vmem>>
          %swap3A_339 = arith.index_cast %add3A_114 : i32 to index
          %swap3A_340 = arith.constant 112 : index
          %swap3A_341 = tpu.vector_load %swap3A_338[%swap3A_339, %swap3A_340] {strides = array<i32>} : memref<80x128xf32, #tpu.memory_space<vmem>>, vector<1x16xf32>,
          %swap3A_342 = vector.shape_cast %swap3A_341 : vector<1x16xf32> to vector<1x16xf32>
          %swap3A_343 = vector.shape_cast %max3A_334 : vector<1x16xf32> to vector<1x16xf32>
          tpu.vector_store %swap3A_338[%swap3A_339, %swap3A_340], %swap3A_343 {strides = array<i32>} : memref<80x128xf32, #tpu.memory_space<vmem>>, vector<1x16xf32>,
        }
        %scan3A_107 = arith.constant 80 : i32
        %run_scoped3A = arith.constant 0 : i32
        %run_scoped3A_108 = arith.constant 0 : i32
        %run_scoped3A_109 = arith.constant 0 : i32
        "tpu.region"() ({
          %run_scoped3A_110 = tpu.sem_alloc : memref<!tpu.dma_semaphore, #tpu.memory_space<semaphore_mem>>
          %dma_start3A = arith.constant 0 : i32
          %dma_start3A_111 = arith.constant 0 : i32
          %dma_start3A_112 = tpu.memref_slice %arg10[%run_scoped3A, %dma_start3A, %dma_start3A_111] : memref<2x80x128xf32, #tpu.memory_space<vmem>> -> memref<1x80x128xf32, #tpu.memory_space<vmem>>
          %dma_start3A_113 = tpu.memref_squeeze %dma_start3A_112 : memref<1x80x128xf32, #tpu.memory_space<vmem>> -> memref<80x128xf32, #tpu.memory_space<vmem>>
          %dma_start3A_114 = arith.constant 0 : i32
          %dma_start3A_115 = tpu.memref_slice %arg9[%run_scoped3A_108, %run_scoped3A_109, %dma_start3A_114] : memref<2x1x80xi32, #tpu.memory_space<vmem>> -> memref<1x1x80xi32, #tpu.memory_space<vmem>>
          %dma_start3A_116 = tpu.memref_squeeze %dma_start3A_115 : memref<1x1x80xi32, #tpu.memory_space<vmem>> -> memref<80xi32, #tpu.memory_space<vmem>>
          %dma_start3A_117 = arith.constant 0 : i32
          %dma_start3A_118 = arith.constant 0 : i32
          %dma_start3A_119 = tpu.memref_slice %arg12[%dma_start3A_117, %dma_start3A_118] : memref<10000x128xf32, #tpu.memory_space<vmem_shared>> -> memref<10000x128xf32, #tpu.memory_space<vmem_shared>>
          tpu.enqueue_indirect_dma source(%dma_start3A_113 : memref<80x128xf32, #tpu.memory_space<vmem>>) target(%dma_start3A_119 : memref<10000x128xf32, #tpu.memory_space<vmem_shared>>) offsets(%dma_start3A_116 : memref<80xi32, #tpu.memory_space<vmem>>) semaphore(%run_scoped3A_110 : memref<!tpu.dma_semaphore, #tpu.memory_space<semaphore_mem>>) {add = true}
          %dma_wait3A_120 = arith.constant 0 : i32
          %dma_wait3A_121 = arith.constant 0 : i32
          %dma_wait3A_122 = tpu.memref_slice %arg10[%run_scoped3A, %dma_wait3A_120, %dma_wait3A_121] : memref<2x80x128xf32, #tpu.memory_space<vmem>> -> memref<1x80x128xf32, #tpu.memory_space<vmem>>
          %dma_wait3A_123 = tpu.memref_squeeze %dma_wait3A_122 : memref<1x80x128xf32, #tpu.memory_space<vmem>> -> memref<80x128xf32, #tpu.memory_space<vmem>>
          %dma_wait3A_124 = arith.constant 0 : i32
          %dma_wait3A_125 = tpu.memref_slice %arg9[%run_scoped3A_108, %run_scoped3A_109, %dma_wait3A_124] : memref<2x1x80xi32, #tpu.memory_space<vmem>> -> memref<1x1x80xi32, #tpu.memory_space<vmem>>
          %dma_wait3A_126 = tpu.memref_squeeze %dma_wait3A_125 : memref<1x1x80xi32, #tpu.memory_space<vmem>> -> memref<80xi32, #tpu.memory_space<vmem>>
          %dma_wait3A_127 = arith.constant 0 : i32
          %dma_wait3A_128 = arith.constant 0 : i32
          %dma_wait3A_129 = tpu.memref_slice %arg12[%dma_wait3A_127, %dma_wait3A_128] : memref<10000x128xf32, #tpu.memory_space<vmem_shared>> -> memref<10000x128xf32, #tpu.memory_space<vmem_shared>>
          tpu.wait_indirect_dma semaphore(%run_scoped3A_110 : memref<!tpu.dma_semaphore, #tpu.memory_space<semaphore_mem>>) src(%dma_wait3A_123 : memref<80x128xf32, #tpu.memory_space<vmem>>) dst(%dma_wait3A_129 : memref<10000x128xf32, #tpu.memory_space<vmem_shared>>)
          tpu.yield
        }) : () -> ()
      } else {
      }
      %add3A_52 = arith.constant 2 : i32
      %add3A_53 = arith.addi %mul3A_33, %add3A_52 : i32
      %mul3A_54 = arith.constant 32 : i32
      %mul3A_55 = arith.muli %add3A_53, %mul3A_54 : i32
      %add3A_56 = arith.addi %add3A, %mul3A_55 : i32
      %lt3A_57 = arith.constant 4000 : i32
      %lt3A_58 = arith.cmpi slt, %add3A_56, %lt3A_57 : i32
      %convert_element_type3A_59 = arith.extui %lt3A_58 : i1 to i32
      %cond3A_60 = arith.constant 0 : i32
      %cond3A_61 = arith.cmpi ne, %convert_element_type3A_59, %cond3A_60 : i32
      scf.if %cond3A_61 {
        %add3A_70 = arith.constant 2 : i32
        %add3A_71 = arith.addi %mul3A_33, %add3A_70 : i32
        %mul3A_72 = arith.constant 32 : i32
        %mul3A_73 = arith.muli %add3A_71, %mul3A_72 : i32
        %add3A_74 = arith.addi %add3A, %mul3A_73 : i32
        %run_scoped3A = arith.constant 0 : i32
        "tpu.region"() ({
          %run_scoped3A_103 = tpu.sem_alloc : memref<!tpu.dma_semaphore, #tpu.memory_space<semaphore_mem>>
          %dma_start3A_104 = arith.constant 0 : i32
          %dma_start3A_105 = arith.constant 0 : i32
          %dma_start3A_106 = tpu.memref_slice %arg8[%run_scoped3A, %dma_start3A_104, %dma_start3A_105] : memref<2x1x80xi32, #tpu.memory_space<vmem>> -> memref<1x1x80xi32, #tpu.memory_space<vmem>>
          %dma_start3A_107 = tpu.memref_squeeze %dma_start3A_106 : memref<1x1x80xi32, #tpu.memory_space<vmem>> -> memref<1x80xi32, #tpu.memory_space<vmem>>
          %dma_start3A_108 = arith.constant 0 : i32
          %dma_start3A_109 = tpu.memref_slice %arg4[%add3A_74, %dma_start3A_108] : memref<4000x80xi32, #tpu.memory_space<hbm>> -> memref<1x80xi32, #tpu.memory_space<hbm>>
          %dma_start3A_110 = arith.constant 0 : i32
          %dma_start3A_111 = arith.constant 0 : i32
          %dma_start3A_112 = tpu.memref_slice %arg8[%run_scoped3A, %dma_start3A_110, %dma_start3A_111] : memref<2x1x80xi32, #tpu.memory_space<vmem>> -> memref<1x1x80xi32, #tpu.memory_space<vmem>>
          %dma_start3A_113 = tpu.memref_squeeze %dma_start3A_112 : memref<1x1x80xi32, #tpu.memory_space<vmem>> -> memref<1x80xi32, #tpu.memory_space<vmem>>
          %dma_start3A_114 = arith.constant 0 : i32
          %dma_start3A_115 = tpu.memref_slice %arg4[%add3A_74, %dma_start3A_114] : memref<4000x80xi32, #tpu.memory_space<hbm>> -> memref<1x80xi32, #tpu.memory_space<hbm>>
          tpu.enqueue_dma source(%dma_start3A_115 : memref<1x80xi32, #tpu.memory_space<hbm>>) target(%dma_start3A_113 : memref<1x80xi32, #tpu.memory_space<vmem>>) target_semaphore(%run_scoped3A_103 : memref<!tpu.dma_semaphore, #tpu.memory_space<semaphore_mem>>)
          %dma_wait3A = arith.constant 0 : i32
          %dma_wait3A_116 = arith.constant 0 : i32
          %dma_wait3A_117 = tpu.memref_slice %arg8[%run_scoped3A, %dma_wait3A, %dma_wait3A_116] : memref<2x1x80xi32, #tpu.memory_space<vmem>> -> memref<1x1x80xi32, #tpu.memory_space<vmem>>
          %dma_wait3A_118 = tpu.memref_squeeze %dma_wait3A_117 : memref<1x1x80xi32, #tpu.memory_space<vmem>> -> memref<1x80xi32, #tpu.memory_space<vmem>>
          %dma_wait3A_119 = arith.constant 0 : i32
          %dma_wait3A_120 = tpu.memref_slice %arg4[%add3A_74, %dma_wait3A_119] : memref<4000x80xi32, #tpu.memory_space<hbm>> -> memref<1x80xi32, #tpu.memory_space<hbm>>
          %dma_wait3A_121 = arith.constant 0 : i32
          %dma_wait3A_122 = arith.constant 0 : i32
          %dma_wait3A_123 = tpu.memref_slice %arg8[%run_scoped3A, %dma_wait3A_121, %dma_wait3A_122] : memref<2x1x80xi32, #tpu.memory_space<vmem>> -> memref<1x1x80xi32, #tpu.memory_space<vmem>>
          %dma_wait3A_124 = tpu.memref_squeeze %dma_wait3A_123 : memref<1x1x80xi32, #tpu.memory_space<vmem>> -> memref<1x80xi32, #tpu.memory_space<vmem>>
          %dma_wait3A_125 = arith.constant 0 : i32
          %dma_wait3A_126 = tpu.memref_slice %arg4[%add3A_74, %dma_wait3A_125] : memref<4000x80xi32, #tpu.memory_space<hbm>> -> memref<1x80xi32, #tpu.memory_space<hbm>>
          tpu.wait_dma2 semaphore(%run_scoped3A_103 : memref<!tpu.dma_semaphore, #tpu.memory_space<semaphore_mem>>) src(%dma_wait3A_126 : memref<1x80xi32, #tpu.memory_space<hbm>>) dst(%dma_wait3A_124 : memref<1x80xi32, #tpu.memory_space<vmem>>)
          tpu.yield
        }) : () -> ()
        %run_scoped3A_75 = arith.constant 0 : i32
        "tpu.region"() ({
          %run_scoped3A_103 = tpu.sem_alloc : memref<!tpu.dma_semaphore, #tpu.memory_space<semaphore_mem>>
          %dma_start3A_104 = arith.constant 0 : i32
          %dma_start3A_105 = arith.constant 0 : i32
          %dma_start3A_106 = tpu.memref_slice %arg9[%run_scoped3A_75, %dma_start3A_104, %dma_start3A_105] : memref<2x1x80xi32, #tpu.memory_space<vmem>> -> memref<1x1x80xi32, #tpu.memory_space<vmem>>
          %dma_start3A_107 = tpu.memref_squeeze %dma_start3A_106 : memref<1x1x80xi32, #tpu.memory_space<vmem>> -> memref<1x80xi32, #tpu.memory_space<vmem>>
          %dma_start3A_108 = arith.constant 0 : i32
          %dma_start3A_109 = tpu.memref_slice %arg5[%add3A_74, %dma_start3A_108] : memref<4000x80xi32, #tpu.memory_space<hbm>> -> memref<1x80xi32, #tpu.memory_space<hbm>>
          %dma_start3A_110 = arith.constant 0 : i32
          %dma_start3A_111 = arith.constant 0 : i32
          %dma_start3A_112 = tpu.memref_slice %arg9[%run_scoped3A_75, %dma_start3A_110, %dma_start3A_111] : memref<2x1x80xi32, #tpu.memory_space<vmem>> -> memref<1x1x80xi32, #tpu.memory_space<vmem>>
          %dma_start3A_113 = tpu.memref_squeeze %dma_start3A_112 : memref<1x1x80xi32, #tpu.memory_space<vmem>> -> memref<1x80xi32, #tpu.memory_space<vmem>>
          %dma_start3A_114 = arith.constant 0 : i32
          %dma_start3A_115 = tpu.memref_slice %arg5[%add3A_74, %dma_start3A_114] : memref<4000x80xi32, #tpu.memory_space<hbm>> -> memref<1x80xi32, #tpu.memory_space<hbm>>
          tpu.enqueue_dma source(%dma_start3A_115 : memref<1x80xi32, #tpu.memory_space<hbm>>) target(%dma_start3A_113 : memref<1x80xi32, #tpu.memory_space<vmem>>) target_semaphore(%run_scoped3A_103 : memref<!tpu.dma_semaphore, #tpu.memory_space<semaphore_mem>>)
          %dma_wait3A = arith.constant 0 : i32
          %dma_wait3A_116 = arith.constant 0 : i32
          %dma_wait3A_117 = tpu.memref_slice %arg9[%run_scoped3A_75, %dma_wait3A, %dma_wait3A_116] : memref<2x1x80xi32, #tpu.memory_space<vmem>> -> memref<1x1x80xi32, #tpu.memory_space<vmem>>
          %dma_wait3A_118 = tpu.memref_squeeze %dma_wait3A_117 : memref<1x1x80xi32, #tpu.memory_space<vmem>> -> memref<1x80xi32, #tpu.memory_space<vmem>>
          %dma_wait3A_119 = arith.constant 0 : i32
          %dma_wait3A_120 = tpu.memref_slice %arg5[%add3A_74, %dma_wait3A_119] : memref<4000x80xi32, #tpu.memory_space<hbm>> -> memref<1x80xi32, #tpu.memory_space<hbm>>
          %dma_wait3A_121 = arith.constant 0 : i32
          %dma_wait3A_122 = arith.constant 0 : i32
          %dma_wait3A_123 = tpu.memref_slice %arg9[%run_scoped3A_75, %dma_wait3A_121, %dma_wait3A_122] : memref<2x1x80xi32, #tpu.memory_space<vmem>> -> memref<1x1x80xi32, #tpu.memory_space<vmem>>
          %dma_wait3A_124 = tpu.memref_squeeze %dma_wait3A_123 : memref<1x1x80xi32, #tpu.memory_space<vmem>> -> memref<1x80xi32, #tpu.memory_space<vmem>>
          %dma_wait3A_125 = arith.constant 0 : i32
          %dma_wait3A_126 = tpu.memref_slice %arg5[%add3A_74, %dma_wait3A_125] : memref<4000x80xi32, #tpu.memory_space<hbm>> -> memref<1x80xi32, #tpu.memory_space<hbm>>
          tpu.wait_dma2 semaphore(%run_scoped3A_103 : memref<!tpu.dma_semaphore, #tpu.memory_space<semaphore_mem>>) src(%dma_wait3A_126 : memref<1x80xi32, #tpu.memory_space<hbm>>) dst(%dma_wait3A_124 : memref<1x80xi32, #tpu.memory_space<vmem>>)
          tpu.yield
        }) : () -> ()
        %dma_start3A = arith.constant 0 : i32
        %dma_start3A_76 = arith.constant 0 : i32
        %dma_start3A_77 = arith.constant 0 : i32
        %dma_start3A_78 = arith.constant 0 : i32
        %dma_start3A_79 = arith.constant 0 : i32
        %dma_start3A_80 = tpu.memref_slice %arg10[%dma_start3A_77, %dma_start3A_78, %dma_start3A_79] : memref<2x80x128xf32, #tpu.memory_space<vmem>> -> memref<1x80x128xf32, #tpu.memory_space<vmem>>
        %dma_start3A_81 = tpu.memref_squeeze %dma_start3A_80 : memref<1x80x128xf32, #tpu.memory_space<vmem>> -> memref<80x128xf32, #tpu.memory_space<vmem>>
        %dma_start3A_82 = arith.constant 0 : i32
        %dma_start3A_83 = tpu.memref_slice %arg8[%dma_start3A, %dma_start3A_76, %dma_start3A_82] : memref<2x1x80xi32, #tpu.memory_space<vmem>> -> memref<1x1x80xi32, #tpu.memory_space<vmem>>
        %dma_start3A_84 = tpu.memref_squeeze %dma_start3A_83 : memref<1x1x80xi32, #tpu.memory_space<vmem>> -> memref<80xi32, #tpu.memory_space<vmem>>
        %dma_start3A_85 = arith.constant 0 : i32
        %dma_start3A_86 = arith.constant 0 : i32
        %dma_start3A_87 = tpu.memref_slice %arg2[%dma_start3A_85, %dma_start3A_86] : memref<10000x128xf32, #tpu.memory_space<hbm>> -> memref<10000x128xf32, #tpu.memory_space<hbm>>
        tpu.enqueue_indirect_dma source(%dma_start3A_87 : memref<10000x128xf32, #tpu.memory_space<hbm>>) target(%dma_start3A_81 : memref<80x128xf32, #tpu.memory_space<vmem>>) offsets(%dma_start3A_84 : memref<80xi32, #tpu.memory_space<vmem>>) semaphore(%arg13 : memref<!tpu.dma_semaphore, #tpu.memory_space<semaphore_mem>>)
        %mul3A_88 = arith.constant 80 : i32
        %mul3A_89 = arith.muli %add3A_74, %mul3A_88 : i32
        %dma_start3A_90 = arith.constant 0 : i32
        %dma_start3A_91 = arith.constant 0 : i32
        %dma_start3A_92 = arith.constant 0 : i32
        %dma_start3A_93 = tpu.memref_slice %arg11[%dma_start3A_90, %dma_start3A_91, %dma_start3A_92] : memref<2x80x128xf32, #tpu.memory_space<vmem>> -> memref<1x80x128xf32, #tpu.memory_space<vmem>>
        %dma_start3A_94 = tpu.memref_squeeze %dma_start3A_93 : memref<1x80x128xf32, #tpu.memory_space<vmem>> -> memref<80x128xf32, #tpu.memory_space<vmem>>
        %dma_start3A_95 = arith.constant 0 : i32
        %dma_start3A_96 = tpu.memref_slice %arg3[%mul3A_89, %dma_start3A_95] : memref<320000x128xf32, #tpu.memory_space<hbm>> -> memref<80x128xf32, #tpu.memory_space<hbm>>
        %dma_start3A_97 = arith.constant 0 : i32
        %dma_start3A_98 = arith.constant 0 : i32
        %dma_start3A_99 = tpu.memref_slice %arg11[%dma_start3A_90, %dma_start3A_97, %dma_start3A_98] : memref<2x80x128xf32, #tpu.memory_space<vmem>> -> memref<1x80x128xf32, #tpu.memory_space<vmem>>
        %dma_start3A_100 = tpu.memref_squeeze %dma_start3A_99 : memref<1x80x128xf32, #tpu.memory_space<vmem>> -> memref<80x128xf32, #tpu.memory_space<vmem>>
        %dma_start3A_101 = arith.constant 0 : i32
        %dma_start3A_102 = tpu.memref_slice %arg3[%mul3A_89, %dma_start3A_101] : memref<320000x128xf32, #tpu.memory_space<hbm>> -> memref<80x128xf32, #tpu.memory_space<hbm>>
        tpu.enqueue_dma source(%dma_start3A_102 : memref<80x128xf32, #tpu.memory_space<hbm>>) target(%dma_start3A_100 : memref<80x128xf32, #tpu.memory_space<vmem>>) target_semaphore(%arg13 : memref<!tpu.dma_semaphore, #tpu.memory_space<semaphore_mem>>)
      } else {
      }
      %mul3A_62 = arith.constant 32 : i32
      %mul3A_63 = arith.muli %add3A_35, %mul3A_62 : i32
      %add3A_64 = arith.addi %add3A, %mul3A_63 : i32
      %lt3A_65 = arith.constant 4000 : i32
      %lt3A_66 = arith.cmpi slt, %add3A_64, %lt3A_65 : i32
      %convert_element_type3A_67 = arith.extui %lt3A_66 : i1 to i32
      %cond3A_68 = arith.constant 0 : i32
      %cond3A_69 = arith.cmpi ne, %convert_element_type3A_67, %cond3A_68 : i32
      scf.if %cond3A_69 {
        %mul3A_70 = arith.constant 32 : i32
        %mul3A_71 = arith.muli %add3A_35, %mul3A_70 : i32
        %add3A_72 = arith.addi %add3A, %mul3A_71 : i32
        %dma_wait3A = arith.constant 1 : i32
        %dma_wait3A_73 = arith.constant 0 : i32
        %dma_wait3A_74 = arith.constant 1 : i32
        %dma_wait3A_75 = arith.constant 0 : i32
        %dma_wait3A_76 = arith.constant 0 : i32
        %dma_wait3A_77 = tpu.memref_slice %arg10[%dma_wait3A_74, %dma_wait3A_75, %dma_wait3A_76] : memref<2x80x128xf32, #tpu.memory_space<vmem>> -> memref<1x80x128xf32, #tpu.memory_space<vmem>>
        %dma_wait3A_78 = tpu.memref_squeeze %dma_wait3A_77 : memref<1x80x128xf32, #tpu.memory_space<vmem>> -> memref<80x128xf32, #tpu.memory_space<vmem>>
        %dma_wait3A_79 = arith.constant 0 : i32
        %dma_wait3A_80 = tpu.memref_slice %arg8[%dma_wait3A, %dma_wait3A_73, %dma_wait3A_79] : memref<2x1x80xi32, #tpu.memory_space<vmem>> -> memref<1x1x80xi32, #tpu.memory_space<vmem>>
        %dma_wait3A_81 = tpu.memref_squeeze %dma_wait3A_80 : memref<1x1x80xi32, #tpu.memory_space<vmem>> -> memref<80xi32, #tpu.memory_space<vmem>>
        %dma_wait3A_82 = arith.constant 0 : i32
        %dma_wait3A_83 = arith.constant 0 : i32
        %dma_wait3A_84 = tpu.memref_slice %arg2[%dma_wait3A_82, %dma_wait3A_83] : memref<10000x128xf32, #tpu.memory_space<hbm>> -> memref<10000x128xf32, #tpu.memory_space<hbm>>
        tpu.wait_indirect_dma semaphore(%arg14 : memref<!tpu.dma_semaphore, #tpu.memory_space<semaphore_mem>>) src(%dma_wait3A_84 : memref<10000x128xf32, #tpu.memory_space<hbm>>) dst(%dma_wait3A_78 : memref<80x128xf32, #tpu.memory_space<vmem>>)
        %mul3A_85 = arith.constant 80 : i32
        %mul3A_86 = arith.muli %add3A_72, %mul3A_85 : i32
        %dma_wait3A_87 = arith.constant 1 : i32
        %dma_wait3A_88 = arith.constant 0 : i32
        %dma_wait3A_89 = arith.constant 0 : i32
        %dma_wait3A_90 = tpu.memref_slice %arg11[%dma_wait3A_87, %dma_wait3A_88, %dma_wait3A_89] : memref<2x80x128xf32, #tpu.memory_space<vmem>> -> memref<1x80x128xf32, #tpu.memory_space<vmem>>
        %dma_wait3A_91 = tpu.memref_squeeze %dma_wait3A_90 : memref<1x80x128xf32, #tpu.memory_space<vmem>> -> memref<80x128xf32, #tpu.memory_space<vmem>>
        %dma_wait3A_92 = arith.constant 0 : i32
        %dma_wait3A_93 = tpu.memref_slice %arg3[%mul3A_86, %dma_wait3A_92] : memref<320000x128xf32, #tpu.memory_space<hbm>> -> memref<80x128xf32, #tpu.memory_space<hbm>>
        %dma_wait3A_94 = arith.constant 0 : i32
        %dma_wait3A_95 = arith.constant 0 : i32
        %dma_wait3A_96 = tpu.memref_slice %arg11[%dma_wait3A_87, %dma_wait3A_94, %dma_wait3A_95] : memref<2x80x128xf32, #tpu.memory_space<vmem>> -> memref<1x80x128xf32, #tpu.memory_space<vmem>>
        %dma_wait3A_97 = tpu.memref_squeeze %dma_wait3A_96 : memref<1x80x128xf32, #tpu.memory_space<vmem>> -> memref<80x128xf32, #tpu.memory_space<vmem>>
        %dma_wait3A_98 = arith.constant 0 : i32
        %dma_wait3A_99 = tpu.memref_slice %arg3[%mul3A_86, %dma_wait3A_98] : memref<320000x128xf32, #tpu.memory_space<hbm>> -> memref<80x128xf32, #tpu.memory_space<hbm>>
        tpu.wait_dma2 semaphore(%arg14 : memref<!tpu.dma_semaphore, #tpu.memory_space<semaphore_mem>>) src(%dma_wait3A_99 : memref<80x128xf32, #tpu.memory_space<hbm>>) dst(%dma_wait3A_97 : memref<80x128xf32, #tpu.memory_space<vmem>>)
        %scan3A_100 = arith.constant 1 : i32
        %scan3A_101 = arith.constant 1 : i32
        %scan3A_102 = arith.constant 1 : i32
        %scan3A_103 = arith.constant 0 : i32
        %scan3A_104 = arith.constant 80 : i32
        %scan3A_105 = arith.addi %scan3A_103, %scan3A_104 : i32
        %scan3A_106 = arith.constant 1 : i32
        scf.for %scan3A_110 = %scan3A_103 to %scan3A_105 step %scan3A_106  : i32 {
          %mul3A_111 = arith.constant 1 : i32
          %mul3A_112 = arith.muli %scan3A_110, %mul3A_111 : i32
          %add3A_113 = arith.constant 0 : i32
          %add3A_114 = arith.addi %add3A_113, %mul3A_112 : i32
          %get3A = arith.constant 0 : i32
          %get3A_115 = arith.constant 0 : i32
          %get3A_116 = tpu.memref_slice %arg10[%scan3A_100, %get3A, %get3A_115] : memref<2x80x128xf32, #tpu.memory_space<vmem>> -> memref<1x80x128xf32, #tpu.memory_space<vmem>>
          %get3A_117 = tpu.memref_squeeze %get3A_116 : memref<1x80x128xf32, #tpu.memory_space<vmem>> -> memref<80x128xf32, #tpu.memory_space<vmem>>
          %get3A_118 = arith.index_cast %add3A_114 : i32 to index
          %get3A_119 = arith.constant 0 : index
          %get3A_120 = tpu.vector_load %get3A_117[%get3A_118, %get3A_119] {strides = array<i32>} : memref<80x128xf32, #tpu.memory_space<vmem>>, vector<1x16xf32>,
          %get3A_121 = vector.shape_cast %get3A_120 : vector<1x16xf32> to vector<1x16xf32>
          %get3A_122 = arith.constant 0 : i32
          %get3A_123 = arith.constant 0 : i32
          %get3A_124 = tpu.memref_slice %arg11[%scan3A_101, %get3A_122, %get3A_123] : memref<2x80x128xf32, #tpu.memory_space<vmem>> -> memref<1x80x128xf32, #tpu.memory_space<vmem>>
          %get3A_125 = tpu.memref_squeeze %get3A_124 : memref<1x80x128xf32, #tpu.memory_space<vmem>> -> memref<80x128xf32, #tpu.memory_space<vmem>>
          %get3A_126 = arith.index_cast %add3A_114 : i32 to index
          %get3A_127 = arith.constant 0 : index
          %get3A_128 = tpu.vector_load %get3A_125[%get3A_126, %get3A_127] {strides = array<i32>} : memref<80x128xf32, #tpu.memory_space<vmem>>, vector<1x16xf32>,
          %get3A_129 = vector.shape_cast %get3A_128 : vector<1x16xf32> to vector<1x16xf32>
          %add3A_130 = arith.addf %get3A_121, %get3A_129 : vector<1x16xf32>
          %max3A = arith.constant 0.000000e+00 : f32
          %max3A_131 = vector.broadcast %max3A : f32 to vector<1x16xf32>
          %max3A_132 = arith.maximumf %add3A_130, %max3A_131 : vector<1x16xf32>
          %swap3A = arith.constant 0 : i32
          %swap3A_133 = arith.constant 0 : i32
          %swap3A_134 = tpu.memref_slice %arg10[%scan3A_102, %swap3A, %swap3A_133] : memref<2x80x128xf32, #tpu.memory_space<vmem>> -> memref<1x80x128xf32, #tpu.memory_space<vmem>>
          %swap3A_135 = tpu.memref_squeeze %swap3A_134 : memref<1x80x128xf32, #tpu.memory_space<vmem>> -> memref<80x128xf32, #tpu.memory_space<vmem>>
          %swap3A_136 = arith.index_cast %add3A_114 : i32 to index
          %swap3A_137 = arith.constant 0 : index
          %swap3A_138 = tpu.vector_load %swap3A_135[%swap3A_136, %swap3A_137] {strides = array<i32>} : memref<80x128xf32, #tpu.memory_space<vmem>>, vector<1x16xf32>,
          %swap3A_139 = vector.shape_cast %swap3A_138 : vector<1x16xf32> to vector<1x16xf32>
          %swap3A_140 = vector.shape_cast %max3A_132 : vector<1x16xf32> to vector<1x16xf32>
          tpu.vector_store %swap3A_135[%swap3A_136, %swap3A_137], %swap3A_140 {strides = array<i32>} : memref<80x128xf32, #tpu.memory_space<vmem>>, vector<1x16xf32>,
          %get3A_141 = arith.constant 0 : i32
          %get3A_142 = arith.constant 0 : i32
          %get3A_143 = tpu.memref_slice %arg10[%scan3A_100, %get3A_141, %get3A_142] : memref<2x80x128xf32, #tpu.memory_space<vmem>> -> memref<1x80x128xf32, #tpu.memory_space<vmem>>
          %get3A_144 = tpu.memref_squeeze %get3A_143 : memref<1x80x128xf32, #tpu.memory_space<vmem>> -> memref<80x128xf32, #tpu.memory_space<vmem>>
          %get3A_145 = arith.index_cast %add3A_114 : i32 to index
          %get3A_146 = arith.constant 16 : index
          %get3A_147 = tpu.vector_load %get3A_144[%get3A_145, %get3A_146] {strides = array<i32>} : memref<80x128xf32, #tpu.memory_space<vmem>>, vector<1x16xf32>,
          %get3A_148 = vector.shape_cast %get3A_147 : vector<1x16xf32> to vector<1x16xf32>
          %get3A_149 = arith.constant 0 : i32
          %get3A_150 = arith.constant 0 : i32
          %get3A_151 = tpu.memref_slice %arg11[%scan3A_101, %get3A_149, %get3A_150] : memref<2x80x128xf32, #tpu.memory_space<vmem>> -> memref<1x80x128xf32, #tpu.memory_space<vmem>>
          %get3A_152 = tpu.memref_squeeze %get3A_151 : memref<1x80x128xf32, #tpu.memory_space<vmem>> -> memref<80x128xf32, #tpu.memory_space<vmem>>
          %get3A_153 = arith.index_cast %add3A_114 : i32 to index
          %get3A_154 = arith.constant 16 : index
          %get3A_155 = tpu.vector_load %get3A_152[%get3A_153, %get3A_154] {strides = array<i32>} : memref<80x128xf32, #tpu.memory_space<vmem>>, vector<1x16xf32>,
          %get3A_156 = vector.shape_cast %get3A_155 : vector<1x16xf32> to vector<1x16xf32>
          %add3A_157 = arith.addf %get3A_148, %get3A_156 : vector<1x16xf32>
          %max3A_158 = arith.constant 0.000000e+00 : f32
          %max3A_159 = vector.broadcast %max3A_158 : f32 to vector<1x16xf32>
          %max3A_160 = arith.maximumf %add3A_157, %max3A_159 : vector<1x16xf32>
          %swap3A_161 = arith.constant 0 : i32
          %swap3A_162 = arith.constant 0 : i32
          %swap3A_163 = tpu.memref_slice %arg10[%scan3A_102, %swap3A_161, %swap3A_162] : memref<2x80x128xf32, #tpu.memory_space<vmem>> -> memref<1x80x128xf32, #tpu.memory_space<vmem>>
          %swap3A_164 = tpu.memref_squeeze %swap3A_163 : memref<1x80x128xf32, #tpu.memory_space<vmem>> -> memref<80x128xf32, #tpu.memory_space<vmem>>
          %swap3A_165 = arith.index_cast %add3A_114 : i32 to index
          %swap3A_166 = arith.constant 16 : index
          %swap3A_167 = tpu.vector_load %swap3A_164[%swap3A_165, %swap3A_166] {strides = array<i32>} : memref<80x128xf32, #tpu.memory_space<vmem>>, vector<1x16xf32>,
          %swap3A_168 = vector.shape_cast %swap3A_167 : vector<1x16xf32> to vector<1x16xf32>
          %swap3A_169 = vector.shape_cast %max3A_160 : vector<1x16xf32> to vector<1x16xf32>
          tpu.vector_store %swap3A_164[%swap3A_165, %swap3A_166], %swap3A_169 {strides = array<i32>} : memref<80x128xf32, #tpu.memory_space<vmem>>, vector<1x16xf32>,
          %get3A_170 = arith.constant 0 : i32
          %get3A_171 = arith.constant 0 : i32
          %get3A_172 = tpu.memref_slice %arg10[%scan3A_100, %get3A_170, %get3A_171] : memref<2x80x128xf32, #tpu.memory_space<vmem>> -> memref<1x80x128xf32, #tpu.memory_space<vmem>>
          %get3A_173 = tpu.memref_squeeze %get3A_172 : memref<1x80x128xf32, #tpu.memory_space<vmem>> -> memref<80x128xf32, #tpu.memory_space<vmem>>
          %get3A_174 = arith.index_cast %add3A_114 : i32 to index
          %get3A_175 = arith.constant 32 : index
          %get3A_176 = tpu.vector_load %get3A_173[%get3A_174, %get3A_175] {strides = array<i32>} : memref<80x128xf32, #tpu.memory_space<vmem>>, vector<1x16xf32>,
          %get3A_177 = vector.shape_cast %get3A_176 : vector<1x16xf32> to vector<1x16xf32>
          %get3A_178 = arith.constant 0 : i32
          %get3A_179 = arith.constant 0 : i32
          %get3A_180 = tpu.memref_slice %arg11[%scan3A_101, %get3A_178, %get3A_179] : memref<2x80x128xf32, #tpu.memory_space<vmem>> -> memref<1x80x128xf32, #tpu.memory_space<vmem>>
          %get3A_181 = tpu.memref_squeeze %get3A_180 : memref<1x80x128xf32, #tpu.memory_space<vmem>> -> memref<80x128xf32, #tpu.memory_space<vmem>>
          %get3A_182 = arith.index_cast %add3A_114 : i32 to index
          %get3A_183 = arith.constant 32 : index
          %get3A_184 = tpu.vector_load %get3A_181[%get3A_182, %get3A_183] {strides = array<i32>} : memref<80x128xf32, #tpu.memory_space<vmem>>, vector<1x16xf32>,
          %get3A_185 = vector.shape_cast %get3A_184 : vector<1x16xf32> to vector<1x16xf32>
          %add3A_186 = arith.addf %get3A_177, %get3A_185 : vector<1x16xf32>
          %max3A_187 = arith.constant 0.000000e+00 : f32
          %max3A_188 = vector.broadcast %max3A_187 : f32 to vector<1x16xf32>
          %max3A_189 = arith.maximumf %add3A_186, %max3A_188 : vector<1x16xf32>
          %swap3A_190 = arith.constant 0 : i32
          %swap3A_191 = arith.constant 0 : i32
          %swap3A_192 = tpu.memref_slice %arg10[%scan3A_102, %swap3A_190, %swap3A_191] : memref<2x80x128xf32, #tpu.memory_space<vmem>> -> memref<1x80x128xf32, #tpu.memory_space<vmem>>
          %swap3A_193 = tpu.memref_squeeze %swap3A_192 : memref<1x80x128xf32, #tpu.memory_space<vmem>> -> memref<80x128xf32, #tpu.memory_space<vmem>>
          %swap3A_194 = arith.index_cast %add3A_114 : i32 to index
          %swap3A_195 = arith.constant 32 : index
          %swap3A_196 = tpu.vector_load %swap3A_193[%swap3A_194, %swap3A_195] {strides = array<i32>} : memref<80x128xf32, #tpu.memory_space<vmem>>, vector<1x16xf32>,
          %swap3A_197 = vector.shape_cast %swap3A_196 : vector<1x16xf32> to vector<1x16xf32>
          %swap3A_198 = vector.shape_cast %max3A_189 : vector<1x16xf32> to vector<1x16xf32>
          tpu.vector_store %swap3A_193[%swap3A_194, %swap3A_195], %swap3A_198 {strides = array<i32>} : memref<80x128xf32, #tpu.memory_space<vmem>>, vector<1x16xf32>,
          %get3A_199 = arith.constant 0 : i32
          %get3A_200 = arith.constant 0 : i32
          %get3A_201 = tpu.memref_slice %arg10[%scan3A_100, %get3A_199, %get3A_200] : memref<2x80x128xf32, #tpu.memory_space<vmem>> -> memref<1x80x128xf32, #tpu.memory_space<vmem>>
          %get3A_202 = tpu.memref_squeeze %get3A_201 : memref<1x80x128xf32, #tpu.memory_space<vmem>> -> memref<80x128xf32, #tpu.memory_space<vmem>>
          %get3A_203 = arith.index_cast %add3A_114 : i32 to index
          %get3A_204 = arith.constant 48 : index
          %get3A_205 = tpu.vector_load %get3A_202[%get3A_203, %get3A_204] {strides = array<i32>} : memref<80x128xf32, #tpu.memory_space<vmem>>, vector<1x16xf32>,
          %get3A_206 = vector.shape_cast %get3A_205 : vector<1x16xf32> to vector<1x16xf32>
          %get3A_207 = arith.constant 0 : i32
          %get3A_208 = arith.constant 0 : i32
          %get3A_209 = tpu.memref_slice %arg11[%scan3A_101, %get3A_207, %get3A_208] : memref<2x80x128xf32, #tpu.memory_space<vmem>> -> memref<1x80x128xf32, #tpu.memory_space<vmem>>
          %get3A_210 = tpu.memref_squeeze %get3A_209 : memref<1x80x128xf32, #tpu.memory_space<vmem>> -> memref<80x128xf32, #tpu.memory_space<vmem>>
          %get3A_211 = arith.index_cast %add3A_114 : i32 to index
          %get3A_212 = arith.constant 48 : index
          %get3A_213 = tpu.vector_load %get3A_210[%get3A_211, %get3A_212] {strides = array<i32>} : memref<80x128xf32, #tpu.memory_space<vmem>>, vector<1x16xf32>,
          %get3A_214 = vector.shape_cast %get3A_213 : vector<1x16xf32> to vector<1x16xf32>
          %add3A_215 = arith.addf %get3A_206, %get3A_214 : vector<1x16xf32>
          %max3A_216 = arith.constant 0.000000e+00 : f32
          %max3A_217 = vector.broadcast %max3A_216 : f32 to vector<1x16xf32>
          %max3A_218 = arith.maximumf %add3A_215, %max3A_217 : vector<1x16xf32>
          %swap3A_219 = arith.constant 0 : i32
          %swap3A_220 = arith.constant 0 : i32
          %swap3A_221 = tpu.memref_slice %arg10[%scan3A_102, %swap3A_219, %swap3A_220] : memref<2x80x128xf32, #tpu.memory_space<vmem>> -> memref<1x80x128xf32, #tpu.memory_space<vmem>>
          %swap3A_222 = tpu.memref_squeeze %swap3A_221 : memref<1x80x128xf32, #tpu.memory_space<vmem>> -> memref<80x128xf32, #tpu.memory_space<vmem>>
          %swap3A_223 = arith.index_cast %add3A_114 : i32 to index
          %swap3A_224 = arith.constant 48 : index
          %swap3A_225 = tpu.vector_load %swap3A_222[%swap3A_223, %swap3A_224] {strides = array<i32>} : memref<80x128xf32, #tpu.memory_space<vmem>>, vector<1x16xf32>,
          %swap3A_226 = vector.shape_cast %swap3A_225 : vector<1x16xf32> to vector<1x16xf32>
          %swap3A_227 = vector.shape_cast %max3A_218 : vector<1x16xf32> to vector<1x16xf32>
          tpu.vector_store %swap3A_222[%swap3A_223, %swap3A_224], %swap3A_227 {strides = array<i32>} : memref<80x128xf32, #tpu.memory_space<vmem>>, vector<1x16xf32>,
          %get3A_228 = arith.constant 0 : i32
          %get3A_229 = arith.constant 0 : i32
          %get3A_230 = tpu.memref_slice %arg10[%scan3A_100, %get3A_228, %get3A_229] : memref<2x80x128xf32, #tpu.memory_space<vmem>> -> memref<1x80x128xf32, #tpu.memory_space<vmem>>
          %get3A_231 = tpu.memref_squeeze %get3A_230 : memref<1x80x128xf32, #tpu.memory_space<vmem>> -> memref<80x128xf32, #tpu.memory_space<vmem>>
          %get3A_232 = arith.index_cast %add3A_114 : i32 to index
          %get3A_233 = arith.constant 64 : index
          %get3A_234 = tpu.vector_load %get3A_231[%get3A_232, %get3A_233] {strides = array<i32>} : memref<80x128xf32, #tpu.memory_space<vmem>>, vector<1x16xf32>,
          %get3A_235 = vector.shape_cast %get3A_234 : vector<1x16xf32> to vector<1x16xf32>
          %get3A_236 = arith.constant 0 : i32
          %get3A_237 = arith.constant 0 : i32
          %get3A_238 = tpu.memref_slice %arg11[%scan3A_101, %get3A_236, %get3A_237] : memref<2x80x128xf32, #tpu.memory_space<vmem>> -> memref<1x80x128xf32, #tpu.memory_space<vmem>>
          %get3A_239 = tpu.memref_squeeze %get3A_238 : memref<1x80x128xf32, #tpu.memory_space<vmem>> -> memref<80x128xf32, #tpu.memory_space<vmem>>
          %get3A_240 = arith.index_cast %add3A_114 : i32 to index
          %get3A_241 = arith.constant 64 : index
          %get3A_242 = tpu.vector_load %get3A_239[%get3A_240, %get3A_241] {strides = array<i32>} : memref<80x128xf32, #tpu.memory_space<vmem>>, vector<1x16xf32>,
          %get3A_243 = vector.shape_cast %get3A_242 : vector<1x16xf32> to vector<1x16xf32>
          %add3A_244 = arith.addf %get3A_235, %get3A_243 : vector<1x16xf32>
          %max3A_245 = arith.constant 0.000000e+00 : f32
          %max3A_246 = vector.broadcast %max3A_245 : f32 to vector<1x16xf32>
          %max3A_247 = arith.maximumf %add3A_244, %max3A_246 : vector<1x16xf32>
          %swap3A_248 = arith.constant 0 : i32
          %swap3A_249 = arith.constant 0 : i32
          %swap3A_250 = tpu.memref_slice %arg10[%scan3A_102, %swap3A_248, %swap3A_249] : memref<2x80x128xf32, #tpu.memory_space<vmem>> -> memref<1x80x128xf32, #tpu.memory_space<vmem>>
          %swap3A_251 = tpu.memref_squeeze %swap3A_250 : memref<1x80x128xf32, #tpu.memory_space<vmem>> -> memref<80x128xf32, #tpu.memory_space<vmem>>
          %swap3A_252 = arith.index_cast %add3A_114 : i32 to index
          %swap3A_253 = arith.constant 64 : index
          %swap3A_254 = tpu.vector_load %swap3A_251[%swap3A_252, %swap3A_253] {strides = array<i32>} : memref<80x128xf32, #tpu.memory_space<vmem>>, vector<1x16xf32>,
          %swap3A_255 = vector.shape_cast %swap3A_254 : vector<1x16xf32> to vector<1x16xf32>
          %swap3A_256 = vector.shape_cast %max3A_247 : vector<1x16xf32> to vector<1x16xf32>
          tpu.vector_store %swap3A_251[%swap3A_252, %swap3A_253], %swap3A_256 {strides = array<i32>} : memref<80x128xf32, #tpu.memory_space<vmem>>, vector<1x16xf32>,
          %get3A_257 = arith.constant 0 : i32
          %get3A_258 = arith.constant 0 : i32
          %get3A_259 = tpu.memref_slice %arg10[%scan3A_100, %get3A_257, %get3A_258] : memref<2x80x128xf32, #tpu.memory_space<vmem>> -> memref<1x80x128xf32, #tpu.memory_space<vmem>>
          %get3A_260 = tpu.memref_squeeze %get3A_259 : memref<1x80x128xf32, #tpu.memory_space<vmem>> -> memref<80x128xf32, #tpu.memory_space<vmem>>
          %get3A_261 = arith.index_cast %add3A_114 : i32 to index
          %get3A_262 = arith.constant 80 : index
          %get3A_263 = tpu.vector_load %get3A_260[%get3A_261, %get3A_262] {strides = array<i32>} : memref<80x128xf32, #tpu.memory_space<vmem>>, vector<1x16xf32>,
          %get3A_264 = vector.shape_cast %get3A_263 : vector<1x16xf32> to vector<1x16xf32>
          %get3A_265 = arith.constant 0 : i32
          %get3A_266 = arith.constant 0 : i32
          %get3A_267 = tpu.memref_slice %arg11[%scan3A_101, %get3A_265, %get3A_266] : memref<2x80x128xf32, #tpu.memory_space<vmem>> -> memref<1x80x128xf32, #tpu.memory_space<vmem>>
          %get3A_268 = tpu.memref_squeeze %get3A_267 : memref<1x80x128xf32, #tpu.memory_space<vmem>> -> memref<80x128xf32, #tpu.memory_space<vmem>>
          %get3A_269 = arith.index_cast %add3A_114 : i32 to index
          %get3A_270 = arith.constant 80 : index
          %get3A_271 = tpu.vector_load %get3A_268[%get3A_269, %get3A_270] {strides = array<i32>} : memref<80x128xf32, #tpu.memory_space<vmem>>, vector<1x16xf32>,
          %get3A_272 = vector.shape_cast %get3A_271 : vector<1x16xf32> to vector<1x16xf32>
          %add3A_273 = arith.addf %get3A_264, %get3A_272 : vector<1x16xf32>
          %max3A_274 = arith.constant 0.000000e+00 : f32
          %max3A_275 = vector.broadcast %max3A_274 : f32 to vector<1x16xf32>
          %max3A_276 = arith.maximumf %add3A_273, %max3A_275 : vector<1x16xf32>
          %swap3A_277 = arith.constant 0 : i32
          %swap3A_278 = arith.constant 0 : i32
          %swap3A_279 = tpu.memref_slice %arg10[%scan3A_102, %swap3A_277, %swap3A_278] : memref<2x80x128xf32, #tpu.memory_space<vmem>> -> memref<1x80x128xf32, #tpu.memory_space<vmem>>
          %swap3A_280 = tpu.memref_squeeze %swap3A_279 : memref<1x80x128xf32, #tpu.memory_space<vmem>> -> memref<80x128xf32, #tpu.memory_space<vmem>>
          %swap3A_281 = arith.index_cast %add3A_114 : i32 to index
          %swap3A_282 = arith.constant 80 : index
          %swap3A_283 = tpu.vector_load %swap3A_280[%swap3A_281, %swap3A_282] {strides = array<i32>} : memref<80x128xf32, #tpu.memory_space<vmem>>, vector<1x16xf32>,
          %swap3A_284 = vector.shape_cast %swap3A_283 : vector<1x16xf32> to vector<1x16xf32>
          %swap3A_285 = vector.shape_cast %max3A_276 : vector<1x16xf32> to vector<1x16xf32>
          tpu.vector_store %swap3A_280[%swap3A_281, %swap3A_282], %swap3A_285 {strides = array<i32>} : memref<80x128xf32, #tpu.memory_space<vmem>>, vector<1x16xf32>,
          %get3A_286 = arith.constant 0 : i32
          %get3A_287 = arith.constant 0 : i32
          %get3A_288 = tpu.memref_slice %arg10[%scan3A_100, %get3A_286, %get3A_287] : memref<2x80x128xf32, #tpu.memory_space<vmem>> -> memref<1x80x128xf32, #tpu.memory_space<vmem>>
          %get3A_289 = tpu.memref_squeeze %get3A_288 : memref<1x80x128xf32, #tpu.memory_space<vmem>> -> memref<80x128xf32, #tpu.memory_space<vmem>>
          %get3A_290 = arith.index_cast %add3A_114 : i32 to index
          %get3A_291 = arith.constant 96 : index
          %get3A_292 = tpu.vector_load %get3A_289[%get3A_290, %get3A_291] {strides = array<i32>} : memref<80x128xf32, #tpu.memory_space<vmem>>, vector<1x16xf32>,
          %get3A_293 = vector.shape_cast %get3A_292 : vector<1x16xf32> to vector<1x16xf32>
          %get3A_294 = arith.constant 0 : i32
          %get3A_295 = arith.constant 0 : i32
          %get3A_296 = tpu.memref_slice %arg11[%scan3A_101, %get3A_294, %get3A_295] : memref<2x80x128xf32, #tpu.memory_space<vmem>> -> memref<1x80x128xf32, #tpu.memory_space<vmem>>
          %get3A_297 = tpu.memref_squeeze %get3A_296 : memref<1x80x128xf32, #tpu.memory_space<vmem>> -> memref<80x128xf32, #tpu.memory_space<vmem>>
          %get3A_298 = arith.index_cast %add3A_114 : i32 to index
          %get3A_299 = arith.constant 96 : index
          %get3A_300 = tpu.vector_load %get3A_297[%get3A_298, %get3A_299] {strides = array<i32>} : memref<80x128xf32, #tpu.memory_space<vmem>>, vector<1x16xf32>,
          %get3A_301 = vector.shape_cast %get3A_300 : vector<1x16xf32> to vector<1x16xf32>
          %add3A_302 = arith.addf %get3A_293, %get3A_301 : vector<1x16xf32>
          %max3A_303 = arith.constant 0.000000e+00 : f32
          %max3A_304 = vector.broadcast %max3A_303 : f32 to vector<1x16xf32>
          %max3A_305 = arith.maximumf %add3A_302, %max3A_304 : vector<1x16xf32>
          %swap3A_306 = arith.constant 0 : i32
          %swap3A_307 = arith.constant 0 : i32
          %swap3A_308 = tpu.memref_slice %arg10[%scan3A_102, %swap3A_306, %swap3A_307] : memref<2x80x128xf32, #tpu.memory_space<vmem>> -> memref<1x80x128xf32, #tpu.memory_space<vmem>>
          %swap3A_309 = tpu.memref_squeeze %swap3A_308 : memref<1x80x128xf32, #tpu.memory_space<vmem>> -> memref<80x128xf32, #tpu.memory_space<vmem>>
          %swap3A_310 = arith.index_cast %add3A_114 : i32 to index
          %swap3A_311 = arith.constant 96 : index
          %swap3A_312 = tpu.vector_load %swap3A_309[%swap3A_310, %swap3A_311] {strides = array<i32>} : memref<80x128xf32, #tpu.memory_space<vmem>>, vector<1x16xf32>,
          %swap3A_313 = vector.shape_cast %swap3A_312 : vector<1x16xf32> to vector<1x16xf32>
          %swap3A_314 = vector.shape_cast %max3A_305 : vector<1x16xf32> to vector<1x16xf32>
          tpu.vector_store %swap3A_309[%swap3A_310, %swap3A_311], %swap3A_314 {strides = array<i32>} : memref<80x128xf32, #tpu.memory_space<vmem>>, vector<1x16xf32>,
          %get3A_315 = arith.constant 0 : i32
          %get3A_316 = arith.constant 0 : i32
          %get3A_317 = tpu.memref_slice %arg10[%scan3A_100, %get3A_315, %get3A_316] : memref<2x80x128xf32, #tpu.memory_space<vmem>> -> memref<1x80x128xf32, #tpu.memory_space<vmem>>
          %get3A_318 = tpu.memref_squeeze %get3A_317 : memref<1x80x128xf32, #tpu.memory_space<vmem>> -> memref<80x128xf32, #tpu.memory_space<vmem>>
          %get3A_319 = arith.index_cast %add3A_114 : i32 to index
          %get3A_320 = arith.constant 112 : index
          %get3A_321 = tpu.vector_load %get3A_318[%get3A_319, %get3A_320] {strides = array<i32>} : memref<80x128xf32, #tpu.memory_space<vmem>>, vector<1x16xf32>,
          %get3A_322 = vector.shape_cast %get3A_321 : vector<1x16xf32> to vector<1x16xf32>
          %get3A_323 = arith.constant 0 : i32
          %get3A_324 = arith.constant 0 : i32
          %get3A_325 = tpu.memref_slice %arg11[%scan3A_101, %get3A_323, %get3A_324] : memref<2x80x128xf32, #tpu.memory_space<vmem>> -> memref<1x80x128xf32, #tpu.memory_space<vmem>>
          %get3A_326 = tpu.memref_squeeze %get3A_325 : memref<1x80x128xf32, #tpu.memory_space<vmem>> -> memref<80x128xf32, #tpu.memory_space<vmem>>
          %get3A_327 = arith.index_cast %add3A_114 : i32 to index
          %get3A_328 = arith.constant 112 : index
          %get3A_329 = tpu.vector_load %get3A_326[%get3A_327, %get3A_328] {strides = array<i32>} : memref<80x128xf32, #tpu.memory_space<vmem>>, vector<1x16xf32>,
          %get3A_330 = vector.shape_cast %get3A_329 : vector<1x16xf32> to vector<1x16xf32>
          %add3A_331 = arith.addf %get3A_322, %get3A_330 : vector<1x16xf32>
          %max3A_332 = arith.constant 0.000000e+00 : f32
          %max3A_333 = vector.broadcast %max3A_332 : f32 to vector<1x16xf32>
          %max3A_334 = arith.maximumf %add3A_331, %max3A_333 : vector<1x16xf32>
          %swap3A_335 = arith.constant 0 : i32
          %swap3A_336 = arith.constant 0 : i32
          %swap3A_337 = tpu.memref_slice %arg10[%scan3A_102, %swap3A_335, %swap3A_336] : memref<2x80x128xf32, #tpu.memory_space<vmem>> -> memref<1x80x128xf32, #tpu.memory_space<vmem>>
          %swap3A_338 = tpu.memref_squeeze %swap3A_337 : memref<1x80x128xf32, #tpu.memory_space<vmem>> -> memref<80x128xf32, #tpu.memory_space<vmem>>
          %swap3A_339 = arith.index_cast %add3A_114 : i32 to index
          %swap3A_340 = arith.constant 112 : index
          %swap3A_341 = tpu.vector_load %swap3A_338[%swap3A_339, %swap3A_340] {strides = array<i32>} : memref<80x128xf32, #tpu.memory_space<vmem>>, vector<1x16xf32>,
          %swap3A_342 = vector.shape_cast %swap3A_341 : vector<1x16xf32> to vector<1x16xf32>
          %swap3A_343 = vector.shape_cast %max3A_334 : vector<1x16xf32> to vector<1x16xf32>
          tpu.vector_store %swap3A_338[%swap3A_339, %swap3A_340], %swap3A_343 {strides = array<i32>} : memref<80x128xf32, #tpu.memory_space<vmem>>, vector<1x16xf32>,
        }
        %scan3A_107 = arith.constant 80 : i32
        %run_scoped3A = arith.constant 1 : i32
        %run_scoped3A_108 = arith.constant 1 : i32
        %run_scoped3A_109 = arith.constant 0 : i32
        "tpu.region"() ({
          %run_scoped3A_110 = tpu.sem_alloc : memref<!tpu.dma_semaphore, #tpu.memory_space<semaphore_mem>>
          %dma_start3A = arith.constant 0 : i32
          %dma_start3A_111 = arith.constant 0 : i32
          %dma_start3A_112 = tpu.memref_slice %arg10[%run_scoped3A, %dma_start3A, %dma_start3A_111] : memref<2x80x128xf32, #tpu.memory_space<vmem>> -> memref<1x80x128xf32, #tpu.memory_space<vmem>>
          %dma_start3A_113 = tpu.memref_squeeze %dma_start3A_112 : memref<1x80x128xf32, #tpu.memory_space<vmem>> -> memref<80x128xf32, #tpu.memory_space<vmem>>
          %dma_start3A_114 = arith.constant 0 : i32
          %dma_start3A_115 = tpu.memref_slice %arg9[%run_scoped3A_108, %run_scoped3A_109, %dma_start3A_114] : memref<2x1x80xi32, #tpu.memory_space<vmem>> -> memref<1x1x80xi32, #tpu.memory_space<vmem>>
          %dma_start3A_116 = tpu.memref_squeeze %dma_start3A_115 : memref<1x1x80xi32, #tpu.memory_space<vmem>> -> memref<80xi32, #tpu.memory_space<vmem>>
          %dma_start3A_117 = arith.constant 0 : i32
          %dma_start3A_118 = arith.constant 0 : i32
          %dma_start3A_119 = tpu.memref_slice %arg12[%dma_start3A_117, %dma_start3A_118] : memref<10000x128xf32, #tpu.memory_space<vmem_shared>> -> memref<10000x128xf32, #tpu.memory_space<vmem_shared>>
          tpu.enqueue_indirect_dma source(%dma_start3A_113 : memref<80x128xf32, #tpu.memory_space<vmem>>) target(%dma_start3A_119 : memref<10000x128xf32, #tpu.memory_space<vmem_shared>>) offsets(%dma_start3A_116 : memref<80xi32, #tpu.memory_space<vmem>>) semaphore(%run_scoped3A_110 : memref<!tpu.dma_semaphore, #tpu.memory_space<semaphore_mem>>) {add = true}
          %dma_wait3A_120 = arith.constant 0 : i32
          %dma_wait3A_121 = arith.constant 0 : i32
          %dma_wait3A_122 = tpu.memref_slice %arg10[%run_scoped3A, %dma_wait3A_120, %dma_wait3A_121] : memref<2x80x128xf32, #tpu.memory_space<vmem>> -> memref<1x80x128xf32, #tpu.memory_space<vmem>>
          %dma_wait3A_123 = tpu.memref_squeeze %dma_wait3A_122 : memref<1x80x128xf32, #tpu.memory_space<vmem>> -> memref<80x128xf32, #tpu.memory_space<vmem>>
          %dma_wait3A_124 = arith.constant 0 : i32
          %dma_wait3A_125 = tpu.memref_slice %arg9[%run_scoped3A_108, %run_scoped3A_109, %dma_wait3A_124] : memref<2x1x80xi32, #tpu.memory_space<vmem>> -> memref<1x1x80xi32, #tpu.memory_space<vmem>>
          %dma_wait3A_126 = tpu.memref_squeeze %dma_wait3A_125 : memref<1x1x80xi32, #tpu.memory_space<vmem>> -> memref<80xi32, #tpu.memory_space<vmem>>
          %dma_wait3A_127 = arith.constant 0 : i32
          %dma_wait3A_128 = arith.constant 0 : i32
          %dma_wait3A_129 = tpu.memref_slice %arg12[%dma_wait3A_127, %dma_wait3A_128] : memref<10000x128xf32, #tpu.memory_space<vmem_shared>> -> memref<10000x128xf32, #tpu.memory_space<vmem_shared>>
          tpu.wait_indirect_dma semaphore(%run_scoped3A_110 : memref<!tpu.dma_semaphore, #tpu.memory_space<semaphore_mem>>) src(%dma_wait3A_123 : memref<80x128xf32, #tpu.memory_space<vmem>>) dst(%dma_wait3A_129 : memref<10000x128xf32, #tpu.memory_space<vmem_shared>>)
          tpu.yield
        }) : () -> ()
      } else {
      }
    }
    %scan3A_16 = arith.constant 63 : i32
    %barrier3A_17 = arith.constant 0 : index
    tpu.barrier barrier_id(%barrier3A_17)
    %mul3A_18 = arith.constant 624 : i32
    %mul3A_19 = arith.muli %arg1, %mul3A_18 : i32
    %mul3A_20 = arith.constant 624 : i32
    %mul3A_21 = arith.muli %arg1, %mul3A_20 : i32
    "tpu.region"() ({
      %run_scoped3A = tpu.sem_alloc : memref<!tpu.dma_semaphore, #tpu.memory_space<semaphore_mem>>
      %dma_start3A = arith.constant 0 : i32
      %dma_start3A_27 = tpu.memref_slice %arg7[%arg0, %mul3A_21, %dma_start3A] : memref<2x10000x128xf32, #tpu.memory_space<hbm>> -> memref<1x624x128xf32, #tpu.memory_space<hbm>>
      %dma_start3A_28 = tpu.memref_squeeze %dma_start3A_27 : memref<1x624x128xf32, #tpu.memory_space<hbm>> -> memref<624x128xf32, #tpu.memory_space<hbm>>
      %dma_start3A_29 = arith.constant 0 : i32
      %dma_start3A_30 = tpu.memref_slice %arg12[%mul3A_19, %dma_start3A_29] : memref<10000x128xf32, #tpu.memory_space<vmem_shared>> -> memref<624x128xf32, #tpu.memory_space<vmem_shared>>
      tpu.enqueue_dma source(%dma_start3A_30 : memref<624x128xf32, #tpu.memory_space<vmem_shared>>) target(%dma_start3A_28 : memref<624x128xf32, #tpu.memory_space<hbm>>) target_semaphore(%run_scoped3A : memref<!tpu.dma_semaphore, #tpu.memory_space<semaphore_mem>>)
      %dma_wait3A = arith.constant 0 : i32
      %dma_wait3A_31 = tpu.memref_slice %arg7[%arg0, %mul3A_21, %dma_wait3A] : memref<2x10000x128xf32, #tpu.memory_space<hbm>> -> memref<1x624x128xf32, #tpu.memory_space<hbm>>
      %dma_wait3A_32 = tpu.memref_squeeze %dma_wait3A_31 : memref<1x624x128xf32, #tpu.memory_space<hbm>> -> memref<624x128xf32, #tpu.memory_space<hbm>>
      %dma_wait3A_33 = arith.constant 0 : i32
      %dma_wait3A_34 = tpu.memref_slice %arg12[%mul3A_19, %dma_wait3A_33] : memref<10000x128xf32, #tpu.memory_space<vmem_shared>> -> memref<624x128xf32, #tpu.memory_space<vmem_shared>>
      tpu.wait_dma2 semaphore(%run_scoped3A : memref<!tpu.dma_semaphore, #tpu.memory_space<semaphore_mem>>) src(%dma_wait3A_34 : memref<624x128xf32, #tpu.memory_space<vmem_shared>>) dst(%dma_wait3A_32 : memref<624x128xf32, #tpu.memory_space<hbm>>)
      tpu.yield
    }) : () -> ()
    %eq3A_22 = arith.constant 0 : i32
    %eq3A_23 = arith.cmpi eq, %arg1, %eq3A_22 : i32
    %convert_element_type3A_24 = arith.extui %eq3A_23 : i1 to i32
    %cond3A_25 = arith.constant 0 : i32
    %cond3A_26 = arith.cmpi ne, %convert_element_type3A_24, %cond3A_25 : i32
    scf.if %cond3A_26 {
      "tpu.region"() ({
        %run_scoped3A = tpu.sem_alloc : memref<!tpu.dma_semaphore, #tpu.memory_space<semaphore_mem>>
        %dma_start3A = arith.constant 9984 : i32
        %dma_start3A_27 = arith.constant 0 : i32
        %dma_start3A_28 = tpu.memref_slice %arg7[%arg0, %dma_start3A, %dma_start3A_27] : memref<2x10000x128xf32, #tpu.memory_space<hbm>> -> memref<1x16x128xf32, #tpu.memory_space<hbm>>
        %dma_start3A_29 = tpu.memref_squeeze %dma_start3A_28 : memref<1x16x128xf32, #tpu.memory_space<hbm>> -> memref<16x128xf32, #tpu.memory_space<hbm>>
        %dma_start3A_30 = arith.constant 9984 : i32
        %dma_start3A_31 = arith.constant 0 : i32
        %dma_start3A_32 = tpu.memref_slice %arg12[%dma_start3A_30, %dma_start3A_31] : memref<10000x128xf32, #tpu.memory_space<vmem_shared>> -> memref<16x128xf32, #tpu.memory_space<vmem_shared>>
        tpu.enqueue_dma source(%dma_start3A_32 : memref<16x128xf32, #tpu.memory_space<vmem_shared>>) target(%dma_start3A_29 : memref<16x128xf32, #tpu.memory_space<hbm>>) target_semaphore(%run_scoped3A : memref<!tpu.dma_semaphore, #tpu.memory_space<semaphore_mem>>)
        %dma_wait3A = arith.constant 9984 : i32
        %dma_wait3A_33 = arith.constant 0 : i32
        %dma_wait3A_34 = tpu.memref_slice %arg7[%arg0, %dma_wait3A, %dma_wait3A_33] : memref<2x10000x128xf32, #tpu.memory_space<hbm>> -> memref<1x16x128xf32, #tpu.memory_space<hbm>>
        %dma_wait3A_35 = tpu.memref_squeeze %dma_wait3A_34 : memref<1x16x128xf32, #tpu.memory_space<hbm>> -> memref<16x128xf32, #tpu.memory_space<hbm>>
        %dma_wait3A_36 = arith.constant 9984 : i32
        %dma_wait3A_37 = arith.constant 0 : i32
        %dma_wait3A_38 = tpu.memref_slice %arg12[%dma_wait3A_36, %dma_wait3A_37] : memref<10000x128xf32, #tpu.memory_space<vmem_shared>> -> memref<16x128xf32, #tpu.memory_space<vmem_shared>>
        tpu.wait_dma2 semaphore(%run_scoped3A : memref<!tpu.dma_semaphore, #tpu.memory_space<semaphore_mem>>) src(%dma_wait3A_38 : memref<16x128xf32, #tpu.memory_space<vmem_shared>>) dst(%dma_wait3A_35 : memref<16x128xf32, #tpu.memory_space<hbm>>)
        tpu.yield
      }) : () -> ()
    } else {
    }
    return
  }
}

#map = affine_map<(d0, d1) -> (0, 0)>
module attributes {stable_mosaic.version = 14 : i64} {
  func.func @k(%arg0: i32, %arg1: i32, %arg2: memref<10000x128xf32, #tpu.memory_space<hbm>>, %arg3: memref<10000x128xf32, #tpu.memory_space<hbm>>, %arg4: memref<1024x128xi32, #tpu.memory_space<hbm>>, %arg5: memref<1024x128xi32, #tpu.memory_space<hbm>>, %arg6: memref<131072x128xf32, #tpu.memory_space<hbm>>, %arg7: memref<32x128xi32, #tpu.memory_space<vmem>>, %arg8: memref<32x128xi32, #tpu.memory_space<vmem>>, %arg9: memref<2x128x128xf32, #tpu.memory_space<vmem>>, %arg10: memref<2x128x128xf32, #tpu.memory_space<vmem>>, %arg11: memref<2x128x128xf32, #tpu.memory_space<vmem>>, %arg12: memref<!tpu.dma_semaphore, #tpu.memory_space<semaphore_mem>>, %arg13: memref<!tpu.dma_semaphore, #tpu.memory_space<semaphore_mem>>, %arg14: memref<!tpu.dma_semaphore, #tpu.memory_space<semaphore_mem>>, %arg15: memref<!tpu.dma_semaphore, #tpu.memory_space<semaphore_mem>>) attributes {dimension_semantics = [#tpu.dimension_semantics<core_parallel>, #tpu.dimension_semantics<subcore_parallel>], iteration_bounds = array<i64: 2, 16>, scalar_prefetch = 0 : i64, scratch_operands = 9 : i64, tpu.core_type = #tpu.core_type<sc_vector_subcore>, window_params = [{transform_indices = #map}, {transform_indices = #map}, {transform_indices = #map}, {transform_indices = #map}, {transform_indices = #map}]} {
    %mul3A = arith.constant 2 : i32
    %mul3A_0 = arith.muli %arg1, %mul3A : i32
    %add3A = arith.addi %mul3A_0, %arg0 : i32
    %mul3A_1 = arith.constant 32 : i32
    %mul3A_2 = arith.muli %add3A, %mul3A_1 : i32
    %sub3A = arith.constant 1024 : i32
    %sub3A_3 = arith.subi %sub3A, %mul3A_2 : i32
    %min3A = arith.constant 32 : i32
    %min3A_4 = arith.minsi %sub3A_3, %min3A : i32
    %max3A = arith.constant 0 : i32
    %max3A_5 = arith.maxsi %min3A_4, %max3A : i32
    "tpu.region"() ({
      %run_scoped3A = tpu.sem_alloc : memref<!tpu.dma_semaphore, #tpu.memory_space<semaphore_mem>>
      %dma_start3A = arith.constant 0 : i32
      %dma_start3A_22 = tpu.memref_slice %arg4[%mul3A_2, %dma_start3A] : memref<1024x128xi32, #tpu.memory_space<hbm>> -> memref<32x128xi32, #tpu.memory_space<hbm>>
      %dma_start3A_23 = arith.constant 0 : i32
      %dma_start3A_24 = tpu.memref_slice %arg4[%mul3A_2, %dma_start3A_23] : memref<1024x128xi32, #tpu.memory_space<hbm>> -> memref<32x128xi32, #tpu.memory_space<hbm>>
      tpu.enqueue_dma source(%dma_start3A_24 : memref<32x128xi32, #tpu.memory_space<hbm>>) target(%arg7 : memref<32x128xi32, #tpu.memory_space<vmem>>) target_semaphore(%run_scoped3A : memref<!tpu.dma_semaphore, #tpu.memory_space<semaphore_mem>>)
      %dma_wait3A = arith.constant 0 : i32
      %dma_wait3A_25 = tpu.memref_slice %arg4[%mul3A_2, %dma_wait3A] : memref<1024x128xi32, #tpu.memory_space<hbm>> -> memref<32x128xi32, #tpu.memory_space<hbm>>
      %dma_wait3A_26 = arith.constant 0 : i32
      %dma_wait3A_27 = tpu.memref_slice %arg4[%mul3A_2, %dma_wait3A_26] : memref<1024x128xi32, #tpu.memory_space<hbm>> -> memref<32x128xi32, #tpu.memory_space<hbm>>
      tpu.wait_dma2 semaphore(%run_scoped3A : memref<!tpu.dma_semaphore, #tpu.memory_space<semaphore_mem>>) src(%dma_wait3A_27 : memref<32x128xi32, #tpu.memory_space<hbm>>) dst(%arg7 : memref<32x128xi32, #tpu.memory_space<vmem>>)
      tpu.yield
    }) : () -> ()
    "tpu.region"() ({
      %run_scoped3A = tpu.sem_alloc : memref<!tpu.dma_semaphore, #tpu.memory_space<semaphore_mem>>
      %dma_start3A = arith.constant 0 : i32
      %dma_start3A_22 = tpu.memref_slice %arg5[%mul3A_2, %dma_start3A] : memref<1024x128xi32, #tpu.memory_space<hbm>> -> memref<32x128xi32, #tpu.memory_space<hbm>>
      %dma_start3A_23 = arith.constant 0 : i32
      %dma_start3A_24 = tpu.memref_slice %arg5[%mul3A_2, %dma_start3A_23] : memref<1024x128xi32, #tpu.memory_space<hbm>> -> memref<32x128xi32, #tpu.memory_space<hbm>>
      tpu.enqueue_dma source(%dma_start3A_24 : memref<32x128xi32, #tpu.memory_space<hbm>>) target(%arg8 : memref<32x128xi32, #tpu.memory_space<vmem>>) target_semaphore(%run_scoped3A : memref<!tpu.dma_semaphore, #tpu.memory_space<semaphore_mem>>)
      %dma_wait3A = arith.constant 0 : i32
      %dma_wait3A_25 = tpu.memref_slice %arg5[%mul3A_2, %dma_wait3A] : memref<1024x128xi32, #tpu.memory_space<hbm>> -> memref<32x128xi32, #tpu.memory_space<hbm>>
      %dma_wait3A_26 = arith.constant 0 : i32
      %dma_wait3A_27 = tpu.memref_slice %arg5[%mul3A_2, %dma_wait3A_26] : memref<1024x128xi32, #tpu.memory_space<hbm>> -> memref<32x128xi32, #tpu.memory_space<hbm>>
      tpu.wait_dma2 semaphore(%run_scoped3A : memref<!tpu.dma_semaphore, #tpu.memory_space<semaphore_mem>>) src(%dma_wait3A_27 : memref<32x128xi32, #tpu.memory_space<hbm>>) dst(%arg8 : memref<32x128xi32, #tpu.memory_space<vmem>>)
      tpu.yield
    }) : () -> ()
    %gt3A = arith.constant 0 : i32
    %gt3A_6 = arith.cmpi sgt, %max3A_5, %gt3A : i32
    %convert_element_type3A = arith.extui %gt3A_6 : i1 to i32
    %cond3A = arith.constant 0 : i32
    %cond3A_7 = arith.cmpi ne, %convert_element_type3A, %cond3A : i32
    scf.if %cond3A_7 {
      %dma_start3A = arith.constant 0 : i32
      %dma_start3A_22 = arith.constant 0 : i32
      %dma_start3A_23 = arith.constant 0 : i32
      %dma_start3A_24 = arith.constant 0 : i32
      %dma_start3A_25 = tpu.memref_slice %arg9[%dma_start3A_22, %dma_start3A_23, %dma_start3A_24] : memref<2x128x128xf32, #tpu.memory_space<vmem>> -> memref<1x128x128xf32, #tpu.memory_space<vmem>>
      %dma_start3A_26 = tpu.memref_squeeze %dma_start3A_25 : memref<1x128x128xf32, #tpu.memory_space<vmem>> -> memref<128x128xf32, #tpu.memory_space<vmem>>
      %dma_start3A_27 = arith.constant 0 : i32
      %dma_start3A_28 = tpu.memref_slice %arg7[%dma_start3A, %dma_start3A_27] : memref<32x128xi32, #tpu.memory_space<vmem>> -> memref<1x128xi32, #tpu.memory_space<vmem>>
      %dma_start3A_29 = tpu.memref_squeeze %dma_start3A_28 : memref<1x128xi32, #tpu.memory_space<vmem>> -> memref<128xi32, #tpu.memory_space<vmem>>
      %dma_start3A_30 = arith.constant 0 : i32
      %dma_start3A_31 = arith.constant 0 : i32
      %dma_start3A_32 = tpu.memref_slice %arg2[%dma_start3A_30, %dma_start3A_31] : memref<10000x128xf32, #tpu.memory_space<hbm>> -> memref<10000x128xf32, #tpu.memory_space<hbm>>
      tpu.enqueue_indirect_dma source(%dma_start3A_32 : memref<10000x128xf32, #tpu.memory_space<hbm>>) target(%dma_start3A_26 : memref<128x128xf32, #tpu.memory_space<vmem>>) offsets(%dma_start3A_29 : memref<128xi32, #tpu.memory_space<vmem>>) semaphore(%arg12 : memref<!tpu.dma_semaphore, #tpu.memory_space<semaphore_mem>>)
      %dma_start3A_33 = arith.constant 0 : i32
      %dma_start3A_34 = arith.constant 0 : i32
      %dma_start3A_35 = arith.constant 0 : i32
      %dma_start3A_36 = arith.constant 0 : i32
      %dma_start3A_37 = tpu.memref_slice %arg10[%dma_start3A_34, %dma_start3A_35, %dma_start3A_36] : memref<2x128x128xf32, #tpu.memory_space<vmem>> -> memref<1x128x128xf32, #tpu.memory_space<vmem>>
      %dma_start3A_38 = tpu.memref_squeeze %dma_start3A_37 : memref<1x128x128xf32, #tpu.memory_space<vmem>> -> memref<128x128xf32, #tpu.memory_space<vmem>>
      %dma_start3A_39 = arith.constant 0 : i32
      %dma_start3A_40 = tpu.memref_slice %arg8[%dma_start3A_33, %dma_start3A_39] : memref<32x128xi32, #tpu.memory_space<vmem>> -> memref<1x128xi32, #tpu.memory_space<vmem>>
      %dma_start3A_41 = tpu.memref_squeeze %dma_start3A_40 : memref<1x128xi32, #tpu.memory_space<vmem>> -> memref<128xi32, #tpu.memory_space<vmem>>
      %dma_start3A_42 = arith.constant 0 : i32
      %dma_start3A_43 = arith.constant 0 : i32
      %dma_start3A_44 = tpu.memref_slice %arg3[%dma_start3A_42, %dma_start3A_43] : memref<10000x128xf32, #tpu.memory_space<hbm>> -> memref<10000x128xf32, #tpu.memory_space<hbm>>
      tpu.enqueue_indirect_dma source(%dma_start3A_44 : memref<10000x128xf32, #tpu.memory_space<hbm>>) target(%dma_start3A_38 : memref<128x128xf32, #tpu.memory_space<vmem>>) offsets(%dma_start3A_41 : memref<128xi32, #tpu.memory_space<vmem>>) semaphore(%arg12 : memref<!tpu.dma_semaphore, #tpu.memory_space<semaphore_mem>>)
    } else {
    }
    %scan3A = arith.constant 0 : i32
    %scan3A_8 = arith.constant 16 : i32
    %scan3A_9 = arith.addi %scan3A, %scan3A_8 : i32
    %scan3A_10 = arith.constant 1 : i32
    scf.for %scan3A_22 = %scan3A to %scan3A_9 step %scan3A_10  : i32 {
      %mul3A_23 = arith.constant 1 : i32
      %mul3A_24 = arith.muli %scan3A_22, %mul3A_23 : i32
      %add3A_25 = arith.constant 0 : i32
      %add3A_26 = arith.addi %add3A_25, %mul3A_24 : i32
      %mul3A_27 = arith.constant 2 : i32
      %mul3A_28 = arith.muli %mul3A_27, %add3A_26 : i32
      %add3A_29 = arith.constant 1 : i32
      %add3A_30 = arith.addi %mul3A_28, %add3A_29 : i32
      %lt3A = arith.cmpi slt, %add3A_30, %max3A_5 : i32
      %convert_element_type3A_31 = arith.extui %lt3A : i1 to i32
      %cond3A_32 = arith.constant 0 : i32
      %cond3A_33 = arith.cmpi ne, %convert_element_type3A_31, %cond3A_32 : i32
      scf.if %cond3A_33 {
        %dma_start3A = arith.constant 1 : i32
        %dma_start3A_48 = arith.constant 0 : i32
        %dma_start3A_49 = arith.constant 0 : i32
        %dma_start3A_50 = tpu.memref_slice %arg9[%dma_start3A, %dma_start3A_48, %dma_start3A_49] : memref<2x128x128xf32, #tpu.memory_space<vmem>> -> memref<1x128x128xf32, #tpu.memory_space<vmem>>
        %dma_start3A_51 = tpu.memref_squeeze %dma_start3A_50 : memref<1x128x128xf32, #tpu.memory_space<vmem>> -> memref<128x128xf32, #tpu.memory_space<vmem>>
        %dma_start3A_52 = arith.constant 0 : i32
        %dma_start3A_53 = tpu.memref_slice %arg7[%add3A_30, %dma_start3A_52] : memref<32x128xi32, #tpu.memory_space<vmem>> -> memref<1x128xi32, #tpu.memory_space<vmem>>
        %dma_start3A_54 = tpu.memref_squeeze %dma_start3A_53 : memref<1x128xi32, #tpu.memory_space<vmem>> -> memref<128xi32, #tpu.memory_space<vmem>>
        %dma_start3A_55 = arith.constant 0 : i32
        %dma_start3A_56 = arith.constant 0 : i32
        %dma_start3A_57 = tpu.memref_slice %arg2[%dma_start3A_55, %dma_start3A_56] : memref<10000x128xf32, #tpu.memory_space<hbm>> -> memref<10000x128xf32, #tpu.memory_space<hbm>>
        tpu.enqueue_indirect_dma source(%dma_start3A_57 : memref<10000x128xf32, #tpu.memory_space<hbm>>) target(%dma_start3A_51 : memref<128x128xf32, #tpu.memory_space<vmem>>) offsets(%dma_start3A_54 : memref<128xi32, #tpu.memory_space<vmem>>) semaphore(%arg13 : memref<!tpu.dma_semaphore, #tpu.memory_space<semaphore_mem>>)
        %dma_start3A_58 = arith.constant 1 : i32
        %dma_start3A_59 = arith.constant 0 : i32
        %dma_start3A_60 = arith.constant 0 : i32
        %dma_start3A_61 = tpu.memref_slice %arg10[%dma_start3A_58, %dma_start3A_59, %dma_start3A_60] : memref<2x128x128xf32, #tpu.memory_space<vmem>> -> memref<1x128x128xf32, #tpu.memory_space<vmem>>
        %dma_start3A_62 = tpu.memref_squeeze %dma_start3A_61 : memref<1x128x128xf32, #tpu.memory_space<vmem>> -> memref<128x128xf32, #tpu.memory_space<vmem>>
        %dma_start3A_63 = arith.constant 0 : i32
        %dma_start3A_64 = tpu.memref_slice %arg8[%add3A_30, %dma_start3A_63] : memref<32x128xi32, #tpu.memory_space<vmem>> -> memref<1x128xi32, #tpu.memory_space<vmem>>
        %dma_start3A_65 = tpu.memref_squeeze %dma_start3A_64 : memref<1x128xi32, #tpu.memory_space<vmem>> -> memref<128xi32, #tpu.memory_space<vmem>>
        %dma_start3A_66 = arith.constant 0 : i32
        %dma_start3A_67 = arith.constant 0 : i32
        %dma_start3A_68 = tpu.memref_slice %arg3[%dma_start3A_66, %dma_start3A_67] : memref<10000x128xf32, #tpu.memory_space<hbm>> -> memref<10000x128xf32, #tpu.memory_space<hbm>>
        tpu.enqueue_indirect_dma source(%dma_start3A_68 : memref<10000x128xf32, #tpu.memory_space<hbm>>) target(%dma_start3A_62 : memref<128x128xf32, #tpu.memory_space<vmem>>) offsets(%dma_start3A_65 : memref<128xi32, #tpu.memory_space<vmem>>) semaphore(%arg13 : memref<!tpu.dma_semaphore, #tpu.memory_space<semaphore_mem>>)
      } else {
      }
      %lt3A_34 = arith.cmpi slt, %mul3A_28, %max3A_5 : i32
      %convert_element_type3A_35 = arith.extui %lt3A_34 : i1 to i32
      %cond3A_36 = arith.constant 0 : i32
      %cond3A_37 = arith.cmpi ne, %convert_element_type3A_35, %cond3A_36 : i32
      scf.if %cond3A_37 {
        %dma_wait3A = arith.constant 0 : i32
        %dma_wait3A_48 = arith.constant 0 : i32
        %dma_wait3A_49 = arith.constant 0 : i32
        %dma_wait3A_50 = tpu.memref_slice %arg9[%dma_wait3A, %dma_wait3A_48, %dma_wait3A_49] : memref<2x128x128xf32, #tpu.memory_space<vmem>> -> memref<1x128x128xf32, #tpu.memory_space<vmem>>
        %dma_wait3A_51 = tpu.memref_squeeze %dma_wait3A_50 : memref<1x128x128xf32, #tpu.memory_space<vmem>> -> memref<128x128xf32, #tpu.memory_space<vmem>>
        %dma_wait3A_52 = arith.constant 0 : i32
        %dma_wait3A_53 = tpu.memref_slice %arg7[%mul3A_28, %dma_wait3A_52] : memref<32x128xi32, #tpu.memory_space<vmem>> -> memref<1x128xi32, #tpu.memory_space<vmem>>
        %dma_wait3A_54 = tpu.memref_squeeze %dma_wait3A_53 : memref<1x128xi32, #tpu.memory_space<vmem>> -> memref<128xi32, #tpu.memory_space<vmem>>
        %dma_wait3A_55 = arith.constant 0 : i32
        %dma_wait3A_56 = arith.constant 0 : i32
        %dma_wait3A_57 = tpu.memref_slice %arg2[%dma_wait3A_55, %dma_wait3A_56] : memref<10000x128xf32, #tpu.memory_space<hbm>> -> memref<10000x128xf32, #tpu.memory_space<hbm>>
        tpu.wait_indirect_dma semaphore(%arg12 : memref<!tpu.dma_semaphore, #tpu.memory_space<semaphore_mem>>) src(%dma_wait3A_57 : memref<10000x128xf32, #tpu.memory_space<hbm>>) dst(%dma_wait3A_51 : memref<128x128xf32, #tpu.memory_space<vmem>>)
        %dma_wait3A_58 = arith.constant 0 : i32
        %dma_wait3A_59 = arith.constant 0 : i32
        %dma_wait3A_60 = arith.constant 0 : i32
        %dma_wait3A_61 = tpu.memref_slice %arg10[%dma_wait3A_58, %dma_wait3A_59, %dma_wait3A_60] : memref<2x128x128xf32, #tpu.memory_space<vmem>> -> memref<1x128x128xf32, #tpu.memory_space<vmem>>
        %dma_wait3A_62 = tpu.memref_squeeze %dma_wait3A_61 : memref<1x128x128xf32, #tpu.memory_space<vmem>> -> memref<128x128xf32, #tpu.memory_space<vmem>>
        %dma_wait3A_63 = arith.constant 0 : i32
        %dma_wait3A_64 = tpu.memref_slice %arg8[%mul3A_28, %dma_wait3A_63] : memref<32x128xi32, #tpu.memory_space<vmem>> -> memref<1x128xi32, #tpu.memory_space<vmem>>
        %dma_wait3A_65 = tpu.memref_squeeze %dma_wait3A_64 : memref<1x128xi32, #tpu.memory_space<vmem>> -> memref<128xi32, #tpu.memory_space<vmem>>
        %dma_wait3A_66 = arith.constant 0 : i32
        %dma_wait3A_67 = arith.constant 0 : i32
        %dma_wait3A_68 = tpu.memref_slice %arg3[%dma_wait3A_66, %dma_wait3A_67] : memref<10000x128xf32, #tpu.memory_space<hbm>> -> memref<10000x128xf32, #tpu.memory_space<hbm>>
        tpu.wait_indirect_dma semaphore(%arg12 : memref<!tpu.dma_semaphore, #tpu.memory_space<semaphore_mem>>) src(%dma_wait3A_68 : memref<10000x128xf32, #tpu.memory_space<hbm>>) dst(%dma_wait3A_62 : memref<128x128xf32, #tpu.memory_space<vmem>>)
        %gt3A_69 = arith.constant 0 : i32
        %gt3A_70 = arith.cmpi sgt, %add3A_26, %gt3A_69 : i32
        %convert_element_type3A_71 = arith.extui %gt3A_70 : i1 to i32
        %cond3A_72 = arith.constant 0 : i32
        %cond3A_73 = arith.cmpi ne, %convert_element_type3A_71, %cond3A_72 : i32
        scf.if %cond3A_73 {
          %sub3A_97 = arith.constant 2 : i32
          %sub3A_98 = arith.subi %mul3A_28, %sub3A_97 : i32
          %add3A_99 = arith.addi %mul3A_2, %sub3A_98 : i32
          %mul3A_100 = arith.constant 128 : i32
          %mul3A_101 = arith.muli %add3A_99, %mul3A_100 : i32
          %dma_wait3A_102 = arith.constant 0 : i32
          %dma_wait3A_103 = arith.constant 0 : i32
          %dma_wait3A_104 = arith.constant 0 : i32
          %dma_wait3A_105 = tpu.memref_slice %arg11[%dma_wait3A_102, %dma_wait3A_103, %dma_wait3A_104] : memref<2x128x128xf32, #tpu.memory_space<vmem>> -> memref<1x128x128xf32, #tpu.memory_space<vmem>>
          %dma_wait3A_106 = tpu.memref_squeeze %dma_wait3A_105 : memref<1x128x128xf32, #tpu.memory_space<vmem>> -> memref<128x128xf32, #tpu.memory_space<vmem>>
          %dma_wait3A_107 = arith.constant 0 : i32
          %dma_wait3A_108 = tpu.memref_slice %arg6[%mul3A_101, %dma_wait3A_107] : memref<131072x128xf32, #tpu.memory_space<hbm>> -> memref<128x128xf32, #tpu.memory_space<hbm>>
          %dma_wait3A_109 = arith.constant 0 : i32
          %dma_wait3A_110 = tpu.memref_slice %arg6[%mul3A_101, %dma_wait3A_109] : memref<131072x128xf32, #tpu.memory_space<hbm>> -> memref<128x128xf32, #tpu.memory_space<hbm>>
          %dma_wait3A_111 = arith.constant 0 : i32
          %dma_wait3A_112 = arith.constant 0 : i32
          %dma_wait3A_113 = tpu.memref_slice %arg11[%dma_wait3A_102, %dma_wait3A_111, %dma_wait3A_112] : memref<2x128x128xf32, #tpu.memory_space<vmem>> -> memref<1x128x128xf32, #tpu.memory_space<vmem>>
          %dma_wait3A_114 = tpu.memref_squeeze %dma_wait3A_113 : memref<1x128x128xf32, #tpu.memory_space<vmem>> -> memref<128x128xf32, #tpu.memory_space<vmem>>
          tpu.wait_dma2 semaphore(%arg14 : memref<!tpu.dma_semaphore, #tpu.memory_space<semaphore_mem>>) src(%dma_wait3A_114 : memref<128x128xf32, #tpu.memory_space<vmem>>) dst(%dma_wait3A_110 : memref<128x128xf32, #tpu.memory_space<hbm>>)
        } else {
        }
        %scan3A_74 = arith.constant 0 : i32
        %scan3A_75 = arith.constant 0 : i32
        %scan3A_76 = arith.constant 0 : i32
        %scan3A_77 = arith.constant 0 : i32
        %scan3A_78 = arith.constant 128 : i32
        %scan3A_79 = arith.addi %scan3A_77, %scan3A_78 : i32
        %scan3A_80 = arith.constant 1 : i32
        scf.for %scan3A_97 = %scan3A_77 to %scan3A_79 step %scan3A_80  : i32 {
          %mul3A_98 = arith.constant 1 : i32
          %mul3A_99 = arith.muli %scan3A_97, %mul3A_98 : i32
          %add3A_100 = arith.constant 0 : i32
          %add3A_101 = arith.addi %add3A_100, %mul3A_99 : i32
          %get3A = arith.constant 0 : i32
          %get3A_102 = arith.constant 0 : i32
          %get3A_103 = tpu.memref_slice %arg9[%scan3A_74, %get3A, %get3A_102] : memref<2x128x128xf32, #tpu.memory_space<vmem>> -> memref<1x128x128xf32, #tpu.memory_space<vmem>>
          %get3A_104 = tpu.memref_squeeze %get3A_103 : memref<1x128x128xf32, #tpu.memory_space<vmem>> -> memref<128x128xf32, #tpu.memory_space<vmem>>
          %get3A_105 = arith.index_cast %add3A_101 : i32 to index
          %get3A_106 = arith.constant 0 : index
          %get3A_107 = tpu.vector_load %get3A_104[%get3A_105, %get3A_106] {strides = array<i32>} : memref<128x128xf32, #tpu.memory_space<vmem>>, vector<1x16xf32>,
          %get3A_108 = vector.shape_cast %get3A_107 : vector<1x16xf32> to vector<1x16xf32>
          %get3A_109 = arith.constant 0 : i32
          %get3A_110 = arith.constant 0 : i32
          %get3A_111 = tpu.memref_slice %arg10[%scan3A_75, %get3A_109, %get3A_110] : memref<2x128x128xf32, #tpu.memory_space<vmem>> -> memref<1x128x128xf32, #tpu.memory_space<vmem>>
          %get3A_112 = tpu.memref_squeeze %get3A_111 : memref<1x128x128xf32, #tpu.memory_space<vmem>> -> memref<128x128xf32, #tpu.memory_space<vmem>>
          %get3A_113 = arith.index_cast %add3A_101 : i32 to index
          %get3A_114 = arith.constant 0 : index
          %get3A_115 = tpu.vector_load %get3A_112[%get3A_113, %get3A_114] {strides = array<i32>} : memref<128x128xf32, #tpu.memory_space<vmem>>, vector<1x16xf32>,
          %get3A_116 = vector.shape_cast %get3A_115 : vector<1x16xf32> to vector<1x16xf32>
          %add3A_117 = arith.addf %get3A_108, %get3A_116 : vector<1x16xf32>
          %swap3A = arith.constant 0 : i32
          %swap3A_118 = arith.constant 0 : i32
          %swap3A_119 = tpu.memref_slice %arg11[%scan3A_76, %swap3A, %swap3A_118] : memref<2x128x128xf32, #tpu.memory_space<vmem>> -> memref<1x128x128xf32, #tpu.memory_space<vmem>>
          %swap3A_120 = tpu.memref_squeeze %swap3A_119 : memref<1x128x128xf32, #tpu.memory_space<vmem>> -> memref<128x128xf32, #tpu.memory_space<vmem>>
          %swap3A_121 = arith.index_cast %add3A_101 : i32 to index
          %swap3A_122 = arith.constant 0 : index
          %swap3A_123 = tpu.vector_load %swap3A_120[%swap3A_121, %swap3A_122] {strides = array<i32>} : memref<128x128xf32, #tpu.memory_space<vmem>>, vector<1x16xf32>,
          %swap3A_124 = vector.shape_cast %swap3A_123 : vector<1x16xf32> to vector<1x16xf32>
          %swap3A_125 = vector.shape_cast %add3A_117 : vector<1x16xf32> to vector<1x16xf32>
          tpu.vector_store %swap3A_120[%swap3A_121, %swap3A_122], %swap3A_125 {strides = array<i32>} : memref<128x128xf32, #tpu.memory_space<vmem>>, vector<1x16xf32>,
          %get3A_126 = arith.constant 0 : i32
          %get3A_127 = arith.constant 0 : i32
          %get3A_128 = tpu.memref_slice %arg9[%scan3A_74, %get3A_126, %get3A_127] : memref<2x128x128xf32, #tpu.memory_space<vmem>> -> memref<1x128x128xf32, #tpu.memory_space<vmem>>
          %get3A_129 = tpu.memref_squeeze %get3A_128 : memref<1x128x128xf32, #tpu.memory_space<vmem>> -> memref<128x128xf32, #tpu.memory_space<vmem>>
          %get3A_130 = arith.index_cast %add3A_101 : i32 to index
          %get3A_131 = arith.constant 16 : index
          %get3A_132 = tpu.vector_load %get3A_129[%get3A_130, %get3A_131] {strides = array<i32>} : memref<128x128xf32, #tpu.memory_space<vmem>>, vector<1x16xf32>,
          %get3A_133 = vector.shape_cast %get3A_132 : vector<1x16xf32> to vector<1x16xf32>
          %get3A_134 = arith.constant 0 : i32
          %get3A_135 = arith.constant 0 : i32
          %get3A_136 = tpu.memref_slice %arg10[%scan3A_75, %get3A_134, %get3A_135] : memref<2x128x128xf32, #tpu.memory_space<vmem>> -> memref<1x128x128xf32, #tpu.memory_space<vmem>>
          %get3A_137 = tpu.memref_squeeze %get3A_136 : memref<1x128x128xf32, #tpu.memory_space<vmem>> -> memref<128x128xf32, #tpu.memory_space<vmem>>
          %get3A_138 = arith.index_cast %add3A_101 : i32 to index
          %get3A_139 = arith.constant 16 : index
          %get3A_140 = tpu.vector_load %get3A_137[%get3A_138, %get3A_139] {strides = array<i32>} : memref<128x128xf32, #tpu.memory_space<vmem>>, vector<1x16xf32>,
          %get3A_141 = vector.shape_cast %get3A_140 : vector<1x16xf32> to vector<1x16xf32>
          %add3A_142 = arith.addf %get3A_133, %get3A_141 : vector<1x16xf32>
          %swap3A_143 = arith.constant 0 : i32
          %swap3A_144 = arith.constant 0 : i32
          %swap3A_145 = tpu.memref_slice %arg11[%scan3A_76, %swap3A_143, %swap3A_144] : memref<2x128x128xf32, #tpu.memory_space<vmem>> -> memref<1x128x128xf32, #tpu.memory_space<vmem>>
          %swap3A_146 = tpu.memref_squeeze %swap3A_145 : memref<1x128x128xf32, #tpu.memory_space<vmem>> -> memref<128x128xf32, #tpu.memory_space<vmem>>
          %swap3A_147 = arith.index_cast %add3A_101 : i32 to index
          %swap3A_148 = arith.constant 16 : index
          %swap3A_149 = tpu.vector_load %swap3A_146[%swap3A_147, %swap3A_148] {strides = array<i32>} : memref<128x128xf32, #tpu.memory_space<vmem>>, vector<1x16xf32>,
          %swap3A_150 = vector.shape_cast %swap3A_149 : vector<1x16xf32> to vector<1x16xf32>
          %swap3A_151 = vector.shape_cast %add3A_142 : vector<1x16xf32> to vector<1x16xf32>
          tpu.vector_store %swap3A_146[%swap3A_147, %swap3A_148], %swap3A_151 {strides = array<i32>} : memref<128x128xf32, #tpu.memory_space<vmem>>, vector<1x16xf32>,
          %get3A_152 = arith.constant 0 : i32
          %get3A_153 = arith.constant 0 : i32
          %get3A_154 = tpu.memref_slice %arg9[%scan3A_74, %get3A_152, %get3A_153] : memref<2x128x128xf32, #tpu.memory_space<vmem>> -> memref<1x128x128xf32, #tpu.memory_space<vmem>>
          %get3A_155 = tpu.memref_squeeze %get3A_154 : memref<1x128x128xf32, #tpu.memory_space<vmem>> -> memref<128x128xf32, #tpu.memory_space<vmem>>
          %get3A_156 = arith.index_cast %add3A_101 : i32 to index
          %get3A_157 = arith.constant 32 : index
          %get3A_158 = tpu.vector_load %get3A_155[%get3A_156, %get3A_157] {strides = array<i32>} : memref<128x128xf32, #tpu.memory_space<vmem>>, vector<1x16xf32>,
          %get3A_159 = vector.shape_cast %get3A_158 : vector<1x16xf32> to vector<1x16xf32>
          %get3A_160 = arith.constant 0 : i32
          %get3A_161 = arith.constant 0 : i32
          %get3A_162 = tpu.memref_slice %arg10[%scan3A_75, %get3A_160, %get3A_161] : memref<2x128x128xf32, #tpu.memory_space<vmem>> -> memref<1x128x128xf32, #tpu.memory_space<vmem>>
          %get3A_163 = tpu.memref_squeeze %get3A_162 : memref<1x128x128xf32, #tpu.memory_space<vmem>> -> memref<128x128xf32, #tpu.memory_space<vmem>>
          %get3A_164 = arith.index_cast %add3A_101 : i32 to index
          %get3A_165 = arith.constant 32 : index
          %get3A_166 = tpu.vector_load %get3A_163[%get3A_164, %get3A_165] {strides = array<i32>} : memref<128x128xf32, #tpu.memory_space<vmem>>, vector<1x16xf32>,
          %get3A_167 = vector.shape_cast %get3A_166 : vector<1x16xf32> to vector<1x16xf32>
          %add3A_168 = arith.addf %get3A_159, %get3A_167 : vector<1x16xf32>
          %swap3A_169 = arith.constant 0 : i32
          %swap3A_170 = arith.constant 0 : i32
          %swap3A_171 = tpu.memref_slice %arg11[%scan3A_76, %swap3A_169, %swap3A_170] : memref<2x128x128xf32, #tpu.memory_space<vmem>> -> memref<1x128x128xf32, #tpu.memory_space<vmem>>
          %swap3A_172 = tpu.memref_squeeze %swap3A_171 : memref<1x128x128xf32, #tpu.memory_space<vmem>> -> memref<128x128xf32, #tpu.memory_space<vmem>>
          %swap3A_173 = arith.index_cast %add3A_101 : i32 to index
          %swap3A_174 = arith.constant 32 : index
          %swap3A_175 = tpu.vector_load %swap3A_172[%swap3A_173, %swap3A_174] {strides = array<i32>} : memref<128x128xf32, #tpu.memory_space<vmem>>, vector<1x16xf32>,
          %swap3A_176 = vector.shape_cast %swap3A_175 : vector<1x16xf32> to vector<1x16xf32>
          %swap3A_177 = vector.shape_cast %add3A_168 : vector<1x16xf32> to vector<1x16xf32>
          tpu.vector_store %swap3A_172[%swap3A_173, %swap3A_174], %swap3A_177 {strides = array<i32>} : memref<128x128xf32, #tpu.memory_space<vmem>>, vector<1x16xf32>,
          %get3A_178 = arith.constant 0 : i32
          %get3A_179 = arith.constant 0 : i32
          %get3A_180 = tpu.memref_slice %arg9[%scan3A_74, %get3A_178, %get3A_179] : memref<2x128x128xf32, #tpu.memory_space<vmem>> -> memref<1x128x128xf32, #tpu.memory_space<vmem>>
          %get3A_181 = tpu.memref_squeeze %get3A_180 : memref<1x128x128xf32, #tpu.memory_space<vmem>> -> memref<128x128xf32, #tpu.memory_space<vmem>>
          %get3A_182 = arith.index_cast %add3A_101 : i32 to index
          %get3A_183 = arith.constant 48 : index
          %get3A_184 = tpu.vector_load %get3A_181[%get3A_182, %get3A_183] {strides = array<i32>} : memref<128x128xf32, #tpu.memory_space<vmem>>, vector<1x16xf32>,
          %get3A_185 = vector.shape_cast %get3A_184 : vector<1x16xf32> to vector<1x16xf32>
          %get3A_186 = arith.constant 0 : i32
          %get3A_187 = arith.constant 0 : i32
          %get3A_188 = tpu.memref_slice %arg10[%scan3A_75, %get3A_186, %get3A_187] : memref<2x128x128xf32, #tpu.memory_space<vmem>> -> memref<1x128x128xf32, #tpu.memory_space<vmem>>
          %get3A_189 = tpu.memref_squeeze %get3A_188 : memref<1x128x128xf32, #tpu.memory_space<vmem>> -> memref<128x128xf32, #tpu.memory_space<vmem>>
          %get3A_190 = arith.index_cast %add3A_101 : i32 to index
          %get3A_191 = arith.constant 48 : index
          %get3A_192 = tpu.vector_load %get3A_189[%get3A_190, %get3A_191] {strides = array<i32>} : memref<128x128xf32, #tpu.memory_space<vmem>>, vector<1x16xf32>,
          %get3A_193 = vector.shape_cast %get3A_192 : vector<1x16xf32> to vector<1x16xf32>
          %add3A_194 = arith.addf %get3A_185, %get3A_193 : vector<1x16xf32>
          %swap3A_195 = arith.constant 0 : i32
          %swap3A_196 = arith.constant 0 : i32
          %swap3A_197 = tpu.memref_slice %arg11[%scan3A_76, %swap3A_195, %swap3A_196] : memref<2x128x128xf32, #tpu.memory_space<vmem>> -> memref<1x128x128xf32, #tpu.memory_space<vmem>>
          %swap3A_198 = tpu.memref_squeeze %swap3A_197 : memref<1x128x128xf32, #tpu.memory_space<vmem>> -> memref<128x128xf32, #tpu.memory_space<vmem>>
          %swap3A_199 = arith.index_cast %add3A_101 : i32 to index
          %swap3A_200 = arith.constant 48 : index
          %swap3A_201 = tpu.vector_load %swap3A_198[%swap3A_199, %swap3A_200] {strides = array<i32>} : memref<128x128xf32, #tpu.memory_space<vmem>>, vector<1x16xf32>,
          %swap3A_202 = vector.shape_cast %swap3A_201 : vector<1x16xf32> to vector<1x16xf32>
          %swap3A_203 = vector.shape_cast %add3A_194 : vector<1x16xf32> to vector<1x16xf32>
          tpu.vector_store %swap3A_198[%swap3A_199, %swap3A_200], %swap3A_203 {strides = array<i32>} : memref<128x128xf32, #tpu.memory_space<vmem>>, vector<1x16xf32>,
          %get3A_204 = arith.constant 0 : i32
          %get3A_205 = arith.constant 0 : i32
          %get3A_206 = tpu.memref_slice %arg9[%scan3A_74, %get3A_204, %get3A_205] : memref<2x128x128xf32, #tpu.memory_space<vmem>> -> memref<1x128x128xf32, #tpu.memory_space<vmem>>
          %get3A_207 = tpu.memref_squeeze %get3A_206 : memref<1x128x128xf32, #tpu.memory_space<vmem>> -> memref<128x128xf32, #tpu.memory_space<vmem>>
          %get3A_208 = arith.index_cast %add3A_101 : i32 to index
          %get3A_209 = arith.constant 64 : index
          %get3A_210 = tpu.vector_load %get3A_207[%get3A_208, %get3A_209] {strides = array<i32>} : memref<128x128xf32, #tpu.memory_space<vmem>>, vector<1x16xf32>,
          %get3A_211 = vector.shape_cast %get3A_210 : vector<1x16xf32> to vector<1x16xf32>
          %get3A_212 = arith.constant 0 : i32
          %get3A_213 = arith.constant 0 : i32
          %get3A_214 = tpu.memref_slice %arg10[%scan3A_75, %get3A_212, %get3A_213] : memref<2x128x128xf32, #tpu.memory_space<vmem>> -> memref<1x128x128xf32, #tpu.memory_space<vmem>>
          %get3A_215 = tpu.memref_squeeze %get3A_214 : memref<1x128x128xf32, #tpu.memory_space<vmem>> -> memref<128x128xf32, #tpu.memory_space<vmem>>
          %get3A_216 = arith.index_cast %add3A_101 : i32 to index
          %get3A_217 = arith.constant 64 : index
          %get3A_218 = tpu.vector_load %get3A_215[%get3A_216, %get3A_217] {strides = array<i32>} : memref<128x128xf32, #tpu.memory_space<vmem>>, vector<1x16xf32>,
          %get3A_219 = vector.shape_cast %get3A_218 : vector<1x16xf32> to vector<1x16xf32>
          %add3A_220 = arith.addf %get3A_211, %get3A_219 : vector<1x16xf32>
          %swap3A_221 = arith.constant 0 : i32
          %swap3A_222 = arith.constant 0 : i32
          %swap3A_223 = tpu.memref_slice %arg11[%scan3A_76, %swap3A_221, %swap3A_222] : memref<2x128x128xf32, #tpu.memory_space<vmem>> -> memref<1x128x128xf32, #tpu.memory_space<vmem>>
          %swap3A_224 = tpu.memref_squeeze %swap3A_223 : memref<1x128x128xf32, #tpu.memory_space<vmem>> -> memref<128x128xf32, #tpu.memory_space<vmem>>
          %swap3A_225 = arith.index_cast %add3A_101 : i32 to index
          %swap3A_226 = arith.constant 64 : index
          %swap3A_227 = tpu.vector_load %swap3A_224[%swap3A_225, %swap3A_226] {strides = array<i32>} : memref<128x128xf32, #tpu.memory_space<vmem>>, vector<1x16xf32>,
          %swap3A_228 = vector.shape_cast %swap3A_227 : vector<1x16xf32> to vector<1x16xf32>
          %swap3A_229 = vector.shape_cast %add3A_220 : vector<1x16xf32> to vector<1x16xf32>
          tpu.vector_store %swap3A_224[%swap3A_225, %swap3A_226], %swap3A_229 {strides = array<i32>} : memref<128x128xf32, #tpu.memory_space<vmem>>, vector<1x16xf32>,
          %get3A_230 = arith.constant 0 : i32
          %get3A_231 = arith.constant 0 : i32
          %get3A_232 = tpu.memref_slice %arg9[%scan3A_74, %get3A_230, %get3A_231] : memref<2x128x128xf32, #tpu.memory_space<vmem>> -> memref<1x128x128xf32, #tpu.memory_space<vmem>>
          %get3A_233 = tpu.memref_squeeze %get3A_232 : memref<1x128x128xf32, #tpu.memory_space<vmem>> -> memref<128x128xf32, #tpu.memory_space<vmem>>
          %get3A_234 = arith.index_cast %add3A_101 : i32 to index
          %get3A_235 = arith.constant 80 : index
          %get3A_236 = tpu.vector_load %get3A_233[%get3A_234, %get3A_235] {strides = array<i32>} : memref<128x128xf32, #tpu.memory_space<vmem>>, vector<1x16xf32>,
          %get3A_237 = vector.shape_cast %get3A_236 : vector<1x16xf32> to vector<1x16xf32>
          %get3A_238 = arith.constant 0 : i32
          %get3A_239 = arith.constant 0 : i32
          %get3A_240 = tpu.memref_slice %arg10[%scan3A_75, %get3A_238, %get3A_239] : memref<2x128x128xf32, #tpu.memory_space<vmem>> -> memref<1x128x128xf32, #tpu.memory_space<vmem>>
          %get3A_241 = tpu.memref_squeeze %get3A_240 : memref<1x128x128xf32, #tpu.memory_space<vmem>> -> memref<128x128xf32, #tpu.memory_space<vmem>>
          %get3A_242 = arith.index_cast %add3A_101 : i32 to index
          %get3A_243 = arith.constant 80 : index
          %get3A_244 = tpu.vector_load %get3A_241[%get3A_242, %get3A_243] {strides = array<i32>} : memref<128x128xf32, #tpu.memory_space<vmem>>, vector<1x16xf32>,
          %get3A_245 = vector.shape_cast %get3A_244 : vector<1x16xf32> to vector<1x16xf32>
          %add3A_246 = arith.addf %get3A_237, %get3A_245 : vector<1x16xf32>
          %swap3A_247 = arith.constant 0 : i32
          %swap3A_248 = arith.constant 0 : i32
          %swap3A_249 = tpu.memref_slice %arg11[%scan3A_76, %swap3A_247, %swap3A_248] : memref<2x128x128xf32, #tpu.memory_space<vmem>> -> memref<1x128x128xf32, #tpu.memory_space<vmem>>
          %swap3A_250 = tpu.memref_squeeze %swap3A_249 : memref<1x128x128xf32, #tpu.memory_space<vmem>> -> memref<128x128xf32, #tpu.memory_space<vmem>>
          %swap3A_251 = arith.index_cast %add3A_101 : i32 to index
          %swap3A_252 = arith.constant 80 : index
          %swap3A_253 = tpu.vector_load %swap3A_250[%swap3A_251, %swap3A_252] {strides = array<i32>} : memref<128x128xf32, #tpu.memory_space<vmem>>, vector<1x16xf32>,
          %swap3A_254 = vector.shape_cast %swap3A_253 : vector<1x16xf32> to vector<1x16xf32>
          %swap3A_255 = vector.shape_cast %add3A_246 : vector<1x16xf32> to vector<1x16xf32>
          tpu.vector_store %swap3A_250[%swap3A_251, %swap3A_252], %swap3A_255 {strides = array<i32>} : memref<128x128xf32, #tpu.memory_space<vmem>>, vector<1x16xf32>,
          %get3A_256 = arith.constant 0 : i32
          %get3A_257 = arith.constant 0 : i32
          %get3A_258 = tpu.memref_slice %arg9[%scan3A_74, %get3A_256, %get3A_257] : memref<2x128x128xf32, #tpu.memory_space<vmem>> -> memref<1x128x128xf32, #tpu.memory_space<vmem>>
          %get3A_259 = tpu.memref_squeeze %get3A_258 : memref<1x128x128xf32, #tpu.memory_space<vmem>> -> memref<128x128xf32, #tpu.memory_space<vmem>>
          %get3A_260 = arith.index_cast %add3A_101 : i32 to index
          %get3A_261 = arith.constant 96 : index
          %get3A_262 = tpu.vector_load %get3A_259[%get3A_260, %get3A_261] {strides = array<i32>} : memref<128x128xf32, #tpu.memory_space<vmem>>, vector<1x16xf32>,
          %get3A_263 = vector.shape_cast %get3A_262 : vector<1x16xf32> to vector<1x16xf32>
          %get3A_264 = arith.constant 0 : i32
          %get3A_265 = arith.constant 0 : i32
          %get3A_266 = tpu.memref_slice %arg10[%scan3A_75, %get3A_264, %get3A_265] : memref<2x128x128xf32, #tpu.memory_space<vmem>> -> memref<1x128x128xf32, #tpu.memory_space<vmem>>
          %get3A_267 = tpu.memref_squeeze %get3A_266 : memref<1x128x128xf32, #tpu.memory_space<vmem>> -> memref<128x128xf32, #tpu.memory_space<vmem>>
          %get3A_268 = arith.index_cast %add3A_101 : i32 to index
          %get3A_269 = arith.constant 96 : index
          %get3A_270 = tpu.vector_load %get3A_267[%get3A_268, %get3A_269] {strides = array<i32>} : memref<128x128xf32, #tpu.memory_space<vmem>>, vector<1x16xf32>,
          %get3A_271 = vector.shape_cast %get3A_270 : vector<1x16xf32> to vector<1x16xf32>
          %add3A_272 = arith.addf %get3A_263, %get3A_271 : vector<1x16xf32>
          %swap3A_273 = arith.constant 0 : i32
          %swap3A_274 = arith.constant 0 : i32
          %swap3A_275 = tpu.memref_slice %arg11[%scan3A_76, %swap3A_273, %swap3A_274] : memref<2x128x128xf32, #tpu.memory_space<vmem>> -> memref<1x128x128xf32, #tpu.memory_space<vmem>>
          %swap3A_276 = tpu.memref_squeeze %swap3A_275 : memref<1x128x128xf32, #tpu.memory_space<vmem>> -> memref<128x128xf32, #tpu.memory_space<vmem>>
          %swap3A_277 = arith.index_cast %add3A_101 : i32 to index
          %swap3A_278 = arith.constant 96 : index
          %swap3A_279 = tpu.vector_load %swap3A_276[%swap3A_277, %swap3A_278] {strides = array<i32>} : memref<128x128xf32, #tpu.memory_space<vmem>>, vector<1x16xf32>,
          %swap3A_280 = vector.shape_cast %swap3A_279 : vector<1x16xf32> to vector<1x16xf32>
          %swap3A_281 = vector.shape_cast %add3A_272 : vector<1x16xf32> to vector<1x16xf32>
          tpu.vector_store %swap3A_276[%swap3A_277, %swap3A_278], %swap3A_281 {strides = array<i32>} : memref<128x128xf32, #tpu.memory_space<vmem>>, vector<1x16xf32>,
          %get3A_282 = arith.constant 0 : i32
          %get3A_283 = arith.constant 0 : i32
          %get3A_284 = tpu.memref_slice %arg9[%scan3A_74, %get3A_282, %get3A_283] : memref<2x128x128xf32, #tpu.memory_space<vmem>> -> memref<1x128x128xf32, #tpu.memory_space<vmem>>
          %get3A_285 = tpu.memref_squeeze %get3A_284 : memref<1x128x128xf32, #tpu.memory_space<vmem>> -> memref<128x128xf32, #tpu.memory_space<vmem>>
          %get3A_286 = arith.index_cast %add3A_101 : i32 to index
          %get3A_287 = arith.constant 112 : index
          %get3A_288 = tpu.vector_load %get3A_285[%get3A_286, %get3A_287] {strides = array<i32>} : memref<128x128xf32, #tpu.memory_space<vmem>>, vector<1x16xf32>,
          %get3A_289 = vector.shape_cast %get3A_288 : vector<1x16xf32> to vector<1x16xf32>
          %get3A_290 = arith.constant 0 : i32
          %get3A_291 = arith.constant 0 : i32
          %get3A_292 = tpu.memref_slice %arg10[%scan3A_75, %get3A_290, %get3A_291] : memref<2x128x128xf32, #tpu.memory_space<vmem>> -> memref<1x128x128xf32, #tpu.memory_space<vmem>>
          %get3A_293 = tpu.memref_squeeze %get3A_292 : memref<1x128x128xf32, #tpu.memory_space<vmem>> -> memref<128x128xf32, #tpu.memory_space<vmem>>
          %get3A_294 = arith.index_cast %add3A_101 : i32 to index
          %get3A_295 = arith.constant 112 : index
          %get3A_296 = tpu.vector_load %get3A_293[%get3A_294, %get3A_295] {strides = array<i32>} : memref<128x128xf32, #tpu.memory_space<vmem>>, vector<1x16xf32>,
          %get3A_297 = vector.shape_cast %get3A_296 : vector<1x16xf32> to vector<1x16xf32>
          %add3A_298 = arith.addf %get3A_289, %get3A_297 : vector<1x16xf32>
          %swap3A_299 = arith.constant 0 : i32
          %swap3A_300 = arith.constant 0 : i32
          %swap3A_301 = tpu.memref_slice %arg11[%scan3A_76, %swap3A_299, %swap3A_300] : memref<2x128x128xf32, #tpu.memory_space<vmem>> -> memref<1x128x128xf32, #tpu.memory_space<vmem>>
          %swap3A_302 = tpu.memref_squeeze %swap3A_301 : memref<1x128x128xf32, #tpu.memory_space<vmem>> -> memref<128x128xf32, #tpu.memory_space<vmem>>
          %swap3A_303 = arith.index_cast %add3A_101 : i32 to index
          %swap3A_304 = arith.constant 112 : index
          %swap3A_305 = tpu.vector_load %swap3A_302[%swap3A_303, %swap3A_304] {strides = array<i32>} : memref<128x128xf32, #tpu.memory_space<vmem>>, vector<1x16xf32>,
          %swap3A_306 = vector.shape_cast %swap3A_305 : vector<1x16xf32> to vector<1x16xf32>
          %swap3A_307 = vector.shape_cast %add3A_298 : vector<1x16xf32> to vector<1x16xf32>
          tpu.vector_store %swap3A_302[%swap3A_303, %swap3A_304], %swap3A_307 {strides = array<i32>} : memref<128x128xf32, #tpu.memory_space<vmem>>, vector<1x16xf32>,
        }
        %scan3A_81 = arith.constant 128 : i32
        %add3A_82 = arith.addi %mul3A_2, %mul3A_28 : i32
        %mul3A_83 = arith.constant 128 : i32
        %mul3A_84 = arith.muli %add3A_82, %mul3A_83 : i32
        %dma_start3A = arith.constant 0 : i32
        %dma_start3A_85 = arith.constant 0 : i32
        %dma_start3A_86 = arith.constant 0 : i32
        %dma_start3A_87 = tpu.memref_slice %arg11[%dma_start3A, %dma_start3A_85, %dma_start3A_86] : memref<2x128x128xf32, #tpu.memory_space<vmem>> -> memref<1x128x128xf32, #tpu.memory_space<vmem>>
        %dma_start3A_88 = tpu.memref_squeeze %dma_start3A_87 : memref<1x128x128xf32, #tpu.memory_space<vmem>> -> memref<128x128xf32, #tpu.memory_space<vmem>>
        %dma_start3A_89 = arith.constant 0 : i32
        %dma_start3A_90 = tpu.memref_slice %arg6[%mul3A_84, %dma_start3A_89] : memref<131072x128xf32, #tpu.memory_space<hbm>> -> memref<128x128xf32, #tpu.memory_space<hbm>>
        %dma_start3A_91 = arith.constant 0 : i32
        %dma_start3A_92 = tpu.memref_slice %arg6[%mul3A_84, %dma_start3A_91] : memref<131072x128xf32, #tpu.memory_space<hbm>> -> memref<128x128xf32, #tpu.memory_space<hbm>>
        %dma_start3A_93 = arith.constant 0 : i32
        %dma_start3A_94 = arith.constant 0 : i32
        %dma_start3A_95 = tpu.memref_slice %arg11[%dma_start3A, %dma_start3A_93, %dma_start3A_94] : memref<2x128x128xf32, #tpu.memory_space<vmem>> -> memref<1x128x128xf32, #tpu.memory_space<vmem>>
        %dma_start3A_96 = tpu.memref_squeeze %dma_start3A_95 : memref<1x128x128xf32, #tpu.memory_space<vmem>> -> memref<128x128xf32, #tpu.memory_space<vmem>>
        tpu.enqueue_dma source(%dma_start3A_96 : memref<128x128xf32, #tpu.memory_space<vmem>>) target(%dma_start3A_92 : memref<128x128xf32, #tpu.memory_space<hbm>>) target_semaphore(%arg14 : memref<!tpu.dma_semaphore, #tpu.memory_space<semaphore_mem>>)
      } else {
      }
      %add3A_38 = arith.constant 2 : i32
      %add3A_39 = arith.addi %mul3A_28, %add3A_38 : i32
      %lt3A_40 = arith.cmpi slt, %add3A_39, %max3A_5 : i32
      %convert_element_type3A_41 = arith.extui %lt3A_40 : i1 to i32
      %cond3A_42 = arith.constant 0 : i32
      %cond3A_43 = arith.cmpi ne, %convert_element_type3A_41, %cond3A_42 : i32
      scf.if %cond3A_43 {
        %add3A_48 = arith.constant 2 : i32
        %add3A_49 = arith.addi %mul3A_28, %add3A_48 : i32
        %dma_start3A = arith.constant 0 : i32
        %dma_start3A_50 = arith.constant 0 : i32
        %dma_start3A_51 = arith.constant 0 : i32
        %dma_start3A_52 = tpu.memref_slice %arg9[%dma_start3A, %dma_start3A_50, %dma_start3A_51] : memref<2x128x128xf32, #tpu.memory_space<vmem>> -> memref<1x128x128xf32, #tpu.memory_space<vmem>>
        %dma_start3A_53 = tpu.memref_squeeze %dma_start3A_52 : memref<1x128x128xf32, #tpu.memory_space<vmem>> -> memref<128x128xf32, #tpu.memory_space<vmem>>
        %dma_start3A_54 = arith.constant 0 : i32
        %dma_start3A_55 = tpu.memref_slice %arg7[%add3A_49, %dma_start3A_54] : memref<32x128xi32, #tpu.memory_space<vmem>> -> memref<1x128xi32, #tpu.memory_space<vmem>>
        %dma_start3A_56 = tpu.memref_squeeze %dma_start3A_55 : memref<1x128xi32, #tpu.memory_space<vmem>> -> memref<128xi32, #tpu.memory_space<vmem>>
        %dma_start3A_57 = arith.constant 0 : i32
        %dma_start3A_58 = arith.constant 0 : i32
        %dma_start3A_59 = tpu.memref_slice %arg2[%dma_start3A_57, %dma_start3A_58] : memref<10000x128xf32, #tpu.memory_space<hbm>> -> memref<10000x128xf32, #tpu.memory_space<hbm>>
        tpu.enqueue_indirect_dma source(%dma_start3A_59 : memref<10000x128xf32, #tpu.memory_space<hbm>>) target(%dma_start3A_53 : memref<128x128xf32, #tpu.memory_space<vmem>>) offsets(%dma_start3A_56 : memref<128xi32, #tpu.memory_space<vmem>>) semaphore(%arg12 : memref<!tpu.dma_semaphore, #tpu.memory_space<semaphore_mem>>)
        %dma_start3A_60 = arith.constant 0 : i32
        %dma_start3A_61 = arith.constant 0 : i32
        %dma_start3A_62 = arith.constant 0 : i32
        %dma_start3A_63 = tpu.memref_slice %arg10[%dma_start3A_60, %dma_start3A_61, %dma_start3A_62] : memref<2x128x128xf32, #tpu.memory_space<vmem>> -> memref<1x128x128xf32, #tpu.memory_space<vmem>>
        %dma_start3A_64 = tpu.memref_squeeze %dma_start3A_63 : memref<1x128x128xf32, #tpu.memory_space<vmem>> -> memref<128x128xf32, #tpu.memory_space<vmem>>
        %dma_start3A_65 = arith.constant 0 : i32
        %dma_start3A_66 = tpu.memref_slice %arg8[%add3A_49, %dma_start3A_65] : memref<32x128xi32, #tpu.memory_space<vmem>> -> memref<1x128xi32, #tpu.memory_space<vmem>>
        %dma_start3A_67 = tpu.memref_squeeze %dma_start3A_66 : memref<1x128xi32, #tpu.memory_space<vmem>> -> memref<128xi32, #tpu.memory_space<vmem>>
        %dma_start3A_68 = arith.constant 0 : i32
        %dma_start3A_69 = arith.constant 0 : i32
        %dma_start3A_70 = tpu.memref_slice %arg3[%dma_start3A_68, %dma_start3A_69] : memref<10000x128xf32, #tpu.memory_space<hbm>> -> memref<10000x128xf32, #tpu.memory_space<hbm>>
        tpu.enqueue_indirect_dma source(%dma_start3A_70 : memref<10000x128xf32, #tpu.memory_space<hbm>>) target(%dma_start3A_64 : memref<128x128xf32, #tpu.memory_space<vmem>>) offsets(%dma_start3A_67 : memref<128xi32, #tpu.memory_space<vmem>>) semaphore(%arg12 : memref<!tpu.dma_semaphore, #tpu.memory_space<semaphore_mem>>)
      } else {
      }
      %lt3A_44 = arith.cmpi slt, %add3A_30, %max3A_5 : i32
      %convert_element_type3A_45 = arith.extui %lt3A_44 : i1 to i32
      %cond3A_46 = arith.constant 0 : i32
      %cond3A_47 = arith.cmpi ne, %convert_element_type3A_45, %cond3A_46 : i32
      scf.if %cond3A_47 {
        %dma_wait3A = arith.constant 1 : i32
        %dma_wait3A_48 = arith.constant 0 : i32
        %dma_wait3A_49 = arith.constant 0 : i32
        %dma_wait3A_50 = tpu.memref_slice %arg9[%dma_wait3A, %dma_wait3A_48, %dma_wait3A_49] : memref<2x128x128xf32, #tpu.memory_space<vmem>> -> memref<1x128x128xf32, #tpu.memory_space<vmem>>
        %dma_wait3A_51 = tpu.memref_squeeze %dma_wait3A_50 : memref<1x128x128xf32, #tpu.memory_space<vmem>> -> memref<128x128xf32, #tpu.memory_space<vmem>>
        %dma_wait3A_52 = arith.constant 0 : i32
        %dma_wait3A_53 = tpu.memref_slice %arg7[%add3A_30, %dma_wait3A_52] : memref<32x128xi32, #tpu.memory_space<vmem>> -> memref<1x128xi32, #tpu.memory_space<vmem>>
        %dma_wait3A_54 = tpu.memref_squeeze %dma_wait3A_53 : memref<1x128xi32, #tpu.memory_space<vmem>> -> memref<128xi32, #tpu.memory_space<vmem>>
        %dma_wait3A_55 = arith.constant 0 : i32
        %dma_wait3A_56 = arith.constant 0 : i32
        %dma_wait3A_57 = tpu.memref_slice %arg2[%dma_wait3A_55, %dma_wait3A_56] : memref<10000x128xf32, #tpu.memory_space<hbm>> -> memref<10000x128xf32, #tpu.memory_space<hbm>>
        tpu.wait_indirect_dma semaphore(%arg13 : memref<!tpu.dma_semaphore, #tpu.memory_space<semaphore_mem>>) src(%dma_wait3A_57 : memref<10000x128xf32, #tpu.memory_space<hbm>>) dst(%dma_wait3A_51 : memref<128x128xf32, #tpu.memory_space<vmem>>)
        %dma_wait3A_58 = arith.constant 1 : i32
        %dma_wait3A_59 = arith.constant 0 : i32
        %dma_wait3A_60 = arith.constant 0 : i32
        %dma_wait3A_61 = tpu.memref_slice %arg10[%dma_wait3A_58, %dma_wait3A_59, %dma_wait3A_60] : memref<2x128x128xf32, #tpu.memory_space<vmem>> -> memref<1x128x128xf32, #tpu.memory_space<vmem>>
        %dma_wait3A_62 = tpu.memref_squeeze %dma_wait3A_61 : memref<1x128x128xf32, #tpu.memory_space<vmem>> -> memref<128x128xf32, #tpu.memory_space<vmem>>
        %dma_wait3A_63 = arith.constant 0 : i32
        %dma_wait3A_64 = tpu.memref_slice %arg8[%add3A_30, %dma_wait3A_63] : memref<32x128xi32, #tpu.memory_space<vmem>> -> memref<1x128xi32, #tpu.memory_space<vmem>>
        %dma_wait3A_65 = tpu.memref_squeeze %dma_wait3A_64 : memref<1x128xi32, #tpu.memory_space<vmem>> -> memref<128xi32, #tpu.memory_space<vmem>>
        %dma_wait3A_66 = arith.constant 0 : i32
        %dma_wait3A_67 = arith.constant 0 : i32
        %dma_wait3A_68 = tpu.memref_slice %arg3[%dma_wait3A_66, %dma_wait3A_67] : memref<10000x128xf32, #tpu.memory_space<hbm>> -> memref<10000x128xf32, #tpu.memory_space<hbm>>
        tpu.wait_indirect_dma semaphore(%arg13 : memref<!tpu.dma_semaphore, #tpu.memory_space<semaphore_mem>>) src(%dma_wait3A_68 : memref<10000x128xf32, #tpu.memory_space<hbm>>) dst(%dma_wait3A_62 : memref<128x128xf32, #tpu.memory_space<vmem>>)
        %gt3A_69 = arith.constant 0 : i32
        %gt3A_70 = arith.cmpi sgt, %add3A_26, %gt3A_69 : i32
        %convert_element_type3A_71 = arith.extui %gt3A_70 : i1 to i32
        %cond3A_72 = arith.constant 0 : i32
        %cond3A_73 = arith.cmpi ne, %convert_element_type3A_71, %cond3A_72 : i32
        scf.if %cond3A_73 {
          %sub3A_97 = arith.constant 2 : i32
          %sub3A_98 = arith.subi %add3A_30, %sub3A_97 : i32
          %add3A_99 = arith.addi %mul3A_2, %sub3A_98 : i32
          %mul3A_100 = arith.constant 128 : i32
          %mul3A_101 = arith.muli %add3A_99, %mul3A_100 : i32
          %dma_wait3A_102 = arith.constant 1 : i32
          %dma_wait3A_103 = arith.constant 0 : i32
          %dma_wait3A_104 = arith.constant 0 : i32
          %dma_wait3A_105 = tpu.memref_slice %arg11[%dma_wait3A_102, %dma_wait3A_103, %dma_wait3A_104] : memref<2x128x128xf32, #tpu.memory_space<vmem>> -> memref<1x128x128xf32, #tpu.memory_space<vmem>>
          %dma_wait3A_106 = tpu.memref_squeeze %dma_wait3A_105 : memref<1x128x128xf32, #tpu.memory_space<vmem>> -> memref<128x128xf32, #tpu.memory_space<vmem>>
          %dma_wait3A_107 = arith.constant 0 : i32
          %dma_wait3A_108 = tpu.memref_slice %arg6[%mul3A_101, %dma_wait3A_107] : memref<131072x128xf32, #tpu.memory_space<hbm>> -> memref<128x128xf32, #tpu.memory_space<hbm>>
          %dma_wait3A_109 = arith.constant 0 : i32
          %dma_wait3A_110 = tpu.memref_slice %arg6[%mul3A_101, %dma_wait3A_109] : memref<131072x128xf32, #tpu.memory_space<hbm>> -> memref<128x128xf32, #tpu.memory_space<hbm>>
          %dma_wait3A_111 = arith.constant 0 : i32
          %dma_wait3A_112 = arith.constant 0 : i32
          %dma_wait3A_113 = tpu.memref_slice %arg11[%dma_wait3A_102, %dma_wait3A_111, %dma_wait3A_112] : memref<2x128x128xf32, #tpu.memory_space<vmem>> -> memref<1x128x128xf32, #tpu.memory_space<vmem>>
          %dma_wait3A_114 = tpu.memref_squeeze %dma_wait3A_113 : memref<1x128x128xf32, #tpu.memory_space<vmem>> -> memref<128x128xf32, #tpu.memory_space<vmem>>
          tpu.wait_dma2 semaphore(%arg15 : memref<!tpu.dma_semaphore, #tpu.memory_space<semaphore_mem>>) src(%dma_wait3A_114 : memref<128x128xf32, #tpu.memory_space<vmem>>) dst(%dma_wait3A_110 : memref<128x128xf32, #tpu.memory_space<hbm>>)
        } else {
        }
        %scan3A_74 = arith.constant 1 : i32
        %scan3A_75 = arith.constant 1 : i32
        %scan3A_76 = arith.constant 1 : i32
        %scan3A_77 = arith.constant 0 : i32
        %scan3A_78 = arith.constant 128 : i32
        %scan3A_79 = arith.addi %scan3A_77, %scan3A_78 : i32
        %scan3A_80 = arith.constant 1 : i32
        scf.for %scan3A_97 = %scan3A_77 to %scan3A_79 step %scan3A_80  : i32 {
          %mul3A_98 = arith.constant 1 : i32
          %mul3A_99 = arith.muli %scan3A_97, %mul3A_98 : i32
          %add3A_100 = arith.constant 0 : i32
          %add3A_101 = arith.addi %add3A_100, %mul3A_99 : i32
          %get3A = arith.constant 0 : i32
          %get3A_102 = arith.constant 0 : i32
          %get3A_103 = tpu.memref_slice %arg9[%scan3A_74, %get3A, %get3A_102] : memref<2x128x128xf32, #tpu.memory_space<vmem>> -> memref<1x128x128xf32, #tpu.memory_space<vmem>>
          %get3A_104 = tpu.memref_squeeze %get3A_103 : memref<1x128x128xf32, #tpu.memory_space<vmem>> -> memref<128x128xf32, #tpu.memory_space<vmem>>
          %get3A_105 = arith.index_cast %add3A_101 : i32 to index
          %get3A_106 = arith.constant 0 : index
          %get3A_107 = tpu.vector_load %get3A_104[%get3A_105, %get3A_106] {strides = array<i32>} : memref<128x128xf32, #tpu.memory_space<vmem>>, vector<1x16xf32>,
          %get3A_108 = vector.shape_cast %get3A_107 : vector<1x16xf32> to vector<1x16xf32>
          %get3A_109 = arith.constant 0 : i32
          %get3A_110 = arith.constant 0 : i32
          %get3A_111 = tpu.memref_slice %arg10[%scan3A_75, %get3A_109, %get3A_110] : memref<2x128x128xf32, #tpu.memory_space<vmem>> -> memref<1x128x128xf32, #tpu.memory_space<vmem>>
          %get3A_112 = tpu.memref_squeeze %get3A_111 : memref<1x128x128xf32, #tpu.memory_space<vmem>> -> memref<128x128xf32, #tpu.memory_space<vmem>>
          %get3A_113 = arith.index_cast %add3A_101 : i32 to index
          %get3A_114 = arith.constant 0 : index
          %get3A_115 = tpu.vector_load %get3A_112[%get3A_113, %get3A_114] {strides = array<i32>} : memref<128x128xf32, #tpu.memory_space<vmem>>, vector<1x16xf32>,
          %get3A_116 = vector.shape_cast %get3A_115 : vector<1x16xf32> to vector<1x16xf32>
          %add3A_117 = arith.addf %get3A_108, %get3A_116 : vector<1x16xf32>
          %swap3A = arith.constant 0 : i32
          %swap3A_118 = arith.constant 0 : i32
          %swap3A_119 = tpu.memref_slice %arg11[%scan3A_76, %swap3A, %swap3A_118] : memref<2x128x128xf32, #tpu.memory_space<vmem>> -> memref<1x128x128xf32, #tpu.memory_space<vmem>>
          %swap3A_120 = tpu.memref_squeeze %swap3A_119 : memref<1x128x128xf32, #tpu.memory_space<vmem>> -> memref<128x128xf32, #tpu.memory_space<vmem>>
          %swap3A_121 = arith.index_cast %add3A_101 : i32 to index
          %swap3A_122 = arith.constant 0 : index
          %swap3A_123 = tpu.vector_load %swap3A_120[%swap3A_121, %swap3A_122] {strides = array<i32>} : memref<128x128xf32, #tpu.memory_space<vmem>>, vector<1x16xf32>,
          %swap3A_124 = vector.shape_cast %swap3A_123 : vector<1x16xf32> to vector<1x16xf32>
          %swap3A_125 = vector.shape_cast %add3A_117 : vector<1x16xf32> to vector<1x16xf32>
          tpu.vector_store %swap3A_120[%swap3A_121, %swap3A_122], %swap3A_125 {strides = array<i32>} : memref<128x128xf32, #tpu.memory_space<vmem>>, vector<1x16xf32>,
          %get3A_126 = arith.constant 0 : i32
          %get3A_127 = arith.constant 0 : i32
          %get3A_128 = tpu.memref_slice %arg9[%scan3A_74, %get3A_126, %get3A_127] : memref<2x128x128xf32, #tpu.memory_space<vmem>> -> memref<1x128x128xf32, #tpu.memory_space<vmem>>
          %get3A_129 = tpu.memref_squeeze %get3A_128 : memref<1x128x128xf32, #tpu.memory_space<vmem>> -> memref<128x128xf32, #tpu.memory_space<vmem>>
          %get3A_130 = arith.index_cast %add3A_101 : i32 to index
          %get3A_131 = arith.constant 16 : index
          %get3A_132 = tpu.vector_load %get3A_129[%get3A_130, %get3A_131] {strides = array<i32>} : memref<128x128xf32, #tpu.memory_space<vmem>>, vector<1x16xf32>,
          %get3A_133 = vector.shape_cast %get3A_132 : vector<1x16xf32> to vector<1x16xf32>
          %get3A_134 = arith.constant 0 : i32
          %get3A_135 = arith.constant 0 : i32
          %get3A_136 = tpu.memref_slice %arg10[%scan3A_75, %get3A_134, %get3A_135] : memref<2x128x128xf32, #tpu.memory_space<vmem>> -> memref<1x128x128xf32, #tpu.memory_space<vmem>>
          %get3A_137 = tpu.memref_squeeze %get3A_136 : memref<1x128x128xf32, #tpu.memory_space<vmem>> -> memref<128x128xf32, #tpu.memory_space<vmem>>
          %get3A_138 = arith.index_cast %add3A_101 : i32 to index
          %get3A_139 = arith.constant 16 : index
          %get3A_140 = tpu.vector_load %get3A_137[%get3A_138, %get3A_139] {strides = array<i32>} : memref<128x128xf32, #tpu.memory_space<vmem>>, vector<1x16xf32>,
          %get3A_141 = vector.shape_cast %get3A_140 : vector<1x16xf32> to vector<1x16xf32>
          %add3A_142 = arith.addf %get3A_133, %get3A_141 : vector<1x16xf32>
          %swap3A_143 = arith.constant 0 : i32
          %swap3A_144 = arith.constant 0 : i32
          %swap3A_145 = tpu.memref_slice %arg11[%scan3A_76, %swap3A_143, %swap3A_144] : memref<2x128x128xf32, #tpu.memory_space<vmem>> -> memref<1x128x128xf32, #tpu.memory_space<vmem>>
          %swap3A_146 = tpu.memref_squeeze %swap3A_145 : memref<1x128x128xf32, #tpu.memory_space<vmem>> -> memref<128x128xf32, #tpu.memory_space<vmem>>
          %swap3A_147 = arith.index_cast %add3A_101 : i32 to index
          %swap3A_148 = arith.constant 16 : index
          %swap3A_149 = tpu.vector_load %swap3A_146[%swap3A_147, %swap3A_148] {strides = array<i32>} : memref<128x128xf32, #tpu.memory_space<vmem>>, vector<1x16xf32>,
          %swap3A_150 = vector.shape_cast %swap3A_149 : vector<1x16xf32> to vector<1x16xf32>
          %swap3A_151 = vector.shape_cast %add3A_142 : vector<1x16xf32> to vector<1x16xf32>
          tpu.vector_store %swap3A_146[%swap3A_147, %swap3A_148], %swap3A_151 {strides = array<i32>} : memref<128x128xf32, #tpu.memory_space<vmem>>, vector<1x16xf32>,
          %get3A_152 = arith.constant 0 : i32
          %get3A_153 = arith.constant 0 : i32
          %get3A_154 = tpu.memref_slice %arg9[%scan3A_74, %get3A_152, %get3A_153] : memref<2x128x128xf32, #tpu.memory_space<vmem>> -> memref<1x128x128xf32, #tpu.memory_space<vmem>>
          %get3A_155 = tpu.memref_squeeze %get3A_154 : memref<1x128x128xf32, #tpu.memory_space<vmem>> -> memref<128x128xf32, #tpu.memory_space<vmem>>
          %get3A_156 = arith.index_cast %add3A_101 : i32 to index
          %get3A_157 = arith.constant 32 : index
          %get3A_158 = tpu.vector_load %get3A_155[%get3A_156, %get3A_157] {strides = array<i32>} : memref<128x128xf32, #tpu.memory_space<vmem>>, vector<1x16xf32>,
          %get3A_159 = vector.shape_cast %get3A_158 : vector<1x16xf32> to vector<1x16xf32>
          %get3A_160 = arith.constant 0 : i32
          %get3A_161 = arith.constant 0 : i32
          %get3A_162 = tpu.memref_slice %arg10[%scan3A_75, %get3A_160, %get3A_161] : memref<2x128x128xf32, #tpu.memory_space<vmem>> -> memref<1x128x128xf32, #tpu.memory_space<vmem>>
          %get3A_163 = tpu.memref_squeeze %get3A_162 : memref<1x128x128xf32, #tpu.memory_space<vmem>> -> memref<128x128xf32, #tpu.memory_space<vmem>>
          %get3A_164 = arith.index_cast %add3A_101 : i32 to index
          %get3A_165 = arith.constant 32 : index
          %get3A_166 = tpu.vector_load %get3A_163[%get3A_164, %get3A_165] {strides = array<i32>} : memref<128x128xf32, #tpu.memory_space<vmem>>, vector<1x16xf32>,
          %get3A_167 = vector.shape_cast %get3A_166 : vector<1x16xf32> to vector<1x16xf32>
          %add3A_168 = arith.addf %get3A_159, %get3A_167 : vector<1x16xf32>
          %swap3A_169 = arith.constant 0 : i32
          %swap3A_170 = arith.constant 0 : i32
          %swap3A_171 = tpu.memref_slice %arg11[%scan3A_76, %swap3A_169, %swap3A_170] : memref<2x128x128xf32, #tpu.memory_space<vmem>> -> memref<1x128x128xf32, #tpu.memory_space<vmem>>
          %swap3A_172 = tpu.memref_squeeze %swap3A_171 : memref<1x128x128xf32, #tpu.memory_space<vmem>> -> memref<128x128xf32, #tpu.memory_space<vmem>>
          %swap3A_173 = arith.index_cast %add3A_101 : i32 to index
          %swap3A_174 = arith.constant 32 : index
          %swap3A_175 = tpu.vector_load %swap3A_172[%swap3A_173, %swap3A_174] {strides = array<i32>} : memref<128x128xf32, #tpu.memory_space<vmem>>, vector<1x16xf32>,
          %swap3A_176 = vector.shape_cast %swap3A_175 : vector<1x16xf32> to vector<1x16xf32>
          %swap3A_177 = vector.shape_cast %add3A_168 : vector<1x16xf32> to vector<1x16xf32>
          tpu.vector_store %swap3A_172[%swap3A_173, %swap3A_174], %swap3A_177 {strides = array<i32>} : memref<128x128xf32, #tpu.memory_space<vmem>>, vector<1x16xf32>,
          %get3A_178 = arith.constant 0 : i32
          %get3A_179 = arith.constant 0 : i32
          %get3A_180 = tpu.memref_slice %arg9[%scan3A_74, %get3A_178, %get3A_179] : memref<2x128x128xf32, #tpu.memory_space<vmem>> -> memref<1x128x128xf32, #tpu.memory_space<vmem>>
          %get3A_181 = tpu.memref_squeeze %get3A_180 : memref<1x128x128xf32, #tpu.memory_space<vmem>> -> memref<128x128xf32, #tpu.memory_space<vmem>>
          %get3A_182 = arith.index_cast %add3A_101 : i32 to index
          %get3A_183 = arith.constant 48 : index
          %get3A_184 = tpu.vector_load %get3A_181[%get3A_182, %get3A_183] {strides = array<i32>} : memref<128x128xf32, #tpu.memory_space<vmem>>, vector<1x16xf32>,
          %get3A_185 = vector.shape_cast %get3A_184 : vector<1x16xf32> to vector<1x16xf32>
          %get3A_186 = arith.constant 0 : i32
          %get3A_187 = arith.constant 0 : i32
          %get3A_188 = tpu.memref_slice %arg10[%scan3A_75, %get3A_186, %get3A_187] : memref<2x128x128xf32, #tpu.memory_space<vmem>> -> memref<1x128x128xf32, #tpu.memory_space<vmem>>
          %get3A_189 = tpu.memref_squeeze %get3A_188 : memref<1x128x128xf32, #tpu.memory_space<vmem>> -> memref<128x128xf32, #tpu.memory_space<vmem>>
          %get3A_190 = arith.index_cast %add3A_101 : i32 to index
          %get3A_191 = arith.constant 48 : index
          %get3A_192 = tpu.vector_load %get3A_189[%get3A_190, %get3A_191] {strides = array<i32>} : memref<128x128xf32, #tpu.memory_space<vmem>>, vector<1x16xf32>,
          %get3A_193 = vector.shape_cast %get3A_192 : vector<1x16xf32> to vector<1x16xf32>
          %add3A_194 = arith.addf %get3A_185, %get3A_193 : vector<1x16xf32>
          %swap3A_195 = arith.constant 0 : i32
          %swap3A_196 = arith.constant 0 : i32
          %swap3A_197 = tpu.memref_slice %arg11[%scan3A_76, %swap3A_195, %swap3A_196] : memref<2x128x128xf32, #tpu.memory_space<vmem>> -> memref<1x128x128xf32, #tpu.memory_space<vmem>>
          %swap3A_198 = tpu.memref_squeeze %swap3A_197 : memref<1x128x128xf32, #tpu.memory_space<vmem>> -> memref<128x128xf32, #tpu.memory_space<vmem>>
          %swap3A_199 = arith.index_cast %add3A_101 : i32 to index
          %swap3A_200 = arith.constant 48 : index
          %swap3A_201 = tpu.vector_load %swap3A_198[%swap3A_199, %swap3A_200] {strides = array<i32>} : memref<128x128xf32, #tpu.memory_space<vmem>>, vector<1x16xf32>,
          %swap3A_202 = vector.shape_cast %swap3A_201 : vector<1x16xf32> to vector<1x16xf32>
          %swap3A_203 = vector.shape_cast %add3A_194 : vector<1x16xf32> to vector<1x16xf32>
          tpu.vector_store %swap3A_198[%swap3A_199, %swap3A_200], %swap3A_203 {strides = array<i32>} : memref<128x128xf32, #tpu.memory_space<vmem>>, vector<1x16xf32>,
          %get3A_204 = arith.constant 0 : i32
          %get3A_205 = arith.constant 0 : i32
          %get3A_206 = tpu.memref_slice %arg9[%scan3A_74, %get3A_204, %get3A_205] : memref<2x128x128xf32, #tpu.memory_space<vmem>> -> memref<1x128x128xf32, #tpu.memory_space<vmem>>
          %get3A_207 = tpu.memref_squeeze %get3A_206 : memref<1x128x128xf32, #tpu.memory_space<vmem>> -> memref<128x128xf32, #tpu.memory_space<vmem>>
          %get3A_208 = arith.index_cast %add3A_101 : i32 to index
          %get3A_209 = arith.constant 64 : index
          %get3A_210 = tpu.vector_load %get3A_207[%get3A_208, %get3A_209] {strides = array<i32>} : memref<128x128xf32, #tpu.memory_space<vmem>>, vector<1x16xf32>,
          %get3A_211 = vector.shape_cast %get3A_210 : vector<1x16xf32> to vector<1x16xf32>
          %get3A_212 = arith.constant 0 : i32
          %get3A_213 = arith.constant 0 : i32
          %get3A_214 = tpu.memref_slice %arg10[%scan3A_75, %get3A_212, %get3A_213] : memref<2x128x128xf32, #tpu.memory_space<vmem>> -> memref<1x128x128xf32, #tpu.memory_space<vmem>>
          %get3A_215 = tpu.memref_squeeze %get3A_214 : memref<1x128x128xf32, #tpu.memory_space<vmem>> -> memref<128x128xf32, #tpu.memory_space<vmem>>
          %get3A_216 = arith.index_cast %add3A_101 : i32 to index
          %get3A_217 = arith.constant 64 : index
          %get3A_218 = tpu.vector_load %get3A_215[%get3A_216, %get3A_217] {strides = array<i32>} : memref<128x128xf32, #tpu.memory_space<vmem>>, vector<1x16xf32>,
          %get3A_219 = vector.shape_cast %get3A_218 : vector<1x16xf32> to vector<1x16xf32>
          %add3A_220 = arith.addf %get3A_211, %get3A_219 : vector<1x16xf32>
          %swap3A_221 = arith.constant 0 : i32
          %swap3A_222 = arith.constant 0 : i32
          %swap3A_223 = tpu.memref_slice %arg11[%scan3A_76, %swap3A_221, %swap3A_222] : memref<2x128x128xf32, #tpu.memory_space<vmem>> -> memref<1x128x128xf32, #tpu.memory_space<vmem>>
          %swap3A_224 = tpu.memref_squeeze %swap3A_223 : memref<1x128x128xf32, #tpu.memory_space<vmem>> -> memref<128x128xf32, #tpu.memory_space<vmem>>
          %swap3A_225 = arith.index_cast %add3A_101 : i32 to index
          %swap3A_226 = arith.constant 64 : index
          %swap3A_227 = tpu.vector_load %swap3A_224[%swap3A_225, %swap3A_226] {strides = array<i32>} : memref<128x128xf32, #tpu.memory_space<vmem>>, vector<1x16xf32>,
          %swap3A_228 = vector.shape_cast %swap3A_227 : vector<1x16xf32> to vector<1x16xf32>
          %swap3A_229 = vector.shape_cast %add3A_220 : vector<1x16xf32> to vector<1x16xf32>
          tpu.vector_store %swap3A_224[%swap3A_225, %swap3A_226], %swap3A_229 {strides = array<i32>} : memref<128x128xf32, #tpu.memory_space<vmem>>, vector<1x16xf32>,
          %get3A_230 = arith.constant 0 : i32
          %get3A_231 = arith.constant 0 : i32
          %get3A_232 = tpu.memref_slice %arg9[%scan3A_74, %get3A_230, %get3A_231] : memref<2x128x128xf32, #tpu.memory_space<vmem>> -> memref<1x128x128xf32, #tpu.memory_space<vmem>>
          %get3A_233 = tpu.memref_squeeze %get3A_232 : memref<1x128x128xf32, #tpu.memory_space<vmem>> -> memref<128x128xf32, #tpu.memory_space<vmem>>
          %get3A_234 = arith.index_cast %add3A_101 : i32 to index
          %get3A_235 = arith.constant 80 : index
          %get3A_236 = tpu.vector_load %get3A_233[%get3A_234, %get3A_235] {strides = array<i32>} : memref<128x128xf32, #tpu.memory_space<vmem>>, vector<1x16xf32>,
          %get3A_237 = vector.shape_cast %get3A_236 : vector<1x16xf32> to vector<1x16xf32>
          %get3A_238 = arith.constant 0 : i32
          %get3A_239 = arith.constant 0 : i32
          %get3A_240 = tpu.memref_slice %arg10[%scan3A_75, %get3A_238, %get3A_239] : memref<2x128x128xf32, #tpu.memory_space<vmem>> -> memref<1x128x128xf32, #tpu.memory_space<vmem>>
          %get3A_241 = tpu.memref_squeeze %get3A_240 : memref<1x128x128xf32, #tpu.memory_space<vmem>> -> memref<128x128xf32, #tpu.memory_space<vmem>>
          %get3A_242 = arith.index_cast %add3A_101 : i32 to index
          %get3A_243 = arith.constant 80 : index
          %get3A_244 = tpu.vector_load %get3A_241[%get3A_242, %get3A_243] {strides = array<i32>} : memref<128x128xf32, #tpu.memory_space<vmem>>, vector<1x16xf32>,
          %get3A_245 = vector.shape_cast %get3A_244 : vector<1x16xf32> to vector<1x16xf32>
          %add3A_246 = arith.addf %get3A_237, %get3A_245 : vector<1x16xf32>
          %swap3A_247 = arith.constant 0 : i32
          %swap3A_248 = arith.constant 0 : i32
          %swap3A_249 = tpu.memref_slice %arg11[%scan3A_76, %swap3A_247, %swap3A_248] : memref<2x128x128xf32, #tpu.memory_space<vmem>> -> memref<1x128x128xf32, #tpu.memory_space<vmem>>
          %swap3A_250 = tpu.memref_squeeze %swap3A_249 : memref<1x128x128xf32, #tpu.memory_space<vmem>> -> memref<128x128xf32, #tpu.memory_space<vmem>>
          %swap3A_251 = arith.index_cast %add3A_101 : i32 to index
          %swap3A_252 = arith.constant 80 : index
          %swap3A_253 = tpu.vector_load %swap3A_250[%swap3A_251, %swap3A_252] {strides = array<i32>} : memref<128x128xf32, #tpu.memory_space<vmem>>, vector<1x16xf32>,
          %swap3A_254 = vector.shape_cast %swap3A_253 : vector<1x16xf32> to vector<1x16xf32>
          %swap3A_255 = vector.shape_cast %add3A_246 : vector<1x16xf32> to vector<1x16xf32>
          tpu.vector_store %swap3A_250[%swap3A_251, %swap3A_252], %swap3A_255 {strides = array<i32>} : memref<128x128xf32, #tpu.memory_space<vmem>>, vector<1x16xf32>,
          %get3A_256 = arith.constant 0 : i32
          %get3A_257 = arith.constant 0 : i32
          %get3A_258 = tpu.memref_slice %arg9[%scan3A_74, %get3A_256, %get3A_257] : memref<2x128x128xf32, #tpu.memory_space<vmem>> -> memref<1x128x128xf32, #tpu.memory_space<vmem>>
          %get3A_259 = tpu.memref_squeeze %get3A_258 : memref<1x128x128xf32, #tpu.memory_space<vmem>> -> memref<128x128xf32, #tpu.memory_space<vmem>>
          %get3A_260 = arith.index_cast %add3A_101 : i32 to index
          %get3A_261 = arith.constant 96 : index
          %get3A_262 = tpu.vector_load %get3A_259[%get3A_260, %get3A_261] {strides = array<i32>} : memref<128x128xf32, #tpu.memory_space<vmem>>, vector<1x16xf32>,
          %get3A_263 = vector.shape_cast %get3A_262 : vector<1x16xf32> to vector<1x16xf32>
          %get3A_264 = arith.constant 0 : i32
          %get3A_265 = arith.constant 0 : i32
          %get3A_266 = tpu.memref_slice %arg10[%scan3A_75, %get3A_264, %get3A_265] : memref<2x128x128xf32, #tpu.memory_space<vmem>> -> memref<1x128x128xf32, #tpu.memory_space<vmem>>
          %get3A_267 = tpu.memref_squeeze %get3A_266 : memref<1x128x128xf32, #tpu.memory_space<vmem>> -> memref<128x128xf32, #tpu.memory_space<vmem>>
          %get3A_268 = arith.index_cast %add3A_101 : i32 to index
          %get3A_269 = arith.constant 96 : index
          %get3A_270 = tpu.vector_load %get3A_267[%get3A_268, %get3A_269] {strides = array<i32>} : memref<128x128xf32, #tpu.memory_space<vmem>>, vector<1x16xf32>,
          %get3A_271 = vector.shape_cast %get3A_270 : vector<1x16xf32> to vector<1x16xf32>
          %add3A_272 = arith.addf %get3A_263, %get3A_271 : vector<1x16xf32>
          %swap3A_273 = arith.constant 0 : i32
          %swap3A_274 = arith.constant 0 : i32
          %swap3A_275 = tpu.memref_slice %arg11[%scan3A_76, %swap3A_273, %swap3A_274] : memref<2x128x128xf32, #tpu.memory_space<vmem>> -> memref<1x128x128xf32, #tpu.memory_space<vmem>>
          %swap3A_276 = tpu.memref_squeeze %swap3A_275 : memref<1x128x128xf32, #tpu.memory_space<vmem>> -> memref<128x128xf32, #tpu.memory_space<vmem>>
          %swap3A_277 = arith.index_cast %add3A_101 : i32 to index
          %swap3A_278 = arith.constant 96 : index
          %swap3A_279 = tpu.vector_load %swap3A_276[%swap3A_277, %swap3A_278] {strides = array<i32>} : memref<128x128xf32, #tpu.memory_space<vmem>>, vector<1x16xf32>,
          %swap3A_280 = vector.shape_cast %swap3A_279 : vector<1x16xf32> to vector<1x16xf32>
          %swap3A_281 = vector.shape_cast %add3A_272 : vector<1x16xf32> to vector<1x16xf32>
          tpu.vector_store %swap3A_276[%swap3A_277, %swap3A_278], %swap3A_281 {strides = array<i32>} : memref<128x128xf32, #tpu.memory_space<vmem>>, vector<1x16xf32>,
          %get3A_282 = arith.constant 0 : i32
          %get3A_283 = arith.constant 0 : i32
          %get3A_284 = tpu.memref_slice %arg9[%scan3A_74, %get3A_282, %get3A_283] : memref<2x128x128xf32, #tpu.memory_space<vmem>> -> memref<1x128x128xf32, #tpu.memory_space<vmem>>
          %get3A_285 = tpu.memref_squeeze %get3A_284 : memref<1x128x128xf32, #tpu.memory_space<vmem>> -> memref<128x128xf32, #tpu.memory_space<vmem>>
          %get3A_286 = arith.index_cast %add3A_101 : i32 to index
          %get3A_287 = arith.constant 112 : index
          %get3A_288 = tpu.vector_load %get3A_285[%get3A_286, %get3A_287] {strides = array<i32>} : memref<128x128xf32, #tpu.memory_space<vmem>>, vector<1x16xf32>,
          %get3A_289 = vector.shape_cast %get3A_288 : vector<1x16xf32> to vector<1x16xf32>
          %get3A_290 = arith.constant 0 : i32
          %get3A_291 = arith.constant 0 : i32
          %get3A_292 = tpu.memref_slice %arg10[%scan3A_75, %get3A_290, %get3A_291] : memref<2x128x128xf32, #tpu.memory_space<vmem>> -> memref<1x128x128xf32, #tpu.memory_space<vmem>>
          %get3A_293 = tpu.memref_squeeze %get3A_292 : memref<1x128x128xf32, #tpu.memory_space<vmem>> -> memref<128x128xf32, #tpu.memory_space<vmem>>
          %get3A_294 = arith.index_cast %add3A_101 : i32 to index
          %get3A_295 = arith.constant 112 : index
          %get3A_296 = tpu.vector_load %get3A_293[%get3A_294, %get3A_295] {strides = array<i32>} : memref<128x128xf32, #tpu.memory_space<vmem>>, vector<1x16xf32>,
          %get3A_297 = vector.shape_cast %get3A_296 : vector<1x16xf32> to vector<1x16xf32>
          %add3A_298 = arith.addf %get3A_289, %get3A_297 : vector<1x16xf32>
          %swap3A_299 = arith.constant 0 : i32
          %swap3A_300 = arith.constant 0 : i32
          %swap3A_301 = tpu.memref_slice %arg11[%scan3A_76, %swap3A_299, %swap3A_300] : memref<2x128x128xf32, #tpu.memory_space<vmem>> -> memref<1x128x128xf32, #tpu.memory_space<vmem>>
          %swap3A_302 = tpu.memref_squeeze %swap3A_301 : memref<1x128x128xf32, #tpu.memory_space<vmem>> -> memref<128x128xf32, #tpu.memory_space<vmem>>
          %swap3A_303 = arith.index_cast %add3A_101 : i32 to index
          %swap3A_304 = arith.constant 112 : index
          %swap3A_305 = tpu.vector_load %swap3A_302[%swap3A_303, %swap3A_304] {strides = array<i32>} : memref<128x128xf32, #tpu.memory_space<vmem>>, vector<1x16xf32>,
          %swap3A_306 = vector.shape_cast %swap3A_305 : vector<1x16xf32> to vector<1x16xf32>
          %swap3A_307 = vector.shape_cast %add3A_298 : vector<1x16xf32> to vector<1x16xf32>
          tpu.vector_store %swap3A_302[%swap3A_303, %swap3A_304], %swap3A_307 {strides = array<i32>} : memref<128x128xf32, #tpu.memory_space<vmem>>, vector<1x16xf32>,
        }
        %scan3A_81 = arith.constant 128 : i32
        %add3A_82 = arith.addi %mul3A_2, %add3A_30 : i32
        %mul3A_83 = arith.constant 128 : i32
        %mul3A_84 = arith.muli %add3A_82, %mul3A_83 : i32
        %dma_start3A = arith.constant 1 : i32
        %dma_start3A_85 = arith.constant 0 : i32
        %dma_start3A_86 = arith.constant 0 : i32
        %dma_start3A_87 = tpu.memref_slice %arg11[%dma_start3A, %dma_start3A_85, %dma_start3A_86] : memref<2x128x128xf32, #tpu.memory_space<vmem>> -> memref<1x128x128xf32, #tpu.memory_space<vmem>>
        %dma_start3A_88 = tpu.memref_squeeze %dma_start3A_87 : memref<1x128x128xf32, #tpu.memory_space<vmem>> -> memref<128x128xf32, #tpu.memory_space<vmem>>
        %dma_start3A_89 = arith.constant 0 : i32
        %dma_start3A_90 = tpu.memref_slice %arg6[%mul3A_84, %dma_start3A_89] : memref<131072x128xf32, #tpu.memory_space<hbm>> -> memref<128x128xf32, #tpu.memory_space<hbm>>
        %dma_start3A_91 = arith.constant 0 : i32
        %dma_start3A_92 = tpu.memref_slice %arg6[%mul3A_84, %dma_start3A_91] : memref<131072x128xf32, #tpu.memory_space<hbm>> -> memref<128x128xf32, #tpu.memory_space<hbm>>
        %dma_start3A_93 = arith.constant 0 : i32
        %dma_start3A_94 = arith.constant 0 : i32
        %dma_start3A_95 = tpu.memref_slice %arg11[%dma_start3A, %dma_start3A_93, %dma_start3A_94] : memref<2x128x128xf32, #tpu.memory_space<vmem>> -> memref<1x128x128xf32, #tpu.memory_space<vmem>>
        %dma_start3A_96 = tpu.memref_squeeze %dma_start3A_95 : memref<1x128x128xf32, #tpu.memory_space<vmem>> -> memref<128x128xf32, #tpu.memory_space<vmem>>
        tpu.enqueue_dma source(%dma_start3A_96 : memref<128x128xf32, #tpu.memory_space<vmem>>) target(%dma_start3A_92 : memref<128x128xf32, #tpu.memory_space<hbm>>) target_semaphore(%arg15 : memref<!tpu.dma_semaphore, #tpu.memory_space<semaphore_mem>>)
      } else {
      }
    }
    %scan3A_11 = arith.constant 16 : i32
    %gt3A_12 = arith.constant 0 : i32
    %gt3A_13 = arith.cmpi sgt, %max3A_5, %gt3A_12 : i32
    %convert_element_type3A_14 = arith.extui %gt3A_13 : i1 to i32
    %cond3A_15 = arith.constant 0 : i32
    %cond3A_16 = arith.cmpi ne, %convert_element_type3A_14, %cond3A_15 : i32
    scf.if %cond3A_16 {
      %sub3A_22 = arith.constant 1 : i32
      %sub3A_23 = arith.subi %max3A_5, %sub3A_22 : i32
      %add3A_24 = arith.constant 1 : i32
      %add3A_25 = arith.addi %max3A_5, %add3A_24 : i32
      %jit3A = arith.constant 2 : i32
      %eq3A = arith.constant 0 : i32
      %eq3A_26 = arith.cmpi eq, %jit3A, %eq3A : i32
      %jit3A_27 = arith.constant 1 : i32
      %select_n3A = arith.select %eq3A_26, %jit3A_27, %jit3A : i32
      %rem3A = arith.remsi %add3A_25, %select_n3A : i32
      %ne3A = arith.constant 0 : i32
      %ne3A_28 = arith.cmpi ne, %rem3A, %ne3A : i32
      %lt3A = arith.constant 0 : i32
      %lt3A_29 = arith.cmpi slt, %rem3A, %lt3A : i32
      %lt3A_30 = arith.constant 0 : i32
      %lt3A_31 = arith.cmpi slt, %select_n3A, %lt3A_30 : i32
      %ne3A_32 = arith.xori %lt3A_29, %lt3A_31 : i1
      %and3A = arith.andi %ne3A_32, %ne3A_28 : i1
      %add3A_33 = arith.addi %rem3A, %select_n3A : i32
      %select_n3A_34 = arith.select %and3A, %add3A_33, %rem3A : i32
      %sub3A_35 = arith.subi %sub3A_23, %select_n3A_34 : i32
      %add3A_36 = arith.addi %mul3A_2, %sub3A_35 : i32
      %mul3A_37 = arith.constant 128 : i32
      %mul3A_38 = arith.muli %add3A_36, %mul3A_37 : i32
      %dma_wait3A = arith.constant 0 : i32
      %dma_wait3A_39 = arith.constant 0 : i32
      %dma_wait3A_40 = arith.constant 0 : i32
      %dma_wait3A_41 = tpu.memref_slice %arg11[%dma_wait3A, %dma_wait3A_39, %dma_wait3A_40] : memref<2x128x128xf32, #tpu.memory_space<vmem>> -> memref<1x128x128xf32, #tpu.memory_space<vmem>>
      %dma_wait3A_42 = tpu.memref_squeeze %dma_wait3A_41 : memref<1x128x128xf32, #tpu.memory_space<vmem>> -> memref<128x128xf32, #tpu.memory_space<vmem>>
      %dma_wait3A_43 = arith.constant 0 : i32
      %dma_wait3A_44 = tpu.memref_slice %arg6[%mul3A_38, %dma_wait3A_43] : memref<131072x128xf32, #tpu.memory_space<hbm>> -> memref<128x128xf32, #tpu.memory_space<hbm>>
      %dma_wait3A_45 = arith.constant 0 : i32
      %dma_wait3A_46 = tpu.memref_slice %arg6[%mul3A_38, %dma_wait3A_45] : memref<131072x128xf32, #tpu.memory_space<hbm>> -> memref<128x128xf32, #tpu.memory_space<hbm>>
      %dma_wait3A_47 = arith.constant 0 : i32
      %dma_wait3A_48 = arith.constant 0 : i32
      %dma_wait3A_49 = tpu.memref_slice %arg11[%dma_wait3A, %dma_wait3A_47, %dma_wait3A_48] : memref<2x128x128xf32, #tpu.memory_space<vmem>> -> memref<1x128x128xf32, #tpu.memory_space<vmem>>
      %dma_wait3A_50 = tpu.memref_squeeze %dma_wait3A_49 : memref<1x128x128xf32, #tpu.memory_space<vmem>> -> memref<128x128xf32, #tpu.memory_space<vmem>>
      tpu.wait_dma2 semaphore(%arg14 : memref<!tpu.dma_semaphore, #tpu.memory_space<semaphore_mem>>) src(%dma_wait3A_50 : memref<128x128xf32, #tpu.memory_space<vmem>>) dst(%dma_wait3A_46 : memref<128x128xf32, #tpu.memory_space<hbm>>)
    } else {
    }
    %gt3A_17 = arith.constant 1 : i32
    %gt3A_18 = arith.cmpi sgt, %max3A_5, %gt3A_17 : i32
    %convert_element_type3A_19 = arith.extui %gt3A_18 : i1 to i32
    %cond3A_20 = arith.constant 0 : i32
    %cond3A_21 = arith.cmpi ne, %convert_element_type3A_19, %cond3A_20 : i32
    scf.if %cond3A_21 {
      %sub3A_22 = arith.constant 1 : i32
      %sub3A_23 = arith.subi %max3A_5, %sub3A_22 : i32
      %jit3A = arith.constant 2 : i32
      %eq3A = arith.constant 0 : i32
      %eq3A_24 = arith.cmpi eq, %jit3A, %eq3A : i32
      %jit3A_25 = arith.constant 1 : i32
      %select_n3A = arith.select %eq3A_24, %jit3A_25, %jit3A : i32
      %rem3A = arith.remsi %max3A_5, %select_n3A : i32
      %ne3A = arith.constant 0 : i32
      %ne3A_26 = arith.cmpi ne, %rem3A, %ne3A : i32
      %lt3A = arith.constant 0 : i32
      %lt3A_27 = arith.cmpi slt, %rem3A, %lt3A : i32
      %lt3A_28 = arith.constant 0 : i32
      %lt3A_29 = arith.cmpi slt, %select_n3A, %lt3A_28 : i32
      %ne3A_30 = arith.xori %lt3A_27, %lt3A_29 : i1
      %and3A = arith.andi %ne3A_30, %ne3A_26 : i1
      %add3A_31 = arith.addi %rem3A, %select_n3A : i32
      %select_n3A_32 = arith.select %and3A, %add3A_31, %rem3A : i32
      %sub3A_33 = arith.subi %sub3A_23, %select_n3A_32 : i32
      %add3A_34 = arith.addi %mul3A_2, %sub3A_33 : i32
      %mul3A_35 = arith.constant 128 : i32
      %mul3A_36 = arith.muli %add3A_34, %mul3A_35 : i32
      %dma_wait3A = arith.constant 1 : i32
      %dma_wait3A_37 = arith.constant 0 : i32
      %dma_wait3A_38 = arith.constant 0 : i32
      %dma_wait3A_39 = tpu.memref_slice %arg11[%dma_wait3A, %dma_wait3A_37, %dma_wait3A_38] : memref<2x128x128xf32, #tpu.memory_space<vmem>> -> memref<1x128x128xf32, #tpu.memory_space<vmem>>
      %dma_wait3A_40 = tpu.memref_squeeze %dma_wait3A_39 : memref<1x128x128xf32, #tpu.memory_space<vmem>> -> memref<128x128xf32, #tpu.memory_space<vmem>>
      %dma_wait3A_41 = arith.constant 0 : i32
      %dma_wait3A_42 = tpu.memref_slice %arg6[%mul3A_36, %dma_wait3A_41] : memref<131072x128xf32, #tpu.memory_space<hbm>> -> memref<128x128xf32, #tpu.memory_space<hbm>>
      %dma_wait3A_43 = arith.constant 0 : i32
      %dma_wait3A_44 = tpu.memref_slice %arg6[%mul3A_36, %dma_wait3A_43] : memref<131072x128xf32, #tpu.memory_space<hbm>> -> memref<128x128xf32, #tpu.memory_space<hbm>>
      %dma_wait3A_45 = arith.constant 0 : i32
      %dma_wait3A_46 = arith.constant 0 : i32
      %dma_wait3A_47 = tpu.memref_slice %arg11[%dma_wait3A, %dma_wait3A_45, %dma_wait3A_46] : memref<2x128x128xf32, #tpu.memory_space<vmem>> -> memref<1x128x128xf32, #tpu.memory_space<vmem>>
      %dma_wait3A_48 = tpu.memref_squeeze %dma_wait3A_47 : memref<1x128x128xf32, #tpu.memory_space<vmem>> -> memref<128x128xf32, #tpu.memory_space<vmem>>
      tpu.wait_dma2 semaphore(%arg15 : memref<!tpu.dma_semaphore, #tpu.memory_space<semaphore_mem>>) src(%dma_wait3A_48 : memref<128x128xf32, #tpu.memory_space<vmem>>) dst(%dma_wait3A_44 : memref<128x128xf32, #tpu.memory_space<hbm>>)
    } else {
    }
    return
  }
}

#map = affine_map<(d0, d1) -> (0, 0)>
#map1 = affine_map<(d0, d1) -> (0, 0, 0)>
module attributes {stable_mosaic.version = 14 : i64} {
  func.func @k(%arg0: i32, %arg1: i32, %arg2: memref<10000x128xf32, #tpu.memory_space<hbm>>, %arg3: memref<320000x128xf32, #tpu.memory_space<hbm>>, %arg4: memref<4000x80xi32, #tpu.memory_space<hbm>>, %arg5: memref<4000x80xi32, #tpu.memory_space<hbm>>, %arg6: memref<10000x128xf32, #tpu.memory_space<hbm>>, %arg7: memref<2x10000x128xf32, #tpu.memory_space<hbm>>, %arg8: memref<2x1x80xi32, #tpu.memory_space<vmem>>, %arg9: memref<2x1x80xi32, #tpu.memory_space<vmem>>, %arg10: memref<2x80x128xf32, #tpu.memory_space<vmem>>, %arg11: memref<2x80x128xf32, #tpu.memory_space<vmem>>, %arg12: memref<10000x128xf32, #tpu.memory_space<vmem_shared>>, %arg13: memref<!tpu.dma_semaphore, #tpu.memory_space<semaphore_mem>>, %arg14: memref<!tpu.dma_semaphore, #tpu.memory_space<semaphore_mem>>) attributes {dimension_semantics = [#tpu.dimension_semantics<core_parallel>, #tpu.dimension_semantics<subcore_parallel>], iteration_bounds = array<i64: 2, 16>, scalar_prefetch = 0 : i64, scratch_operands = 7 : i64, tpu.core_type = #tpu.core_type<sc_vector_subcore>, window_params = [{transform_indices = #map}, {transform_indices = #map}, {transform_indices = #map}, {transform_indices = #map}, {transform_indices = #map}, {transform_indices = #map1}]} {
    %mul3A = arith.constant 2 : i32
    %mul3A_0 = arith.muli %arg1, %mul3A : i32
    %add3A = arith.addi %mul3A_0, %arg0 : i32
    %mul3A_1 = arith.constant 624 : i32
    %mul3A_2 = arith.muli %arg1, %mul3A_1 : i32
    %mul3A_3 = arith.constant 624 : i32
    %mul3A_4 = arith.muli %arg1, %mul3A_3 : i32
    "tpu.region"() ({
      %run_scoped3A = tpu.sem_alloc : memref<!tpu.dma_semaphore, #tpu.memory_space<semaphore_mem>>
      %dma_start3A = arith.constant 0 : i32
      %dma_start3A_27 = tpu.memref_slice %arg12[%mul3A_4, %dma_start3A] : memref<10000x128xf32, #tpu.memory_space<vmem_shared>> -> memref<624x128xf32, #tpu.memory_space<vmem_shared>>
      %dma_start3A_28 = arith.constant 0 : i32
      %dma_start3A_29 = tpu.memref_slice %arg6[%mul3A_2, %dma_start3A_28] : memref<10000x128xf32, #tpu.memory_space<hbm>> -> memref<624x128xf32, #tpu.memory_space<hbm>>
      tpu.enqueue_dma source(%dma_start3A_29 : memref<624x128xf32, #tpu.memory_space<hbm>>) target(%dma_start3A_27 : memref<624x128xf32, #tpu.memory_space<vmem_shared>>) target_semaphore(%run_scoped3A : memref<!tpu.dma_semaphore, #tpu.memory_space<semaphore_mem>>)
      %dma_wait3A = arith.constant 0 : i32
      %dma_wait3A_30 = tpu.memref_slice %arg12[%mul3A_4, %dma_wait3A] : memref<10000x128xf32, #tpu.memory_space<vmem_shared>> -> memref<624x128xf32, #tpu.memory_space<vmem_shared>>
      %dma_wait3A_31 = arith.constant 0 : i32
      %dma_wait3A_32 = tpu.memref_slice %arg6[%mul3A_2, %dma_wait3A_31] : memref<10000x128xf32, #tpu.memory_space<hbm>> -> memref<624x128xf32, #tpu.memory_space<hbm>>
      tpu.wait_dma2 semaphore(%run_scoped3A : memref<!tpu.dma_semaphore, #tpu.memory_space<semaphore_mem>>) src(%dma_wait3A_32 : memref<624x128xf32, #tpu.memory_space<hbm>>) dst(%dma_wait3A_30 : memref<624x128xf32, #tpu.memory_space<vmem_shared>>)
      tpu.yield
    }) : () -> ()
    %eq3A = arith.constant 0 : i32
    %eq3A_5 = arith.cmpi eq, %arg1, %eq3A : i32
    %convert_element_type3A = arith.extui %eq3A_5 : i1 to i32
    %cond3A = arith.constant 0 : i32
    %cond3A_6 = arith.cmpi ne, %convert_element_type3A, %cond3A : i32
    scf.if %cond3A_6 {
      "tpu.region"() ({
        %run_scoped3A = tpu.sem_alloc : memref<!tpu.dma_semaphore, #tpu.memory_space<semaphore_mem>>
        %dma_start3A = arith.constant 9984 : i32
        %dma_start3A_27 = arith.constant 0 : i32
        %dma_start3A_28 = tpu.memref_slice %arg12[%dma_start3A, %dma_start3A_27] : memref<10000x128xf32, #tpu.memory_space<vmem_shared>> -> memref<16x128xf32, #tpu.memory_space<vmem_shared>>
        %dma_start3A_29 = arith.constant 9984 : i32
        %dma_start3A_30 = arith.constant 0 : i32
        %dma_start3A_31 = tpu.memref_slice %arg6[%dma_start3A_29, %dma_start3A_30] : memref<10000x128xf32, #tpu.memory_space<hbm>> -> memref<16x128xf32, #tpu.memory_space<hbm>>
        tpu.enqueue_dma source(%dma_start3A_31 : memref<16x128xf32, #tpu.memory_space<hbm>>) target(%dma_start3A_28 : memref<16x128xf32, #tpu.memory_space<vmem_shared>>) target_semaphore(%run_scoped3A : memref<!tpu.dma_semaphore, #tpu.memory_space<semaphore_mem>>)
        %dma_wait3A = arith.constant 9984 : i32
        %dma_wait3A_32 = arith.constant 0 : i32
        %dma_wait3A_33 = tpu.memref_slice %arg12[%dma_wait3A, %dma_wait3A_32] : memref<10000x128xf32, #tpu.memory_space<vmem_shared>> -> memref<16x128xf32, #tpu.memory_space<vmem_shared>>
        %dma_wait3A_34 = arith.constant 9984 : i32
        %dma_wait3A_35 = arith.constant 0 : i32
        %dma_wait3A_36 = tpu.memref_slice %arg6[%dma_wait3A_34, %dma_wait3A_35] : memref<10000x128xf32, #tpu.memory_space<hbm>> -> memref<16x128xf32, #tpu.memory_space<hbm>>
        tpu.wait_dma2 semaphore(%run_scoped3A : memref<!tpu.dma_semaphore, #tpu.memory_space<semaphore_mem>>) src(%dma_wait3A_36 : memref<16x128xf32, #tpu.memory_space<hbm>>) dst(%dma_wait3A_33 : memref<16x128xf32, #tpu.memory_space<vmem_shared>>)
        tpu.yield
      }) : () -> ()
    } else {
    }
    %barrier3A = arith.constant 0 : index
    tpu.barrier barrier_id(%barrier3A)
    %add3A_7 = arith.constant 0 : i32
    %add3A_8 = arith.addi %add3A, %add3A_7 : i32
    %lt3A = arith.constant 4000 : i32
    %lt3A_9 = arith.cmpi slt, %add3A_8, %lt3A : i32
    %convert_element_type3A_10 = arith.extui %lt3A_9 : i1 to i32
    %cond3A_11 = arith.constant 0 : i32
    %cond3A_12 = arith.cmpi ne, %convert_element_type3A_10, %cond3A_11 : i32
    scf.if %cond3A_12 {
      %add3A_27 = arith.constant 0 : i32
      %add3A_28 = arith.addi %add3A, %add3A_27 : i32
      %run_scoped3A = arith.constant 0 : i32
      "tpu.region"() ({
        %run_scoped3A_57 = tpu.sem_alloc : memref<!tpu.dma_semaphore, #tpu.memory_space<semaphore_mem>>
        %dma_start3A_58 = arith.constant 0 : i32
        %dma_start3A_59 = arith.constant 0 : i32
        %dma_start3A_60 = tpu.memref_slice %arg8[%run_scoped3A, %dma_start3A_58, %dma_start3A_59] : memref<2x1x80xi32, #tpu.memory_space<vmem>> -> memref<1x1x80xi32, #tpu.memory_space<vmem>>
        %dma_start3A_61 = tpu.memref_squeeze %dma_start3A_60 : memref<1x1x80xi32, #tpu.memory_space<vmem>> -> memref<1x80xi32, #tpu.memory_space<vmem>>
        %dma_start3A_62 = arith.constant 0 : i32
        %dma_start3A_63 = tpu.memref_slice %arg4[%add3A_28, %dma_start3A_62] : memref<4000x80xi32, #tpu.memory_space<hbm>> -> memref<1x80xi32, #tpu.memory_space<hbm>>
        %dma_start3A_64 = arith.constant 0 : i32
        %dma_start3A_65 = arith.constant 0 : i32
        %dma_start3A_66 = tpu.memref_slice %arg8[%run_scoped3A, %dma_start3A_64, %dma_start3A_65] : memref<2x1x80xi32, #tpu.memory_space<vmem>> -> memref<1x1x80xi32, #tpu.memory_space<vmem>>
        %dma_start3A_67 = tpu.memref_squeeze %dma_start3A_66 : memref<1x1x80xi32, #tpu.memory_space<vmem>> -> memref<1x80xi32, #tpu.memory_space<vmem>>
        %dma_start3A_68 = arith.constant 0 : i32
        %dma_start3A_69 = tpu.memref_slice %arg4[%add3A_28, %dma_start3A_68] : memref<4000x80xi32, #tpu.memory_space<hbm>> -> memref<1x80xi32, #tpu.memory_space<hbm>>
        tpu.enqueue_dma source(%dma_start3A_69 : memref<1x80xi32, #tpu.memory_space<hbm>>) target(%dma_start3A_67 : memref<1x80xi32, #tpu.memory_space<vmem>>) target_semaphore(%run_scoped3A_57 : memref<!tpu.dma_semaphore, #tpu.memory_space<semaphore_mem>>)
        %dma_wait3A = arith.constant 0 : i32
        %dma_wait3A_70 = arith.constant 0 : i32
        %dma_wait3A_71 = tpu.memref_slice %arg8[%run_scoped3A, %dma_wait3A, %dma_wait3A_70] : memref<2x1x80xi32, #tpu.memory_space<vmem>> -> memref<1x1x80xi32, #tpu.memory_space<vmem>>
        %dma_wait3A_72 = tpu.memref_squeeze %dma_wait3A_71 : memref<1x1x80xi32, #tpu.memory_space<vmem>> -> memref<1x80xi32, #tpu.memory_space<vmem>>
        %dma_wait3A_73 = arith.constant 0 : i32
        %dma_wait3A_74 = tpu.memref_slice %arg4[%add3A_28, %dma_wait3A_73] : memref<4000x80xi32, #tpu.memory_space<hbm>> -> memref<1x80xi32, #tpu.memory_space<hbm>>
        %dma_wait3A_75 = arith.constant 0 : i32
        %dma_wait3A_76 = arith.constant 0 : i32
        %dma_wait3A_77 = tpu.memref_slice %arg8[%run_scoped3A, %dma_wait3A_75, %dma_wait3A_76] : memref<2x1x80xi32, #tpu.memory_space<vmem>> -> memref<1x1x80xi32, #tpu.memory_space<vmem>>
        %dma_wait3A_78 = tpu.memref_squeeze %dma_wait3A_77 : memref<1x1x80xi32, #tpu.memory_space<vmem>> -> memref<1x80xi32, #tpu.memory_space<vmem>>
        %dma_wait3A_79 = arith.constant 0 : i32
        %dma_wait3A_80 = tpu.memref_slice %arg4[%add3A_28, %dma_wait3A_79] : memref<4000x80xi32, #tpu.memory_space<hbm>> -> memref<1x80xi32, #tpu.memory_space<hbm>>
        tpu.wait_dma2 semaphore(%run_scoped3A_57 : memref<!tpu.dma_semaphore, #tpu.memory_space<semaphore_mem>>) src(%dma_wait3A_80 : memref<1x80xi32, #tpu.memory_space<hbm>>) dst(%dma_wait3A_78 : memref<1x80xi32, #tpu.memory_space<vmem>>)
        tpu.yield
      }) : () -> ()
      %run_scoped3A_29 = arith.constant 0 : i32
      "tpu.region"() ({
        %run_scoped3A_57 = tpu.sem_alloc : memref<!tpu.dma_semaphore, #tpu.memory_space<semaphore_mem>>
        %dma_start3A_58 = arith.constant 0 : i32
        %dma_start3A_59 = arith.constant 0 : i32
        %dma_start3A_60 = tpu.memref_slice %arg9[%run_scoped3A_29, %dma_start3A_58, %dma_start3A_59] : memref<2x1x80xi32, #tpu.memory_space<vmem>> -> memref<1x1x80xi32, #tpu.memory_space<vmem>>
        %dma_start3A_61 = tpu.memref_squeeze %dma_start3A_60 : memref<1x1x80xi32, #tpu.memory_space<vmem>> -> memref<1x80xi32, #tpu.memory_space<vmem>>
        %dma_start3A_62 = arith.constant 0 : i32
        %dma_start3A_63 = tpu.memref_slice %arg5[%add3A_28, %dma_start3A_62] : memref<4000x80xi32, #tpu.memory_space<hbm>> -> memref<1x80xi32, #tpu.memory_space<hbm>>
        %dma_start3A_64 = arith.constant 0 : i32
        %dma_start3A_65 = arith.constant 0 : i32
        %dma_start3A_66 = tpu.memref_slice %arg9[%run_scoped3A_29, %dma_start3A_64, %dma_start3A_65] : memref<2x1x80xi32, #tpu.memory_space<vmem>> -> memref<1x1x80xi32, #tpu.memory_space<vmem>>
        %dma_start3A_67 = tpu.memref_squeeze %dma_start3A_66 : memref<1x1x80xi32, #tpu.memory_space<vmem>> -> memref<1x80xi32, #tpu.memory_space<vmem>>
        %dma_start3A_68 = arith.constant 0 : i32
        %dma_start3A_69 = tpu.memref_slice %arg5[%add3A_28, %dma_start3A_68] : memref<4000x80xi32, #tpu.memory_space<hbm>> -> memref<1x80xi32, #tpu.memory_space<hbm>>
        tpu.enqueue_dma source(%dma_start3A_69 : memref<1x80xi32, #tpu.memory_space<hbm>>) target(%dma_start3A_67 : memref<1x80xi32, #tpu.memory_space<vmem>>) target_semaphore(%run_scoped3A_57 : memref<!tpu.dma_semaphore, #tpu.memory_space<semaphore_mem>>)
        %dma_wait3A = arith.constant 0 : i32
        %dma_wait3A_70 = arith.constant 0 : i32
        %dma_wait3A_71 = tpu.memref_slice %arg9[%run_scoped3A_29, %dma_wait3A, %dma_wait3A_70] : memref<2x1x80xi32, #tpu.memory_space<vmem>> -> memref<1x1x80xi32, #tpu.memory_space<vmem>>
        %dma_wait3A_72 = tpu.memref_squeeze %dma_wait3A_71 : memref<1x1x80xi32, #tpu.memory_space<vmem>> -> memref<1x80xi32, #tpu.memory_space<vmem>>
        %dma_wait3A_73 = arith.constant 0 : i32
        %dma_wait3A_74 = tpu.memref_slice %arg5[%add3A_28, %dma_wait3A_73] : memref<4000x80xi32, #tpu.memory_space<hbm>> -> memref<1x80xi32, #tpu.memory_space<hbm>>
        %dma_wait3A_75 = arith.constant 0 : i32
        %dma_wait3A_76 = arith.constant 0 : i32
        %dma_wait3A_77 = tpu.memref_slice %arg9[%run_scoped3A_29, %dma_wait3A_75, %dma_wait3A_76] : memref<2x1x80xi32, #tpu.memory_space<vmem>> -> memref<1x1x80xi32, #tpu.memory_space<vmem>>
        %dma_wait3A_78 = tpu.memref_squeeze %dma_wait3A_77 : memref<1x1x80xi32, #tpu.memory_space<vmem>> -> memref<1x80xi32, #tpu.memory_space<vmem>>
        %dma_wait3A_79 = arith.constant 0 : i32
        %dma_wait3A_80 = tpu.memref_slice %arg5[%add3A_28, %dma_wait3A_79] : memref<4000x80xi32, #tpu.memory_space<hbm>> -> memref<1x80xi32, #tpu.memory_space<hbm>>
        tpu.wait_dma2 semaphore(%run_scoped3A_57 : memref<!tpu.dma_semaphore, #tpu.memory_space<semaphore_mem>>) src(%dma_wait3A_80 : memref<1x80xi32, #tpu.memory_space<hbm>>) dst(%dma_wait3A_78 : memref<1x80xi32, #tpu.memory_space<vmem>>)
        tpu.yield
      }) : () -> ()
      %dma_start3A = arith.constant 0 : i32
      %dma_start3A_30 = arith.constant 0 : i32
      %dma_start3A_31 = arith.constant 0 : i32
      %dma_start3A_32 = arith.constant 0 : i32
      %dma_start3A_33 = arith.constant 0 : i32
      %dma_start3A_34 = tpu.memref_slice %arg10[%dma_start3A_31, %dma_start3A_32, %dma_start3A_33] : memref<2x80x128xf32, #tpu.memory_space<vmem>> -> memref<1x80x128xf32, #tpu.memory_space<vmem>>
      %dma_start3A_35 = tpu.memref_squeeze %dma_start3A_34 : memref<1x80x128xf32, #tpu.memory_space<vmem>> -> memref<80x128xf32, #tpu.memory_space<vmem>>
      %dma_start3A_36 = arith.constant 0 : i32
      %dma_start3A_37 = tpu.memref_slice %arg8[%dma_start3A, %dma_start3A_30, %dma_start3A_36] : memref<2x1x80xi32, #tpu.memory_space<vmem>> -> memref<1x1x80xi32, #tpu.memory_space<vmem>>
      %dma_start3A_38 = tpu.memref_squeeze %dma_start3A_37 : memref<1x1x80xi32, #tpu.memory_space<vmem>> -> memref<80xi32, #tpu.memory_space<vmem>>
      %dma_start3A_39 = arith.constant 0 : i32
      %dma_start3A_40 = arith.constant 0 : i32
      %dma_start3A_41 = tpu.memref_slice %arg2[%dma_start3A_39, %dma_start3A_40] : memref<10000x128xf32, #tpu.memory_space<hbm>> -> memref<10000x128xf32, #tpu.memory_space<hbm>>
      tpu.enqueue_indirect_dma source(%dma_start3A_41 : memref<10000x128xf32, #tpu.memory_space<hbm>>) target(%dma_start3A_35 : memref<80x128xf32, #tpu.memory_space<vmem>>) offsets(%dma_start3A_38 : memref<80xi32, #tpu.memory_space<vmem>>) semaphore(%arg13 : memref<!tpu.dma_semaphore, #tpu.memory_space<semaphore_mem>>)
      %mul3A_42 = arith.constant 80 : i32
      %mul3A_43 = arith.muli %add3A_28, %mul3A_42 : i32
      %dma_start3A_44 = arith.constant 0 : i32
      %dma_start3A_45 = arith.constant 0 : i32
      %dma_start3A_46 = arith.constant 0 : i32
      %dma_start3A_47 = tpu.memref_slice %arg11[%dma_start3A_44, %dma_start3A_45, %dma_start3A_46] : memref<2x80x128xf32, #tpu.memory_space<vmem>> -> memref<1x80x128xf32, #tpu.memory_space<vmem>>
      %dma_start3A_48 = tpu.memref_squeeze %dma_start3A_47 : memref<1x80x128xf32, #tpu.memory_space<vmem>> -> memref<80x128xf32, #tpu.memory_space<vmem>>
      %dma_start3A_49 = arith.constant 0 : i32
      %dma_start3A_50 = tpu.memref_slice %arg3[%mul3A_43, %dma_start3A_49] : memref<320000x128xf32, #tpu.memory_space<hbm>> -> memref<80x128xf32, #tpu.memory_space<hbm>>
      %dma_start3A_51 = arith.constant 0 : i32
      %dma_start3A_52 = arith.constant 0 : i32
      %dma_start3A_53 = tpu.memref_slice %arg11[%dma_start3A_44, %dma_start3A_51, %dma_start3A_52] : memref<2x80x128xf32, #tpu.memory_space<vmem>> -> memref<1x80x128xf32, #tpu.memory_space<vmem>>
      %dma_start3A_54 = tpu.memref_squeeze %dma_start3A_53 : memref<1x80x128xf32, #tpu.memory_space<vmem>> -> memref<80x128xf32, #tpu.memory_space<vmem>>
      %dma_start3A_55 = arith.constant 0 : i32
      %dma_start3A_56 = tpu.memref_slice %arg3[%mul3A_43, %dma_start3A_55] : memref<320000x128xf32, #tpu.memory_space<hbm>> -> memref<80x128xf32, #tpu.memory_space<hbm>>
      tpu.enqueue_dma source(%dma_start3A_56 : memref<80x128xf32, #tpu.memory_space<hbm>>) target(%dma_start3A_54 : memref<80x128xf32, #tpu.memory_space<vmem>>) target_semaphore(%arg13 : memref<!tpu.dma_semaphore, #tpu.memory_space<semaphore_mem>>)
    } else {
    }
    %scan3A = arith.constant 0 : i32
    %scan3A_13 = arith.constant 63 : i32
    %scan3A_14 = arith.addi %scan3A, %scan3A_13 : i32
    %scan3A_15 = arith.constant 1 : i32
    scf.for %scan3A_27 = %scan3A to %scan3A_14 step %scan3A_15  : i32 {
      %mul3A_28 = arith.constant 1 : i32
      %mul3A_29 = arith.muli %scan3A_27, %mul3A_28 : i32
      %add3A_30 = arith.constant 0 : i32
      %add3A_31 = arith.addi %add3A_30, %mul3A_29 : i32
      %mul3A_32 = arith.constant 2 : i32
      %mul3A_33 = arith.muli %mul3A_32, %add3A_31 : i32
      %add3A_34 = arith.constant 1 : i32
      %add3A_35 = arith.addi %mul3A_33, %add3A_34 : i32
      %mul3A_36 = arith.constant 32 : i32
      %mul3A_37 = arith.muli %add3A_35, %mul3A_36 : i32
      %add3A_38 = arith.addi %add3A, %mul3A_37 : i32
      %lt3A_39 = arith.constant 4000 : i32
      %lt3A_40 = arith.cmpi slt, %add3A_38, %lt3A_39 : i32
      %convert_element_type3A_41 = arith.extui %lt3A_40 : i1 to i32
      %cond3A_42 = arith.constant 0 : i32
      %cond3A_43 = arith.cmpi ne, %convert_element_type3A_41, %cond3A_42 : i32
      scf.if %cond3A_43 {
        %mul3A_70 = arith.constant 32 : i32
        %mul3A_71 = arith.muli %add3A_35, %mul3A_70 : i32
        %add3A_72 = arith.addi %add3A, %mul3A_71 : i32
        %run_scoped3A = arith.constant 1 : i32
        "tpu.region"() ({
          %run_scoped3A_101 = tpu.sem_alloc : memref<!tpu.dma_semaphore, #tpu.memory_space<semaphore_mem>>
          %dma_start3A_102 = arith.constant 0 : i32
          %dma_start3A_103 = arith.constant 0 : i32
          %dma_start3A_104 = tpu.memref_slice %arg8[%run_scoped3A, %dma_start3A_102, %dma_start3A_103] : memref<2x1x80xi32, #tpu.memory_space<vmem>> -> memref<1x1x80xi32, #tpu.memory_space<vmem>>
          %dma_start3A_105 = tpu.memref_squeeze %dma_start3A_104 : memref<1x1x80xi32, #tpu.memory_space<vmem>> -> memref<1x80xi32, #tpu.memory_space<vmem>>
          %dma_start3A_106 = arith.constant 0 : i32
          %dma_start3A_107 = tpu.memref_slice %arg4[%add3A_72, %dma_start3A_106] : memref<4000x80xi32, #tpu.memory_space<hbm>> -> memref<1x80xi32, #tpu.memory_space<hbm>>
          %dma_start3A_108 = arith.constant 0 : i32
          %dma_start3A_109 = arith.constant 0 : i32
          %dma_start3A_110 = tpu.memref_slice %arg8[%run_scoped3A, %dma_start3A_108, %dma_start3A_109] : memref<2x1x80xi32, #tpu.memory_space<vmem>> -> memref<1x1x80xi32, #tpu.memory_space<vmem>>
          %dma_start3A_111 = tpu.memref_squeeze %dma_start3A_110 : memref<1x1x80xi32, #tpu.memory_space<vmem>> -> memref<1x80xi32, #tpu.memory_space<vmem>>
          %dma_start3A_112 = arith.constant 0 : i32
          %dma_start3A_113 = tpu.memref_slice %arg4[%add3A_72, %dma_start3A_112] : memref<4000x80xi32, #tpu.memory_space<hbm>> -> memref<1x80xi32, #tpu.memory_space<hbm>>
          tpu.enqueue_dma source(%dma_start3A_113 : memref<1x80xi32, #tpu.memory_space<hbm>>) target(%dma_start3A_111 : memref<1x80xi32, #tpu.memory_space<vmem>>) target_semaphore(%run_scoped3A_101 : memref<!tpu.dma_semaphore, #tpu.memory_space<semaphore_mem>>)
          %dma_wait3A = arith.constant 0 : i32
          %dma_wait3A_114 = arith.constant 0 : i32
          %dma_wait3A_115 = tpu.memref_slice %arg8[%run_scoped3A, %dma_wait3A, %dma_wait3A_114] : memref<2x1x80xi32, #tpu.memory_space<vmem>> -> memref<1x1x80xi32, #tpu.memory_space<vmem>>
          %dma_wait3A_116 = tpu.memref_squeeze %dma_wait3A_115 : memref<1x1x80xi32, #tpu.memory_space<vmem>> -> memref<1x80xi32, #tpu.memory_space<vmem>>
          %dma_wait3A_117 = arith.constant 0 : i32
          %dma_wait3A_118 = tpu.memref_slice %arg4[%add3A_72, %dma_wait3A_117] : memref<4000x80xi32, #tpu.memory_space<hbm>> -> memref<1x80xi32, #tpu.memory_space<hbm>>
          %dma_wait3A_119 = arith.constant 0 : i32
          %dma_wait3A_120 = arith.constant 0 : i32
          %dma_wait3A_121 = tpu.memref_slice %arg8[%run_scoped3A, %dma_wait3A_119, %dma_wait3A_120] : memref<2x1x80xi32, #tpu.memory_space<vmem>> -> memref<1x1x80xi32, #tpu.memory_space<vmem>>
          %dma_wait3A_122 = tpu.memref_squeeze %dma_wait3A_121 : memref<1x1x80xi32, #tpu.memory_space<vmem>> -> memref<1x80xi32, #tpu.memory_space<vmem>>
          %dma_wait3A_123 = arith.constant 0 : i32
          %dma_wait3A_124 = tpu.memref_slice %arg4[%add3A_72, %dma_wait3A_123] : memref<4000x80xi32, #tpu.memory_space<hbm>> -> memref<1x80xi32, #tpu.memory_space<hbm>>
          tpu.wait_dma2 semaphore(%run_scoped3A_101 : memref<!tpu.dma_semaphore, #tpu.memory_space<semaphore_mem>>) src(%dma_wait3A_124 : memref<1x80xi32, #tpu.memory_space<hbm>>) dst(%dma_wait3A_122 : memref<1x80xi32, #tpu.memory_space<vmem>>)
          tpu.yield
        }) : () -> ()
        %run_scoped3A_73 = arith.constant 1 : i32
        "tpu.region"() ({
          %run_scoped3A_101 = tpu.sem_alloc : memref<!tpu.dma_semaphore, #tpu.memory_space<semaphore_mem>>
          %dma_start3A_102 = arith.constant 0 : i32
          %dma_start3A_103 = arith.constant 0 : i32
          %dma_start3A_104 = tpu.memref_slice %arg9[%run_scoped3A_73, %dma_start3A_102, %dma_start3A_103] : memref<2x1x80xi32, #tpu.memory_space<vmem>> -> memref<1x1x80xi32, #tpu.memory_space<vmem>>
          %dma_start3A_105 = tpu.memref_squeeze %dma_start3A_104 : memref<1x1x80xi32, #tpu.memory_space<vmem>> -> memref<1x80xi32, #tpu.memory_space<vmem>>
          %dma_start3A_106 = arith.constant 0 : i32
          %dma_start3A_107 = tpu.memref_slice %arg5[%add3A_72, %dma_start3A_106] : memref<4000x80xi32, #tpu.memory_space<hbm>> -> memref<1x80xi32, #tpu.memory_space<hbm>>
          %dma_start3A_108 = arith.constant 0 : i32
          %dma_start3A_109 = arith.constant 0 : i32
          %dma_start3A_110 = tpu.memref_slice %arg9[%run_scoped3A_73, %dma_start3A_108, %dma_start3A_109] : memref<2x1x80xi32, #tpu.memory_space<vmem>> -> memref<1x1x80xi32, #tpu.memory_space<vmem>>
          %dma_start3A_111 = tpu.memref_squeeze %dma_start3A_110 : memref<1x1x80xi32, #tpu.memory_space<vmem>> -> memref<1x80xi32, #tpu.memory_space<vmem>>
          %dma_start3A_112 = arith.constant 0 : i32
          %dma_start3A_113 = tpu.memref_slice %arg5[%add3A_72, %dma_start3A_112] : memref<4000x80xi32, #tpu.memory_space<hbm>> -> memref<1x80xi32, #tpu.memory_space<hbm>>
          tpu.enqueue_dma source(%dma_start3A_113 : memref<1x80xi32, #tpu.memory_space<hbm>>) target(%dma_start3A_111 : memref<1x80xi32, #tpu.memory_space<vmem>>) target_semaphore(%run_scoped3A_101 : memref<!tpu.dma_semaphore, #tpu.memory_space<semaphore_mem>>)
          %dma_wait3A = arith.constant 0 : i32
          %dma_wait3A_114 = arith.constant 0 : i32
          %dma_wait3A_115 = tpu.memref_slice %arg9[%run_scoped3A_73, %dma_wait3A, %dma_wait3A_114] : memref<2x1x80xi32, #tpu.memory_space<vmem>> -> memref<1x1x80xi32, #tpu.memory_space<vmem>>
          %dma_wait3A_116 = tpu.memref_squeeze %dma_wait3A_115 : memref<1x1x80xi32, #tpu.memory_space<vmem>> -> memref<1x80xi32, #tpu.memory_space<vmem>>
          %dma_wait3A_117 = arith.constant 0 : i32
          %dma_wait3A_118 = tpu.memref_slice %arg5[%add3A_72, %dma_wait3A_117] : memref<4000x80xi32, #tpu.memory_space<hbm>> -> memref<1x80xi32, #tpu.memory_space<hbm>>
          %dma_wait3A_119 = arith.constant 0 : i32
          %dma_wait3A_120 = arith.constant 0 : i32
          %dma_wait3A_121 = tpu.memref_slice %arg9[%run_scoped3A_73, %dma_wait3A_119, %dma_wait3A_120] : memref<2x1x80xi32, #tpu.memory_space<vmem>> -> memref<1x1x80xi32, #tpu.memory_space<vmem>>
          %dma_wait3A_122 = tpu.memref_squeeze %dma_wait3A_121 : memref<1x1x80xi32, #tpu.memory_space<vmem>> -> memref<1x80xi32, #tpu.memory_space<vmem>>
          %dma_wait3A_123 = arith.constant 0 : i32
          %dma_wait3A_124 = tpu.memref_slice %arg5[%add3A_72, %dma_wait3A_123] : memref<4000x80xi32, #tpu.memory_space<hbm>> -> memref<1x80xi32, #tpu.memory_space<hbm>>
          tpu.wait_dma2 semaphore(%run_scoped3A_101 : memref<!tpu.dma_semaphore, #tpu.memory_space<semaphore_mem>>) src(%dma_wait3A_124 : memref<1x80xi32, #tpu.memory_space<hbm>>) dst(%dma_wait3A_122 : memref<1x80xi32, #tpu.memory_space<vmem>>)
          tpu.yield
        }) : () -> ()
        %dma_start3A = arith.constant 1 : i32
        %dma_start3A_74 = arith.constant 0 : i32
        %dma_start3A_75 = arith.constant 1 : i32
        %dma_start3A_76 = arith.constant 0 : i32
        %dma_start3A_77 = arith.constant 0 : i32
        %dma_start3A_78 = tpu.memref_slice %arg10[%dma_start3A_75, %dma_start3A_76, %dma_start3A_77] : memref<2x80x128xf32, #tpu.memory_space<vmem>> -> memref<1x80x128xf32, #tpu.memory_space<vmem>>
        %dma_start3A_79 = tpu.memref_squeeze %dma_start3A_78 : memref<1x80x128xf32, #tpu.memory_space<vmem>> -> memref<80x128xf32, #tpu.memory_space<vmem>>
        %dma_start3A_80 = arith.constant 0 : i32
        %dma_start3A_81 = tpu.memref_slice %arg8[%dma_start3A, %dma_start3A_74, %dma_start3A_80] : memref<2x1x80xi32, #tpu.memory_space<vmem>> -> memref<1x1x80xi32, #tpu.memory_space<vmem>>
        %dma_start3A_82 = tpu.memref_squeeze %dma_start3A_81 : memref<1x1x80xi32, #tpu.memory_space<vmem>> -> memref<80xi32, #tpu.memory_space<vmem>>
        %dma_start3A_83 = arith.constant 0 : i32
        %dma_start3A_84 = arith.constant 0 : i32
        %dma_start3A_85 = tpu.memref_slice %arg2[%dma_start3A_83, %dma_start3A_84] : memref<10000x128xf32, #tpu.memory_space<hbm>> -> memref<10000x128xf32, #tpu.memory_space<hbm>>
        tpu.enqueue_indirect_dma source(%dma_start3A_85 : memref<10000x128xf32, #tpu.memory_space<hbm>>) target(%dma_start3A_79 : memref<80x128xf32, #tpu.memory_space<vmem>>) offsets(%dma_start3A_82 : memref<80xi32, #tpu.memory_space<vmem>>) semaphore(%arg14 : memref<!tpu.dma_semaphore, #tpu.memory_space<semaphore_mem>>)
        %mul3A_86 = arith.constant 80 : i32
        %mul3A_87 = arith.muli %add3A_72, %mul3A_86 : i32
        %dma_start3A_88 = arith.constant 1 : i32
        %dma_start3A_89 = arith.constant 0 : i32
        %dma_start3A_90 = arith.constant 0 : i32
        %dma_start3A_91 = tpu.memref_slice %arg11[%dma_start3A_88, %dma_start3A_89, %dma_start3A_90] : memref<2x80x128xf32, #tpu.memory_space<vmem>> -> memref<1x80x128xf32, #tpu.memory_space<vmem>>
        %dma_start3A_92 = tpu.memref_squeeze %dma_start3A_91 : memref<1x80x128xf32, #tpu.memory_space<vmem>> -> memref<80x128xf32, #tpu.memory_space<vmem>>
        %dma_start3A_93 = arith.constant 0 : i32
        %dma_start3A_94 = tpu.memref_slice %arg3[%mul3A_87, %dma_start3A_93] : memref<320000x128xf32, #tpu.memory_space<hbm>> -> memref<80x128xf32, #tpu.memory_space<hbm>>
        %dma_start3A_95 = arith.constant 0 : i32
        %dma_start3A_96 = arith.constant 0 : i32
        %dma_start3A_97 = tpu.memref_slice %arg11[%dma_start3A_88, %dma_start3A_95, %dma_start3A_96] : memref<2x80x128xf32, #tpu.memory_space<vmem>> -> memref<1x80x128xf32, #tpu.memory_space<vmem>>
        %dma_start3A_98 = tpu.memref_squeeze %dma_start3A_97 : memref<1x80x128xf32, #tpu.memory_space<vmem>> -> memref<80x128xf32, #tpu.memory_space<vmem>>
        %dma_start3A_99 = arith.constant 0 : i32
        %dma_start3A_100 = tpu.memref_slice %arg3[%mul3A_87, %dma_start3A_99] : memref<320000x128xf32, #tpu.memory_space<hbm>> -> memref<80x128xf32, #tpu.memory_space<hbm>>
        tpu.enqueue_dma source(%dma_start3A_100 : memref<80x128xf32, #tpu.memory_space<hbm>>) target(%dma_start3A_98 : memref<80x128xf32, #tpu.memory_space<vmem>>) target_semaphore(%arg14 : memref<!tpu.dma_semaphore, #tpu.memory_space<semaphore_mem>>)
      } else {
      }
      %mul3A_44 = arith.constant 32 : i32
      %mul3A_45 = arith.muli %mul3A_33, %mul3A_44 : i32
      %add3A_46 = arith.addi %add3A, %mul3A_45 : i32
      %lt3A_47 = arith.constant 4000 : i32
      %lt3A_48 = arith.cmpi slt, %add3A_46, %lt3A_47 : i32
      %convert_element_type3A_49 = arith.extui %lt3A_48 : i1 to i32
      %cond3A_50 = arith.constant 0 : i32
      %cond3A_51 = arith.cmpi ne, %convert_element_type3A_49, %cond3A_50 : i32
      scf.if %cond3A_51 {
        %mul3A_70 = arith.constant 32 : i32
        %mul3A_71 = arith.muli %mul3A_33, %mul3A_70 : i32
        %add3A_72 = arith.addi %add3A, %mul3A_71 : i32
        %dma_wait3A = arith.constant 0 : i32
        %dma_wait3A_73 = arith.constant 0 : i32
        %dma_wait3A_74 = arith.constant 0 : i32
        %dma_wait3A_75 = arith.constant 0 : i32
        %dma_wait3A_76 = arith.constant 0 : i32
        %dma_wait3A_77 = tpu.memref_slice %arg10[%dma_wait3A_74, %dma_wait3A_75, %dma_wait3A_76] : memref<2x80x128xf32, #tpu.memory_space<vmem>> -> memref<1x80x128xf32, #tpu.memory_space<vmem>>
        %dma_wait3A_78 = tpu.memref_squeeze %dma_wait3A_77 : memref<1x80x128xf32, #tpu.memory_space<vmem>> -> memref<80x128xf32, #tpu.memory_space<vmem>>
        %dma_wait3A_79 = arith.constant 0 : i32
        %dma_wait3A_80 = tpu.memref_slice %arg8[%dma_wait3A, %dma_wait3A_73, %dma_wait3A_79] : memref<2x1x80xi32, #tpu.memory_space<vmem>> -> memref<1x1x80xi32, #tpu.memory_space<vmem>>
        %dma_wait3A_81 = tpu.memref_squeeze %dma_wait3A_80 : memref<1x1x80xi32, #tpu.memory_space<vmem>> -> memref<80xi32, #tpu.memory_space<vmem>>
        %dma_wait3A_82 = arith.constant 0 : i32
        %dma_wait3A_83 = arith.constant 0 : i32
        %dma_wait3A_84 = tpu.memref_slice %arg2[%dma_wait3A_82, %dma_wait3A_83] : memref<10000x128xf32, #tpu.memory_space<hbm>> -> memref<10000x128xf32, #tpu.memory_space<hbm>>
        tpu.wait_indirect_dma semaphore(%arg13 : memref<!tpu.dma_semaphore, #tpu.memory_space<semaphore_mem>>) src(%dma_wait3A_84 : memref<10000x128xf32, #tpu.memory_space<hbm>>) dst(%dma_wait3A_78 : memref<80x128xf32, #tpu.memory_space<vmem>>)
        %mul3A_85 = arith.constant 80 : i32
        %mul3A_86 = arith.muli %add3A_72, %mul3A_85 : i32
        %dma_wait3A_87 = arith.constant 0 : i32
        %dma_wait3A_88 = arith.constant 0 : i32
        %dma_wait3A_89 = arith.constant 0 : i32
        %dma_wait3A_90 = tpu.memref_slice %arg11[%dma_wait3A_87, %dma_wait3A_88, %dma_wait3A_89] : memref<2x80x128xf32, #tpu.memory_space<vmem>> -> memref<1x80x128xf32, #tpu.memory_space<vmem>>
        %dma_wait3A_91 = tpu.memref_squeeze %dma_wait3A_90 : memref<1x80x128xf32, #tpu.memory_space<vmem>> -> memref<80x128xf32, #tpu.memory_space<vmem>>
        %dma_wait3A_92 = arith.constant 0 : i32
        %dma_wait3A_93 = tpu.memref_slice %arg3[%mul3A_86, %dma_wait3A_92] : memref<320000x128xf32, #tpu.memory_space<hbm>> -> memref<80x128xf32, #tpu.memory_space<hbm>>
        %dma_wait3A_94 = arith.constant 0 : i32
        %dma_wait3A_95 = arith.constant 0 : i32
        %dma_wait3A_96 = tpu.memref_slice %arg11[%dma_wait3A_87, %dma_wait3A_94, %dma_wait3A_95] : memref<2x80x128xf32, #tpu.memory_space<vmem>> -> memref<1x80x128xf32, #tpu.memory_space<vmem>>
        %dma_wait3A_97 = tpu.memref_squeeze %dma_wait3A_96 : memref<1x80x128xf32, #tpu.memory_space<vmem>> -> memref<80x128xf32, #tpu.memory_space<vmem>>
        %dma_wait3A_98 = arith.constant 0 : i32
        %dma_wait3A_99 = tpu.memref_slice %arg3[%mul3A_86, %dma_wait3A_98] : memref<320000x128xf32, #tpu.memory_space<hbm>> -> memref<80x128xf32, #tpu.memory_space<hbm>>
        tpu.wait_dma2 semaphore(%arg13 : memref<!tpu.dma_semaphore, #tpu.memory_space<semaphore_mem>>) src(%dma_wait3A_99 : memref<80x128xf32, #tpu.memory_space<hbm>>) dst(%dma_wait3A_97 : memref<80x128xf32, #tpu.memory_space<vmem>>)
        %scan3A_100 = arith.constant 0 : i32
        %scan3A_101 = arith.constant 0 : i32
        %scan3A_102 = arith.constant 0 : i32
        %scan3A_103 = arith.constant 0 : i32
        %scan3A_104 = arith.constant 80 : i32
        %scan3A_105 = arith.addi %scan3A_103, %scan3A_104 : i32
        %scan3A_106 = arith.constant 1 : i32
        scf.for %scan3A_110 = %scan3A_103 to %scan3A_105 step %scan3A_106  : i32 {
          %mul3A_111 = arith.constant 1 : i32
          %mul3A_112 = arith.muli %scan3A_110, %mul3A_111 : i32
          %add3A_113 = arith.constant 0 : i32
          %add3A_114 = arith.addi %add3A_113, %mul3A_112 : i32
          %get3A = arith.constant 0 : i32
          %get3A_115 = arith.constant 0 : i32
          %get3A_116 = tpu.memref_slice %arg10[%scan3A_100, %get3A, %get3A_115] : memref<2x80x128xf32, #tpu.memory_space<vmem>> -> memref<1x80x128xf32, #tpu.memory_space<vmem>>
          %get3A_117 = tpu.memref_squeeze %get3A_116 : memref<1x80x128xf32, #tpu.memory_space<vmem>> -> memref<80x128xf32, #tpu.memory_space<vmem>>
          %get3A_118 = arith.index_cast %add3A_114 : i32 to index
          %get3A_119 = arith.constant 0 : index
          %get3A_120 = tpu.vector_load %get3A_117[%get3A_118, %get3A_119] {strides = array<i32>} : memref<80x128xf32, #tpu.memory_space<vmem>>, vector<1x16xf32>,
          %get3A_121 = vector.shape_cast %get3A_120 : vector<1x16xf32> to vector<1x16xf32>
          %get3A_122 = arith.constant 0 : i32
          %get3A_123 = arith.constant 0 : i32
          %get3A_124 = tpu.memref_slice %arg11[%scan3A_101, %get3A_122, %get3A_123] : memref<2x80x128xf32, #tpu.memory_space<vmem>> -> memref<1x80x128xf32, #tpu.memory_space<vmem>>
          %get3A_125 = tpu.memref_squeeze %get3A_124 : memref<1x80x128xf32, #tpu.memory_space<vmem>> -> memref<80x128xf32, #tpu.memory_space<vmem>>
          %get3A_126 = arith.index_cast %add3A_114 : i32 to index
          %get3A_127 = arith.constant 0 : index
          %get3A_128 = tpu.vector_load %get3A_125[%get3A_126, %get3A_127] {strides = array<i32>} : memref<80x128xf32, #tpu.memory_space<vmem>>, vector<1x16xf32>,
          %get3A_129 = vector.shape_cast %get3A_128 : vector<1x16xf32> to vector<1x16xf32>
          %add3A_130 = arith.addf %get3A_121, %get3A_129 : vector<1x16xf32>
          %max3A = arith.constant 0.000000e+00 : f32
          %max3A_131 = vector.broadcast %max3A : f32 to vector<1x16xf32>
          %max3A_132 = arith.maximumf %add3A_130, %max3A_131 : vector<1x16xf32>
          %swap3A = arith.constant 0 : i32
          %swap3A_133 = arith.constant 0 : i32
          %swap3A_134 = tpu.memref_slice %arg10[%scan3A_102, %swap3A, %swap3A_133] : memref<2x80x128xf32, #tpu.memory_space<vmem>> -> memref<1x80x128xf32, #tpu.memory_space<vmem>>
          %swap3A_135 = tpu.memref_squeeze %swap3A_134 : memref<1x80x128xf32, #tpu.memory_space<vmem>> -> memref<80x128xf32, #tpu.memory_space<vmem>>
          %swap3A_136 = arith.index_cast %add3A_114 : i32 to index
          %swap3A_137 = arith.constant 0 : index
          %swap3A_138 = tpu.vector_load %swap3A_135[%swap3A_136, %swap3A_137] {strides = array<i32>} : memref<80x128xf32, #tpu.memory_space<vmem>>, vector<1x16xf32>,
          %swap3A_139 = vector.shape_cast %swap3A_138 : vector<1x16xf32> to vector<1x16xf32>
          %swap3A_140 = vector.shape_cast %max3A_132 : vector<1x16xf32> to vector<1x16xf32>
          tpu.vector_store %swap3A_135[%swap3A_136, %swap3A_137], %swap3A_140 {strides = array<i32>} : memref<80x128xf32, #tpu.memory_space<vmem>>, vector<1x16xf32>,
          %get3A_141 = arith.constant 0 : i32
          %get3A_142 = arith.constant 0 : i32
          %get3A_143 = tpu.memref_slice %arg10[%scan3A_100, %get3A_141, %get3A_142] : memref<2x80x128xf32, #tpu.memory_space<vmem>> -> memref<1x80x128xf32, #tpu.memory_space<vmem>>
          %get3A_144 = tpu.memref_squeeze %get3A_143 : memref<1x80x128xf32, #tpu.memory_space<vmem>> -> memref<80x128xf32, #tpu.memory_space<vmem>>
          %get3A_145 = arith.index_cast %add3A_114 : i32 to index
          %get3A_146 = arith.constant 16 : index
          %get3A_147 = tpu.vector_load %get3A_144[%get3A_145, %get3A_146] {strides = array<i32>} : memref<80x128xf32, #tpu.memory_space<vmem>>, vector<1x16xf32>,
          %get3A_148 = vector.shape_cast %get3A_147 : vector<1x16xf32> to vector<1x16xf32>
          %get3A_149 = arith.constant 0 : i32
          %get3A_150 = arith.constant 0 : i32
          %get3A_151 = tpu.memref_slice %arg11[%scan3A_101, %get3A_149, %get3A_150] : memref<2x80x128xf32, #tpu.memory_space<vmem>> -> memref<1x80x128xf32, #tpu.memory_space<vmem>>
          %get3A_152 = tpu.memref_squeeze %get3A_151 : memref<1x80x128xf32, #tpu.memory_space<vmem>> -> memref<80x128xf32, #tpu.memory_space<vmem>>
          %get3A_153 = arith.index_cast %add3A_114 : i32 to index
          %get3A_154 = arith.constant 16 : index
          %get3A_155 = tpu.vector_load %get3A_152[%get3A_153, %get3A_154] {strides = array<i32>} : memref<80x128xf32, #tpu.memory_space<vmem>>, vector<1x16xf32>,
          %get3A_156 = vector.shape_cast %get3A_155 : vector<1x16xf32> to vector<1x16xf32>
          %add3A_157 = arith.addf %get3A_148, %get3A_156 : vector<1x16xf32>
          %max3A_158 = arith.constant 0.000000e+00 : f32
          %max3A_159 = vector.broadcast %max3A_158 : f32 to vector<1x16xf32>
          %max3A_160 = arith.maximumf %add3A_157, %max3A_159 : vector<1x16xf32>
          %swap3A_161 = arith.constant 0 : i32
          %swap3A_162 = arith.constant 0 : i32
          %swap3A_163 = tpu.memref_slice %arg10[%scan3A_102, %swap3A_161, %swap3A_162] : memref<2x80x128xf32, #tpu.memory_space<vmem>> -> memref<1x80x128xf32, #tpu.memory_space<vmem>>
          %swap3A_164 = tpu.memref_squeeze %swap3A_163 : memref<1x80x128xf32, #tpu.memory_space<vmem>> -> memref<80x128xf32, #tpu.memory_space<vmem>>
          %swap3A_165 = arith.index_cast %add3A_114 : i32 to index
          %swap3A_166 = arith.constant 16 : index
          %swap3A_167 = tpu.vector_load %swap3A_164[%swap3A_165, %swap3A_166] {strides = array<i32>} : memref<80x128xf32, #tpu.memory_space<vmem>>, vector<1x16xf32>,
          %swap3A_168 = vector.shape_cast %swap3A_167 : vector<1x16xf32> to vector<1x16xf32>
          %swap3A_169 = vector.shape_cast %max3A_160 : vector<1x16xf32> to vector<1x16xf32>
          tpu.vector_store %swap3A_164[%swap3A_165, %swap3A_166], %swap3A_169 {strides = array<i32>} : memref<80x128xf32, #tpu.memory_space<vmem>>, vector<1x16xf32>,
          %get3A_170 = arith.constant 0 : i32
          %get3A_171 = arith.constant 0 : i32
          %get3A_172 = tpu.memref_slice %arg10[%scan3A_100, %get3A_170, %get3A_171] : memref<2x80x128xf32, #tpu.memory_space<vmem>> -> memref<1x80x128xf32, #tpu.memory_space<vmem>>
          %get3A_173 = tpu.memref_squeeze %get3A_172 : memref<1x80x128xf32, #tpu.memory_space<vmem>> -> memref<80x128xf32, #tpu.memory_space<vmem>>
          %get3A_174 = arith.index_cast %add3A_114 : i32 to index
          %get3A_175 = arith.constant 32 : index
          %get3A_176 = tpu.vector_load %get3A_173[%get3A_174, %get3A_175] {strides = array<i32>} : memref<80x128xf32, #tpu.memory_space<vmem>>, vector<1x16xf32>,
          %get3A_177 = vector.shape_cast %get3A_176 : vector<1x16xf32> to vector<1x16xf32>
          %get3A_178 = arith.constant 0 : i32
          %get3A_179 = arith.constant 0 : i32
          %get3A_180 = tpu.memref_slice %arg11[%scan3A_101, %get3A_178, %get3A_179] : memref<2x80x128xf32, #tpu.memory_space<vmem>> -> memref<1x80x128xf32, #tpu.memory_space<vmem>>
          %get3A_181 = tpu.memref_squeeze %get3A_180 : memref<1x80x128xf32, #tpu.memory_space<vmem>> -> memref<80x128xf32, #tpu.memory_space<vmem>>
          %get3A_182 = arith.index_cast %add3A_114 : i32 to index
          %get3A_183 = arith.constant 32 : index
          %get3A_184 = tpu.vector_load %get3A_181[%get3A_182, %get3A_183] {strides = array<i32>} : memref<80x128xf32, #tpu.memory_space<vmem>>, vector<1x16xf32>,
          %get3A_185 = vector.shape_cast %get3A_184 : vector<1x16xf32> to vector<1x16xf32>
          %add3A_186 = arith.addf %get3A_177, %get3A_185 : vector<1x16xf32>
          %max3A_187 = arith.constant 0.000000e+00 : f32
          %max3A_188 = vector.broadcast %max3A_187 : f32 to vector<1x16xf32>
          %max3A_189 = arith.maximumf %add3A_186, %max3A_188 : vector<1x16xf32>
          %swap3A_190 = arith.constant 0 : i32
          %swap3A_191 = arith.constant 0 : i32
          %swap3A_192 = tpu.memref_slice %arg10[%scan3A_102, %swap3A_190, %swap3A_191] : memref<2x80x128xf32, #tpu.memory_space<vmem>> -> memref<1x80x128xf32, #tpu.memory_space<vmem>>
          %swap3A_193 = tpu.memref_squeeze %swap3A_192 : memref<1x80x128xf32, #tpu.memory_space<vmem>> -> memref<80x128xf32, #tpu.memory_space<vmem>>
          %swap3A_194 = arith.index_cast %add3A_114 : i32 to index
          %swap3A_195 = arith.constant 32 : index
          %swap3A_196 = tpu.vector_load %swap3A_193[%swap3A_194, %swap3A_195] {strides = array<i32>} : memref<80x128xf32, #tpu.memory_space<vmem>>, vector<1x16xf32>,
          %swap3A_197 = vector.shape_cast %swap3A_196 : vector<1x16xf32> to vector<1x16xf32>
          %swap3A_198 = vector.shape_cast %max3A_189 : vector<1x16xf32> to vector<1x16xf32>
          tpu.vector_store %swap3A_193[%swap3A_194, %swap3A_195], %swap3A_198 {strides = array<i32>} : memref<80x128xf32, #tpu.memory_space<vmem>>, vector<1x16xf32>,
          %get3A_199 = arith.constant 0 : i32
          %get3A_200 = arith.constant 0 : i32
          %get3A_201 = tpu.memref_slice %arg10[%scan3A_100, %get3A_199, %get3A_200] : memref<2x80x128xf32, #tpu.memory_space<vmem>> -> memref<1x80x128xf32, #tpu.memory_space<vmem>>
          %get3A_202 = tpu.memref_squeeze %get3A_201 : memref<1x80x128xf32, #tpu.memory_space<vmem>> -> memref<80x128xf32, #tpu.memory_space<vmem>>
          %get3A_203 = arith.index_cast %add3A_114 : i32 to index
          %get3A_204 = arith.constant 48 : index
          %get3A_205 = tpu.vector_load %get3A_202[%get3A_203, %get3A_204] {strides = array<i32>} : memref<80x128xf32, #tpu.memory_space<vmem>>, vector<1x16xf32>,
          %get3A_206 = vector.shape_cast %get3A_205 : vector<1x16xf32> to vector<1x16xf32>
          %get3A_207 = arith.constant 0 : i32
          %get3A_208 = arith.constant 0 : i32
          %get3A_209 = tpu.memref_slice %arg11[%scan3A_101, %get3A_207, %get3A_208] : memref<2x80x128xf32, #tpu.memory_space<vmem>> -> memref<1x80x128xf32, #tpu.memory_space<vmem>>
          %get3A_210 = tpu.memref_squeeze %get3A_209 : memref<1x80x128xf32, #tpu.memory_space<vmem>> -> memref<80x128xf32, #tpu.memory_space<vmem>>
          %get3A_211 = arith.index_cast %add3A_114 : i32 to index
          %get3A_212 = arith.constant 48 : index
          %get3A_213 = tpu.vector_load %get3A_210[%get3A_211, %get3A_212] {strides = array<i32>} : memref<80x128xf32, #tpu.memory_space<vmem>>, vector<1x16xf32>,
          %get3A_214 = vector.shape_cast %get3A_213 : vector<1x16xf32> to vector<1x16xf32>
          %add3A_215 = arith.addf %get3A_206, %get3A_214 : vector<1x16xf32>
          %max3A_216 = arith.constant 0.000000e+00 : f32
          %max3A_217 = vector.broadcast %max3A_216 : f32 to vector<1x16xf32>
          %max3A_218 = arith.maximumf %add3A_215, %max3A_217 : vector<1x16xf32>
          %swap3A_219 = arith.constant 0 : i32
          %swap3A_220 = arith.constant 0 : i32
          %swap3A_221 = tpu.memref_slice %arg10[%scan3A_102, %swap3A_219, %swap3A_220] : memref<2x80x128xf32, #tpu.memory_space<vmem>> -> memref<1x80x128xf32, #tpu.memory_space<vmem>>
          %swap3A_222 = tpu.memref_squeeze %swap3A_221 : memref<1x80x128xf32, #tpu.memory_space<vmem>> -> memref<80x128xf32, #tpu.memory_space<vmem>>
          %swap3A_223 = arith.index_cast %add3A_114 : i32 to index
          %swap3A_224 = arith.constant 48 : index
          %swap3A_225 = tpu.vector_load %swap3A_222[%swap3A_223, %swap3A_224] {strides = array<i32>} : memref<80x128xf32, #tpu.memory_space<vmem>>, vector<1x16xf32>,
          %swap3A_226 = vector.shape_cast %swap3A_225 : vector<1x16xf32> to vector<1x16xf32>
          %swap3A_227 = vector.shape_cast %max3A_218 : vector<1x16xf32> to vector<1x16xf32>
          tpu.vector_store %swap3A_222[%swap3A_223, %swap3A_224], %swap3A_227 {strides = array<i32>} : memref<80x128xf32, #tpu.memory_space<vmem>>, vector<1x16xf32>,
          %get3A_228 = arith.constant 0 : i32
          %get3A_229 = arith.constant 0 : i32
          %get3A_230 = tpu.memref_slice %arg10[%scan3A_100, %get3A_228, %get3A_229] : memref<2x80x128xf32, #tpu.memory_space<vmem>> -> memref<1x80x128xf32, #tpu.memory_space<vmem>>
          %get3A_231 = tpu.memref_squeeze %get3A_230 : memref<1x80x128xf32, #tpu.memory_space<vmem>> -> memref<80x128xf32, #tpu.memory_space<vmem>>
          %get3A_232 = arith.index_cast %add3A_114 : i32 to index
          %get3A_233 = arith.constant 64 : index
          %get3A_234 = tpu.vector_load %get3A_231[%get3A_232, %get3A_233] {strides = array<i32>} : memref<80x128xf32, #tpu.memory_space<vmem>>, vector<1x16xf32>,
          %get3A_235 = vector.shape_cast %get3A_234 : vector<1x16xf32> to vector<1x16xf32>
          %get3A_236 = arith.constant 0 : i32
          %get3A_237 = arith.constant 0 : i32
          %get3A_238 = tpu.memref_slice %arg11[%scan3A_101, %get3A_236, %get3A_237] : memref<2x80x128xf32, #tpu.memory_space<vmem>> -> memref<1x80x128xf32, #tpu.memory_space<vmem>>
          %get3A_239 = tpu.memref_squeeze %get3A_238 : memref<1x80x128xf32, #tpu.memory_space<vmem>> -> memref<80x128xf32, #tpu.memory_space<vmem>>
          %get3A_240 = arith.index_cast %add3A_114 : i32 to index
          %get3A_241 = arith.constant 64 : index
          %get3A_242 = tpu.vector_load %get3A_239[%get3A_240, %get3A_241] {strides = array<i32>} : memref<80x128xf32, #tpu.memory_space<vmem>>, vector<1x16xf32>,
          %get3A_243 = vector.shape_cast %get3A_242 : vector<1x16xf32> to vector<1x16xf32>
          %add3A_244 = arith.addf %get3A_235, %get3A_243 : vector<1x16xf32>
          %max3A_245 = arith.constant 0.000000e+00 : f32
          %max3A_246 = vector.broadcast %max3A_245 : f32 to vector<1x16xf32>
          %max3A_247 = arith.maximumf %add3A_244, %max3A_246 : vector<1x16xf32>
          %swap3A_248 = arith.constant 0 : i32
          %swap3A_249 = arith.constant 0 : i32
          %swap3A_250 = tpu.memref_slice %arg10[%scan3A_102, %swap3A_248, %swap3A_249] : memref<2x80x128xf32, #tpu.memory_space<vmem>> -> memref<1x80x128xf32, #tpu.memory_space<vmem>>
          %swap3A_251 = tpu.memref_squeeze %swap3A_250 : memref<1x80x128xf32, #tpu.memory_space<vmem>> -> memref<80x128xf32, #tpu.memory_space<vmem>>
          %swap3A_252 = arith.index_cast %add3A_114 : i32 to index
          %swap3A_253 = arith.constant 64 : index
          %swap3A_254 = tpu.vector_load %swap3A_251[%swap3A_252, %swap3A_253] {strides = array<i32>} : memref<80x128xf32, #tpu.memory_space<vmem>>, vector<1x16xf32>,
          %swap3A_255 = vector.shape_cast %swap3A_254 : vector<1x16xf32> to vector<1x16xf32>
          %swap3A_256 = vector.shape_cast %max3A_247 : vector<1x16xf32> to vector<1x16xf32>
          tpu.vector_store %swap3A_251[%swap3A_252, %swap3A_253], %swap3A_256 {strides = array<i32>} : memref<80x128xf32, #tpu.memory_space<vmem>>, vector<1x16xf32>,
          %get3A_257 = arith.constant 0 : i32
          %get3A_258 = arith.constant 0 : i32
          %get3A_259 = tpu.memref_slice %arg10[%scan3A_100, %get3A_257, %get3A_258] : memref<2x80x128xf32, #tpu.memory_space<vmem>> -> memref<1x80x128xf32, #tpu.memory_space<vmem>>
          %get3A_260 = tpu.memref_squeeze %get3A_259 : memref<1x80x128xf32, #tpu.memory_space<vmem>> -> memref<80x128xf32, #tpu.memory_space<vmem>>
          %get3A_261 = arith.index_cast %add3A_114 : i32 to index
          %get3A_262 = arith.constant 80 : index
          %get3A_263 = tpu.vector_load %get3A_260[%get3A_261, %get3A_262] {strides = array<i32>} : memref<80x128xf32, #tpu.memory_space<vmem>>, vector<1x16xf32>,
          %get3A_264 = vector.shape_cast %get3A_263 : vector<1x16xf32> to vector<1x16xf32>
          %get3A_265 = arith.constant 0 : i32
          %get3A_266 = arith.constant 0 : i32
          %get3A_267 = tpu.memref_slice %arg11[%scan3A_101, %get3A_265, %get3A_266] : memref<2x80x128xf32, #tpu.memory_space<vmem>> -> memref<1x80x128xf32, #tpu.memory_space<vmem>>
          %get3A_268 = tpu.memref_squeeze %get3A_267 : memref<1x80x128xf32, #tpu.memory_space<vmem>> -> memref<80x128xf32, #tpu.memory_space<vmem>>
          %get3A_269 = arith.index_cast %add3A_114 : i32 to index
          %get3A_270 = arith.constant 80 : index
          %get3A_271 = tpu.vector_load %get3A_268[%get3A_269, %get3A_270] {strides = array<i32>} : memref<80x128xf32, #tpu.memory_space<vmem>>, vector<1x16xf32>,
          %get3A_272 = vector.shape_cast %get3A_271 : vector<1x16xf32> to vector<1x16xf32>
          %add3A_273 = arith.addf %get3A_264, %get3A_272 : vector<1x16xf32>
          %max3A_274 = arith.constant 0.000000e+00 : f32
          %max3A_275 = vector.broadcast %max3A_274 : f32 to vector<1x16xf32>
          %max3A_276 = arith.maximumf %add3A_273, %max3A_275 : vector<1x16xf32>
          %swap3A_277 = arith.constant 0 : i32
          %swap3A_278 = arith.constant 0 : i32
          %swap3A_279 = tpu.memref_slice %arg10[%scan3A_102, %swap3A_277, %swap3A_278] : memref<2x80x128xf32, #tpu.memory_space<vmem>> -> memref<1x80x128xf32, #tpu.memory_space<vmem>>
          %swap3A_280 = tpu.memref_squeeze %swap3A_279 : memref<1x80x128xf32, #tpu.memory_space<vmem>> -> memref<80x128xf32, #tpu.memory_space<vmem>>
          %swap3A_281 = arith.index_cast %add3A_114 : i32 to index
          %swap3A_282 = arith.constant 80 : index
          %swap3A_283 = tpu.vector_load %swap3A_280[%swap3A_281, %swap3A_282] {strides = array<i32>} : memref<80x128xf32, #tpu.memory_space<vmem>>, vector<1x16xf32>,
          %swap3A_284 = vector.shape_cast %swap3A_283 : vector<1x16xf32> to vector<1x16xf32>
          %swap3A_285 = vector.shape_cast %max3A_276 : vector<1x16xf32> to vector<1x16xf32>
          tpu.vector_store %swap3A_280[%swap3A_281, %swap3A_282], %swap3A_285 {strides = array<i32>} : memref<80x128xf32, #tpu.memory_space<vmem>>, vector<1x16xf32>,
          %get3A_286 = arith.constant 0 : i32
          %get3A_287 = arith.constant 0 : i32
          %get3A_288 = tpu.memref_slice %arg10[%scan3A_100, %get3A_286, %get3A_287] : memref<2x80x128xf32, #tpu.memory_space<vmem>> -> memref<1x80x128xf32, #tpu.memory_space<vmem>>
          %get3A_289 = tpu.memref_squeeze %get3A_288 : memref<1x80x128xf32, #tpu.memory_space<vmem>> -> memref<80x128xf32, #tpu.memory_space<vmem>>
          %get3A_290 = arith.index_cast %add3A_114 : i32 to index
          %get3A_291 = arith.constant 96 : index
          %get3A_292 = tpu.vector_load %get3A_289[%get3A_290, %get3A_291] {strides = array<i32>} : memref<80x128xf32, #tpu.memory_space<vmem>>, vector<1x16xf32>,
          %get3A_293 = vector.shape_cast %get3A_292 : vector<1x16xf32> to vector<1x16xf32>
          %get3A_294 = arith.constant 0 : i32
          %get3A_295 = arith.constant 0 : i32
          %get3A_296 = tpu.memref_slice %arg11[%scan3A_101, %get3A_294, %get3A_295] : memref<2x80x128xf32, #tpu.memory_space<vmem>> -> memref<1x80x128xf32, #tpu.memory_space<vmem>>
          %get3A_297 = tpu.memref_squeeze %get3A_296 : memref<1x80x128xf32, #tpu.memory_space<vmem>> -> memref<80x128xf32, #tpu.memory_space<vmem>>
          %get3A_298 = arith.index_cast %add3A_114 : i32 to index
          %get3A_299 = arith.constant 96 : index
          %get3A_300 = tpu.vector_load %get3A_297[%get3A_298, %get3A_299] {strides = array<i32>} : memref<80x128xf32, #tpu.memory_space<vmem>>, vector<1x16xf32>,
          %get3A_301 = vector.shape_cast %get3A_300 : vector<1x16xf32> to vector<1x16xf32>
          %add3A_302 = arith.addf %get3A_293, %get3A_301 : vector<1x16xf32>
          %max3A_303 = arith.constant 0.000000e+00 : f32
          %max3A_304 = vector.broadcast %max3A_303 : f32 to vector<1x16xf32>
          %max3A_305 = arith.maximumf %add3A_302, %max3A_304 : vector<1x16xf32>
          %swap3A_306 = arith.constant 0 : i32
          %swap3A_307 = arith.constant 0 : i32
          %swap3A_308 = tpu.memref_slice %arg10[%scan3A_102, %swap3A_306, %swap3A_307] : memref<2x80x128xf32, #tpu.memory_space<vmem>> -> memref<1x80x128xf32, #tpu.memory_space<vmem>>
          %swap3A_309 = tpu.memref_squeeze %swap3A_308 : memref<1x80x128xf32, #tpu.memory_space<vmem>> -> memref<80x128xf32, #tpu.memory_space<vmem>>
          %swap3A_310 = arith.index_cast %add3A_114 : i32 to index
          %swap3A_311 = arith.constant 96 : index
          %swap3A_312 = tpu.vector_load %swap3A_309[%swap3A_310, %swap3A_311] {strides = array<i32>} : memref<80x128xf32, #tpu.memory_space<vmem>>, vector<1x16xf32>,
          %swap3A_313 = vector.shape_cast %swap3A_312 : vector<1x16xf32> to vector<1x16xf32>
          %swap3A_314 = vector.shape_cast %max3A_305 : vector<1x16xf32> to vector<1x16xf32>
          tpu.vector_store %swap3A_309[%swap3A_310, %swap3A_311], %swap3A_314 {strides = array<i32>} : memref<80x128xf32, #tpu.memory_space<vmem>>, vector<1x16xf32>,
          %get3A_315 = arith.constant 0 : i32
          %get3A_316 = arith.constant 0 : i32
          %get3A_317 = tpu.memref_slice %arg10[%scan3A_100, %get3A_315, %get3A_316] : memref<2x80x128xf32, #tpu.memory_space<vmem>> -> memref<1x80x128xf32, #tpu.memory_space<vmem>>
          %get3A_318 = tpu.memref_squeeze %get3A_317 : memref<1x80x128xf32, #tpu.memory_space<vmem>> -> memref<80x128xf32, #tpu.memory_space<vmem>>
          %get3A_319 = arith.index_cast %add3A_114 : i32 to index
          %get3A_320 = arith.constant 112 : index
          %get3A_321 = tpu.vector_load %get3A_318[%get3A_319, %get3A_320] {strides = array<i32>} : memref<80x128xf32, #tpu.memory_space<vmem>>, vector<1x16xf32>,
          %get3A_322 = vector.shape_cast %get3A_321 : vector<1x16xf32> to vector<1x16xf32>
          %get3A_323 = arith.constant 0 : i32
          %get3A_324 = arith.constant 0 : i32
          %get3A_325 = tpu.memref_slice %arg11[%scan3A_101, %get3A_323, %get3A_324] : memref<2x80x128xf32, #tpu.memory_space<vmem>> -> memref<1x80x128xf32, #tpu.memory_space<vmem>>
          %get3A_326 = tpu.memref_squeeze %get3A_325 : memref<1x80x128xf32, #tpu.memory_space<vmem>> -> memref<80x128xf32, #tpu.memory_space<vmem>>
          %get3A_327 = arith.index_cast %add3A_114 : i32 to index
          %get3A_328 = arith.constant 112 : index
          %get3A_329 = tpu.vector_load %get3A_326[%get3A_327, %get3A_328] {strides = array<i32>} : memref<80x128xf32, #tpu.memory_space<vmem>>, vector<1x16xf32>,
          %get3A_330 = vector.shape_cast %get3A_329 : vector<1x16xf32> to vector<1x16xf32>
          %add3A_331 = arith.addf %get3A_322, %get3A_330 : vector<1x16xf32>
          %max3A_332 = arith.constant 0.000000e+00 : f32
          %max3A_333 = vector.broadcast %max3A_332 : f32 to vector<1x16xf32>
          %max3A_334 = arith.maximumf %add3A_331, %max3A_333 : vector<1x16xf32>
          %swap3A_335 = arith.constant 0 : i32
          %swap3A_336 = arith.constant 0 : i32
          %swap3A_337 = tpu.memref_slice %arg10[%scan3A_102, %swap3A_335, %swap3A_336] : memref<2x80x128xf32, #tpu.memory_space<vmem>> -> memref<1x80x128xf32, #tpu.memory_space<vmem>>
          %swap3A_338 = tpu.memref_squeeze %swap3A_337 : memref<1x80x128xf32, #tpu.memory_space<vmem>> -> memref<80x128xf32, #tpu.memory_space<vmem>>
          %swap3A_339 = arith.index_cast %add3A_114 : i32 to index
          %swap3A_340 = arith.constant 112 : index
          %swap3A_341 = tpu.vector_load %swap3A_338[%swap3A_339, %swap3A_340] {strides = array<i32>} : memref<80x128xf32, #tpu.memory_space<vmem>>, vector<1x16xf32>,
          %swap3A_342 = vector.shape_cast %swap3A_341 : vector<1x16xf32> to vector<1x16xf32>
          %swap3A_343 = vector.shape_cast %max3A_334 : vector<1x16xf32> to vector<1x16xf32>
          tpu.vector_store %swap3A_338[%swap3A_339, %swap3A_340], %swap3A_343 {strides = array<i32>} : memref<80x128xf32, #tpu.memory_space<vmem>>, vector<1x16xf32>,
        }
        %scan3A_107 = arith.constant 80 : i32
        %run_scoped3A = arith.constant 0 : i32
        %run_scoped3A_108 = arith.constant 0 : i32
        %run_scoped3A_109 = arith.constant 0 : i32
        "tpu.region"() ({
          %run_scoped3A_110 = tpu.sem_alloc : memref<!tpu.dma_semaphore, #tpu.memory_space<semaphore_mem>>
          %dma_start3A = arith.constant 0 : i32
          %dma_start3A_111 = arith.constant 0 : i32
          %dma_start3A_112 = tpu.memref_slice %arg10[%run_scoped3A, %dma_start3A, %dma_start3A_111] : memref<2x80x128xf32, #tpu.memory_space<vmem>> -> memref<1x80x128xf32, #tpu.memory_space<vmem>>
          %dma_start3A_113 = tpu.memref_squeeze %dma_start3A_112 : memref<1x80x128xf32, #tpu.memory_space<vmem>> -> memref<80x128xf32, #tpu.memory_space<vmem>>
          %dma_start3A_114 = arith.constant 0 : i32
          %dma_start3A_115 = tpu.memref_slice %arg9[%run_scoped3A_108, %run_scoped3A_109, %dma_start3A_114] : memref<2x1x80xi32, #tpu.memory_space<vmem>> -> memref<1x1x80xi32, #tpu.memory_space<vmem>>
          %dma_start3A_116 = tpu.memref_squeeze %dma_start3A_115 : memref<1x1x80xi32, #tpu.memory_space<vmem>> -> memref<80xi32, #tpu.memory_space<vmem>>
          %dma_start3A_117 = arith.constant 0 : i32
          %dma_start3A_118 = arith.constant 0 : i32
          %dma_start3A_119 = tpu.memref_slice %arg12[%dma_start3A_117, %dma_start3A_118] : memref<10000x128xf32, #tpu.memory_space<vmem_shared>> -> memref<10000x128xf32, #tpu.memory_space<vmem_shared>>
          tpu.enqueue_indirect_dma source(%dma_start3A_113 : memref<80x128xf32, #tpu.memory_space<vmem>>) target(%dma_start3A_119 : memref<10000x128xf32, #tpu.memory_space<vmem_shared>>) offsets(%dma_start3A_116 : memref<80xi32, #tpu.memory_space<vmem>>) semaphore(%run_scoped3A_110 : memref<!tpu.dma_semaphore, #tpu.memory_space<semaphore_mem>>) {add = true}
          %dma_wait3A_120 = arith.constant 0 : i32
          %dma_wait3A_121 = arith.constant 0 : i32
          %dma_wait3A_122 = tpu.memref_slice %arg10[%run_scoped3A, %dma_wait3A_120, %dma_wait3A_121] : memref<2x80x128xf32, #tpu.memory_space<vmem>> -> memref<1x80x128xf32, #tpu.memory_space<vmem>>
          %dma_wait3A_123 = tpu.memref_squeeze %dma_wait3A_122 : memref<1x80x128xf32, #tpu.memory_space<vmem>> -> memref<80x128xf32, #tpu.memory_space<vmem>>
          %dma_wait3A_124 = arith.constant 0 : i32
          %dma_wait3A_125 = tpu.memref_slice %arg9[%run_scoped3A_108, %run_scoped3A_109, %dma_wait3A_124] : memref<2x1x80xi32, #tpu.memory_space<vmem>> -> memref<1x1x80xi32, #tpu.memory_space<vmem>>
          %dma_wait3A_126 = tpu.memref_squeeze %dma_wait3A_125 : memref<1x1x80xi32, #tpu.memory_space<vmem>> -> memref<80xi32, #tpu.memory_space<vmem>>
          %dma_wait3A_127 = arith.constant 0 : i32
          %dma_wait3A_128 = arith.constant 0 : i32
          %dma_wait3A_129 = tpu.memref_slice %arg12[%dma_wait3A_127, %dma_wait3A_128] : memref<10000x128xf32, #tpu.memory_space<vmem_shared>> -> memref<10000x128xf32, #tpu.memory_space<vmem_shared>>
          tpu.wait_indirect_dma semaphore(%run_scoped3A_110 : memref<!tpu.dma_semaphore, #tpu.memory_space<semaphore_mem>>) src(%dma_wait3A_123 : memref<80x128xf32, #tpu.memory_space<vmem>>) dst(%dma_wait3A_129 : memref<10000x128xf32, #tpu.memory_space<vmem_shared>>)
          tpu.yield
        }) : () -> ()
      } else {
      }
      %add3A_52 = arith.constant 2 : i32
      %add3A_53 = arith.addi %mul3A_33, %add3A_52 : i32
      %mul3A_54 = arith.constant 32 : i32
      %mul3A_55 = arith.muli %add3A_53, %mul3A_54 : i32
      %add3A_56 = arith.addi %add3A, %mul3A_55 : i32
      %lt3A_57 = arith.constant 4000 : i32
      %lt3A_58 = arith.cmpi slt, %add3A_56, %lt3A_57 : i32
      %convert_element_type3A_59 = arith.extui %lt3A_58 : i1 to i32
      %cond3A_60 = arith.constant 0 : i32
      %cond3A_61 = arith.cmpi ne, %convert_element_type3A_59, %cond3A_60 : i32
      scf.if %cond3A_61 {
        %add3A_70 = arith.constant 2 : i32
        %add3A_71 = arith.addi %mul3A_33, %add3A_70 : i32
        %mul3A_72 = arith.constant 32 : i32
        %mul3A_73 = arith.muli %add3A_71, %mul3A_72 : i32
        %add3A_74 = arith.addi %add3A, %mul3A_73 : i32
        %run_scoped3A = arith.constant 0 : i32
        "tpu.region"() ({
          %run_scoped3A_103 = tpu.sem_alloc : memref<!tpu.dma_semaphore, #tpu.memory_space<semaphore_mem>>
          %dma_start3A_104 = arith.constant 0 : i32
          %dma_start3A_105 = arith.constant 0 : i32
          %dma_start3A_106 = tpu.memref_slice %arg8[%run_scoped3A, %dma_start3A_104, %dma_start3A_105] : memref<2x1x80xi32, #tpu.memory_space<vmem>> -> memref<1x1x80xi32, #tpu.memory_space<vmem>>
          %dma_start3A_107 = tpu.memref_squeeze %dma_start3A_106 : memref<1x1x80xi32, #tpu.memory_space<vmem>> -> memref<1x80xi32, #tpu.memory_space<vmem>>
          %dma_start3A_108 = arith.constant 0 : i32
          %dma_start3A_109 = tpu.memref_slice %arg4[%add3A_74, %dma_start3A_108] : memref<4000x80xi32, #tpu.memory_space<hbm>> -> memref<1x80xi32, #tpu.memory_space<hbm>>
          %dma_start3A_110 = arith.constant 0 : i32
          %dma_start3A_111 = arith.constant 0 : i32
          %dma_start3A_112 = tpu.memref_slice %arg8[%run_scoped3A, %dma_start3A_110, %dma_start3A_111] : memref<2x1x80xi32, #tpu.memory_space<vmem>> -> memref<1x1x80xi32, #tpu.memory_space<vmem>>
          %dma_start3A_113 = tpu.memref_squeeze %dma_start3A_112 : memref<1x1x80xi32, #tpu.memory_space<vmem>> -> memref<1x80xi32, #tpu.memory_space<vmem>>
          %dma_start3A_114 = arith.constant 0 : i32
          %dma_start3A_115 = tpu.memref_slice %arg4[%add3A_74, %dma_start3A_114] : memref<4000x80xi32, #tpu.memory_space<hbm>> -> memref<1x80xi32, #tpu.memory_space<hbm>>
          tpu.enqueue_dma source(%dma_start3A_115 : memref<1x80xi32, #tpu.memory_space<hbm>>) target(%dma_start3A_113 : memref<1x80xi32, #tpu.memory_space<vmem>>) target_semaphore(%run_scoped3A_103 : memref<!tpu.dma_semaphore, #tpu.memory_space<semaphore_mem>>)
          %dma_wait3A = arith.constant 0 : i32
          %dma_wait3A_116 = arith.constant 0 : i32
          %dma_wait3A_117 = tpu.memref_slice %arg8[%run_scoped3A, %dma_wait3A, %dma_wait3A_116] : memref<2x1x80xi32, #tpu.memory_space<vmem>> -> memref<1x1x80xi32, #tpu.memory_space<vmem>>
          %dma_wait3A_118 = tpu.memref_squeeze %dma_wait3A_117 : memref<1x1x80xi32, #tpu.memory_space<vmem>> -> memref<1x80xi32, #tpu.memory_space<vmem>>
          %dma_wait3A_119 = arith.constant 0 : i32
          %dma_wait3A_120 = tpu.memref_slice %arg4[%add3A_74, %dma_wait3A_119] : memref<4000x80xi32, #tpu.memory_space<hbm>> -> memref<1x80xi32, #tpu.memory_space<hbm>>
          %dma_wait3A_121 = arith.constant 0 : i32
          %dma_wait3A_122 = arith.constant 0 : i32
          %dma_wait3A_123 = tpu.memref_slice %arg8[%run_scoped3A, %dma_wait3A_121, %dma_wait3A_122] : memref<2x1x80xi32, #tpu.memory_space<vmem>> -> memref<1x1x80xi32, #tpu.memory_space<vmem>>
          %dma_wait3A_124 = tpu.memref_squeeze %dma_wait3A_123 : memref<1x1x80xi32, #tpu.memory_space<vmem>> -> memref<1x80xi32, #tpu.memory_space<vmem>>
          %dma_wait3A_125 = arith.constant 0 : i32
          %dma_wait3A_126 = tpu.memref_slice %arg4[%add3A_74, %dma_wait3A_125] : memref<4000x80xi32, #tpu.memory_space<hbm>> -> memref<1x80xi32, #tpu.memory_space<hbm>>
          tpu.wait_dma2 semaphore(%run_scoped3A_103 : memref<!tpu.dma_semaphore, #tpu.memory_space<semaphore_mem>>) src(%dma_wait3A_126 : memref<1x80xi32, #tpu.memory_space<hbm>>) dst(%dma_wait3A_124 : memref<1x80xi32, #tpu.memory_space<vmem>>)
          tpu.yield
        }) : () -> ()
        %run_scoped3A_75 = arith.constant 0 : i32
        "tpu.region"() ({
          %run_scoped3A_103 = tpu.sem_alloc : memref<!tpu.dma_semaphore, #tpu.memory_space<semaphore_mem>>
          %dma_start3A_104 = arith.constant 0 : i32
          %dma_start3A_105 = arith.constant 0 : i32
          %dma_start3A_106 = tpu.memref_slice %arg9[%run_scoped3A_75, %dma_start3A_104, %dma_start3A_105] : memref<2x1x80xi32, #tpu.memory_space<vmem>> -> memref<1x1x80xi32, #tpu.memory_space<vmem>>
          %dma_start3A_107 = tpu.memref_squeeze %dma_start3A_106 : memref<1x1x80xi32, #tpu.memory_space<vmem>> -> memref<1x80xi32, #tpu.memory_space<vmem>>
          %dma_start3A_108 = arith.constant 0 : i32
          %dma_start3A_109 = tpu.memref_slice %arg5[%add3A_74, %dma_start3A_108] : memref<4000x80xi32, #tpu.memory_space<hbm>> -> memref<1x80xi32, #tpu.memory_space<hbm>>
          %dma_start3A_110 = arith.constant 0 : i32
          %dma_start3A_111 = arith.constant 0 : i32
          %dma_start3A_112 = tpu.memref_slice %arg9[%run_scoped3A_75, %dma_start3A_110, %dma_start3A_111] : memref<2x1x80xi32, #tpu.memory_space<vmem>> -> memref<1x1x80xi32, #tpu.memory_space<vmem>>
          %dma_start3A_113 = tpu.memref_squeeze %dma_start3A_112 : memref<1x1x80xi32, #tpu.memory_space<vmem>> -> memref<1x80xi32, #tpu.memory_space<vmem>>
          %dma_start3A_114 = arith.constant 0 : i32
          %dma_start3A_115 = tpu.memref_slice %arg5[%add3A_74, %dma_start3A_114] : memref<4000x80xi32, #tpu.memory_space<hbm>> -> memref<1x80xi32, #tpu.memory_space<hbm>>
          tpu.enqueue_dma source(%dma_start3A_115 : memref<1x80xi32, #tpu.memory_space<hbm>>) target(%dma_start3A_113 : memref<1x80xi32, #tpu.memory_space<vmem>>) target_semaphore(%run_scoped3A_103 : memref<!tpu.dma_semaphore, #tpu.memory_space<semaphore_mem>>)
          %dma_wait3A = arith.constant 0 : i32
          %dma_wait3A_116 = arith.constant 0 : i32
          %dma_wait3A_117 = tpu.memref_slice %arg9[%run_scoped3A_75, %dma_wait3A, %dma_wait3A_116] : memref<2x1x80xi32, #tpu.memory_space<vmem>> -> memref<1x1x80xi32, #tpu.memory_space<vmem>>
          %dma_wait3A_118 = tpu.memref_squeeze %dma_wait3A_117 : memref<1x1x80xi32, #tpu.memory_space<vmem>> -> memref<1x80xi32, #tpu.memory_space<vmem>>
          %dma_wait3A_119 = arith.constant 0 : i32
          %dma_wait3A_120 = tpu.memref_slice %arg5[%add3A_74, %dma_wait3A_119] : memref<4000x80xi32, #tpu.memory_space<hbm>> -> memref<1x80xi32, #tpu.memory_space<hbm>>
          %dma_wait3A_121 = arith.constant 0 : i32
          %dma_wait3A_122 = arith.constant 0 : i32
          %dma_wait3A_123 = tpu.memref_slice %arg9[%run_scoped3A_75, %dma_wait3A_121, %dma_wait3A_122] : memref<2x1x80xi32, #tpu.memory_space<vmem>> -> memref<1x1x80xi32, #tpu.memory_space<vmem>>
          %dma_wait3A_124 = tpu.memref_squeeze %dma_wait3A_123 : memref<1x1x80xi32, #tpu.memory_space<vmem>> -> memref<1x80xi32, #tpu.memory_space<vmem>>
          %dma_wait3A_125 = arith.constant 0 : i32
          %dma_wait3A_126 = tpu.memref_slice %arg5[%add3A_74, %dma_wait3A_125] : memref<4000x80xi32, #tpu.memory_space<hbm>> -> memref<1x80xi32, #tpu.memory_space<hbm>>
          tpu.wait_dma2 semaphore(%run_scoped3A_103 : memref<!tpu.dma_semaphore, #tpu.memory_space<semaphore_mem>>) src(%dma_wait3A_126 : memref<1x80xi32, #tpu.memory_space<hbm>>) dst(%dma_wait3A_124 : memref<1x80xi32, #tpu.memory_space<vmem>>)
          tpu.yield
        }) : () -> ()
        %dma_start3A = arith.constant 0 : i32
        %dma_start3A_76 = arith.constant 0 : i32
        %dma_start3A_77 = arith.constant 0 : i32
        %dma_start3A_78 = arith.constant 0 : i32
        %dma_start3A_79 = arith.constant 0 : i32
        %dma_start3A_80 = tpu.memref_slice %arg10[%dma_start3A_77, %dma_start3A_78, %dma_start3A_79] : memref<2x80x128xf32, #tpu.memory_space<vmem>> -> memref<1x80x128xf32, #tpu.memory_space<vmem>>
        %dma_start3A_81 = tpu.memref_squeeze %dma_start3A_80 : memref<1x80x128xf32, #tpu.memory_space<vmem>> -> memref<80x128xf32, #tpu.memory_space<vmem>>
        %dma_start3A_82 = arith.constant 0 : i32
        %dma_start3A_83 = tpu.memref_slice %arg8[%dma_start3A, %dma_start3A_76, %dma_start3A_82] : memref<2x1x80xi32, #tpu.memory_space<vmem>> -> memref<1x1x80xi32, #tpu.memory_space<vmem>>
        %dma_start3A_84 = tpu.memref_squeeze %dma_start3A_83 : memref<1x1x80xi32, #tpu.memory_space<vmem>> -> memref<80xi32, #tpu.memory_space<vmem>>
        %dma_start3A_85 = arith.constant 0 : i32
        %dma_start3A_86 = arith.constant 0 : i32
        %dma_start3A_87 = tpu.memref_slice %arg2[%dma_start3A_85, %dma_start3A_86] : memref<10000x128xf32, #tpu.memory_space<hbm>> -> memref<10000x128xf32, #tpu.memory_space<hbm>>
        tpu.enqueue_indirect_dma source(%dma_start3A_87 : memref<10000x128xf32, #tpu.memory_space<hbm>>) target(%dma_start3A_81 : memref<80x128xf32, #tpu.memory_space<vmem>>) offsets(%dma_start3A_84 : memref<80xi32, #tpu.memory_space<vmem>>) semaphore(%arg13 : memref<!tpu.dma_semaphore, #tpu.memory_space<semaphore_mem>>)
        %mul3A_88 = arith.constant 80 : i32
        %mul3A_89 = arith.muli %add3A_74, %mul3A_88 : i32
        %dma_start3A_90 = arith.constant 0 : i32
        %dma_start3A_91 = arith.constant 0 : i32
        %dma_start3A_92 = arith.constant 0 : i32
        %dma_start3A_93 = tpu.memref_slice %arg11[%dma_start3A_90, %dma_start3A_91, %dma_start3A_92] : memref<2x80x128xf32, #tpu.memory_space<vmem>> -> memref<1x80x128xf32, #tpu.memory_space<vmem>>
        %dma_start3A_94 = tpu.memref_squeeze %dma_start3A_93 : memref<1x80x128xf32, #tpu.memory_space<vmem>> -> memref<80x128xf32, #tpu.memory_space<vmem>>
        %dma_start3A_95 = arith.constant 0 : i32
        %dma_start3A_96 = tpu.memref_slice %arg3[%mul3A_89, %dma_start3A_95] : memref<320000x128xf32, #tpu.memory_space<hbm>> -> memref<80x128xf32, #tpu.memory_space<hbm>>
        %dma_start3A_97 = arith.constant 0 : i32
        %dma_start3A_98 = arith.constant 0 : i32
        %dma_start3A_99 = tpu.memref_slice %arg11[%dma_start3A_90, %dma_start3A_97, %dma_start3A_98] : memref<2x80x128xf32, #tpu.memory_space<vmem>> -> memref<1x80x128xf32, #tpu.memory_space<vmem>>
        %dma_start3A_100 = tpu.memref_squeeze %dma_start3A_99 : memref<1x80x128xf32, #tpu.memory_space<vmem>> -> memref<80x128xf32, #tpu.memory_space<vmem>>
        %dma_start3A_101 = arith.constant 0 : i32
        %dma_start3A_102 = tpu.memref_slice %arg3[%mul3A_89, %dma_start3A_101] : memref<320000x128xf32, #tpu.memory_space<hbm>> -> memref<80x128xf32, #tpu.memory_space<hbm>>
        tpu.enqueue_dma source(%dma_start3A_102 : memref<80x128xf32, #tpu.memory_space<hbm>>) target(%dma_start3A_100 : memref<80x128xf32, #tpu.memory_space<vmem>>) target_semaphore(%arg13 : memref<!tpu.dma_semaphore, #tpu.memory_space<semaphore_mem>>)
      } else {
      }
      %mul3A_62 = arith.constant 32 : i32
      %mul3A_63 = arith.muli %add3A_35, %mul3A_62 : i32
      %add3A_64 = arith.addi %add3A, %mul3A_63 : i32
      %lt3A_65 = arith.constant 4000 : i32
      %lt3A_66 = arith.cmpi slt, %add3A_64, %lt3A_65 : i32
      %convert_element_type3A_67 = arith.extui %lt3A_66 : i1 to i32
      %cond3A_68 = arith.constant 0 : i32
      %cond3A_69 = arith.cmpi ne, %convert_element_type3A_67, %cond3A_68 : i32
      scf.if %cond3A_69 {
        %mul3A_70 = arith.constant 32 : i32
        %mul3A_71 = arith.muli %add3A_35, %mul3A_70 : i32
        %add3A_72 = arith.addi %add3A, %mul3A_71 : i32
        %dma_wait3A = arith.constant 1 : i32
        %dma_wait3A_73 = arith.constant 0 : i32
        %dma_wait3A_74 = arith.constant 1 : i32
        %dma_wait3A_75 = arith.constant 0 : i32
        %dma_wait3A_76 = arith.constant 0 : i32
        %dma_wait3A_77 = tpu.memref_slice %arg10[%dma_wait3A_74, %dma_wait3A_75, %dma_wait3A_76] : memref<2x80x128xf32, #tpu.memory_space<vmem>> -> memref<1x80x128xf32, #tpu.memory_space<vmem>>
        %dma_wait3A_78 = tpu.memref_squeeze %dma_wait3A_77 : memref<1x80x128xf32, #tpu.memory_space<vmem>> -> memref<80x128xf32, #tpu.memory_space<vmem>>
        %dma_wait3A_79 = arith.constant 0 : i32
        %dma_wait3A_80 = tpu.memref_slice %arg8[%dma_wait3A, %dma_wait3A_73, %dma_wait3A_79] : memref<2x1x80xi32, #tpu.memory_space<vmem>> -> memref<1x1x80xi32, #tpu.memory_space<vmem>>
        %dma_wait3A_81 = tpu.memref_squeeze %dma_wait3A_80 : memref<1x1x80xi32, #tpu.memory_space<vmem>> -> memref<80xi32, #tpu.memory_space<vmem>>
        %dma_wait3A_82 = arith.constant 0 : i32
        %dma_wait3A_83 = arith.constant 0 : i32
        %dma_wait3A_84 = tpu.memref_slice %arg2[%dma_wait3A_82, %dma_wait3A_83] : memref<10000x128xf32, #tpu.memory_space<hbm>> -> memref<10000x128xf32, #tpu.memory_space<hbm>>
        tpu.wait_indirect_dma semaphore(%arg14 : memref<!tpu.dma_semaphore, #tpu.memory_space<semaphore_mem>>) src(%dma_wait3A_84 : memref<10000x128xf32, #tpu.memory_space<hbm>>) dst(%dma_wait3A_78 : memref<80x128xf32, #tpu.memory_space<vmem>>)
        %mul3A_85 = arith.constant 80 : i32
        %mul3A_86 = arith.muli %add3A_72, %mul3A_85 : i32
        %dma_wait3A_87 = arith.constant 1 : i32
        %dma_wait3A_88 = arith.constant 0 : i32
        %dma_wait3A_89 = arith.constant 0 : i32
        %dma_wait3A_90 = tpu.memref_slice %arg11[%dma_wait3A_87, %dma_wait3A_88, %dma_wait3A_89] : memref<2x80x128xf32, #tpu.memory_space<vmem>> -> memref<1x80x128xf32, #tpu.memory_space<vmem>>
        %dma_wait3A_91 = tpu.memref_squeeze %dma_wait3A_90 : memref<1x80x128xf32, #tpu.memory_space<vmem>> -> memref<80x128xf32, #tpu.memory_space<vmem>>
        %dma_wait3A_92 = arith.constant 0 : i32
        %dma_wait3A_93 = tpu.memref_slice %arg3[%mul3A_86, %dma_wait3A_92] : memref<320000x128xf32, #tpu.memory_space<hbm>> -> memref<80x128xf32, #tpu.memory_space<hbm>>
        %dma_wait3A_94 = arith.constant 0 : i32
        %dma_wait3A_95 = arith.constant 0 : i32
        %dma_wait3A_96 = tpu.memref_slice %arg11[%dma_wait3A_87, %dma_wait3A_94, %dma_wait3A_95] : memref<2x80x128xf32, #tpu.memory_space<vmem>> -> memref<1x80x128xf32, #tpu.memory_space<vmem>>
        %dma_wait3A_97 = tpu.memref_squeeze %dma_wait3A_96 : memref<1x80x128xf32, #tpu.memory_space<vmem>> -> memref<80x128xf32, #tpu.memory_space<vmem>>
        %dma_wait3A_98 = arith.constant 0 : i32
        %dma_wait3A_99 = tpu.memref_slice %arg3[%mul3A_86, %dma_wait3A_98] : memref<320000x128xf32, #tpu.memory_space<hbm>> -> memref<80x128xf32, #tpu.memory_space<hbm>>
        tpu.wait_dma2 semaphore(%arg14 : memref<!tpu.dma_semaphore, #tpu.memory_space<semaphore_mem>>) src(%dma_wait3A_99 : memref<80x128xf32, #tpu.memory_space<hbm>>) dst(%dma_wait3A_97 : memref<80x128xf32, #tpu.memory_space<vmem>>)
        %scan3A_100 = arith.constant 1 : i32
        %scan3A_101 = arith.constant 1 : i32
        %scan3A_102 = arith.constant 1 : i32
        %scan3A_103 = arith.constant 0 : i32
        %scan3A_104 = arith.constant 80 : i32
        %scan3A_105 = arith.addi %scan3A_103, %scan3A_104 : i32
        %scan3A_106 = arith.constant 1 : i32
        scf.for %scan3A_110 = %scan3A_103 to %scan3A_105 step %scan3A_106  : i32 {
          %mul3A_111 = arith.constant 1 : i32
          %mul3A_112 = arith.muli %scan3A_110, %mul3A_111 : i32
          %add3A_113 = arith.constant 0 : i32
          %add3A_114 = arith.addi %add3A_113, %mul3A_112 : i32
          %get3A = arith.constant 0 : i32
          %get3A_115 = arith.constant 0 : i32
          %get3A_116 = tpu.memref_slice %arg10[%scan3A_100, %get3A, %get3A_115] : memref<2x80x128xf32, #tpu.memory_space<vmem>> -> memref<1x80x128xf32, #tpu.memory_space<vmem>>
          %get3A_117 = tpu.memref_squeeze %get3A_116 : memref<1x80x128xf32, #tpu.memory_space<vmem>> -> memref<80x128xf32, #tpu.memory_space<vmem>>
          %get3A_118 = arith.index_cast %add3A_114 : i32 to index
          %get3A_119 = arith.constant 0 : index
          %get3A_120 = tpu.vector_load %get3A_117[%get3A_118, %get3A_119] {strides = array<i32>} : memref<80x128xf32, #tpu.memory_space<vmem>>, vector<1x16xf32>,
          %get3A_121 = vector.shape_cast %get3A_120 : vector<1x16xf32> to vector<1x16xf32>
          %get3A_122 = arith.constant 0 : i32
          %get3A_123 = arith.constant 0 : i32
          %get3A_124 = tpu.memref_slice %arg11[%scan3A_101, %get3A_122, %get3A_123] : memref<2x80x128xf32, #tpu.memory_space<vmem>> -> memref<1x80x128xf32, #tpu.memory_space<vmem>>
          %get3A_125 = tpu.memref_squeeze %get3A_124 : memref<1x80x128xf32, #tpu.memory_space<vmem>> -> memref<80x128xf32, #tpu.memory_space<vmem>>
          %get3A_126 = arith.index_cast %add3A_114 : i32 to index
          %get3A_127 = arith.constant 0 : index
          %get3A_128 = tpu.vector_load %get3A_125[%get3A_126, %get3A_127] {strides = array<i32>} : memref<80x128xf32, #tpu.memory_space<vmem>>, vector<1x16xf32>,
          %get3A_129 = vector.shape_cast %get3A_128 : vector<1x16xf32> to vector<1x16xf32>
          %add3A_130 = arith.addf %get3A_121, %get3A_129 : vector<1x16xf32>
          %max3A = arith.constant 0.000000e+00 : f32
          %max3A_131 = vector.broadcast %max3A : f32 to vector<1x16xf32>
          %max3A_132 = arith.maximumf %add3A_130, %max3A_131 : vector<1x16xf32>
          %swap3A = arith.constant 0 : i32
          %swap3A_133 = arith.constant 0 : i32
          %swap3A_134 = tpu.memref_slice %arg10[%scan3A_102, %swap3A, %swap3A_133] : memref<2x80x128xf32, #tpu.memory_space<vmem>> -> memref<1x80x128xf32, #tpu.memory_space<vmem>>
          %swap3A_135 = tpu.memref_squeeze %swap3A_134 : memref<1x80x128xf32, #tpu.memory_space<vmem>> -> memref<80x128xf32, #tpu.memory_space<vmem>>
          %swap3A_136 = arith.index_cast %add3A_114 : i32 to index
          %swap3A_137 = arith.constant 0 : index
          %swap3A_138 = tpu.vector_load %swap3A_135[%swap3A_136, %swap3A_137] {strides = array<i32>} : memref<80x128xf32, #tpu.memory_space<vmem>>, vector<1x16xf32>,
          %swap3A_139 = vector.shape_cast %swap3A_138 : vector<1x16xf32> to vector<1x16xf32>
          %swap3A_140 = vector.shape_cast %max3A_132 : vector<1x16xf32> to vector<1x16xf32>
          tpu.vector_store %swap3A_135[%swap3A_136, %swap3A_137], %swap3A_140 {strides = array<i32>} : memref<80x128xf32, #tpu.memory_space<vmem>>, vector<1x16xf32>,
          %get3A_141 = arith.constant 0 : i32
          %get3A_142 = arith.constant 0 : i32
          %get3A_143 = tpu.memref_slice %arg10[%scan3A_100, %get3A_141, %get3A_142] : memref<2x80x128xf32, #tpu.memory_space<vmem>> -> memref<1x80x128xf32, #tpu.memory_space<vmem>>
          %get3A_144 = tpu.memref_squeeze %get3A_143 : memref<1x80x128xf32, #tpu.memory_space<vmem>> -> memref<80x128xf32, #tpu.memory_space<vmem>>
          %get3A_145 = arith.index_cast %add3A_114 : i32 to index
          %get3A_146 = arith.constant 16 : index
          %get3A_147 = tpu.vector_load %get3A_144[%get3A_145, %get3A_146] {strides = array<i32>} : memref<80x128xf32, #tpu.memory_space<vmem>>, vector<1x16xf32>,
          %get3A_148 = vector.shape_cast %get3A_147 : vector<1x16xf32> to vector<1x16xf32>
          %get3A_149 = arith.constant 0 : i32
          %get3A_150 = arith.constant 0 : i32
          %get3A_151 = tpu.memref_slice %arg11[%scan3A_101, %get3A_149, %get3A_150] : memref<2x80x128xf32, #tpu.memory_space<vmem>> -> memref<1x80x128xf32, #tpu.memory_space<vmem>>
          %get3A_152 = tpu.memref_squeeze %get3A_151 : memref<1x80x128xf32, #tpu.memory_space<vmem>> -> memref<80x128xf32, #tpu.memory_space<vmem>>
          %get3A_153 = arith.index_cast %add3A_114 : i32 to index
          %get3A_154 = arith.constant 16 : index
          %get3A_155 = tpu.vector_load %get3A_152[%get3A_153, %get3A_154] {strides = array<i32>} : memref<80x128xf32, #tpu.memory_space<vmem>>, vector<1x16xf32>,
          %get3A_156 = vector.shape_cast %get3A_155 : vector<1x16xf32> to vector<1x16xf32>
          %add3A_157 = arith.addf %get3A_148, %get3A_156 : vector<1x16xf32>
          %max3A_158 = arith.constant 0.000000e+00 : f32
          %max3A_159 = vector.broadcast %max3A_158 : f32 to vector<1x16xf32>
          %max3A_160 = arith.maximumf %add3A_157, %max3A_159 : vector<1x16xf32>
          %swap3A_161 = arith.constant 0 : i32
          %swap3A_162 = arith.constant 0 : i32
          %swap3A_163 = tpu.memref_slice %arg10[%scan3A_102, %swap3A_161, %swap3A_162] : memref<2x80x128xf32, #tpu.memory_space<vmem>> -> memref<1x80x128xf32, #tpu.memory_space<vmem>>
          %swap3A_164 = tpu.memref_squeeze %swap3A_163 : memref<1x80x128xf32, #tpu.memory_space<vmem>> -> memref<80x128xf32, #tpu.memory_space<vmem>>
          %swap3A_165 = arith.index_cast %add3A_114 : i32 to index
          %swap3A_166 = arith.constant 16 : index
          %swap3A_167 = tpu.vector_load %swap3A_164[%swap3A_165, %swap3A_166] {strides = array<i32>} : memref<80x128xf32, #tpu.memory_space<vmem>>, vector<1x16xf32>,
          %swap3A_168 = vector.shape_cast %swap3A_167 : vector<1x16xf32> to vector<1x16xf32>
          %swap3A_169 = vector.shape_cast %max3A_160 : vector<1x16xf32> to vector<1x16xf32>
          tpu.vector_store %swap3A_164[%swap3A_165, %swap3A_166], %swap3A_169 {strides = array<i32>} : memref<80x128xf32, #tpu.memory_space<vmem>>, vector<1x16xf32>,
          %get3A_170 = arith.constant 0 : i32
          %get3A_171 = arith.constant 0 : i32
          %get3A_172 = tpu.memref_slice %arg10[%scan3A_100, %get3A_170, %get3A_171] : memref<2x80x128xf32, #tpu.memory_space<vmem>> -> memref<1x80x128xf32, #tpu.memory_space<vmem>>
          %get3A_173 = tpu.memref_squeeze %get3A_172 : memref<1x80x128xf32, #tpu.memory_space<vmem>> -> memref<80x128xf32, #tpu.memory_space<vmem>>
          %get3A_174 = arith.index_cast %add3A_114 : i32 to index
          %get3A_175 = arith.constant 32 : index
          %get3A_176 = tpu.vector_load %get3A_173[%get3A_174, %get3A_175] {strides = array<i32>} : memref<80x128xf32, #tpu.memory_space<vmem>>, vector<1x16xf32>,
          %get3A_177 = vector.shape_cast %get3A_176 : vector<1x16xf32> to vector<1x16xf32>
          %get3A_178 = arith.constant 0 : i32
          %get3A_179 = arith.constant 0 : i32
          %get3A_180 = tpu.memref_slice %arg11[%scan3A_101, %get3A_178, %get3A_179] : memref<2x80x128xf32, #tpu.memory_space<vmem>> -> memref<1x80x128xf32, #tpu.memory_space<vmem>>
          %get3A_181 = tpu.memref_squeeze %get3A_180 : memref<1x80x128xf32, #tpu.memory_space<vmem>> -> memref<80x128xf32, #tpu.memory_space<vmem>>
          %get3A_182 = arith.index_cast %add3A_114 : i32 to index
          %get3A_183 = arith.constant 32 : index
          %get3A_184 = tpu.vector_load %get3A_181[%get3A_182, %get3A_183] {strides = array<i32>} : memref<80x128xf32, #tpu.memory_space<vmem>>, vector<1x16xf32>,
          %get3A_185 = vector.shape_cast %get3A_184 : vector<1x16xf32> to vector<1x16xf32>
          %add3A_186 = arith.addf %get3A_177, %get3A_185 : vector<1x16xf32>
          %max3A_187 = arith.constant 0.000000e+00 : f32
          %max3A_188 = vector.broadcast %max3A_187 : f32 to vector<1x16xf32>
          %max3A_189 = arith.maximumf %add3A_186, %max3A_188 : vector<1x16xf32>
          %swap3A_190 = arith.constant 0 : i32
          %swap3A_191 = arith.constant 0 : i32
          %swap3A_192 = tpu.memref_slice %arg10[%scan3A_102, %swap3A_190, %swap3A_191] : memref<2x80x128xf32, #tpu.memory_space<vmem>> -> memref<1x80x128xf32, #tpu.memory_space<vmem>>
          %swap3A_193 = tpu.memref_squeeze %swap3A_192 : memref<1x80x128xf32, #tpu.memory_space<vmem>> -> memref<80x128xf32, #tpu.memory_space<vmem>>
          %swap3A_194 = arith.index_cast %add3A_114 : i32 to index
          %swap3A_195 = arith.constant 32 : index
          %swap3A_196 = tpu.vector_load %swap3A_193[%swap3A_194, %swap3A_195] {strides = array<i32>} : memref<80x128xf32, #tpu.memory_space<vmem>>, vector<1x16xf32>,
          %swap3A_197 = vector.shape_cast %swap3A_196 : vector<1x16xf32> to vector<1x16xf32>
          %swap3A_198 = vector.shape_cast %max3A_189 : vector<1x16xf32> to vector<1x16xf32>
          tpu.vector_store %swap3A_193[%swap3A_194, %swap3A_195], %swap3A_198 {strides = array<i32>} : memref<80x128xf32, #tpu.memory_space<vmem>>, vector<1x16xf32>,
          %get3A_199 = arith.constant 0 : i32
          %get3A_200 = arith.constant 0 : i32
          %get3A_201 = tpu.memref_slice %arg10[%scan3A_100, %get3A_199, %get3A_200] : memref<2x80x128xf32, #tpu.memory_space<vmem>> -> memref<1x80x128xf32, #tpu.memory_space<vmem>>
          %get3A_202 = tpu.memref_squeeze %get3A_201 : memref<1x80x128xf32, #tpu.memory_space<vmem>> -> memref<80x128xf32, #tpu.memory_space<vmem>>
          %get3A_203 = arith.index_cast %add3A_114 : i32 to index
          %get3A_204 = arith.constant 48 : index
          %get3A_205 = tpu.vector_load %get3A_202[%get3A_203, %get3A_204] {strides = array<i32>} : memref<80x128xf32, #tpu.memory_space<vmem>>, vector<1x16xf32>,
          %get3A_206 = vector.shape_cast %get3A_205 : vector<1x16xf32> to vector<1x16xf32>
          %get3A_207 = arith.constant 0 : i32
          %get3A_208 = arith.constant 0 : i32
          %get3A_209 = tpu.memref_slice %arg11[%scan3A_101, %get3A_207, %get3A_208] : memref<2x80x128xf32, #tpu.memory_space<vmem>> -> memref<1x80x128xf32, #tpu.memory_space<vmem>>
          %get3A_210 = tpu.memref_squeeze %get3A_209 : memref<1x80x128xf32, #tpu.memory_space<vmem>> -> memref<80x128xf32, #tpu.memory_space<vmem>>
          %get3A_211 = arith.index_cast %add3A_114 : i32 to index
          %get3A_212 = arith.constant 48 : index
          %get3A_213 = tpu.vector_load %get3A_210[%get3A_211, %get3A_212] {strides = array<i32>} : memref<80x128xf32, #tpu.memory_space<vmem>>, vector<1x16xf32>,
          %get3A_214 = vector.shape_cast %get3A_213 : vector<1x16xf32> to vector<1x16xf32>
          %add3A_215 = arith.addf %get3A_206, %get3A_214 : vector<1x16xf32>
          %max3A_216 = arith.constant 0.000000e+00 : f32
          %max3A_217 = vector.broadcast %max3A_216 : f32 to vector<1x16xf32>
          %max3A_218 = arith.maximumf %add3A_215, %max3A_217 : vector<1x16xf32>
          %swap3A_219 = arith.constant 0 : i32
          %swap3A_220 = arith.constant 0 : i32
          %swap3A_221 = tpu.memref_slice %arg10[%scan3A_102, %swap3A_219, %swap3A_220] : memref<2x80x128xf32, #tpu.memory_space<vmem>> -> memref<1x80x128xf32, #tpu.memory_space<vmem>>
          %swap3A_222 = tpu.memref_squeeze %swap3A_221 : memref<1x80x128xf32, #tpu.memory_space<vmem>> -> memref<80x128xf32, #tpu.memory_space<vmem>>
          %swap3A_223 = arith.index_cast %add3A_114 : i32 to index
          %swap3A_224 = arith.constant 48 : index
          %swap3A_225 = tpu.vector_load %swap3A_222[%swap3A_223, %swap3A_224] {strides = array<i32>} : memref<80x128xf32, #tpu.memory_space<vmem>>, vector<1x16xf32>,
          %swap3A_226 = vector.shape_cast %swap3A_225 : vector<1x16xf32> to vector<1x16xf32>
          %swap3A_227 = vector.shape_cast %max3A_218 : vector<1x16xf32> to vector<1x16xf32>
          tpu.vector_store %swap3A_222[%swap3A_223, %swap3A_224], %swap3A_227 {strides = array<i32>} : memref<80x128xf32, #tpu.memory_space<vmem>>, vector<1x16xf32>,
          %get3A_228 = arith.constant 0 : i32
          %get3A_229 = arith.constant 0 : i32
          %get3A_230 = tpu.memref_slice %arg10[%scan3A_100, %get3A_228, %get3A_229] : memref<2x80x128xf32, #tpu.memory_space<vmem>> -> memref<1x80x128xf32, #tpu.memory_space<vmem>>
          %get3A_231 = tpu.memref_squeeze %get3A_230 : memref<1x80x128xf32, #tpu.memory_space<vmem>> -> memref<80x128xf32, #tpu.memory_space<vmem>>
          %get3A_232 = arith.index_cast %add3A_114 : i32 to index
          %get3A_233 = arith.constant 64 : index
          %get3A_234 = tpu.vector_load %get3A_231[%get3A_232, %get3A_233] {strides = array<i32>} : memref<80x128xf32, #tpu.memory_space<vmem>>, vector<1x16xf32>,
          %get3A_235 = vector.shape_cast %get3A_234 : vector<1x16xf32> to vector<1x16xf32>
          %get3A_236 = arith.constant 0 : i32
          %get3A_237 = arith.constant 0 : i32
          %get3A_238 = tpu.memref_slice %arg11[%scan3A_101, %get3A_236, %get3A_237] : memref<2x80x128xf32, #tpu.memory_space<vmem>> -> memref<1x80x128xf32, #tpu.memory_space<vmem>>
          %get3A_239 = tpu.memref_squeeze %get3A_238 : memref<1x80x128xf32, #tpu.memory_space<vmem>> -> memref<80x128xf32, #tpu.memory_space<vmem>>
          %get3A_240 = arith.index_cast %add3A_114 : i32 to index
          %get3A_241 = arith.constant 64 : index
          %get3A_242 = tpu.vector_load %get3A_239[%get3A_240, %get3A_241] {strides = array<i32>} : memref<80x128xf32, #tpu.memory_space<vmem>>, vector<1x16xf32>,
          %get3A_243 = vector.shape_cast %get3A_242 : vector<1x16xf32> to vector<1x16xf32>
          %add3A_244 = arith.addf %get3A_235, %get3A_243 : vector<1x16xf32>
          %max3A_245 = arith.constant 0.000000e+00 : f32
          %max3A_246 = vector.broadcast %max3A_245 : f32 to vector<1x16xf32>
          %max3A_247 = arith.maximumf %add3A_244, %max3A_246 : vector<1x16xf32>
          %swap3A_248 = arith.constant 0 : i32
          %swap3A_249 = arith.constant 0 : i32
          %swap3A_250 = tpu.memref_slice %arg10[%scan3A_102, %swap3A_248, %swap3A_249] : memref<2x80x128xf32, #tpu.memory_space<vmem>> -> memref<1x80x128xf32, #tpu.memory_space<vmem>>
          %swap3A_251 = tpu.memref_squeeze %swap3A_250 : memref<1x80x128xf32, #tpu.memory_space<vmem>> -> memref<80x128xf32, #tpu.memory_space<vmem>>
          %swap3A_252 = arith.index_cast %add3A_114 : i32 to index
          %swap3A_253 = arith.constant 64 : index
          %swap3A_254 = tpu.vector_load %swap3A_251[%swap3A_252, %swap3A_253] {strides = array<i32>} : memref<80x128xf32, #tpu.memory_space<vmem>>, vector<1x16xf32>,
          %swap3A_255 = vector.shape_cast %swap3A_254 : vector<1x16xf32> to vector<1x16xf32>
          %swap3A_256 = vector.shape_cast %max3A_247 : vector<1x16xf32> to vector<1x16xf32>
          tpu.vector_store %swap3A_251[%swap3A_252, %swap3A_253], %swap3A_256 {strides = array<i32>} : memref<80x128xf32, #tpu.memory_space<vmem>>, vector<1x16xf32>,
          %get3A_257 = arith.constant 0 : i32
          %get3A_258 = arith.constant 0 : i32
          %get3A_259 = tpu.memref_slice %arg10[%scan3A_100, %get3A_257, %get3A_258] : memref<2x80x128xf32, #tpu.memory_space<vmem>> -> memref<1x80x128xf32, #tpu.memory_space<vmem>>
          %get3A_260 = tpu.memref_squeeze %get3A_259 : memref<1x80x128xf32, #tpu.memory_space<vmem>> -> memref<80x128xf32, #tpu.memory_space<vmem>>
          %get3A_261 = arith.index_cast %add3A_114 : i32 to index
          %get3A_262 = arith.constant 80 : index
          %get3A_263 = tpu.vector_load %get3A_260[%get3A_261, %get3A_262] {strides = array<i32>} : memref<80x128xf32, #tpu.memory_space<vmem>>, vector<1x16xf32>,
          %get3A_264 = vector.shape_cast %get3A_263 : vector<1x16xf32> to vector<1x16xf32>
          %get3A_265 = arith.constant 0 : i32
          %get3A_266 = arith.constant 0 : i32
          %get3A_267 = tpu.memref_slice %arg11[%scan3A_101, %get3A_265, %get3A_266] : memref<2x80x128xf32, #tpu.memory_space<vmem>> -> memref<1x80x128xf32, #tpu.memory_space<vmem>>
          %get3A_268 = tpu.memref_squeeze %get3A_267 : memref<1x80x128xf32, #tpu.memory_space<vmem>> -> memref<80x128xf32, #tpu.memory_space<vmem>>
          %get3A_269 = arith.index_cast %add3A_114 : i32 to index
          %get3A_270 = arith.constant 80 : index
          %get3A_271 = tpu.vector_load %get3A_268[%get3A_269, %get3A_270] {strides = array<i32>} : memref<80x128xf32, #tpu.memory_space<vmem>>, vector<1x16xf32>,
          %get3A_272 = vector.shape_cast %get3A_271 : vector<1x16xf32> to vector<1x16xf32>
          %add3A_273 = arith.addf %get3A_264, %get3A_272 : vector<1x16xf32>
          %max3A_274 = arith.constant 0.000000e+00 : f32
          %max3A_275 = vector.broadcast %max3A_274 : f32 to vector<1x16xf32>
          %max3A_276 = arith.maximumf %add3A_273, %max3A_275 : vector<1x16xf32>
          %swap3A_277 = arith.constant 0 : i32
          %swap3A_278 = arith.constant 0 : i32
          %swap3A_279 = tpu.memref_slice %arg10[%scan3A_102, %swap3A_277, %swap3A_278] : memref<2x80x128xf32, #tpu.memory_space<vmem>> -> memref<1x80x128xf32, #tpu.memory_space<vmem>>
          %swap3A_280 = tpu.memref_squeeze %swap3A_279 : memref<1x80x128xf32, #tpu.memory_space<vmem>> -> memref<80x128xf32, #tpu.memory_space<vmem>>
          %swap3A_281 = arith.index_cast %add3A_114 : i32 to index
          %swap3A_282 = arith.constant 80 : index
          %swap3A_283 = tpu.vector_load %swap3A_280[%swap3A_281, %swap3A_282] {strides = array<i32>} : memref<80x128xf32, #tpu.memory_space<vmem>>, vector<1x16xf32>,
          %swap3A_284 = vector.shape_cast %swap3A_283 : vector<1x16xf32> to vector<1x16xf32>
          %swap3A_285 = vector.shape_cast %max3A_276 : vector<1x16xf32> to vector<1x16xf32>
          tpu.vector_store %swap3A_280[%swap3A_281, %swap3A_282], %swap3A_285 {strides = array<i32>} : memref<80x128xf32, #tpu.memory_space<vmem>>, vector<1x16xf32>,
          %get3A_286 = arith.constant 0 : i32
          %get3A_287 = arith.constant 0 : i32
          %get3A_288 = tpu.memref_slice %arg10[%scan3A_100, %get3A_286, %get3A_287] : memref<2x80x128xf32, #tpu.memory_space<vmem>> -> memref<1x80x128xf32, #tpu.memory_space<vmem>>
          %get3A_289 = tpu.memref_squeeze %get3A_288 : memref<1x80x128xf32, #tpu.memory_space<vmem>> -> memref<80x128xf32, #tpu.memory_space<vmem>>
          %get3A_290 = arith.index_cast %add3A_114 : i32 to index
          %get3A_291 = arith.constant 96 : index
          %get3A_292 = tpu.vector_load %get3A_289[%get3A_290, %get3A_291] {strides = array<i32>} : memref<80x128xf32, #tpu.memory_space<vmem>>, vector<1x16xf32>,
          %get3A_293 = vector.shape_cast %get3A_292 : vector<1x16xf32> to vector<1x16xf32>
          %get3A_294 = arith.constant 0 : i32
          %get3A_295 = arith.constant 0 : i32
          %get3A_296 = tpu.memref_slice %arg11[%scan3A_101, %get3A_294, %get3A_295] : memref<2x80x128xf32, #tpu.memory_space<vmem>> -> memref<1x80x128xf32, #tpu.memory_space<vmem>>
          %get3A_297 = tpu.memref_squeeze %get3A_296 : memref<1x80x128xf32, #tpu.memory_space<vmem>> -> memref<80x128xf32, #tpu.memory_space<vmem>>
          %get3A_298 = arith.index_cast %add3A_114 : i32 to index
          %get3A_299 = arith.constant 96 : index
          %get3A_300 = tpu.vector_load %get3A_297[%get3A_298, %get3A_299] {strides = array<i32>} : memref<80x128xf32, #tpu.memory_space<vmem>>, vector<1x16xf32>,
          %get3A_301 = vector.shape_cast %get3A_300 : vector<1x16xf32> to vector<1x16xf32>
          %add3A_302 = arith.addf %get3A_293, %get3A_301 : vector<1x16xf32>
          %max3A_303 = arith.constant 0.000000e+00 : f32
          %max3A_304 = vector.broadcast %max3A_303 : f32 to vector<1x16xf32>
          %max3A_305 = arith.maximumf %add3A_302, %max3A_304 : vector<1x16xf32>
          %swap3A_306 = arith.constant 0 : i32
          %swap3A_307 = arith.constant 0 : i32
          %swap3A_308 = tpu.memref_slice %arg10[%scan3A_102, %swap3A_306, %swap3A_307] : memref<2x80x128xf32, #tpu.memory_space<vmem>> -> memref<1x80x128xf32, #tpu.memory_space<vmem>>
          %swap3A_309 = tpu.memref_squeeze %swap3A_308 : memref<1x80x128xf32, #tpu.memory_space<vmem>> -> memref<80x128xf32, #tpu.memory_space<vmem>>
          %swap3A_310 = arith.index_cast %add3A_114 : i32 to index
          %swap3A_311 = arith.constant 96 : index
          %swap3A_312 = tpu.vector_load %swap3A_309[%swap3A_310, %swap3A_311] {strides = array<i32>} : memref<80x128xf32, #tpu.memory_space<vmem>>, vector<1x16xf32>,
          %swap3A_313 = vector.shape_cast %swap3A_312 : vector<1x16xf32> to vector<1x16xf32>
          %swap3A_314 = vector.shape_cast %max3A_305 : vector<1x16xf32> to vector<1x16xf32>
          tpu.vector_store %swap3A_309[%swap3A_310, %swap3A_311], %swap3A_314 {strides = array<i32>} : memref<80x128xf32, #tpu.memory_space<vmem>>, vector<1x16xf32>,
          %get3A_315 = arith.constant 0 : i32
          %get3A_316 = arith.constant 0 : i32
          %get3A_317 = tpu.memref_slice %arg10[%scan3A_100, %get3A_315, %get3A_316] : memref<2x80x128xf32, #tpu.memory_space<vmem>> -> memref<1x80x128xf32, #tpu.memory_space<vmem>>
          %get3A_318 = tpu.memref_squeeze %get3A_317 : memref<1x80x128xf32, #tpu.memory_space<vmem>> -> memref<80x128xf32, #tpu.memory_space<vmem>>
          %get3A_319 = arith.index_cast %add3A_114 : i32 to index
          %get3A_320 = arith.constant 112 : index
          %get3A_321 = tpu.vector_load %get3A_318[%get3A_319, %get3A_320] {strides = array<i32>} : memref<80x128xf32, #tpu.memory_space<vmem>>, vector<1x16xf32>,
          %get3A_322 = vector.shape_cast %get3A_321 : vector<1x16xf32> to vector<1x16xf32>
          %get3A_323 = arith.constant 0 : i32
          %get3A_324 = arith.constant 0 : i32
          %get3A_325 = tpu.memref_slice %arg11[%scan3A_101, %get3A_323, %get3A_324] : memref<2x80x128xf32, #tpu.memory_space<vmem>> -> memref<1x80x128xf32, #tpu.memory_space<vmem>>
          %get3A_326 = tpu.memref_squeeze %get3A_325 : memref<1x80x128xf32, #tpu.memory_space<vmem>> -> memref<80x128xf32, #tpu.memory_space<vmem>>
          %get3A_327 = arith.index_cast %add3A_114 : i32 to index
          %get3A_328 = arith.constant 112 : index
          %get3A_329 = tpu.vector_load %get3A_326[%get3A_327, %get3A_328] {strides = array<i32>} : memref<80x128xf32, #tpu.memory_space<vmem>>, vector<1x16xf32>,
          %get3A_330 = vector.shape_cast %get3A_329 : vector<1x16xf32> to vector<1x16xf32>
          %add3A_331 = arith.addf %get3A_322, %get3A_330 : vector<1x16xf32>
          %max3A_332 = arith.constant 0.000000e+00 : f32
          %max3A_333 = vector.broadcast %max3A_332 : f32 to vector<1x16xf32>
          %max3A_334 = arith.maximumf %add3A_331, %max3A_333 : vector<1x16xf32>
          %swap3A_335 = arith.constant 0 : i32
          %swap3A_336 = arith.constant 0 : i32
          %swap3A_337 = tpu.memref_slice %arg10[%scan3A_102, %swap3A_335, %swap3A_336] : memref<2x80x128xf32, #tpu.memory_space<vmem>> -> memref<1x80x128xf32, #tpu.memory_space<vmem>>
          %swap3A_338 = tpu.memref_squeeze %swap3A_337 : memref<1x80x128xf32, #tpu.memory_space<vmem>> -> memref<80x128xf32, #tpu.memory_space<vmem>>
          %swap3A_339 = arith.index_cast %add3A_114 : i32 to index
          %swap3A_340 = arith.constant 112 : index
          %swap3A_341 = tpu.vector_load %swap3A_338[%swap3A_339, %swap3A_340] {strides = array<i32>} : memref<80x128xf32, #tpu.memory_space<vmem>>, vector<1x16xf32>,
          %swap3A_342 = vector.shape_cast %swap3A_341 : vector<1x16xf32> to vector<1x16xf32>
          %swap3A_343 = vector.shape_cast %max3A_334 : vector<1x16xf32> to vector<1x16xf32>
          tpu.vector_store %swap3A_338[%swap3A_339, %swap3A_340], %swap3A_343 {strides = array<i32>} : memref<80x128xf32, #tpu.memory_space<vmem>>, vector<1x16xf32>,
        }
        %scan3A_107 = arith.constant 80 : i32
        %run_scoped3A = arith.constant 1 : i32
        %run_scoped3A_108 = arith.constant 1 : i32
        %run_scoped3A_109 = arith.constant 0 : i32
        "tpu.region"() ({
          %run_scoped3A_110 = tpu.sem_alloc : memref<!tpu.dma_semaphore, #tpu.memory_space<semaphore_mem>>
          %dma_start3A = arith.constant 0 : i32
          %dma_start3A_111 = arith.constant 0 : i32
          %dma_start3A_112 = tpu.memref_slice %arg10[%run_scoped3A, %dma_start3A, %dma_start3A_111] : memref<2x80x128xf32, #tpu.memory_space<vmem>> -> memref<1x80x128xf32, #tpu.memory_space<vmem>>
          %dma_start3A_113 = tpu.memref_squeeze %dma_start3A_112 : memref<1x80x128xf32, #tpu.memory_space<vmem>> -> memref<80x128xf32, #tpu.memory_space<vmem>>
          %dma_start3A_114 = arith.constant 0 : i32
          %dma_start3A_115 = tpu.memref_slice %arg9[%run_scoped3A_108, %run_scoped3A_109, %dma_start3A_114] : memref<2x1x80xi32, #tpu.memory_space<vmem>> -> memref<1x1x80xi32, #tpu.memory_space<vmem>>
          %dma_start3A_116 = tpu.memref_squeeze %dma_start3A_115 : memref<1x1x80xi32, #tpu.memory_space<vmem>> -> memref<80xi32, #tpu.memory_space<vmem>>
          %dma_start3A_117 = arith.constant 0 : i32
          %dma_start3A_118 = arith.constant 0 : i32
          %dma_start3A_119 = tpu.memref_slice %arg12[%dma_start3A_117, %dma_start3A_118] : memref<10000x128xf32, #tpu.memory_space<vmem_shared>> -> memref<10000x128xf32, #tpu.memory_space<vmem_shared>>
          tpu.enqueue_indirect_dma source(%dma_start3A_113 : memref<80x128xf32, #tpu.memory_space<vmem>>) target(%dma_start3A_119 : memref<10000x128xf32, #tpu.memory_space<vmem_shared>>) offsets(%dma_start3A_116 : memref<80xi32, #tpu.memory_space<vmem>>) semaphore(%run_scoped3A_110 : memref<!tpu.dma_semaphore, #tpu.memory_space<semaphore_mem>>) {add = true}
          %dma_wait3A_120 = arith.constant 0 : i32
          %dma_wait3A_121 = arith.constant 0 : i32
          %dma_wait3A_122 = tpu.memref_slice %arg10[%run_scoped3A, %dma_wait3A_120, %dma_wait3A_121] : memref<2x80x128xf32, #tpu.memory_space<vmem>> -> memref<1x80x128xf32, #tpu.memory_space<vmem>>
          %dma_wait3A_123 = tpu.memref_squeeze %dma_wait3A_122 : memref<1x80x128xf32, #tpu.memory_space<vmem>> -> memref<80x128xf32, #tpu.memory_space<vmem>>
          %dma_wait3A_124 = arith.constant 0 : i32
          %dma_wait3A_125 = tpu.memref_slice %arg9[%run_scoped3A_108, %run_scoped3A_109, %dma_wait3A_124] : memref<2x1x80xi32, #tpu.memory_space<vmem>> -> memref<1x1x80xi32, #tpu.memory_space<vmem>>
          %dma_wait3A_126 = tpu.memref_squeeze %dma_wait3A_125 : memref<1x1x80xi32, #tpu.memory_space<vmem>> -> memref<80xi32, #tpu.memory_space<vmem>>
          %dma_wait3A_127 = arith.constant 0 : i32
          %dma_wait3A_128 = arith.constant 0 : i32
          %dma_wait3A_129 = tpu.memref_slice %arg12[%dma_wait3A_127, %dma_wait3A_128] : memref<10000x128xf32, #tpu.memory_space<vmem_shared>> -> memref<10000x128xf32, #tpu.memory_space<vmem_shared>>
          tpu.wait_indirect_dma semaphore(%run_scoped3A_110 : memref<!tpu.dma_semaphore, #tpu.memory_space<semaphore_mem>>) src(%dma_wait3A_123 : memref<80x128xf32, #tpu.memory_space<vmem>>) dst(%dma_wait3A_129 : memref<10000x128xf32, #tpu.memory_space<vmem_shared>>)
          tpu.yield
        }) : () -> ()
      } else {
      }
    }
    %scan3A_16 = arith.constant 63 : i32
    %barrier3A_17 = arith.constant 0 : index
    tpu.barrier barrier_id(%barrier3A_17)
    %mul3A_18 = arith.constant 624 : i32
    %mul3A_19 = arith.muli %arg1, %mul3A_18 : i32
    %mul3A_20 = arith.constant 624 : i32
    %mul3A_21 = arith.muli %arg1, %mul3A_20 : i32
    "tpu.region"() ({
      %run_scoped3A = tpu.sem_alloc : memref<!tpu.dma_semaphore, #tpu.memory_space<semaphore_mem>>
      %dma_start3A = arith.constant 0 : i32
      %dma_start3A_27 = tpu.memref_slice %arg7[%arg0, %mul3A_21, %dma_start3A] : memref<2x10000x128xf32, #tpu.memory_space<hbm>> -> memref<1x624x128xf32, #tpu.memory_space<hbm>>
      %dma_start3A_28 = tpu.memref_squeeze %dma_start3A_27 : memref<1x624x128xf32, #tpu.memory_space<hbm>> -> memref<624x128xf32, #tpu.memory_space<hbm>>
      %dma_start3A_29 = arith.constant 0 : i32
      %dma_start3A_30 = tpu.memref_slice %arg12[%mul3A_19, %dma_start3A_29] : memref<10000x128xf32, #tpu.memory_space<vmem_shared>> -> memref<624x128xf32, #tpu.memory_space<vmem_shared>>
      tpu.enqueue_dma source(%dma_start3A_30 : memref<624x128xf32, #tpu.memory_space<vmem_shared>>) target(%dma_start3A_28 : memref<624x128xf32, #tpu.memory_space<hbm>>) target_semaphore(%run_scoped3A : memref<!tpu.dma_semaphore, #tpu.memory_space<semaphore_mem>>)
      %dma_wait3A = arith.constant 0 : i32
      %dma_wait3A_31 = tpu.memref_slice %arg7[%arg0, %mul3A_21, %dma_wait3A] : memref<2x10000x128xf32, #tpu.memory_space<hbm>> -> memref<1x624x128xf32, #tpu.memory_space<hbm>>
      %dma_wait3A_32 = tpu.memref_squeeze %dma_wait3A_31 : memref<1x624x128xf32, #tpu.memory_space<hbm>> -> memref<624x128xf32, #tpu.memory_space<hbm>>
      %dma_wait3A_33 = arith.constant 0 : i32
      %dma_wait3A_34 = tpu.memref_slice %arg12[%mul3A_19, %dma_wait3A_33] : memref<10000x128xf32, #tpu.memory_space<vmem_shared>> -> memref<624x128xf32, #tpu.memory_space<vmem_shared>>
      tpu.wait_dma2 semaphore(%run_scoped3A : memref<!tpu.dma_semaphore, #tpu.memory_space<semaphore_mem>>) src(%dma_wait3A_34 : memref<624x128xf32, #tpu.memory_space<vmem_shared>>) dst(%dma_wait3A_32 : memref<624x128xf32, #tpu.memory_space<hbm>>)
      tpu.yield
    }) : () -> ()
    %eq3A_22 = arith.constant 0 : i32
    %eq3A_23 = arith.cmpi eq, %arg1, %eq3A_22 : i32
    %convert_element_type3A_24 = arith.extui %eq3A_23 : i1 to i32
    %cond3A_25 = arith.constant 0 : i32
    %cond3A_26 = arith.cmpi ne, %convert_element_type3A_24, %cond3A_25 : i32
    scf.if %cond3A_26 {
      "tpu.region"() ({
        %run_scoped3A = tpu.sem_alloc : memref<!tpu.dma_semaphore, #tpu.memory_space<semaphore_mem>>
        %dma_start3A = arith.constant 9984 : i32
        %dma_start3A_27 = arith.constant 0 : i32
        %dma_start3A_28 = tpu.memref_slice %arg7[%arg0, %dma_start3A, %dma_start3A_27] : memref<2x10000x128xf32, #tpu.memory_space<hbm>> -> memref<1x16x128xf32, #tpu.memory_space<hbm>>
        %dma_start3A_29 = tpu.memref_squeeze %dma_start3A_28 : memref<1x16x128xf32, #tpu.memory_space<hbm>> -> memref<16x128xf32, #tpu.memory_space<hbm>>
        %dma_start3A_30 = arith.constant 9984 : i32
        %dma_start3A_31 = arith.constant 0 : i32
        %dma_start3A_32 = tpu.memref_slice %arg12[%dma_start3A_30, %dma_start3A_31] : memref<10000x128xf32, #tpu.memory_space<vmem_shared>> -> memref<16x128xf32, #tpu.memory_space<vmem_shared>>
        tpu.enqueue_dma source(%dma_start3A_32 : memref<16x128xf32, #tpu.memory_space<vmem_shared>>) target(%dma_start3A_29 : memref<16x128xf32, #tpu.memory_space<hbm>>) target_semaphore(%run_scoped3A : memref<!tpu.dma_semaphore, #tpu.memory_space<semaphore_mem>>)
        %dma_wait3A = arith.constant 9984 : i32
        %dma_wait3A_33 = arith.constant 0 : i32
        %dma_wait3A_34 = tpu.memref_slice %arg7[%arg0, %dma_wait3A, %dma_wait3A_33] : memref<2x10000x128xf32, #tpu.memory_space<hbm>> -> memref<1x16x128xf32, #tpu.memory_space<hbm>>
        %dma_wait3A_35 = tpu.memref_squeeze %dma_wait3A_34 : memref<1x16x128xf32, #tpu.memory_space<hbm>> -> memref<16x128xf32, #tpu.memory_space<hbm>>
        %dma_wait3A_36 = arith.constant 9984 : i32
        %dma_wait3A_37 = arith.constant 0 : i32
        %dma_wait3A_38 = tpu.memref_slice %arg12[%dma_wait3A_36, %dma_wait3A_37] : memref<10000x128xf32, #tpu.memory_space<vmem_shared>> -> memref<16x128xf32, #tpu.memory_space<vmem_shared>>
        tpu.wait_dma2 semaphore(%run_scoped3A : memref<!tpu.dma_semaphore, #tpu.memory_space<semaphore_mem>>) src(%dma_wait3A_38 : memref<16x128xf32, #tpu.memory_space<vmem_shared>>) dst(%dma_wait3A_35 : memref<16x128xf32, #tpu.memory_space<hbm>>)
        tpu.yield
      }) : () -> ()
    } else {
    }
    return
  }
}

module attributes {stable_mosaic.version = 14 : i64} {
  func.func @body(%arg0: i32, %arg1: memref<3200x16xf32, #tpu.memory_space<vmem>>, %arg2: memref<16x128xf32, #tpu.memory_space<vmem>>, %arg3: memref<1x128xf32, #tpu.memory_space<vmem>>, %arg4: memref<3200x128xf32, #tpu.memory_space<vmem>>) attributes {dimension_semantics = [#tpu.dimension_semantics<arbitrary>], iteration_bounds = array<i64: 100>, scalar_prefetch = 0 : i64, scratch_operands = 0 : i64, tpu.core_type = #tpu.core_type<tc>, window_params = [{transform_indices = @transform_0, window_bounds = array<i64: 3200, 16>}, {pipeline_mode = #tpu.pipeline_mode<synchronous>, transform_indices = @transform_1, window_bounds = array<i64: 16, 128>}, {pipeline_mode = #tpu.pipeline_mode<synchronous>, transform_indices = @transform_2, window_bounds = array<i64: 1, 128>}, {transform_indices = @transform_3, window_bounds = array<i64: 3200, 128>}]} {
    %get3A = arith.constant 0 : index
    %get3A_0 = arith.constant 0 : index
    %get3A_1 = vector.load %arg1[%get3A, %get3A_0] : memref<3200x16xf32, #tpu.memory_space<vmem>>, vector<3200x16xf32>
    %get3A_2 = arith.constant 0 : index
    %get3A_3 = arith.constant 0 : index
    %get3A_4 = vector.load %arg2[%get3A_2, %get3A_3] : memref<16x128xf32, #tpu.memory_space<vmem>>, vector<16x128xf32>
    %dot_general3A = arith.constant dense<0.000000e+00> : vector<3200x128xf32>
    %dot_general3A_5 = tpu.matmul %get3A_1, %get3A_4, %dot_general3A {dimension_numbers = #tpu.dot_dimension_numbers<[1], [0], [0], [1], [0, 0, 1, 1], [], []>, transpose_lhs_hint = false} : vector<3200x16xf32>, vector<16x128xf32>, vector<3200x128xf32> -> vector<3200x128xf32>
    %get3A_6 = arith.constant 0 : index
    %get3A_7 = arith.constant 0 : index
    %get3A_8 = vector.load %arg3[%get3A_6, %get3A_7] : memref<1x128xf32, #tpu.memory_space<vmem>>, vector<1x128xf32>
    %add3A = vector.broadcast %get3A_8 : vector<1x128xf32> to vector<3200x128xf32>
    %add3A_9 = arith.addf %dot_general3A_5, %add3A : vector<3200x128xf32>
    %swap3A = arith.constant 0 : index
    %swap3A_10 = arith.constant 0 : index
    %swap3A_11 = vector.load %arg4[%swap3A, %swap3A_10] : memref<3200x128xf32, #tpu.memory_space<vmem>>, vector<3200x128xf32>
    tpu.vector_store %arg4[%swap3A, %swap3A_10], %add3A_9 {strides = array<i32>} : memref<3200x128xf32, #tpu.memory_space<vmem>>, vector<3200x128xf32>,
    return
  }
  func.func @transform_0(%arg0: i32) -> (i32, i32) {
    %c0_i32 = arith.constant 0 : i32
    %c0_i32_0 = arith.constant 0 : i32
    return %arg0, %c0_i32 : i32, i32
  }
  func.func @transform_1(%arg0: i32) -> (i32, i32) {
    %c0_i32 = arith.constant 0 : i32
    %c0_i32_0 = arith.constant 0 : i32
    %c0_i32_1 = arith.constant 0 : i32
    return %c0_i32, %c0_i32_0 : i32, i32
  }
  func.func @transform_2(%arg0: i32) -> (i32, i32) {
    %c0_i32 = arith.constant 0 : i32
    %c0_i32_0 = arith.constant 0 : i32
    %c0_i32_1 = arith.constant 0 : i32
    return %c0_i32, %c0_i32_0 : i32, i32
  }
  func.func @transform_3(%arg0: i32) -> (i32, i32) {
    %c0_i32 = arith.constant 0 : i32
    %c0_i32_0 = arith.constant 0 : i32
    return %arg0, %c0_i32 : i32, i32
  }
}

module attributes {stable_mosaic.version = 14 : i64} {
  func.func @body(%arg0: i32, %arg1: memref<2000x128xf32, #tpu.memory_space<vmem>>, %arg2: memref<128x128xf32, #tpu.memory_space<vmem>>, %arg3: memref<1x128xf32, #tpu.memory_space<vmem>>, %arg4: memref<2000x128xf32, #tpu.memory_space<vmem>>) attributes {dimension_semantics = [#tpu.dimension_semantics<arbitrary>], iteration_bounds = array<i64: 5>, scalar_prefetch = 0 : i64, scratch_operands = 0 : i64, tpu.core_type = #tpu.core_type<tc>, window_params = [{transform_indices = @transform_0, window_bounds = array<i64: 2000, 128>}, {pipeline_mode = #tpu.pipeline_mode<synchronous>, transform_indices = @transform_1, window_bounds = array<i64: 128, 128>}, {pipeline_mode = #tpu.pipeline_mode<synchronous>, transform_indices = @transform_2, window_bounds = array<i64: 1, 128>}, {transform_indices = @transform_3, window_bounds = array<i64: 2000, 128>}]} {
    %get3A = arith.constant 0 : index
    %get3A_0 = arith.constant 0 : index
    %get3A_1 = vector.load %arg1[%get3A, %get3A_0] : memref<2000x128xf32, #tpu.memory_space<vmem>>, vector<2000x128xf32>
    %get3A_2 = arith.constant 0 : index
    %get3A_3 = arith.constant 0 : index
    %get3A_4 = vector.load %arg2[%get3A_2, %get3A_3] : memref<128x128xf32, #tpu.memory_space<vmem>>, vector<128x128xf32>
    %dot_general3A = arith.constant dense<0.000000e+00> : vector<2000x128xf32>
    %dot_general3A_5 = tpu.matmul %get3A_1, %get3A_4, %dot_general3A {dimension_numbers = #tpu.dot_dimension_numbers<[1], [0], [0], [1], [0, 0, 1, 1], [], []>, transpose_lhs_hint = false} : vector<2000x128xf32>, vector<128x128xf32>, vector<2000x128xf32> -> vector<2000x128xf32>
    %get3A_6 = arith.constant 0 : index
    %get3A_7 = arith.constant 0 : index
    %get3A_8 = vector.load %arg3[%get3A_6, %get3A_7] : memref<1x128xf32, #tpu.memory_space<vmem>>, vector<1x128xf32>
    %add3A = vector.broadcast %get3A_8 : vector<1x128xf32> to vector<2000x128xf32>
    %add3A_9 = arith.addf %dot_general3A_5, %add3A : vector<2000x128xf32>
    %swap3A = arith.constant 0 : index
    %swap3A_10 = arith.constant 0 : index
    %swap3A_11 = vector.load %arg4[%swap3A, %swap3A_10] : memref<2000x128xf32, #tpu.memory_space<vmem>>, vector<2000x128xf32>
    tpu.vector_store %arg4[%swap3A, %swap3A_10], %add3A_9 {strides = array<i32>} : memref<2000x128xf32, #tpu.memory_space<vmem>>, vector<2000x128xf32>,
    return
  }
  func.func @transform_0(%arg0: i32) -> (i32, i32) {
    %c0_i32 = arith.constant 0 : i32
    %c0_i32_0 = arith.constant 0 : i32
    return %arg0, %c0_i32 : i32, i32
  }
  func.func @transform_1(%arg0: i32) -> (i32, i32) {
    %c0_i32 = arith.constant 0 : i32
    %c0_i32_0 = arith.constant 0 : i32
    %c0_i32_1 = arith.constant 0 : i32
    return %c0_i32, %c0_i32_0 : i32, i32
  }
  func.func @transform_2(%arg0: i32) -> (i32, i32) {
    %c0_i32 = arith.constant 0 : i32
    %c0_i32_0 = arith.constant 0 : i32
    %c0_i32_1 = arith.constant 0 : i32
    return %c0_i32, %c0_i32_0 : i32, i32
  }
  func.func @transform_3(%arg0: i32) -> (i32, i32) {
    %c0_i32 = arith.constant 0 : i32
    %c0_i32_0 = arith.constant 0 : i32
    return %arg0, %c0_i32 : i32, i32
  }
}

module attributes {stable_mosaic.version = 14 : i64} {
  func.func @body(%arg0: i32, %arg1: memref<3200x128xf32, #tpu.memory_space<vmem>>, %arg2: memref<3200x128xf32, #tpu.memory_space<vmem>>, %arg3: memref<128x128xf32, #tpu.memory_space<vmem>>, %arg4: memref<128x128xf32, #tpu.memory_space<vmem>>, %arg5: memref<1x128xf32, #tpu.memory_space<vmem>>, %arg6: memref<3200x128xf32, #tpu.memory_space<vmem>>) attributes {dimension_semantics = [#tpu.dimension_semantics<arbitrary>], iteration_bounds = array<i64: 100>, scalar_prefetch = 0 : i64, scratch_operands = 0 : i64, tpu.core_type = #tpu.core_type<tc>, window_params = [{transform_indices = @transform_0, window_bounds = array<i64: 3200, 128>}, {transform_indices = @transform_1, window_bounds = array<i64: 3200, 128>}, {pipeline_mode = #tpu.pipeline_mode<synchronous>, transform_indices = @transform_2, window_bounds = array<i64: 128, 128>}, {pipeline_mode = #tpu.pipeline_mode<synchronous>, transform_indices = @transform_3, window_bounds = array<i64: 128, 128>}, {pipeline_mode = #tpu.pipeline_mode<synchronous>, transform_indices = @transform_4, window_bounds = array<i64: 1, 128>}, {transform_indices = @transform_5, window_bounds = array<i64: 3200, 128>}]} {
    %get3A = arith.constant 0 : index
    %get3A_0 = arith.constant 0 : index
    %get3A_1 = vector.load %arg1[%get3A, %get3A_0] : memref<3200x128xf32, #tpu.memory_space<vmem>>, vector<3200x128xf32>
    %get3A_2 = arith.constant 0 : index
    %get3A_3 = arith.constant 0 : index
    %get3A_4 = vector.load %arg2[%get3A_2, %get3A_3] : memref<3200x128xf32, #tpu.memory_space<vmem>>, vector<3200x128xf32>
    %get3A_5 = arith.constant 0 : index
    %get3A_6 = arith.constant 0 : index
    %get3A_7 = vector.load %arg3[%get3A_5, %get3A_6] : memref<128x128xf32, #tpu.memory_space<vmem>>, vector<128x128xf32>
    %dot_general3A = arith.constant dense<0.000000e+00> : vector<3200x128xf32>
    %dot_general3A_8 = tpu.matmul %get3A_1, %get3A_7, %dot_general3A {dimension_numbers = #tpu.dot_dimension_numbers<[1], [0], [0], [1], [0, 0, 1, 1], [], []>, transpose_lhs_hint = false} : vector<3200x128xf32>, vector<128x128xf32>, vector<3200x128xf32> -> vector<3200x128xf32>
    %add3A = arith.addf %get3A_4, %dot_general3A_8 : vector<3200x128xf32>
    %max3A = arith.constant 0.000000e+00 : f32
    %max3A_9 = vector.broadcast %max3A : f32 to vector<3200x128xf32>
    %max3A_10 = arith.maximumf %add3A, %max3A_9 : vector<3200x128xf32>
    %get3A_11 = arith.constant 0 : index
    %get3A_12 = arith.constant 0 : index
    %get3A_13 = vector.load %arg4[%get3A_11, %get3A_12] : memref<128x128xf32, #tpu.memory_space<vmem>>, vector<128x128xf32>
    %dot_general3A_14 = arith.constant dense<0.000000e+00> : vector<3200x128xf32>
    %dot_general3A_15 = tpu.matmul %max3A_10, %get3A_13, %dot_general3A_14 {dimension_numbers = #tpu.dot_dimension_numbers<[1], [0], [0], [1], [0, 0, 1, 1], [], []>, transpose_lhs_hint = false} : vector<3200x128xf32>, vector<128x128xf32>, vector<3200x128xf32> -> vector<3200x128xf32>
    %get3A_16 = arith.constant 0 : index
    %get3A_17 = arith.constant 0 : index
    %get3A_18 = vector.load %arg5[%get3A_16, %get3A_17] : memref<1x128xf32, #tpu.memory_space<vmem>>, vector<1x128xf32>
    %add3A_19 = vector.broadcast %get3A_18 : vector<1x128xf32> to vector<3200x128xf32>
    %add3A_20 = arith.addf %dot_general3A_15, %add3A_19 : vector<3200x128xf32>
    %mul3A = arith.constant 5.000000e-01 : f32
    %mul3A_21 = vector.broadcast %mul3A : f32 to vector<3200x128xf32>
    %mul3A_22 = arith.mulf %add3A_20, %mul3A_21 : vector<3200x128xf32>
    %add3A_23 = arith.addf %get3A_1, %mul3A_22 : vector<3200x128xf32>
    %swap3A = arith.constant 0 : index
    %swap3A_24 = arith.constant 0 : index
    %swap3A_25 = vector.load %arg6[%swap3A, %swap3A_24] : memref<3200x128xf32, #tpu.memory_space<vmem>>, vector<3200x128xf32>
    tpu.vector_store %arg6[%swap3A, %swap3A_24], %add3A_23 {strides = array<i32>} : memref<3200x128xf32, #tpu.memory_space<vmem>>, vector<3200x128xf32>,
    return
  }
  func.func @transform_0(%arg0: i32) -> (i32, i32) {
    %c0_i32 = arith.constant 0 : i32
    %c0_i32_0 = arith.constant 0 : i32
    return %arg0, %c0_i32 : i32, i32
  }
  func.func @transform_1(%arg0: i32) -> (i32, i32) {
    %c0_i32 = arith.constant 0 : i32
    %c0_i32_0 = arith.constant 0 : i32
    return %arg0, %c0_i32 : i32, i32
  }
  func.func @transform_2(%arg0: i32) -> (i32, i32) {
    %c0_i32 = arith.constant 0 : i32
    %c0_i32_0 = arith.constant 0 : i32
    %c0_i32_1 = arith.constant 0 : i32
    return %c0_i32, %c0_i32_0 : i32, i32
  }
  func.func @transform_3(%arg0: i32) -> (i32, i32) {
    %c0_i32 = arith.constant 0 : i32
    %c0_i32_0 = arith.constant 0 : i32
    %c0_i32_1 = arith.constant 0 : i32
    return %c0_i32, %c0_i32_0 : i32, i32
  }
  func.func @transform_4(%arg0: i32) -> (i32, i32) {
    %c0_i32 = arith.constant 0 : i32
    %c0_i32_0 = arith.constant 0 : i32
    %c0_i32_1 = arith.constant 0 : i32
    return %c0_i32, %c0_i32_0 : i32, i32
  }
  func.func @transform_5(%arg0: i32) -> (i32, i32) {
    %c0_i32 = arith.constant 0 : i32
    %c0_i32_0 = arith.constant 0 : i32
    return %arg0, %c0_i32 : i32, i32
  }
}

module attributes {stable_mosaic.version = 14 : i64} {
  func.func @body(%arg0: memref<10000x128xf32, #tpu.memory_space<vmem>>, %arg1: memref<2x10000x128xf32, #tpu.memory_space<vmem>>, %arg2: memref<128x128xf32, #tpu.memory_space<vmem>>, %arg3: memref<1x128xf32, #tpu.memory_space<vmem>>, %arg4: memref<128x128xf32, #tpu.memory_space<vmem>>, %arg5: memref<1x128xf32, #tpu.memory_space<vmem>>, %arg6: memref<1x128xf32, #tpu.memory_space<vmem>>, %arg7: memref<1x128xf32, #tpu.memory_space<vmem>>, %arg8: memref<128x128xf32, #tpu.memory_space<vmem>>, %arg9: memref<128x128xf32, #tpu.memory_space<vmem>>, %arg10: memref<1x128xf32, #tpu.memory_space<vmem>>, %arg11: memref<10000x128xf32, #tpu.memory_space<vmem>>, %arg12: memref<10000x128xf32, #tpu.memory_space<vmem>>, %arg13: memref<10000x128xf32, #tpu.memory_space<vmem>>) attributes {dimension_semantics = [], scalar_prefetch = 0 : i64, scratch_operands = 0 : i64, tpu.core_type = #tpu.core_type<tc>} {
    %get3A = arith.constant 0 : index
    %get3A_0 = arith.constant 0 : index
    %get3A_1 = vector.load %arg0[%get3A, %get3A_0] : memref<10000x128xf32, #tpu.memory_space<vmem>>, vector<10000x128xf32>
    %get3A_2 = arith.constant 0 : index
    %get3A_3 = arith.constant 0 : index
    %get3A_4 = arith.constant 0 : index
    %get3A_5 = vector.load %arg1[%get3A_2, %get3A_3, %get3A_4] : memref<2x10000x128xf32, #tpu.memory_space<vmem>>, vector<1x10000x128xf32>
    %get3A_6 = vector.shape_cast %get3A_5 : vector<1x10000x128xf32> to vector<10000x128xf32>
    %add3A = arith.addf %get3A_1, %get3A_6 : vector<10000x128xf32>
    %get3A_7 = arith.constant 1 : index
    %get3A_8 = arith.constant 0 : index
    %get3A_9 = arith.constant 0 : index
    %get3A_10 = vector.load %arg1[%get3A_7, %get3A_8, %get3A_9] : memref<2x10000x128xf32, #tpu.memory_space<vmem>>, vector<1x10000x128xf32>
    %get3A_11 = vector.shape_cast %get3A_10 : vector<1x10000x128xf32> to vector<10000x128xf32>
    %add3A_12 = arith.addf %add3A, %get3A_11 : vector<10000x128xf32>
    %get3A_13 = arith.constant 0 : index
    %get3A_14 = arith.constant 0 : index
    %get3A_15 = vector.load %arg2[%get3A_13, %get3A_14] : memref<128x128xf32, #tpu.memory_space<vmem>>, vector<128x128xf32>
    %dot_general3A = arith.constant dense<0.000000e+00> : vector<10000x128xf32>
    %dot_general3A_16 = tpu.matmul %add3A_12, %get3A_15, %dot_general3A {dimension_numbers = #tpu.dot_dimension_numbers<[1], [0], [0], [1], [0, 0, 1, 1], [], []>, transpose_lhs_hint = false} : vector<10000x128xf32>, vector<128x128xf32>, vector<10000x128xf32> -> vector<10000x128xf32>
    %get3A_17 = arith.constant 0 : index
    %get3A_18 = arith.constant 0 : index
    %get3A_19 = vector.load %arg3[%get3A_17, %get3A_18] : memref<1x128xf32, #tpu.memory_space<vmem>>, vector<1x128xf32>
    %add3A_20 = vector.broadcast %get3A_19 : vector<1x128xf32> to vector<10000x128xf32>
    %add3A_21 = arith.addf %dot_general3A_16, %add3A_20 : vector<10000x128xf32>
    %max3A = arith.constant 0.000000e+00 : f32
    %max3A_22 = vector.broadcast %max3A : f32 to vector<10000x128xf32>
    %max3A_23 = arith.maximumf %add3A_21, %max3A_22 : vector<10000x128xf32>
    %get3A_24 = arith.constant 0 : index
    %get3A_25 = arith.constant 0 : index
    %get3A_26 = vector.load %arg4[%get3A_24, %get3A_25] : memref<128x128xf32, #tpu.memory_space<vmem>>, vector<128x128xf32>
    %dot_general3A_27 = arith.constant dense<0.000000e+00> : vector<10000x128xf32>
    %dot_general3A_28 = tpu.matmul %max3A_23, %get3A_26, %dot_general3A_27 {dimension_numbers = #tpu.dot_dimension_numbers<[1], [0], [0], [1], [0, 0, 1, 1], [], []>, transpose_lhs_hint = false} : vector<10000x128xf32>, vector<128x128xf32>, vector<10000x128xf32> -> vector<10000x128xf32>
    %get3A_29 = arith.constant 0 : index
    %get3A_30 = arith.constant 0 : index
    %get3A_31 = vector.load %arg5[%get3A_29, %get3A_30] : memref<1x128xf32, #tpu.memory_space<vmem>>, vector<1x128xf32>
    %add3A_32 = vector.broadcast %get3A_31 : vector<1x128xf32> to vector<10000x128xf32>
    %add3A_33 = arith.addf %dot_general3A_28, %add3A_32 : vector<10000x128xf32>
    %reduce_sum3A = arith.constant dense<0.000000e+00> : vector<128xf32>
    %reduce_sum3A_34 = vector.multi_reduction <add>, %add3A_33, %reduce_sum3A [0] : vector<10000x128xf32> to vector<128xf32>
    %broadcast_in_dim3A = vector.shape_cast %reduce_sum3A_34 : vector<128xf32> to vector<1x128xf32>
    %div3A = arith.constant 1.000000e+04 : f32
    %div3A_35 = vector.broadcast %div3A : f32 to vector<1x128xf32>
    %div3A_36 = arith.divf %broadcast_in_dim3A, %div3A_35 : vector<1x128xf32>
    %sub3A = vector.broadcast %div3A_36 : vector<1x128xf32> to vector<10000x128xf32>
    %sub3A_37 = arith.subf %add3A_33, %sub3A : vector<10000x128xf32>
    %integer_pow3A = arith.mulf %sub3A_37, %sub3A_37 : vector<10000x128xf32>
    %reduce_sum3A_38 = arith.constant dense<0.000000e+00> : vector<128xf32>
    %reduce_sum3A_39 = vector.multi_reduction <add>, %integer_pow3A, %reduce_sum3A_38 [0] : vector<10000x128xf32> to vector<128xf32>
    %broadcast_in_dim3A_40 = vector.shape_cast %reduce_sum3A_39 : vector<128xf32> to vector<1x128xf32>
    %div3A_41 = arith.constant 1.000000e+04 : f32
    %div3A_42 = vector.broadcast %div3A_41 : f32 to vector<1x128xf32>
    %div3A_43 = arith.divf %broadcast_in_dim3A_40, %div3A_42 : vector<1x128xf32>
    %sub3A_44 = vector.broadcast %div3A_36 : vector<1x128xf32> to vector<10000x128xf32>
    %sub3A_45 = arith.subf %add3A_33, %sub3A_44 : vector<10000x128xf32>
    %add3A_46 = arith.constant 9.99999974E-6 : f32
    %add3A_47 = vector.broadcast %add3A_46 : f32 to vector<1x128xf32>
    %add3A_48 = arith.addf %div3A_43, %add3A_47 : vector<1x128xf32>
    %sqrt3A = math.sqrt %add3A_48 : vector<1x128xf32>
    %div3A_49 = vector.broadcast %sqrt3A : vector<1x128xf32> to vector<10000x128xf32>
    %div3A_50 = arith.divf %sub3A_45, %div3A_49 : vector<10000x128xf32>
    %get3A_51 = arith.constant 0 : index
    %get3A_52 = arith.constant 0 : index
    %get3A_53 = vector.load %arg6[%get3A_51, %get3A_52] : memref<1x128xf32, #tpu.memory_space<vmem>>, vector<1x128xf32>
    %mul3A = vector.broadcast %get3A_53 : vector<1x128xf32> to vector<10000x128xf32>
    %mul3A_54 = arith.mulf %div3A_50, %mul3A : vector<10000x128xf32>
    %get3A_55 = arith.constant 0 : index
    %get3A_56 = arith.constant 0 : index
    %get3A_57 = vector.load %arg7[%get3A_55, %get3A_56] : memref<1x128xf32, #tpu.memory_space<vmem>>, vector<1x128xf32>
    %add3A_58 = vector.broadcast %get3A_57 : vector<1x128xf32> to vector<10000x128xf32>
    %add3A_59 = arith.addf %mul3A_54, %add3A_58 : vector<10000x128xf32>
    %max3A_60 = arith.constant 0.000000e+00 : f32
    %max3A_61 = vector.broadcast %max3A_60 : f32 to vector<10000x128xf32>
    %max3A_62 = arith.maximumf %add3A_59, %max3A_61 : vector<10000x128xf32>
    %add3A_63 = arith.addf %get3A_1, %max3A_62 : vector<10000x128xf32>
    %mul3A_64 = arith.constant 5.000000e-01 : f32
    %mul3A_65 = vector.broadcast %mul3A_64 : f32 to vector<10000x128xf32>
    %mul3A_66 = arith.mulf %add3A_63, %mul3A_65 : vector<10000x128xf32>
    %swap3A = arith.constant 0 : index
    %swap3A_67 = arith.constant 0 : index
    %swap3A_68 = vector.load %arg11[%swap3A, %swap3A_67] : memref<10000x128xf32, #tpu.memory_space<vmem>>, vector<10000x128xf32>
    tpu.vector_store %arg11[%swap3A, %swap3A_67], %mul3A_66 {strides = array<i32>} : memref<10000x128xf32, #tpu.memory_space<vmem>>, vector<10000x128xf32>,
    %get3A_69 = arith.constant 0 : index
    %get3A_70 = arith.constant 0 : index
    %get3A_71 = vector.load %arg8[%get3A_69, %get3A_70] : memref<128x128xf32, #tpu.memory_space<vmem>>, vector<128x128xf32>
    %dot_general3A_72 = arith.constant dense<0.000000e+00> : vector<10000x128xf32>
    %dot_general3A_73 = tpu.matmul %mul3A_66, %get3A_71, %dot_general3A_72 {dimension_numbers = #tpu.dot_dimension_numbers<[1], [0], [0], [1], [0, 0, 1, 1], [], []>, transpose_lhs_hint = false} : vector<10000x128xf32>, vector<128x128xf32>, vector<10000x128xf32> -> vector<10000x128xf32>
    %swap3A_74 = arith.constant 0 : index
    %swap3A_75 = arith.constant 0 : index
    %swap3A_76 = vector.load %arg12[%swap3A_74, %swap3A_75] : memref<10000x128xf32, #tpu.memory_space<vmem>>, vector<10000x128xf32>
    tpu.vector_store %arg12[%swap3A_74, %swap3A_75], %dot_general3A_73 {strides = array<i32>} : memref<10000x128xf32, #tpu.memory_space<vmem>>, vector<10000x128xf32>,
    %get3A_77 = arith.constant 0 : index
    %get3A_78 = arith.constant 0 : index
    %get3A_79 = vector.load %arg9[%get3A_77, %get3A_78] : memref<128x128xf32, #tpu.memory_space<vmem>>, vector<128x128xf32>
    %dot_general3A_80 = arith.constant dense<0.000000e+00> : vector<10000x128xf32>
    %dot_general3A_81 = tpu.matmul %mul3A_66, %get3A_79, %dot_general3A_80 {dimension_numbers = #tpu.dot_dimension_numbers<[1], [0], [0], [1], [0, 0, 1, 1], [], []>, transpose_lhs_hint = false} : vector<10000x128xf32>, vector<128x128xf32>, vector<10000x128xf32> -> vector<10000x128xf32>
    %get3A_82 = arith.constant 0 : index
    %get3A_83 = arith.constant 0 : index
    %get3A_84 = vector.load %arg10[%get3A_82, %get3A_83] : memref<1x128xf32, #tpu.memory_space<vmem>>, vector<1x128xf32>
    %add3A_85 = vector.broadcast %get3A_84 : vector<1x128xf32> to vector<10000x128xf32>
    %add3A_86 = arith.addf %dot_general3A_81, %add3A_85 : vector<10000x128xf32>
    %swap3A_87 = arith.constant 0 : index
    %swap3A_88 = arith.constant 0 : index
    %swap3A_89 = vector.load %arg13[%swap3A_87, %swap3A_88] : memref<10000x128xf32, #tpu.memory_space<vmem>>, vector<10000x128xf32>
    tpu.vector_store %arg13[%swap3A_87, %swap3A_88], %add3A_86 {strides = array<i32>} : memref<10000x128xf32, #tpu.memory_space<vmem>>, vector<10000x128xf32>,
    return
  }
}

module attributes {stable_mosaic.version = 14 : i64} {
  func.func @body(%arg0: memref<10000x128xf32, #tpu.memory_space<vmem>>, %arg1: memref<2x10000x128xf32, #tpu.memory_space<vmem>>, %arg2: memref<128x128xf32, #tpu.memory_space<vmem>>, %arg3: memref<1x128xf32, #tpu.memory_space<vmem>>, %arg4: memref<128x128xf32, #tpu.memory_space<vmem>>, %arg5: memref<1x128xf32, #tpu.memory_space<vmem>>, %arg6: memref<1x128xf32, #tpu.memory_space<vmem>>, %arg7: memref<1x128xf32, #tpu.memory_space<vmem>>, %arg8: memref<128x128xf32, #tpu.memory_space<vmem>>, %arg9: memref<128x128xf32, #tpu.memory_space<vmem>>, %arg10: memref<1x128xf32, #tpu.memory_space<vmem>>, %arg11: memref<10000x128xf32, #tpu.memory_space<vmem>>, %arg12: memref<10000x128xf32, #tpu.memory_space<vmem>>, %arg13: memref<10000x128xf32, #tpu.memory_space<vmem>>) attributes {dimension_semantics = [], scalar_prefetch = 0 : i64, scratch_operands = 0 : i64, tpu.core_type = #tpu.core_type<tc>} {
    %get3A = arith.constant 0 : index
    %get3A_0 = arith.constant 0 : index
    %get3A_1 = vector.load %arg0[%get3A, %get3A_0] : memref<10000x128xf32, #tpu.memory_space<vmem>>, vector<10000x128xf32>
    %get3A_2 = arith.constant 0 : index
    %get3A_3 = arith.constant 0 : index
    %get3A_4 = arith.constant 0 : index
    %get3A_5 = vector.load %arg1[%get3A_2, %get3A_3, %get3A_4] : memref<2x10000x128xf32, #tpu.memory_space<vmem>>, vector<1x10000x128xf32>
    %get3A_6 = vector.shape_cast %get3A_5 : vector<1x10000x128xf32> to vector<10000x128xf32>
    %add3A = arith.addf %get3A_1, %get3A_6 : vector<10000x128xf32>
    %get3A_7 = arith.constant 1 : index
    %get3A_8 = arith.constant 0 : index
    %get3A_9 = arith.constant 0 : index
    %get3A_10 = vector.load %arg1[%get3A_7, %get3A_8, %get3A_9] : memref<2x10000x128xf32, #tpu.memory_space<vmem>>, vector<1x10000x128xf32>
    %get3A_11 = vector.shape_cast %get3A_10 : vector<1x10000x128xf32> to vector<10000x128xf32>
    %add3A_12 = arith.addf %add3A, %get3A_11 : vector<10000x128xf32>
    %get3A_13 = arith.constant 0 : index
    %get3A_14 = arith.constant 0 : index
    %get3A_15 = vector.load %arg2[%get3A_13, %get3A_14] : memref<128x128xf32, #tpu.memory_space<vmem>>, vector<128x128xf32>
    %dot_general3A = arith.constant dense<0.000000e+00> : vector<10000x128xf32>
    %dot_general3A_16 = tpu.matmul %add3A_12, %get3A_15, %dot_general3A {dimension_numbers = #tpu.dot_dimension_numbers<[1], [0], [0], [1], [0, 0, 1, 1], [], []>, transpose_lhs_hint = false} : vector<10000x128xf32>, vector<128x128xf32>, vector<10000x128xf32> -> vector<10000x128xf32>
    %get3A_17 = arith.constant 0 : index
    %get3A_18 = arith.constant 0 : index
    %get3A_19 = vector.load %arg3[%get3A_17, %get3A_18] : memref<1x128xf32, #tpu.memory_space<vmem>>, vector<1x128xf32>
    %add3A_20 = vector.broadcast %get3A_19 : vector<1x128xf32> to vector<10000x128xf32>
    %add3A_21 = arith.addf %dot_general3A_16, %add3A_20 : vector<10000x128xf32>
    %max3A = arith.constant 0.000000e+00 : f32
    %max3A_22 = vector.broadcast %max3A : f32 to vector<10000x128xf32>
    %max3A_23 = arith.maximumf %add3A_21, %max3A_22 : vector<10000x128xf32>
    %get3A_24 = arith.constant 0 : index
    %get3A_25 = arith.constant 0 : index
    %get3A_26 = vector.load %arg4[%get3A_24, %get3A_25] : memref<128x128xf32, #tpu.memory_space<vmem>>, vector<128x128xf32>
    %dot_general3A_27 = arith.constant dense<0.000000e+00> : vector<10000x128xf32>
    %dot_general3A_28 = tpu.matmul %max3A_23, %get3A_26, %dot_general3A_27 {dimension_numbers = #tpu.dot_dimension_numbers<[1], [0], [0], [1], [0, 0, 1, 1], [], []>, transpose_lhs_hint = false} : vector<10000x128xf32>, vector<128x128xf32>, vector<10000x128xf32> -> vector<10000x128xf32>
    %get3A_29 = arith.constant 0 : index
    %get3A_30 = arith.constant 0 : index
    %get3A_31 = vector.load %arg5[%get3A_29, %get3A_30] : memref<1x128xf32, #tpu.memory_space<vmem>>, vector<1x128xf32>
    %add3A_32 = vector.broadcast %get3A_31 : vector<1x128xf32> to vector<10000x128xf32>
    %add3A_33 = arith.addf %dot_general3A_28, %add3A_32 : vector<10000x128xf32>
    %reduce_sum3A = arith.constant dense<0.000000e+00> : vector<128xf32>
    %reduce_sum3A_34 = vector.multi_reduction <add>, %add3A_33, %reduce_sum3A [0] : vector<10000x128xf32> to vector<128xf32>
    %broadcast_in_dim3A = vector.shape_cast %reduce_sum3A_34 : vector<128xf32> to vector<1x128xf32>
    %div3A = arith.constant 1.000000e+04 : f32
    %div3A_35 = vector.broadcast %div3A : f32 to vector<1x128xf32>
    %div3A_36 = arith.divf %broadcast_in_dim3A, %div3A_35 : vector<1x128xf32>
    %sub3A = vector.broadcast %div3A_36 : vector<1x128xf32> to vector<10000x128xf32>
    %sub3A_37 = arith.subf %add3A_33, %sub3A : vector<10000x128xf32>
    %integer_pow3A = arith.mulf %sub3A_37, %sub3A_37 : vector<10000x128xf32>
    %reduce_sum3A_38 = arith.constant dense<0.000000e+00> : vector<128xf32>
    %reduce_sum3A_39 = vector.multi_reduction <add>, %integer_pow3A, %reduce_sum3A_38 [0] : vector<10000x128xf32> to vector<128xf32>
    %broadcast_in_dim3A_40 = vector.shape_cast %reduce_sum3A_39 : vector<128xf32> to vector<1x128xf32>
    %div3A_41 = arith.constant 1.000000e+04 : f32
    %div3A_42 = vector.broadcast %div3A_41 : f32 to vector<1x128xf32>
    %div3A_43 = arith.divf %broadcast_in_dim3A_40, %div3A_42 : vector<1x128xf32>
    %sub3A_44 = vector.broadcast %div3A_36 : vector<1x128xf32> to vector<10000x128xf32>
    %sub3A_45 = arith.subf %add3A_33, %sub3A_44 : vector<10000x128xf32>
    %add3A_46 = arith.constant 9.99999974E-6 : f32
    %add3A_47 = vector.broadcast %add3A_46 : f32 to vector<1x128xf32>
    %add3A_48 = arith.addf %div3A_43, %add3A_47 : vector<1x128xf32>
    %sqrt3A = math.sqrt %add3A_48 : vector<1x128xf32>
    %div3A_49 = vector.broadcast %sqrt3A : vector<1x128xf32> to vector<10000x128xf32>
    %div3A_50 = arith.divf %sub3A_45, %div3A_49 : vector<10000x128xf32>
    %get3A_51 = arith.constant 0 : index
    %get3A_52 = arith.constant 0 : index
    %get3A_53 = vector.load %arg6[%get3A_51, %get3A_52] : memref<1x128xf32, #tpu.memory_space<vmem>>, vector<1x128xf32>
    %mul3A = vector.broadcast %get3A_53 : vector<1x128xf32> to vector<10000x128xf32>
    %mul3A_54 = arith.mulf %div3A_50, %mul3A : vector<10000x128xf32>
    %get3A_55 = arith.constant 0 : index
    %get3A_56 = arith.constant 0 : index
    %get3A_57 = vector.load %arg7[%get3A_55, %get3A_56] : memref<1x128xf32, #tpu.memory_space<vmem>>, vector<1x128xf32>
    %add3A_58 = vector.broadcast %get3A_57 : vector<1x128xf32> to vector<10000x128xf32>
    %add3A_59 = arith.addf %mul3A_54, %add3A_58 : vector<10000x128xf32>
    %max3A_60 = arith.constant 0.000000e+00 : f32
    %max3A_61 = vector.broadcast %max3A_60 : f32 to vector<10000x128xf32>
    %max3A_62 = arith.maximumf %add3A_59, %max3A_61 : vector<10000x128xf32>
    %add3A_63 = arith.addf %get3A_1, %max3A_62 : vector<10000x128xf32>
    %mul3A_64 = arith.constant 5.000000e-01 : f32
    %mul3A_65 = vector.broadcast %mul3A_64 : f32 to vector<10000x128xf32>
    %mul3A_66 = arith.mulf %add3A_63, %mul3A_65 : vector<10000x128xf32>
    %swap3A = arith.constant 0 : index
    %swap3A_67 = arith.constant 0 : index
    %swap3A_68 = vector.load %arg11[%swap3A, %swap3A_67] : memref<10000x128xf32, #tpu.memory_space<vmem>>, vector<10000x128xf32>
    tpu.vector_store %arg11[%swap3A, %swap3A_67], %mul3A_66 {strides = array<i32>} : memref<10000x128xf32, #tpu.memory_space<vmem>>, vector<10000x128xf32>,
    %get3A_69 = arith.constant 0 : index
    %get3A_70 = arith.constant 0 : index
    %get3A_71 = vector.load %arg8[%get3A_69, %get3A_70] : memref<128x128xf32, #tpu.memory_space<vmem>>, vector<128x128xf32>
    %dot_general3A_72 = arith.constant dense<0.000000e+00> : vector<10000x128xf32>
    %dot_general3A_73 = tpu.matmul %mul3A_66, %get3A_71, %dot_general3A_72 {dimension_numbers = #tpu.dot_dimension_numbers<[1], [0], [0], [1], [0, 0, 1, 1], [], []>, transpose_lhs_hint = false} : vector<10000x128xf32>, vector<128x128xf32>, vector<10000x128xf32> -> vector<10000x128xf32>
    %swap3A_74 = arith.constant 0 : index
    %swap3A_75 = arith.constant 0 : index
    %swap3A_76 = vector.load %arg12[%swap3A_74, %swap3A_75] : memref<10000x128xf32, #tpu.memory_space<vmem>>, vector<10000x128xf32>
    tpu.vector_store %arg12[%swap3A_74, %swap3A_75], %dot_general3A_73 {strides = array<i32>} : memref<10000x128xf32, #tpu.memory_space<vmem>>, vector<10000x128xf32>,
    %get3A_77 = arith.constant 0 : index
    %get3A_78 = arith.constant 0 : index
    %get3A_79 = vector.load %arg9[%get3A_77, %get3A_78] : memref<128x128xf32, #tpu.memory_space<vmem>>, vector<128x128xf32>
    %dot_general3A_80 = arith.constant dense<0.000000e+00> : vector<10000x128xf32>
    %dot_general3A_81 = tpu.matmul %mul3A_66, %get3A_79, %dot_general3A_80 {dimension_numbers = #tpu.dot_dimension_numbers<[1], [0], [0], [1], [0, 0, 1, 1], [], []>, transpose_lhs_hint = false} : vector<10000x128xf32>, vector<128x128xf32>, vector<10000x128xf32> -> vector<10000x128xf32>
    %get3A_82 = arith.constant 0 : index
    %get3A_83 = arith.constant 0 : index
    %get3A_84 = vector.load %arg10[%get3A_82, %get3A_83] : memref<1x128xf32, #tpu.memory_space<vmem>>, vector<1x128xf32>
    %add3A_85 = vector.broadcast %get3A_84 : vector<1x128xf32> to vector<10000x128xf32>
    %add3A_86 = arith.addf %dot_general3A_81, %add3A_85 : vector<10000x128xf32>
    %swap3A_87 = arith.constant 0 : index
    %swap3A_88 = arith.constant 0 : index
    %swap3A_89 = vector.load %arg13[%swap3A_87, %swap3A_88] : memref<10000x128xf32, #tpu.memory_space<vmem>>, vector<10000x128xf32>
    tpu.vector_store %arg13[%swap3A_87, %swap3A_88], %add3A_86 {strides = array<i32>} : memref<10000x128xf32, #tpu.memory_space<vmem>>, vector<10000x128xf32>,
    return
  }
}

module attributes {stable_mosaic.version = 14 : i64} {
  func.func @body(%arg0: i32, %arg1: memref<4096x16xf32, #tpu.memory_space<vmem>>, %arg2: memref<16x128xf32, #tpu.memory_space<vmem>>, %arg3: memref<1x128xf32, #tpu.memory_space<vmem>>, %arg4: memref<4096x128xf32, #tpu.memory_space<vmem>>) attributes {dimension_semantics = [#tpu.dimension_semantics<arbitrary>], iteration_bounds = array<i64: 32>, scalar_prefetch = 0 : i64, scratch_operands = 0 : i64, tpu.core_type = #tpu.core_type<tc>, window_params = [{transform_indices = @transform_0, window_bounds = array<i64: 4096, 16>}, {pipeline_mode = #tpu.pipeline_mode<synchronous>, transform_indices = @transform_1, window_bounds = array<i64: 16, 128>}, {pipeline_mode = #tpu.pipeline_mode<synchronous>, transform_indices = @transform_2, window_bounds = array<i64: 1, 128>}, {transform_indices = @transform_3, window_bounds = array<i64: 4096, 128>}]} {
    %get3A = arith.constant 0 : index
    %get3A_0 = arith.constant 0 : index
    %get3A_1 = vector.load %arg1[%get3A, %get3A_0] : memref<4096x16xf32, #tpu.memory_space<vmem>>, vector<4096x16xf32>
    %get3A_2 = arith.constant 0 : index
    %get3A_3 = arith.constant 0 : index
    %get3A_4 = vector.load %arg2[%get3A_2, %get3A_3] : memref<16x128xf32, #tpu.memory_space<vmem>>, vector<16x128xf32>
    %dot_general3A = arith.constant dense<0.000000e+00> : vector<4096x128xf32>
    %dot_general3A_5 = tpu.matmul %get3A_1, %get3A_4, %dot_general3A {dimension_numbers = #tpu.dot_dimension_numbers<[1], [0], [0], [1], [0, 0, 1, 1], [], []>, transpose_lhs_hint = false} : vector<4096x16xf32>, vector<16x128xf32>, vector<4096x128xf32> -> vector<4096x128xf32>
    %get3A_6 = arith.constant 0 : index
    %get3A_7 = arith.constant 0 : index
    %get3A_8 = vector.load %arg3[%get3A_6, %get3A_7] : memref<1x128xf32, #tpu.memory_space<vmem>>, vector<1x128xf32>
    %add3A = vector.broadcast %get3A_8 : vector<1x128xf32> to vector<4096x128xf32>
    %add3A_9 = arith.addf %dot_general3A_5, %add3A : vector<4096x128xf32>
    %swap3A = arith.constant 0 : index
    %swap3A_10 = arith.constant 0 : index
    %swap3A_11 = vector.load %arg4[%swap3A, %swap3A_10] : memref<4096x128xf32, #tpu.memory_space<vmem>>, vector<4096x128xf32>
    tpu.vector_store %arg4[%swap3A, %swap3A_10], %add3A_9 {strides = array<i32>} : memref<4096x128xf32, #tpu.memory_space<vmem>>, vector<4096x128xf32>,
    return
  }
  func.func @transform_0(%arg0: i32) -> (i32, i32) {
    %c0_i32 = arith.constant 0 : i32
    %c0_i32_0 = arith.constant 0 : i32
    return %arg0, %c0_i32 : i32, i32
  }
  func.func @transform_1(%arg0: i32) -> (i32, i32) {
    %c0_i32 = arith.constant 0 : i32
    %c0_i32_0 = arith.constant 0 : i32
    %c0_i32_1 = arith.constant 0 : i32
    return %c0_i32, %c0_i32_0 : i32, i32
  }
  func.func @transform_2(%arg0: i32) -> (i32, i32) {
    %c0_i32 = arith.constant 0 : i32
    %c0_i32_0 = arith.constant 0 : i32
    %c0_i32_1 = arith.constant 0 : i32
    return %c0_i32, %c0_i32_0 : i32, i32
  }
  func.func @transform_3(%arg0: i32) -> (i32, i32) {
    %c0_i32 = arith.constant 0 : i32
    %c0_i32_0 = arith.constant 0 : i32
    return %arg0, %c0_i32 : i32, i32
  }
}

module attributes {stable_mosaic.version = 14 : i64} {
  func.func @body(%arg0: i32, %arg1: memref<4096x128xf32, #tpu.memory_space<vmem>>, %arg2: memref<4096x128xf32, #tpu.memory_space<vmem>>, %arg3: memref<128x128xf32, #tpu.memory_space<vmem>>, %arg4: memref<128x2xf32, #tpu.memory_space<vmem>>, %arg5: memref<1x2xf32, #tpu.memory_space<vmem>>, %arg6: memref<4096x2xf32, #tpu.memory_space<vmem>>) attributes {dimension_semantics = [#tpu.dimension_semantics<arbitrary>], iteration_bounds = array<i64: 32>, scalar_prefetch = 0 : i64, scratch_operands = 0 : i64, tpu.core_type = #tpu.core_type<tc>, window_params = [{transform_indices = @transform_0, window_bounds = array<i64: 4096, 128>}, {transform_indices = @transform_1, window_bounds = array<i64: 4096, 128>}, {pipeline_mode = #tpu.pipeline_mode<synchronous>, transform_indices = @transform_2, window_bounds = array<i64: 128, 128>}, {pipeline_mode = #tpu.pipeline_mode<synchronous>, transform_indices = @transform_3, window_bounds = array<i64: 128, 2>}, {pipeline_mode = #tpu.pipeline_mode<synchronous>, transform_indices = @transform_4, window_bounds = array<i64: 1, 2>}, {transform_indices = @transform_5, window_bounds = array<i64: 4096, 2>}]} {
    %get3A = arith.constant 0 : index
    %get3A_0 = arith.constant 0 : index
    %get3A_1 = vector.load %arg2[%get3A, %get3A_0] : memref<4096x128xf32, #tpu.memory_space<vmem>>, vector<4096x128xf32>
    %get3A_2 = arith.constant 0 : index
    %get3A_3 = arith.constant 0 : index
    %get3A_4 = vector.load %arg1[%get3A_2, %get3A_3] : memref<4096x128xf32, #tpu.memory_space<vmem>>, vector<4096x128xf32>
    %get3A_5 = arith.constant 0 : index
    %get3A_6 = arith.constant 0 : index
    %get3A_7 = vector.load %arg3[%get3A_5, %get3A_6] : memref<128x128xf32, #tpu.memory_space<vmem>>, vector<128x128xf32>
    %dot_general3A = arith.constant dense<0.000000e+00> : vector<4096x128xf32>
    %dot_general3A_8 = tpu.matmul %get3A_4, %get3A_7, %dot_general3A {dimension_numbers = #tpu.dot_dimension_numbers<[1], [0], [0], [1], [0, 0, 1, 1], [], []>, transpose_lhs_hint = false} : vector<4096x128xf32>, vector<128x128xf32>, vector<4096x128xf32> -> vector<4096x128xf32>
    %add3A = arith.addf %get3A_1, %dot_general3A_8 : vector<4096x128xf32>
    %max3A = arith.constant 0.000000e+00 : f32
    %max3A_9 = vector.broadcast %max3A : f32 to vector<4096x128xf32>
    %max3A_10 = arith.maximumf %add3A, %max3A_9 : vector<4096x128xf32>
    %get3A_11 = arith.constant 0 : index
    %get3A_12 = arith.constant 0 : index
    %get3A_13 = vector.load %arg4[%get3A_11, %get3A_12] : memref<128x2xf32, #tpu.memory_space<vmem>>, vector<128x2xf32>
    %dot_general3A_14 = arith.constant dense<0.000000e+00> : vector<4096x2xf32>
    %dot_general3A_15 = tpu.matmul %max3A_10, %get3A_13, %dot_general3A_14 {dimension_numbers = #tpu.dot_dimension_numbers<[1], [0], [0], [1], [0, 0, 1, 1], [], []>, transpose_lhs_hint = false} : vector<4096x128xf32>, vector<128x2xf32>, vector<4096x2xf32> -> vector<4096x2xf32>
    %get3A_16 = arith.constant 0 : index
    %get3A_17 = arith.constant 0 : index
    %get3A_18 = vector.load %arg5[%get3A_16, %get3A_17] : memref<1x2xf32, #tpu.memory_space<vmem>>, vector<1x2xf32>
    %add3A_19 = vector.broadcast %get3A_18 : vector<1x2xf32> to vector<4096x2xf32>
    %add3A_20 = arith.addf %dot_general3A_15, %add3A_19 : vector<4096x2xf32>
    %swap3A = arith.constant 0 : index
    %swap3A_21 = arith.constant 0 : index
    %swap3A_22 = vector.load %arg6[%swap3A, %swap3A_21] : memref<4096x2xf32, #tpu.memory_space<vmem>>, vector<4096x2xf32>
    tpu.vector_store %arg6[%swap3A, %swap3A_21], %add3A_20 {strides = array<i32>} : memref<4096x2xf32, #tpu.memory_space<vmem>>, vector<4096x2xf32>,
    return
  }
  func.func @transform_0(%arg0: i32) -> (i32, i32) {
    %c0_i32 = arith.constant 0 : i32
    %c0_i32_0 = arith.constant 0 : i32
    return %arg0, %c0_i32 : i32, i32
  }
  func.func @transform_1(%arg0: i32) -> (i32, i32) {
    %c0_i32 = arith.constant 0 : i32
    %c0_i32_0 = arith.constant 0 : i32
    return %arg0, %c0_i32 : i32, i32
  }
  func.func @transform_2(%arg0: i32) -> (i32, i32) {
    %c0_i32 = arith.constant 0 : i32
    %c0_i32_0 = arith.constant 0 : i32
    %c0_i32_1 = arith.constant 0 : i32
    return %c0_i32, %c0_i32_0 : i32, i32
  }
  func.func @transform_3(%arg0: i32) -> (i32, i32) {
    %c0_i32 = arith.constant 0 : i32
    %c0_i32_0 = arith.constant 0 : i32
    %c0_i32_1 = arith.constant 0 : i32
    return %c0_i32, %c0_i32_0 : i32, i32
  }
  func.func @transform_4(%arg0: i32) -> (i32, i32) {
    %c0_i32 = arith.constant 0 : i32
    %c0_i32_0 = arith.constant 0 : i32
    %c0_i32_1 = arith.constant 0 : i32
    return %c0_i32, %c0_i32_0 : i32, i32
  }
  func.func @transform_5(%arg0: i32) -> (i32, i32) {
    %c0_i32 = arith.constant 0 : i32
    %c0_i32_0 = arith.constant 0 : i32
    return %arg0, %c0_i32 : i32, i32
  }
}

</mosaic_0001>

<sc_bundles>
// kernel: kernel.13.cloned.1.call-start
scs
__scs_entry_jumppad:
0x0: {  	(pc) =	sbr.rel $0x88, $3  }
0x1: {  	(tag) =	ssettag $0x0;
	lr =	simm.s32 $0x1  }
0x2: {  	[smem:$0x3F88] =	sst lr;
	_ =	strace $0xD0000000  }
0x3: {  	_ = 	snop  }
0x4: {  	_ = 	snop  }
0x5: {  	_ = 	snop  }
0x6: {  	_ = 	snop  }
0x7: {  	_ = 	snop  }
__scs_overlays_trampoline_lowered:
0x8: {  	[smem:$0x3F97] =	sst s0  }
0x9: {  	[smem:$0x3F98] =	sst s1  }
0xa: {  	[smem:$0x3F99] =	sst s2  }
0xb: {  	[smem:$0x3F9A] =	sst s3  }
0xc: {  	[smem:$0x3F9B] =	sst s4  }
0xd: {  	[smem:$0x3F9C] =	sst s5  }
0xe: {  	[smem:$0x3F9D] =	sst s6  }
0xf: {  	[smem:$0x3F9E] =	sst s7  }
0x10: {  	[smem:$0x3F9F] =	sst s8  }
0x11: {  	[smem:$0x3FA0] =	sst s9;
	s0 =	simm.s32 @!p0 $0x0  }
0x12: {  	s1 =	sld [smem:$0x3F86];
	s0 =	simm.s32 @p0 $0x1  }
0x13: {  	[smem:$0x3FA1] =	sst s0;
	s0 =	simm.s32 @!p1 $0x0  }
0x14: {  	s2 =	sld [smem:$0x3F85];
	s0 =	simm.s32 @p1 $0x1  }
0x15: {  	[smem:$0x3FA2] =	sst s0;
	s0 =	simm.s32 @!p2 $0x0  }
0x16: {  	s3 =	sld [smem:$0x3FDB];
	s0 =	simm.s32 @p2 $0x1  }
0x17: {  	s4 =	simm.s32 $0x1BF5;
	[smem:$0x3FA4] =	sst s0  }
0x18: {  	s0 =	sld [smem:$0x3F87];
	_ =	swait.ge [sflag:s4], $0x0  }
0x19: {  	s7 =	sld [smem:$0x3F88]  }
0x1a: {  	s8 =	sadd.s32 $0xFFFFE003, lr  }
0x1b: {  	s9 =	sadd.s32 $0xFFFFFEF7, lr;
	s5 =	simm.s32 $0xFFFFFFFF;
	p2 =	slt.u32 s8, $0xFFFFF086  }
0x1c: {  	p1 =	slt.u32 s9, $0xF7A;
	s5 =	simm.s32 @!p2 $0x0  }
0x1d: {  	s5 =	simm.s32 @p1 $0x1;
	p0 =	seq.s32 s7, s2  }
0x1e: {  	s7 =	smul.u32 @!p0 $0xF7A, s2;
	p2 =	seq.s32 @!p0 s5, $0x0  }
0x1f: {  	s9 =	smul.u32 $0xF7A, s1;
	s8 =	simm.s32 @!p0 $0x1BF5;
	p2 =	por !p2, p0  }
0x20: {  	[sflag:s8] =	ssyncset.s32 @!p0 $0xFFFFF086;
	s6 =	sadd.s32 @!p0 s3, s7;
	s7 =	simm.s32 @!p0 $0x108  }
0x21: {  	s3 =	sadd.s32 s3, s9;
	s6 =	sadd.s32 @!p0 $0x88, s6;
	s7 =	simm.s32 @p2 $0x1082  }
0x22: {  	[simem:s7], [sflag:s8] =	dma.local @!p0 [hbm:s6], $0xF7A  }
0x23: {  	s9 =	sor.u32 $0xD0000000, s2;
	s6 =	simm.s32 $0x108;
	_ =	swait.ge @!p0 [sflag:s8], $0x0  }
0x24: {  	s3 =	sadd.s32 $0x88, s3;
	s6 =	simm.s32 @!p1 $0x1082;
	[sflag:s4] =	ssyncset.s32 $0xFFFFF086  }
0x25: {  	[simem:s6], [sflag:s4] =	dma.local [hbm:s3], $0xF7A  }
0x26: {  	[smem:$0x3F88] =	sst s1;
	(tag) =	ssettag s2;
	_ =	strace s9  }
0x27: {  	s1 =	sld [smem:$0x3F98]  }
0x28: {  	s2 =	sld [smem:$0x3F99]  }
0x29: {  	s4 =	sld [smem:$0x3F9B]  }
0x2a: {  	p0 =	seq.s32 s5, $0x0;
	s5 =	sld [smem:$0x3F9C]  }
0x2b: {  	s6 =	sld [smem:$0x3F9D]  }
0x2c: {  	s7 =	sld [smem:$0x3F9E]  }
0x2d: {  	s3 =	simm.s32 $0x108;
	s8 =	sld [smem:$0x3F9F]  }
0x2e: {  	s3 =	simm.s32 @!p0 $0x1082;
	s9 =	sld [smem:$0x3FA0]  }
0x2f: {  	lr =	sadd.s32 s0, s3;
	s0 =	sld [smem:$0x3F97]  }
0x30: {  	s3 =	sld [smem:$0x3F9A]  }
0x31: {  	[smem:$0x3FA3] =	sst s10  }
0x32: {  	s10 =	sld [smem:$0x3FA1];
	_ =	sdelay $0x3  }
0x33: {  	p0 =	seq.s32 s10, $0x1;
	s10 =	sld [smem:$0x3FA3];
	_ =	sdelay $0x3  }
0x34: {  	[smem:$0x3FA3] =	sst s10  }
0x35: {  	s10 =	sld [smem:$0x3FA2];
	_ =	sdelay $0x3  }
0x36: {  	p1 =	seq.s32 s10, $0x1;
	s10 =	sld [smem:$0x3FA3];
	_ =	sdelay $0x3  }
0x37: {  	[smem:$0x3FA3] =	sst s10  }
0x38: {  	s10 =	sld [smem:$0x3FA4]  }
0x39: {  	_ = 	snop;
	(pc) =	sbr.ind lr, $3  }
0x3a: {  	_ = 	snop  }
0x3b: {  	_ = 	snop  }
0x3c: {  	p2 =	seq.s32 s10, $0x1;
	s10 =	sld [smem:$0x3FA3]  }
0x3d: {  	_ =	shalt  }
0x3e: {  	_ =	shalt  }
0x3f: {  	_ =	shalt  }
0x40: {  	_ =	shalt  }
0x41: {  	_ =	shalt  }
0x42: {  	_ =	shalt  }
0x43: {  	_ =	shalt  }
0x44: {  	_ =	shalt  }
0x45: {  	_ =	shalt  }
0x46: {  	_ =	shalt  }
0x47: {  	_ =	shalt  }
0x48: {  	_ =	shalt  }
0x49: {  	_ =	shalt  }
0x4a: {  	_ =	shalt  }
0x4b: {  	_ =	shalt  }
0x4c: {  	_ =	shalt  }
0x4d: {  	_ =	shalt  }
0x4e: {  	_ =	shalt  }
0x4f: {  	_ =	shalt  }
0x50: {  	_ =	shalt  }
0x51: {  	_ =	shalt  }
0x52: {  	_ =	shalt  }
0x53: {  	_ =	shalt  }
0x54: {  	_ =	shalt  }
0x55: {  	_ =	shalt  }
0x56: {  	_ =	shalt  }
0x57: {  	_ =	shalt  }
0x58: {  	_ =	shalt  }
0x59: {  	_ =	shalt  }
0x5a: {  	_ =	shalt  }
0x5b: {  	_ =	shalt  }
0x5c: {  	_ =	shalt  }
0x5d: {  	_ =	shalt  }
0x5e: {  	_ =	shalt  }
0x5f: {  	_ =	shalt  }
0x60: {  	_ =	shalt  }
0x61: {  	_ =	shalt  }
0x62: {  	_ =	shalt  }
0x63: {  	_ =	shalt  }
0x64: {  	_ =	shalt  }
0x65: {  	_ =	shalt  }
0x66: {  	_ =	shalt  }
0x67: {  	_ =	shalt  }
0x68: {  	_ =	shalt  }
0x69: {  	_ =	shalt  }
0x6a: {  	_ =	shalt  }
0x6b: {  	_ =	shalt  }
0x6c: {  	_ =	shalt  }
0x6d: {  	_ =	shalt  }
0x6e: {  	_ =	shalt  }
0x6f: {  	_ =	shalt  }
0x70: {  	_ =	shalt  }
0x71: {  	_ =	shalt  }
0x72: {  	_ =	shalt  }
0x73: {  	_ =	shalt  }
0x74: {  	_ =	shalt  }
0x75: {  	_ =	shalt  }
0x76: {  	_ =	shalt  }
0x77: {  	_ =	shalt  }
0x78: {  	_ =	shalt  }
0x79: {  	_ =	shalt  }
0x7a: {  	_ =	shalt  }
0x7b: {  	_ =	shalt  }
0x7c: {  	_ =	shalt  }
0x7d: {  	_ =	shalt  }
0x7e: {  	_ =	shalt  }
0x7f: {  	_ =	shalt  }
0x80: {  	_ =	shalt  }
0x81: {  	_ =	shalt  }
0x82: {  	_ =	shalt  }
0x83: {  	_ =	shalt  }
0x84: {  	_ =	shalt  }
0x85: {  	_ =	shalt  }
0x86: {  	_ =	shalt  }
0x87: {  	_ =	shalt  }
.Lfunc_end0:
.L_simem_size_0:
called_computation_lowered:
.L_overlay_start_0:
0x88: {  	s2 =	sld [smem:$0x3FD9]  }
0x89: {  	s3 =	sld [smem:$0x3FFE];
	_ =	sdelay $0x1  }
0x8a: {  	s1 =	srdreg.scid  }
0x8b: {  	s0 =	sand.u32 $0x1, s1  }
0x8c: {  	s16 =	sshll.u32 s0, $0xA;
	s2 =	sadd.s32 s3, s2  }
0x8d: {  	s2 =	sadd.s32 s2, s16  }
0x8e: {  	[smem:$0x3FAF] =	sst s2  }
0x8f: {  	_ = 	snop  }
0x90: {  	(tm) =	ssettm $0x1  }
0x91: {  	s17 =	sld [smem:$0x3FFB];
	_ =	sdelay $0x3  }
0x92: {  	_ =	strace s17  }
0x93: {  	s2 =	sld [smem:$0x3FFC];
	_ =	sdelay $0x3  }
0x94: {  	_ =	strace s2  }
0x95: {  	s2 =	sld [smem:$0x3FFD];
	_ =	sdelay $0x3  }
0x96: {  	_ =	strace s2  }
0x97: {  	_ =	strace $0x8FFFFFFF  }
0x98: {  	s18 =	sld [smem:$0x3FDB];
	_ =	sdelay $0x1  }
0x99: {  	s19 =	simm.s32 $_scs_section_size  }
0x9a: {  	s4 =	simm.s32 $_size__tile_overlayer_lowered;
	s5 =	simm.s32 $_tile_overlayer_lowered  }
0x9b: {  	s22 =	simm.s32 $0x1BFF;
	s21 =	sshll.u32 s5, $0x1;
	s2 =	sadd.s32 s19, s18  }
0x9c: {  	s6 =	simm.s32 $0x0;
	s20 =	sshll.u32 s4, $0x1;
	s4 =	sadd.s32 s21, s2  }
0x9d: {  	[timem:s6], [sflag:s22] =	dma.local [hbm:s4], s20  }
0x9e: {  	_ =	swait.ge [sflag:s22], s20  }
0x9f: {  	s3 =	ssub.s32 $0x0, s20;
	[sflag:s22] =	ssyncset.done $0x0  }
0xa0: {  	[sflag:s22] =	ssyncadd.s32 s3;
	_ =	sdelay $0x1  }
0xa1: {  	s23 =	simm.s32 $0x1B8B  }
0xa2: {  	_ =	swait.ge [sflag:s23], $0x1  }
0xa3: {  	[sflag:s23] =	ssyncset.done $0x0  }
0xa4: {  	s25 =	simm.s32 $0x1B8E;
	s24 =	sld [smem:$0x3FFE];
	[sflag:s23] =	ssyncadd.s32 $0xFFFFFFFF  }
0xa5: {  	s26 =	simm.s32 $execute0_lowered;
	[smem:$0x3FD2] =	sst s25  }
0xa6: {  	s4 =	sshll.u32 s26, $0x1;
	_ =	strace $0x80000046;
	[dreg:$0x1] =	wrdreg $0xFFFFFFFF  }
0xa7: {  	s28 =	simm.s32 $_size_execute0_lowered;
	s2 =	sadd.s32 s2, s4;
	[dreg:$0x0] =	wrdreg $0x0  }
0xa8: {  	s4 =	sshll.u32 s28, $0x1;
	[dreg:$0x2] =	wrdreg s2  }
0xa9: {  	[dreg:$0x3] =	wrdreg s4  }
0xaa: {  	[dreg:$0x4] =	wrdreg $0xC0  }
0xab: {  	_ =	task [dreg:s6], $0x5FFFF  }
0xac: {  	[dreg:$0x1] =	wrdreg $0xFFFFFFFF  }
0xad: {  	[dreg:$0x0] =	wrdreg $0x60  }
0xae: {  	[dreg:$0x2] =	wrdreg s24  }
0xaf: {  	[dreg:$0x3] =	wrdreg $0xA2000  }
0xb0: {  	[dreg:$0x4] =	wrdreg $0x9  }
0xb1: {  	_ =	task.clear_ibuf [dreg:s6], $0x5FFFF;
	_ =	strace $0x90000046  }
0xb2: {  	s29 =	simm.s32 $0x9;
	_ =	strace $0x80000048  }
0xb3: {  	_ =	swait.ge [sflag:s29], $0x1  }
0xb4: {  	[sflag:s29] =	ssyncadd.s32 $0xFFFFFFFF  }
0xb5: {  	_ =	strace $0x90000048  }
0xb6: {  	_ =	sfence  }
0xb7: {  	s30 =	sld [smem:$0x0];
	_ =	sdelay $0x2  }
0xb8: {  	s31 =	sshll.u32 s1, $0xD;
	s1 =	sshrl.u32 s1, $0x2  }
0xb9: {  	s3 =	sand.u32 $0x4000, s31;
	s1 =	sadd.s32 s1, s30  }
0xba: {  	s0 =	sor.u32 s3, s0;
	s1 =	sshll.u32 s1, $0x11  }
0xbb: {  	s0 =	sor.u32 s1, s0  }
0xbc: {  	s0 =	sadd.s32 $0x8F2B, s0  }
0xbd: {  	[sflag:s0] =	ssyncadd.remote.s32 $0x1  }
0xbe: {  	_ =	sfence.sel $0xFFFF  }
0xbf: {  	[dreg:$0x0] =	wrdreg $0xFFFFFFFF;
	(pc) =	sbr.abs _section_cstart, $3  }
0xc0: {  	[dreg:$0x1] =	wrdreg $0xFFFFFFFF  }
0xc1: {  	_ =	task.clear_ibuf [dreg:s6], $0x2FFFF;
	_ =	strace $0x9FFFFFFF  }
0xc2: {  	(tm) =	ssettm $0x7FFFFFFF  }
0xc3: {  	_ =	shalt  }
tec
execute0_lowered:
.L_overlay_start_1:
0x0: {  	(tag) =	ssettag $0x1  }
0x1: {  	s0 =	rddreg [dreg:$0x0]  }
0x2: {  	s1 =	rddreg [dreg:$0x1]  }
0x3: {  	s2 =	simm.s32 $0x0;
	s8 =	stileid.u32;
	s7 =	srdreg.scid  }
0x4: {  	s28 =	simm.s32 $0x4;
	s29 =	simm.s32 $0x2;
	s30 =	simm.s32 $0x180  }
0x5: {  	s31 =	simm.s32 $0x2A00;
	[smem:$0x7FF] =	sst s2;
	s3 =	sadd.s32 $0x3A000, s0  }
0x6: {  	s4 =	sadd.s32 $0x51C000, s0;
	s10 =	smul.u32 $0x13800, s8;
	s5 =	sadd.s32 $0x1AC00, s0  }
0x7: {  	s6 =	sadd.s32 $0x2A600, s0;
	s11 =	sand.u32 $0x1, s7;
	s26 =	smul.u32 $0x4E000, s8  }
0x8: {  	s12 =	sadd.s32 $0x88400, s0;
	s15 =	sshll.u32 s8, $0x1;
	s18 =	sadd.s32 $0x138000, s1  }
0x9: {  	p0 =	sne.s32 s8, $0x0;
	_ =	strace $0x80000047;
	s13 =	ssub.s32 $0x2, s11  }
0xa: {  	s7 =	sor.u32 s11, s15;
	s15 =	sshll.u32 s8, $0x6;
	s11 =	smul.u32 $0x138800, s11  }
0xb: {  	[dreg:$0x4] =	wrdreg s18;
	s9 =	sshrl.u32 s10, $0x3;
	s14 =	sshrl.u32 s13, $0x1  }
0xc: {  	s16 =	sshrl.u32 s26, $0x2;
	s17 =	sshll.u32 s7, $0x4;
	s9 =	sadd.s32 s9, s0  }
0xd: {  	s19 =	ssub.s32 s13, s14;
	s20 =	sadd.s32 s16, s1;
	s0 =	sadd.s32 $0x88200, s0  }
0xe: {  	s16 =	smul.u32 $0x500, s7;
	s21 =	sadd.s32 s5, s17;
	[dreg:$0x5] =	wrdreg s0  }
0xf: {  	s22 =	sadd.s32 s6, s17;
	s24 =	sadd.s32 s10, s11;
	[dreg:$0x6] =	wrdreg s21  }
0x10: {  	s25 =	sshrl.u32 s11, $0x3;
	s9 =	sadd.s32 $0x61200, s9;
	[dreg:$0x7] =	wrdreg s22  }
0x11: {  	s0 =	sshrl.u32 s24, $0x3;
	s26 =	sadd.s32 s12, s25;
	s19 =	smax.u32 s19, $0x1  }
0x12: {  	s20 =	sshrl.u32 s20, $0x3;
	s21 =	simm.s32 $0x3;
	s22 =	simm.s32 $0x100  }
.Ltmp0:
0x13: {  	s24 =	simm.s32 $0x200;
	[dreg:$0x3] =	wrdreg s9;
	(pc) =	sbr.rel .LBB2_1-.Ltmp0, $4  }
0x14: {  	s9 =	sor.u32 $0x1C03, s15;
	s23 =	sadd.s32 s4, s16;
	s15 =	sor.u32 $0x40, s7  }
0x15: {  	s16 =	sand.u32 $0x70, s17;
	s0 =	sadd.s32 s12, s0;
	[dreg:$0x8] =	wrdreg s23  }
0x16: {  	[dreg:$0x9] =	wrdreg s0;
	s0 =	sadd.s32 $0x27000, s26;
	s23 =	simm.s32 $0x50  }
0x17: {  	s26 =	simm.s32 $0x1;
	[dreg:$0xa] =	wrdreg s0;
	s0 =	simm.s32 $0x0  }
.LBB2_9:
0x18: {  	[bflag:$0x0] =	sbarrier.arrive $0xFFFF  }
0x19: {  	s8 =	rddreg [dreg:$0x9]  }
0x1a: {  	[hbm:s8], [sflag:s9] =	dma.local [spmem:s20], $0x2700  }
0x1b: {  	_ =	swait.ge [sflag:s21], $0x2700  }
0x1c: {  	s0 =	sadd.s32 $0x1, s0;
	[sflag:s21] =	ssyncset.done $0x0  }
0x1d: {  	p1 =	sne.s32 s0, s19;
	s8 =	rddreg [dreg:$0xa];
	[sflag:s21] =	ssyncadd.s32 $0xFFFFD900  }
0x1e: {  	[hbm:s8], [sflag:s9] =	dma.local @!p0 [spmem:s25], $0x100  }
.Ltmp1:
0x1f: {  	_ = 	snop;
	(pc) =	sbr.rel @!p1 .LBB2_10-.Ltmp1, $4  }
0x20: {  	s8 =	simm.s32 @!p0 $0x3  }
0x21: {  	_ =	swait.ge @!p0 [sflag:s8], $0x100  }
0x22: {  	[sflag:s8] =	ssyncset.done @!p0 $0x0  }
0x23: {  	[sflag:s8] =	ssyncadd.s32 @!p0 $0xFFFFFF00  }
.LBB2_1:
0x24: {  	s8 =	rddreg [dreg:$0x3]  }
0x25: {  	[spmem:s20], [sflag:s9] =	dma.local [hbm:s8], $0x2700  }
0x26: {  	_ =	swait.ge [sflag:s21], $0x2700  }
0x27: {  	[sflag:s21] =	ssyncset.done $0x0;
	s8 =	rddreg [dreg:$0x4]  }
0x28: {  	[sflag:s21] =	ssyncadd.s32 $0xFFFFD900;
	s25 =	sshrl.u32 @!p0 s8, $0x3;
	s8 =	rddreg [dreg:$0x5]  }
0x29: {  	[spmem:s25], [sflag:s9] =	dma.local @!p0 [hbm:s8], $0x100  }
0x2a: {  	s8 =	simm.s32 @!p0 $0x3  }
0x2b: {  	_ =	swait.ge @!p0 [sflag:s8], $0x100  }
0x2c: {  	[sflag:s8] =	ssyncset.done @!p0 $0x0  }
0x2d: {  	[sflag:s8] =	ssyncadd.s32 @!p0 $0xFFFFFF00  }
0x2e: {  	[bflag:$0x0] =	sbarrier.arrive $0xFFFF  }
0x2f: {  	s14 =	rddreg [dreg:$0x6]  }
0x30: {  	[tilespmem:s2], [sflag:$0x3] =	stream.linear.gather [hbm4b:s14+s2], $0x80, $0x38;
	[tilespmem:$0x1DA80] =	vst v63  }
0x31: {  	_ =	swait.ge [sflag:s21], $0x80  }
0x32: {  	[sflag:s21] =	ssyncset.done $0x0  }
0x33: {  	s17 =	rddreg [dreg:$0x7];
	[sflag:s21] =	ssyncadd.s32 $0xFFFFFF80  }
0x34: {  	[tilespmem:s22], [sflag:$0x3] =	stream.linear.gather [hbm4b:s17+s2], $0x80, $0x38;
	[tilespmem:$0x1DA80] =	vst v63  }
0x35: {  	_ =	swait.ge [sflag:s21], $0x80  }
.Ltmp2:
0x36: {  	[sflag:s21] =	ssyncset.done $0x0;
	(pc) =	sbr.rel .LBB2_2-.Ltmp2, $4  }
0x37: {  	[sflag:s21] =	ssyncadd.s32 $0xFFFFFF80  }
0x38: {  	[tilespmem:s24], [sflag:$0x1] =	stream.indirect.gather [hbm4b:s3+s23], $0x80, s2, s23, $0xb8;
	[tilespmem:$0x1DA80] =	vst v63  }
0x39: {  	s10 =	simm.s32 $0x5200;
	s8 =	simm.s32 $0x0;
	s18 =	rddreg [dreg:$0x8]  }
0x3a: {  	[tilespmem:s10], [sflag:$0x1] =	stream.linear.gather [hbm4b:s18+s2], $0x2800, $0x38;
	[tilespmem:$0x1DA80] =	vst v63  }
.LBB2_8:
0x3b: {  	s8 =	sadd.s32 $0x1, s8  }
0x3c: {  	p1 =	sne.s32 s8, $0x3F  }
.Ltmp3:
0x3d: {  	_ = 	snop;
	(pc) =	sbr.rel @!p1 .LBB2_9-.Ltmp3, $1  }
0x3e: {  	_ =	sdelay $0x3  }
.LBB2_2:
0x3f: {  	s10 =	sshll.u32 s8, $0x6  }
0x40: {  	s11 =	sor.u32 $0x20, s10  }
0x41: {  	p1 =	sgt.u32 s11, $0xF9F  }
0x42: {  	s11 =	sor.u32 @!p1 s7, s11  }
0x43: {  	s12 =	sshll.u32 @!p1 s11, $0x4  }
0x44: {  	s12 =	sand.u32 @!p1 $0xFF80, s12  }
0x45: {  	s12 =	sor.u32 @!p1 s16, s12  }
0x46: {  	s14 =	simm.s32 @!p1 $0x0;
	s17 =	simm.s32 @!p1 $0x80;
	s13 =	sadd.s32 @!p1 s5, s12  }
0x47: {  	[tilespmem:s17], [sflag:$0x4] =	stream.linear.gather @!p1 [hbm4b:s13+s14], $0x80, $0x38;
	[tilespmem:$0x1DA80] =	vst v63  }
0x48: {  	s13 =	simm.s32 @!p1 $0x4  }
0x49: {  	_ =	swait.ge @!p1 [sflag:s13], $0x80  }
0x4a: {  	[sflag:s13] =	ssyncset.done @!p1 $0x0  }
0x4b: {  	s18 =	simm.s32 @!p1 $0x180;
	s12 =	sadd.s32 @!p1 s6, s12;
	[sflag:s13] =	ssyncadd.s32 @!p1 $0xFFFFFF80  }
0x4c: {  	[tilespmem:s18], [sflag:$0x4] =	stream.linear.gather @!p1 [hbm4b:s12+s14], $0x80, $0x38;
	[tilespmem:$0x1DA80] =	vst v63  }
0x4d: {  	_ =	swait.ge @!p1 [sflag:s13], $0x80  }
0x4e: {  	s11 =	smul.u32 @!p1 $0x500, s11;
	[sflag:s13] =	ssyncset.done @!p1 $0x0  }
0x4f: {  	s12 =	simm.s32 @!p1 $0x50;
	[sflag:s13] =	ssyncadd.s32 @!p1 $0xFFFFFF80;
	s13 =	simm.s32 @!p1 $0x2A00  }
0x50: {  	[tilespmem:s13], [sflag:$0x2] =	stream.indirect.gather @!p1 [hbm4b:s3+s12], $0x80, s17, s12, $0xb8;
	[tilespmem:$0x1DA80] =	vst v63  }
0x51: {  	s11 =	sadd.s32 @!p1 s4, s11;
	s12 =	simm.s32 @!p1 $0x7A00  }
0x52: {  	[tilespmem:s12], [sflag:$0x2] =	stream.linear.gather @!p1 [hbm4b:s11+s14], $0x2800, $0x38;
	[tilespmem:$0x1DA80] =	vst v63  }
0x53: {  	_ =	swait.ge [sflag:s26], $0x2800  }
0x54: {  	[sflag:s26] =	ssyncset.done $0x0  }
0x55: {  	[sflag:s26] =	ssyncadd.s32 $0xFFFFD800  }
0x56: {  	_ =	swait.ge [sflag:s26], $0x2800  }
0x57: {  	[sflag:s26] =	ssyncset.done $0x0  }
0x58: {  	s11 =	simm.s32 $0x0;
	[sflag:s26] =	ssyncadd.s32 $0xFFFFD800  }
0x59: {  	v6 =	vld [tilespmem:s11+$0x5200]  }
0x5a: {  	v11 =	vld [tilespmem:s11+$0x5210]  }
0x5b: {  	v5 =	vld [tilespmem:s11+$0x5220]  }
0x5c: {  	v4 =	vld [tilespmem:s11+$0x5230]  }
0x5d: {  	v3 =	vld [tilespmem:s11+$0x5240]  }
0x5e: {  	v2 =	vld [tilespmem:s11+$0x5250]  }
0x5f: {  	v1 =	vld [tilespmem:s11+$0x5260]  }
0x60: {  	v0 =	vld [tilespmem:s11+$0x5270]  }
0x61: {  	v12 =	vld [tilespmem:s11+$0x200]  }
0x62: {  	v13 =	vld [tilespmem:s11+$0x210]  }
0x63: {  	v10 =	vld [tilespmem:s11+$0x220]  }
0x64: {  	v9 =	vld [tilespmem:s11+$0x230]  }
0x65: {  	v8 =	vld [tilespmem:s11+$0x240]  }
0x66: {  	v7 =	vld [tilespmem:s11+$0x250];
	v12 =	vadd.f32 v6, v12  }
0x67: {  	s12 =	simm.s32 $0x200;
	v11 =	vadd.f32 v11, v13;
	v6 =	vld [tilespmem:s11+$0x260]  }
.LBB2_3:
0x68: {  	s13 =	sshra.s32 s12, $0x2;
	p2 =	sne.s32 s12, $0x9E00;
	v12 =	vmax.f32 v12, $0.0e+00;
	v5 =	vadd.f32 v5, v10;
	v10 =	vld [tilespmem:s11+$0x270]  }
0x69: {  	v13 =	vld [tilespmem:s13+$0x5200];
	[tilespmem:s11+$0x200] =	vst v12;
	v11 =	vmax.f32 v11, $0.0e+00;
	v4 =	vadd.f32 v4, v9  }
0x6a: {  	v14 =	vld [tilespmem:s13+$0x5210];
	[tilespmem:s11+$0x210] =	vst v11;
	v9 =	vmax.f32 v5, $0.0e+00;
	v3 =	vadd.f32 v3, v8  }
0x6b: {  	v5 =	vld [tilespmem:s13+$0x5220];
	[tilespmem:s11+$0x220] =	vst v9;
	v8 =	vmax.f32 v4, $0.0e+00;
	v2 =	vadd.f32 v2, v7  }
0x6c: {  	v4 =	vld [tilespmem:s13+$0x5230];
	[tilespmem:s11+$0x230] =	vst v8;
	v7 =	vmax.f32 v3, $0.0e+00;
	v1 =	vadd.f32 v1, v6  }
0x6d: {  	v3 =	vld [tilespmem:s13+$0x5240];
	[tilespmem:s11+$0x240] =	vst v7;
	v6 =	vmax.f32 v2, $0.0e+00;
	v0 =	vadd.f32 v0, v10  }
0x6e: {  	v2 =	vld [tilespmem:s13+$0x5250];
	[tilespmem:s11+$0x250] =	vst v6;
	v6 =	vmax.f32 v1, $0.0e+00  }
0x6f: {  	v1 =	vld [tilespmem:s13+$0x5260];
	[tilespmem:s11+$0x260] =	vst v6;
	v6 =	vmax.f32 v0, $0.0e+00  }
0x70: {  	v0 =	vld [tilespmem:s13+$0x5270];
	[tilespmem:s11+$0x270] =	vst v6;
	s11 =	smov.u32 s13  }
0x71: {  	v6 =	vld [tilespmem:s11+$0x200]  }
0x72: {  	v11 =	vld [tilespmem:s11+$0x210]  }
.Ltmp4:
0x73: {  	v10 =	vld [tilespmem:s11+$0x220];
	(pc) =	sbr.rel @p2 .LBB2_3-.Ltmp4, $4  }
0x74: {  	v9 =	vld [tilespmem:s11+$0x230]  }
0x75: {  	v8 =	vld [tilespmem:s11+$0x240]  }
0x76: {  	v12 =	vadd.f32 v13, v6;
	v7 =	vld [tilespmem:s11+$0x250]  }
0x77: {  	s12 =	sadd.s32 $0x200, s12;
	v11 =	vadd.f32 v14, v11;
	v6 =	vld [tilespmem:s11+$0x260]  }
0x78: {  	v12 =	vmax.f32 v12, $0.0e+00;
	v5 =	vadd.f32 v5, v10;
	v63 =	vld [tilespmem:s11+$0x270]  }
0x79: {  	[tilespmem:s11+$0x200] =	vst v12;
	v11 =	vmax.f32 v11, $0.0e+00;
	v4 =	vadd.f32 v4, v9  }
0x7a: {  	[tilespmem:s11+$0x210] =	vst v11;
	v5 =	vmax.f32 v5, $0.0e+00;
	v3 =	vadd.f32 v3, v8  }
0x7b: {  	[tilespmem:s11+$0x220] =	vst v5;
	v4 =	vmax.f32 v4, $0.0e+00;
	v2 =	vadd.f32 v2, v7  }
0x7c: {  	[tilespmem:s11+$0x230] =	vst v4;
	v3 =	vmax.f32 v3, $0.0e+00;
	v1 =	vadd.f32 v1, v6  }
0x7d: {  	[tilespmem:s11+$0x240] =	vst v3;
	v2 =	vmax.f32 v2, $0.0e+00;
	v0 =	vadd.f32 v0, v63  }
0x7e: {  	p2 =	seq.s32 s8, $0x3E;
	[tilespmem:s11+$0x250] =	vst v2;
	v1 =	vmax.f32 v1, $0.0e+00  }
0x7f: {  	s10 =	sadd.s32 @!p2 s15, s10;
	[tilespmem:s11+$0x260] =	vst v1;
	v0 =	vmax.f32 v0, $0.0e+00  }
0x80: {  	[tilespmem:s11+$0x270] =	vst v0;
	s11 =	sshll.u32 @!p2 s10, $0x4  }
0x81: {  	[spmem:s1] =	stream.indirect.scatter.add.f32 [tilespmem:s24], [sflag:$0x4], $0x80, s22, s23, $0xb8;
	[tilespmem:$0x1DA80] =	vst v63  }
0x82: {  	s11 =	sand.u32 @!p2 $0x1FD80, s11;
	_ =	swait.ge [sflag:s28], $0x2800  }
0x83: {  	s11 =	sor.u32 @!p2 s16, s11;
	[sflag:s28] =	ssyncset.done $0x0  }
0x84: {  	s13 =	simm.s32 @!p2 $0x0;
	s12 =	sadd.s32 @!p2 s5, s11;
	[sflag:s28] =	ssyncadd.s32 $0xFFFFD800  }
0x85: {  	[tilespmem:s13], [sflag:$0x4] =	stream.linear.gather @!p2 [hbm4b:s12+s13], $0x80, $0x38;
	[tilespmem:$0x1DA80] =	vst v63  }
0x86: {  	s12 =	simm.s32 @!p2 $0x4  }
0x87: {  	_ =	swait.ge @!p2 [sflag:s12], $0x80  }
0x88: {  	[sflag:s12] =	ssyncset.done @!p2 $0x0  }
0x89: {  	s14 =	simm.s32 @!p2 $0x100;
	s11 =	sadd.s32 @!p2 s6, s11;
	[sflag:s12] =	ssyncadd.s32 @!p2 $0xFFFFFF80  }
0x8a: {  	[tilespmem:s14], [sflag:$0x4] =	stream.linear.gather @!p2 [hbm4b:s11+s13], $0x80, $0x38;
	[tilespmem:$0x1DA80] =	vst v63  }
0x8b: {  	s10 =	smul.u32 @!p2 $0x500, s10;
	_ =	swait.ge @!p2 [sflag:s12], $0x80  }
.Ltmp5:
0x8c: {  	[sflag:s12] =	ssyncset.done @!p2 $0x0;
	(pc) =	sbr.rel @p1 .LBB2_8-.Ltmp5, $4  }
0x8d: {  	s11 =	simm.s32 @!p2 $0x50;
	[sflag:s12] =	ssyncadd.s32 @!p2 $0xFFFFFF80;
	s12 =	simm.s32 @!p2 $0x200  }
0x8e: {  	[tilespmem:s12], [sflag:$0x1] =	stream.indirect.gather @!p2 [hbm4b:s3+s11], $0x80, s13, s11, $0xb8;
	[tilespmem:$0x1DA80] =	vst v63  }
0x8f: {  	s10 =	sadd.s32 @!p2 s4, s10;
	s11 =	simm.s32 @!p2 $0x5200  }
0x90: {  	[tilespmem:s11], [sflag:$0x1] =	stream.linear.gather @!p2 [hbm4b:s10+s13], $0x2800, $0x38;
	[tilespmem:$0x1DA80] =	vst v63  }
0x91: {  	_ =	swait.ge [sflag:s29], $0x2800  }
0x92: {  	[sflag:s29] =	ssyncset.done $0x0  }
0x93: {  	[sflag:s29] =	ssyncadd.s32 $0xFFFFD800  }
0x94: {  	_ =	swait.ge [sflag:s29], $0x2800  }
0x95: {  	[sflag:s29] =	ssyncset.done $0x0  }
0x96: {  	s10 =	simm.s32 $0x0;
	[sflag:s29] =	ssyncadd.s32 $0xFFFFD800  }
0x97: {  	v6 =	vld [tilespmem:s10+$0x7A00]  }
0x98: {  	v11 =	vld [tilespmem:s10+$0x7A10]  }
0x99: {  	v5 =	vld [tilespmem:s10+$0x7A20]  }
0x9a: {  	v4 =	vld [tilespmem:s10+$0x7A30]  }
0x9b: {  	v3 =	vld [tilespmem:s10+$0x7A40]  }
0x9c: {  	v2 =	vld [tilespmem:s10+$0x7A50]  }
0x9d: {  	v1 =	vld [tilespmem:s10+$0x7A60]  }
0x9e: {  	v0 =	vld [tilespmem:s10+$0x7A70]  }
0x9f: {  	v12 =	vld [tilespmem:s10+$0x2A00]  }
0xa0: {  	v13 =	vld [tilespmem:s10+$0x2A10]  }
0xa1: {  	v10 =	vld [tilespmem:s10+$0x2A20]  }
0xa2: {  	v9 =	vld [tilespmem:s10+$0x2A30]  }
0xa3: {  	v8 =	vld [tilespmem:s10+$0x2A40]  }
0xa4: {  	v7 =	vld [tilespmem:s10+$0x2A50];
	v12 =	vadd.f32 v6, v12  }
0xa5: {  	s11 =	simm.s32 $0x200;
	v11 =	vadd.f32 v11, v13;
	v6 =	vld [tilespmem:s10+$0x2A60]  }
.LBB2_6:
0xa6: {  	s12 =	sshra.s32 s11, $0x2;
	p1 =	sne.s32 s11, $0x9E00;
	v12 =	vmax.f32 v12, $0.0e+00;
	v5 =	vadd.f32 v5, v10;
	v10 =	vld [tilespmem:s10+$0x2A70]  }
0xa7: {  	v13 =	vld [tilespmem:s12+$0x7A00];
	[tilespmem:s10+$0x2A00] =	vst v12;
	v11 =	vmax.f32 v11, $0.0e+00;
	v4 =	vadd.f32 v4, v9  }
0xa8: {  	v14 =	vld [tilespmem:s12+$0x7A10];
	[tilespmem:s10+$0x2A10] =	vst v11;
	v9 =	vmax.f32 v5, $0.0e+00;
	v3 =	vadd.f32 v3, v8  }
0xa9: {  	v5 =	vld [tilespmem:s12+$0x7A20];
	[tilespmem:s10+$0x2A20] =	vst v9;
	v8 =	vmax.f32 v4, $0.0e+00;
	v2 =	vadd.f32 v2, v7  }
0xaa: {  	v4 =	vld [tilespmem:s12+$0x7A30];
	[tilespmem:s10+$0x2A30] =	vst v8;
	v7 =	vmax.f32 v3, $0.0e+00;
	v1 =	vadd.f32 v1, v6  }
0xab: {  	v3 =	vld [tilespmem:s12+$0x7A40];
	[tilespmem:s10+$0x2A40] =	vst v7;
	v6 =	vmax.f32 v2, $0.0e+00;
	v0 =	vadd.f32 v0, v10  }
0xac: {  	v2 =	vld [tilespmem:s12+$0x7A50];
	[tilespmem:s10+$0x2A50] =	vst v6;
	v6 =	vmax.f32 v1, $0.0e+00  }
0xad: {  	v1 =	vld [tilespmem:s12+$0x7A60];
	[tilespmem:s10+$0x2A60] =	vst v6;
	v6 =	vmax.f32 v0, $0.0e+00  }
0xae: {  	v0 =	vld [tilespmem:s12+$0x7A70];
	[tilespmem:s10+$0x2A70] =	vst v6;
	s10 =	smov.u32 s12  }
0xaf: {  	v6 =	vld [tilespmem:s10+$0x2A00]  }
0xb0: {  	v11 =	vld [tilespmem:s10+$0x2A10]  }
.Ltmp6:
0xb1: {  	v10 =	vld [tilespmem:s10+$0x2A20];
	(pc) =	sbr.rel @p1 .LBB2_6-.Ltmp6, $4  }
0xb2: {  	v9 =	vld [tilespmem:s10+$0x2A30]  }
0xb3: {  	v8 =	vld [tilespmem:s10+$0x2A40]  }
0xb4: {  	v12 =	vadd.f32 v13, v6;
	v7 =	vld [tilespmem:s10+$0x2A50]  }
0xb5: {  	s11 =	sadd.s32 $0x200, s11;
	v11 =	vadd.f32 v14, v11;
	v6 =	vld [tilespmem:s10+$0x2A60]  }
0xb6: {  	v12 =	vmax.f32 v12, $0.0e+00;
	v5 =	vadd.f32 v5, v10;
	v63 =	vld [tilespmem:s10+$0x2A70]  }
0xb7: {  	[tilespmem:s10+$0x2A00] =	vst v12;
	v11 =	vmax.f32 v11, $0.0e+00;
	v4 =	vadd.f32 v4, v9  }
0xb8: {  	[tilespmem:s10+$0x2A10] =	vst v11;
	v5 =	vmax.f32 v5, $0.0e+00;
	v3 =	vadd.f32 v3, v8  }
0xb9: {  	[tilespmem:s10+$0x2A20] =	vst v5;
	v4 =	vmax.f32 v4, $0.0e+00;
	v2 =	vadd.f32 v2, v7  }
0xba: {  	[tilespmem:s10+$0x2A30] =	vst v4;
	v3 =	vmax.f32 v3, $0.0e+00;
	v1 =	vadd.f32 v1, v6  }
0xbb: {  	[tilespmem:s10+$0x2A40] =	vst v3;
	v2 =	vmax.f32 v2, $0.0e+00;
	v0 =	vadd.f32 v0, v63  }
0xbc: {  	[tilespmem:s10+$0x2A50] =	vst v2;
	v1 =	vmax.f32 v1, $0.0e+00  }
0xbd: {  	[tilespmem:s10+$0x2A60] =	vst v1;
	v0 =	vmax.f32 v0, $0.0e+00  }
.Ltmp7:
0xbe: {  	[tilespmem:s10+$0x2A70] =	vst v0;
	(pc) =	sbr.rel .LBB2_8-.Ltmp7, $4  }
0xbf: {  	[spmem:s1] =	stream.indirect.scatter.add.f32 [tilespmem:s31], [sflag:$0x3], $0x80, s30, s23, $0xb8;
	[tilespmem:$0x1DA80] =	vst v63  }
0xc0: {  	_ =	swait.ge [sflag:s21], $0x2800  }
0xc1: {  	[sflag:s21] =	ssyncset.done $0x0  }
0xc2: {  	[sflag:s21] =	ssyncadd.s32 $0xFFFFD800  }
.LBB2_10:
0xc3: {  	_ =	sfence.sel $0x180000  }
0xc4: {  	[bflag:$0x0] =	sbarrier.arrive $0xFFFF  }
0xc5: {  	_ =	strace $0x90000047  }
0xc6: {  	[bflag:$0x2] =	sbarrier.arrive $0xFFFF  }
0xc7: {  	s0 =	rddreg [dreg:$0x2]  }
0xc8: {  	s0 =	sadd.s32 @!p0 $0x100000, s0  }
0xc9: {  	[sflag:s0] =	ssyncadd.tile.s32 @!p0 $0x1;
	_ =	shalt  }
.Lfunc_end2:
_tile_overlayer_lowered:
.L_overlay_start_2:
0xca: {  	(tag) =	ssettag $0x2  }
0xcb: {  	s0 =	rddreg [dreg:$0x0];
	s2 =	stileid.u32  }
0xcc: {  	s1 =	rddreg [dreg:$0x1];
	p0 =	sne.s32 s2, $0x0  }
0xcd: {  	s3 =	rddreg [dreg:$0x2];
	[bflag:$0x3] =	sbarrier.arrive $0xFFFF;
	s2 =	simm.s32 @!p0 $0x1C03  }
0xce: {  	[timem:s3], [sflag:s2] =	dma.local @!p0 [hbm:s0], s1  }
0xcf: {  	s0 =	simm.s32 @!p0 $0x3  }
0xd0: {  	_ =	swait.ge @!p0 [sflag:s0], s1  }
0xd1: {  	s1 =	ssub.s32 @!p0 $0x0, s1;
	[sflag:s0] =	ssyncset.done @!p0 $0x0  }
0xd2: {  	[sflag:s0] =	ssyncadd.s32 @!p0 s1  }
0xd3: {  	[bflag:$0x3] =	sbarrier.arrive $0xFFFF  }
0xd4: {  	_ =	shalt  }

// kernel: kernel.16.cloned.1.call-start
scs
__scs_entry_jumppad:
0x0: {  	(pc) =	sbr.rel $0x88, $3  }
0x1: {  	(tag) =	ssettag $0x0;
	lr =	simm.s32 $0x1  }
0x2: {  	[smem:$0x3F88] =	sst lr;
	_ =	strace $0xD0000000  }
0x3: {  	_ = 	snop  }
0x4: {  	_ = 	snop  }
0x5: {  	_ = 	snop  }
0x6: {  	_ = 	snop  }
0x7: {  	_ = 	snop  }
__scs_overlays_trampoline_lowered:
0x8: {  	[smem:$0x3F97] =	sst s0  }
0x9: {  	[smem:$0x3F98] =	sst s1  }
0xa: {  	[smem:$0x3F99] =	sst s2  }
0xb: {  	[smem:$0x3F9A] =	sst s3  }
0xc: {  	[smem:$0x3F9B] =	sst s4  }
0xd: {  	[smem:$0x3F9C] =	sst s5  }
0xe: {  	[smem:$0x3F9D] =	sst s6  }
0xf: {  	[smem:$0x3F9E] =	sst s7  }
0x10: {  	[smem:$0x3F9F] =	sst s8  }
0x11: {  	[smem:$0x3FA0] =	sst s9;
	s0 =	simm.s32 @!p0 $0x0  }
0x12: {  	s1 =	sld [smem:$0x3F86];
	s0 =	simm.s32 @p0 $0x1  }
0x13: {  	[smem:$0x3FA1] =	sst s0;
	s0 =	simm.s32 @!p1 $0x0  }
0x14: {  	s2 =	sld [smem:$0x3F85];
	s0 =	simm.s32 @p1 $0x1  }
0x15: {  	[smem:$0x3FA2] =	sst s0;
	s0 =	simm.s32 @!p2 $0x0  }
0x16: {  	s3 =	sld [smem:$0x3FDB];
	s0 =	simm.s32 @p2 $0x1  }
0x17: {  	s4 =	simm.s32 $0x1BF5;
	[smem:$0x3FA4] =	sst s0  }
0x18: {  	s0 =	sld [smem:$0x3F87];
	_ =	swait.ge [sflag:s4], $0x0  }
0x19: {  	s7 =	sld [smem:$0x3F88]  }
0x1a: {  	s8 =	sadd.s32 $0xFFFFE003, lr  }
0x1b: {  	s9 =	sadd.s32 $0xFFFFFEF7, lr;
	s5 =	simm.s32 $0xFFFFFFFF;
	p2 =	slt.u32 s8, $0xFFFFF086  }
0x1c: {  	p1 =	slt.u32 s9, $0xF7A;
	s5 =	simm.s32 @!p2 $0x0  }
0x1d: {  	s5 =	simm.s32 @p1 $0x1;
	p0 =	seq.s32 s7, s2  }
0x1e: {  	s7 =	smul.u32 @!p0 $0xF7A, s2;
	p2 =	seq.s32 @!p0 s5, $0x0  }
0x1f: {  	s9 =	smul.u32 $0xF7A, s1;
	s8 =	simm.s32 @!p0 $0x1BF5;
	p2 =	por !p2, p0  }
0x20: {  	[sflag:s8] =	ssyncset.s32 @!p0 $0xFFFFF086;
	s6 =	sadd.s32 @!p0 s3, s7;
	s7 =	simm.s32 @!p0 $0x108  }
0x21: {  	s3 =	sadd.s32 s3, s9;
	s6 =	sadd.s32 @!p0 $0x88, s6;
	s7 =	simm.s32 @p2 $0x1082  }
0x22: {  	[simem:s7], [sflag:s8] =	dma.local @!p0 [hbm:s6], $0xF7A  }
0x23: {  	s9 =	sor.u32 $0xD0000000, s2;
	s6 =	simm.s32 $0x108;
	_ =	swait.ge @!p0 [sflag:s8], $0x0  }
0x24: {  	s3 =	sadd.s32 $0x88, s3;
	s6 =	simm.s32 @!p1 $0x1082;
	[sflag:s4] =	ssyncset.s32 $0xFFFFF086  }
0x25: {  	[simem:s6], [sflag:s4] =	dma.local [hbm:s3], $0xF7A  }
0x26: {  	[smem:$0x3F88] =	sst s1;
	(tag) =	ssettag s2;
	_ =	strace s9  }
0x27: {  	s1 =	sld [smem:$0x3F98]  }
0x28: {  	s2 =	sld [smem:$0x3F99]  }
0x29: {  	s4 =	sld [smem:$0x3F9B]  }
0x2a: {  	p0 =	seq.s32 s5, $0x0;
	s5 =	sld [smem:$0x3F9C]  }
0x2b: {  	s6 =	sld [smem:$0x3F9D]  }
0x2c: {  	s7 =	sld [smem:$0x3F9E]  }
0x2d: {  	s3 =	simm.s32 $0x108;
	s8 =	sld [smem:$0x3F9F]  }
0x2e: {  	s3 =	simm.s32 @!p0 $0x1082;
	s9 =	sld [smem:$0x3FA0]  }
0x2f: {  	lr =	sadd.s32 s0, s3;
	s0 =	sld [smem:$0x3F97]  }
0x30: {  	s3 =	sld [smem:$0x3F9A]  }
0x31: {  	[smem:$0x3FA3] =	sst s10  }
0x32: {  	s10 =	sld [smem:$0x3FA1];
	_ =	sdelay $0x3  }
0x33: {  	p0 =	seq.s32 s10, $0x1;
	s10 =	sld [smem:$0x3FA3];
	_ =	sdelay $0x3  }
0x34: {  	[smem:$0x3FA3] =	sst s10  }
0x35: {  	s10 =	sld [smem:$0x3FA2];
	_ =	sdelay $0x3  }
0x36: {  	p1 =	seq.s32 s10, $0x1;
	s10 =	sld [smem:$0x3FA3];
	_ =	sdelay $0x3  }
0x37: {  	[smem:$0x3FA3] =	sst s10  }
0x38: {  	s10 =	sld [smem:$0x3FA4]  }
0x39: {  	_ = 	snop;
	(pc) =	sbr.ind lr, $3  }
0x3a: {  	_ = 	snop  }
0x3b: {  	_ = 	snop  }
0x3c: {  	p2 =	seq.s32 s10, $0x1;
	s10 =	sld [smem:$0x3FA3]  }
0x3d: {  	_ =	shalt  }
0x3e: {  	_ =	shalt  }
0x3f: {  	_ =	shalt  }
0x40: {  	_ =	shalt  }
0x41: {  	_ =	shalt  }
0x42: {  	_ =	shalt  }
0x43: {  	_ =	shalt  }
0x44: {  	_ =	shalt  }
0x45: {  	_ =	shalt  }
0x46: {  	_ =	shalt  }
0x47: {  	_ =	shalt  }
0x48: {  	_ =	shalt  }
0x49: {  	_ =	shalt  }
0x4a: {  	_ =	shalt  }
0x4b: {  	_ =	shalt  }
0x4c: {  	_ =	shalt  }
0x4d: {  	_ =	shalt  }
0x4e: {  	_ =	shalt  }
0x4f: {  	_ =	shalt  }
0x50: {  	_ =	shalt  }
0x51: {  	_ =	shalt  }
0x52: {  	_ =	shalt  }
0x53: {  	_ =	shalt  }
0x54: {  	_ =	shalt  }
0x55: {  	_ =	shalt  }
0x56: {  	_ =	shalt  }
0x57: {  	_ =	shalt  }
0x58: {  	_ =	shalt  }
0x59: {  	_ =	shalt  }
0x5a: {  	_ =	shalt  }
0x5b: {  	_ =	shalt  }
0x5c: {  	_ =	shalt  }
0x5d: {  	_ =	shalt  }
0x5e: {  	_ =	shalt  }
0x5f: {  	_ =	shalt  }
0x60: {  	_ =	shalt  }
0x61: {  	_ =	shalt  }
0x62: {  	_ =	shalt  }
0x63: {  	_ =	shalt  }
0x64: {  	_ =	shalt  }
0x65: {  	_ =	shalt  }
0x66: {  	_ =	shalt  }
0x67: {  	_ =	shalt  }
0x68: {  	_ =	shalt  }
0x69: {  	_ =	shalt  }
0x6a: {  	_ =	shalt  }
0x6b: {  	_ =	shalt  }
0x6c: {  	_ =	shalt  }
0x6d: {  	_ =	shalt  }
0x6e: {  	_ =	shalt  }
0x6f: {  	_ =	shalt  }
0x70: {  	_ =	shalt  }
0x71: {  	_ =	shalt  }
0x72: {  	_ =	shalt  }
0x73: {  	_ =	shalt  }
0x74: {  	_ =	shalt  }
0x75: {  	_ =	shalt  }
0x76: {  	_ =	shalt  }
0x77: {  	_ =	shalt  }
0x78: {  	_ =	shalt  }
0x79: {  	_ =	shalt  }
0x7a: {  	_ =	shalt  }
0x7b: {  	_ =	shalt  }
0x7c: {  	_ =	shalt  }
0x7d: {  	_ =	shalt  }
0x7e: {  	_ =	shalt  }
0x7f: {  	_ =	shalt  }
0x80: {  	_ =	shalt  }
0x81: {  	_ =	shalt  }
0x82: {  	_ =	shalt  }
0x83: {  	_ =	shalt  }
0x84: {  	_ =	shalt  }
0x85: {  	_ =	shalt  }
0x86: {  	_ =	shalt  }
0x87: {  	_ =	shalt  }
.Lfunc_end0:
.L_simem_size_0:
called_computation.1_lowered:
.L_overlay_start_0:
0x88: {  	s2 =	sld [smem:$0x3FD9]  }
0x89: {  	s3 =	sld [smem:$0x3FFE];
	_ =	sdelay $0x1  }
0x8a: {  	s1 =	srdreg.scid  }
0x8b: {  	s0 =	sand.u32 $0x1, s1  }
0x8c: {  	s16 =	sshll.u32 s0, $0xA;
	s2 =	sadd.s32 s3, s2  }
0x8d: {  	s2 =	sadd.s32 s2, s16  }
0x8e: {  	[smem:$0x3FAF] =	sst s2  }
0x8f: {  	_ = 	snop  }
0x90: {  	(tm) =	ssettm $0x1  }
0x91: {  	s17 =	sld [smem:$0x3FFB];
	_ =	sdelay $0x3  }
0x92: {  	_ =	strace s17  }
0x93: {  	s2 =	sld [smem:$0x3FFC];
	_ =	sdelay $0x3  }
0x94: {  	_ =	strace s2  }
0x95: {  	s2 =	sld [smem:$0x3FFD];
	_ =	sdelay $0x3  }
0x96: {  	_ =	strace s2  }
0x97: {  	_ =	strace $0x8FFFFFFF  }
0x98: {  	s18 =	sld [smem:$0x3FDB];
	_ =	sdelay $0x1  }
0x99: {  	s19 =	simm.s32 $_scs_section_size  }
0x9a: {  	s4 =	simm.s32 $_size__tile_overlayer_lowered;
	s5 =	simm.s32 $_tile_overlayer_lowered  }
0x9b: {  	s22 =	simm.s32 $0x1BFF;
	s21 =	sshll.u32 s5, $0x1;
	s2 =	sadd.s32 s19, s18  }
0x9c: {  	s6 =	simm.s32 $0x0;
	s20 =	sshll.u32 s4, $0x1;
	s4 =	sadd.s32 s21, s2  }
0x9d: {  	[timem:s6], [sflag:s22] =	dma.local [hbm:s4], s20  }
0x9e: {  	_ =	swait.ge [sflag:s22], s20  }
0x9f: {  	s3 =	ssub.s32 $0x0, s20;
	[sflag:s22] =	ssyncset.done $0x0  }
0xa0: {  	[sflag:s22] =	ssyncadd.s32 s3;
	_ =	sdelay $0x1  }
0xa1: {  	s23 =	simm.s32 $0x1B8B  }
0xa2: {  	_ =	swait.ge [sflag:s23], $0x1  }
0xa3: {  	[sflag:s23] =	ssyncset.done $0x0  }
0xa4: {  	s25 =	simm.s32 $0x1B8E;
	s24 =	sld [smem:$0x3FFE];
	[sflag:s23] =	ssyncadd.s32 $0xFFFFFFFF  }
0xa5: {  	s26 =	simm.s32 $execute0_lowered;
	[smem:$0x3FD2] =	sst s25  }
0xa6: {  	s4 =	sshll.u32 s26, $0x1;
	_ =	strace $0x80000049;
	[dreg:$0x1] =	wrdreg $0xFFFFFFFF  }
0xa7: {  	s28 =	simm.s32 $_size_execute0_lowered;
	s2 =	sadd.s32 s2, s4;
	[dreg:$0x0] =	wrdreg $0x0  }
0xa8: {  	s4 =	sshll.u32 s28, $0x1;
	[dreg:$0x2] =	wrdreg s2  }
0xa9: {  	[dreg:$0x3] =	wrdreg s4  }
0xaa: {  	[dreg:$0x4] =	wrdreg $0xC0  }
0xab: {  	_ =	task [dreg:s6], $0x5FFFF  }
0xac: {  	[dreg:$0x1] =	wrdreg $0xFFFFFFFF  }
0xad: {  	[dreg:$0x0] =	wrdreg $0x60  }
0xae: {  	[dreg:$0x2] =	wrdreg s24  }
0xaf: {  	[dreg:$0x3] =	wrdreg $0x9  }
0xb0: {  	_ =	task.clear_ibuf [dreg:s6], $0x4FFFF;
	_ =	strace $0x90000049  }
0xb1: {  	s29 =	simm.s32 $0x9;
	_ =	strace $0x8000004B  }
0xb2: {  	_ =	swait.ge [sflag:s29], $0x1  }
0xb3: {  	[sflag:s29] =	ssyncadd.s32 $0xFFFFFFFF  }
0xb4: {  	_ =	strace $0x9000004B  }
0xb5: {  	_ =	sfence  }
0xb6: {  	s30 =	sld [smem:$0x0];
	_ =	sdelay $0x2  }
0xb7: {  	s31 =	sshll.u32 s1, $0xD;
	s1 =	sshrl.u32 s1, $0x2  }
0xb8: {  	s3 =	sand.u32 $0x4000, s31;
	s1 =	sadd.s32 s1, s30  }
0xb9: {  	s0 =	sor.u32 s3, s0;
	s1 =	sshll.u32 s1, $0x11  }
0xba: {  	s0 =	sor.u32 s1, s0  }
0xbb: {  	s0 =	sadd.s32 $0x8F2B, s0  }
0xbc: {  	[sflag:s0] =	ssyncadd.remote.s32 $0x1  }
0xbd: {  	_ =	sfence.sel $0xFFFF  }
0xbe: {  	[dreg:$0x0] =	wrdreg $0xFFFFFFFF;
	(pc) =	sbr.abs _section_cstart, $3  }
0xbf: {  	[dreg:$0x1] =	wrdreg $0xFFFFFFFF  }
0xc0: {  	_ =	task.clear_ibuf [dreg:s6], $0x2FFFF;
	_ =	strace $0x9FFFFFFF  }
0xc1: {  	(tm) =	ssettm $0x7FFFFFFF  }
tec
execute0_lowered:
.L_overlay_start_1:
0x0: {  	(tag) =	ssettag $0x1  }
0x1: {  	s1 =	srdreg.scid  }
0x2: {  	s0 =	stileid.u32;
	s6 =	rddreg [dreg:$0x0];
	s2 =	simm.s32 $0x0  }
0x3: {  	s12 =	simm.s32 $0x2800;
	s13 =	simm.s32 $0x80;
	s14 =	simm.s32 $0x5000  }
0x4: {  	s15 =	simm.s32 $0xD000;
	s16 =	simm.s32 $0x1;
	s17 =	simm.s32 $0x15000  }
0x5: {  	s18 =	simm.s32 $0x2;
	s7 =	sand.u32 $0x1, s1;
	s3 =	sshll.u32 s0, $0x1  }
0x6: {  	s19 =	simm.s32 $0x19000;
	s20 =	simm.s32 $0x3;
	s3 =	sor.u32 s7, s3  }
0x7: {  	s21 =	simm.s32 $0x4;
	s1 =	rddreg [dreg:$0x1];
	s8 =	smul.u32 $0x500, s3  }
0x8: {  	s22 =	simm.s32 $0x0;
	[smem:$0x7FF] =	sst s2;
	s3 =	smul.u32 $0x50, s3  }
.Ltmp0:
0x9: {  	s4 =	sadd.s32 $0x3A000, s6;
	s7 =	ssub.s32 $0x2, s7;
	(pc) =	sbr.rel .LBB2_1-.Ltmp0, $4  }
0xa: {  	s5 =	sadd.s32 $0x88400, s6;
	_ =	strace $0x8000004A;
	s31 =	sshrl.u32 s7, $0x1  }
0xb: {  	s11 =	ssub.s32 s7, s31;
	s9 =	sadd.s32 s8, s6;
	s10 =	ssub.s32 $0x9C4, s3  }
0xc: {  	s6 =	sadd.s32 $0x9FE000, s6;
	s7 =	smin.u32 s10, $0x50;
	s8 =	sadd.s32 $0xD6600, s9  }
0xd: {  	s9 =	sadd.s32 $0x7000, s9;
	s10 =	smax.u32 s11, $0x1;
	s11 =	simm.s32 $0x5  }
.LBB2_11:
0xe: {  	s22 =	sadd.s32 $0x1, s22  }
0xf: {  	_ =	swait.ge [sflag:s20], $0x4000;
	p0 =	sne.s32 s22, s10  }
.Ltmp1:
0x10: {  	[sflag:s20] =	ssyncset.done $0x0;
	(pc) =	sbr.rel @!p0 .LBB2_12-.Ltmp1, $4  }
0x11: {  	[sflag:s20] =	ssyncadd.s32 $0xFFFFC000  }
0x12: {  	_ =	swait.ge [sflag:s21], $0x4000  }
0x13: {  	[sflag:s21] =	ssyncset.done $0x0  }
0x14: {  	[sflag:s21] =	ssyncadd.s32 $0xFFFFC000  }
.LBB2_1:
0x15: {  	[tilespmem:s2], [sflag:$0x5] =	stream.linear.gather [hbm4b:s8+s2], $0x2800, $0x38;
	[tilespmem:$0x1D000] =	vst v63  }
0x16: {  	_ =	swait.ge [sflag:s11], $0x2800  }
0x17: {  	[sflag:s11] =	ssyncset.done $0x0  }
0x18: {  	[sflag:s11] =	ssyncadd.s32 $0xFFFFD800  }
0x19: {  	[tilespmem:s12], [sflag:$0x5] =	stream.linear.gather [hbm4b:s9+s2], $0x2800, $0x38;
	[tilespmem:$0x1D000] =	vst v63  }
0x1a: {  	_ =	swait.ge [sflag:s11], $0x2800  }
.Ltmp2:
0x1b: {  	[sflag:s11] =	ssyncset.done $0x0;
	(pc) =	sbr.rel .LBB2_2-.Ltmp2, $4  }
0x1c: {  	[sflag:s11] =	ssyncadd.s32 $0xFFFFD800  }
0x1d: {  	[tilespmem:s14], [sflag:$0x1] =	stream.indirect.gather [hbm4b:s4+s13], $0x80, s2, s13, $0xb8;
	[tilespmem:$0x1D000] =	vst v63  }
0x1e: {  	s23 =	simm.s32 $0x0  }
0x1f: {  	[tilespmem:s15], [sflag:$0x1] =	stream.indirect.gather [hbm4b:s5+s13], $0x80, s12, s13, $0xb8;
	[tilespmem:$0x1D000] =	vst v63  }
.LBB2_10:
0x20: {  	s23 =	sadd.s32 $0x1, s23  }
0x21: {  	p0 =	sne.s32 s23, $0x28  }
.Ltmp3:
0x22: {  	_ = 	snop;
	(pc) =	sbr.rel @!p0 .LBB2_11-.Ltmp3, $1  }
0x23: {  	_ =	sdelay $0x3  }
.LBB2_2:
0x24: {  	s24 =	sshllo.u32 s23, $0x1  }
0x25: {  	p0 =	sge.u32 s24, s7  }
0x26: {  	s26 =	sshll.u32 @!p0 s24, $0x7;
	s28 =	simm.s32 @!p0 $0x80;
	s25 =	simm.s32 @!p0 $0x9000  }
0x27: {  	[tilespmem:s25], [sflag:$0x2] =	stream.indirect.gather @!p0 [hbm4b:s4+s28], $0x80, s26, s28, $0xb8;
	[tilespmem:$0x1D000] =	vst v63  }
0x28: {  	s25 =	sshll.u32 s23, $0x1  }
0x29: {  	p1 =	sge.u32 s25, s7  }
.Ltmp4:
0x2a: {  	_ = 	snop;
	(pc) =	sbr.rel @p1 .LBB2_6-.Ltmp4, $3  }
0x2b: {  	_ =	sdelay $0x1  }
0x2c: {  	s29 =	simm.s32 @!p0 $0x11000;
	s26 =	sadd.s32 @!p0 $0x2800, s26  }
0x2d: {  	[tilespmem:s29], [sflag:$0x2] =	stream.indirect.gather @!p0 [hbm4b:s5+s28], $0x80, s26, s28, $0xb8;
	[tilespmem:$0x1D000] =	vst v63  }
0x2e: {  	_ =	swait.ge [sflag:s16], $0x4000  }
0x2f: {  	[sflag:s16] =	ssyncset.done $0x0  }
0x30: {  	[sflag:s16] =	ssyncadd.s32 $0xFFFFC000  }
0x31: {  	_ =	swait.ge [sflag:s16], $0x4000  }
0x32: {  	p1 =	seq.s32 s23, $0x0;
	[sflag:s16] =	ssyncset.done $0x0  }
0x33: {  	s26 =	simm.s32 @!p1 $0x3;
	[sflag:s16] =	ssyncadd.s32 $0xFFFFC000  }
0x34: {  	_ =	swait.ge @!p1 [sflag:s26], $0x4000  }
0x35: {  	[sflag:s26] =	ssyncset.done @!p1 $0x0  }
0x36: {  	[sflag:s26] =	ssyncadd.s32 @!p1 $0xFFFFC000;
	s26 =	simm.s32 $0x0  }
0x37: {  	v0 =	vld [tilespmem:s26+$0x5070]  }
0x38: {  	v1 =	vld [tilespmem:s26+$0xD070]  }
0x39: {  	v2 =	vld [tilespmem:s26+$0x5000]  }
0x3a: {  	v3 =	vld [tilespmem:s26+$0xD000]  }
0x3b: {  	v4 =	vld [tilespmem:s26+$0x5010]  }
0x3c: {  	v5 =	vld [tilespmem:s26+$0xD010]  }
0x3d: {  	v6 =	vld [tilespmem:s26+$0x5020]  }
0x3e: {  	v7 =	vld [tilespmem:s26+$0x5030]  }
0x3f: {  	v0 =	vadd.f32 v1, v0;
	v1 =	vld [tilespmem:s26+$0xD020]  }
0x40: {  	v8 =	vld [tilespmem:s26+$0xD030]  }
0x41: {  	v9 =	vld [tilespmem:s26+$0xD040];
	v2 =	vadd.f32 v3, v2  }
0x42: {  	[tilespmem:s26+$0x15070] =	vst v0;
	v0 =	vadd.f32 v5, v4;
	v5 =	vld [tilespmem:s26+$0x5040]  }
0x43: {  	v3 =	vld [tilespmem:s26+$0xD050];
	[tilespmem:s26+$0x15000] =	vst v2  }
0x44: {  	v2 =	vld [tilespmem:s26+$0x5050];
	[tilespmem:s26+$0x15010] =	vst v0;
	v0 =	vadd.f32 v1, v6  }
0x45: {  	v4 =	vld [tilespmem:s26+$0xD060];
	v6 =	vadd.f32 v8, v7  }
0x46: {  	s28 =	simm.s32 $0x80;
	[tilespmem:s26+$0x15020] =	vst v0;
	v0 =	vld [tilespmem:s26+$0x5060]  }
0x47: {  	s29 =	simm.s32 $0x400;
	v5 =	vadd.f32 v9, v5;
	v1 =	vld [tilespmem:s28+$0x5070];
	[tilespmem:s26+$0x15030] =	vst v6  }
.LBB2_4:
0x48: {  	p1 =	sne.s32 s29, $0xFE00;
	v6 =	vld [tilespmem:s28+$0xD070]  }
0x49: {  	v7 =	vld [tilespmem:s28+$0x5000];
	[tilespmem:s26+$0x15040] =	vst v5;
	v2 =	vadd.f32 v3, v2  }
0x4a: {  	v3 =	vld [tilespmem:s28+$0xD000]  }
0x4b: {  	v5 =	vld [tilespmem:s28+$0x5010];
	[tilespmem:s26+$0x15050] =	vst v2;
	v0 =	vadd.f32 v4, v0  }
0x4c: {  	v2 =	vld [tilespmem:s28+$0xD010]  }
0x4d: {  	v4 =	vld [tilespmem:s28+$0x5020];
	v1 =	vadd.f32 v6, v1;
	[tilespmem:s26+$0x15060] =	vst v0;
	s26 =	smov.u32 s28  }
0x4e: {  	v0 =	vld [tilespmem:s26+$0xD020]  }
0x4f: {  	v3 =	vadd.f32 v3, v7;
	v6 =	vld [tilespmem:s26+$0x5030];
	[tilespmem:s26+$0x15070] =	vst v1  }
0x50: {  	v1 =	vld [tilespmem:s26+$0xD030]  }
0x51: {  	[tilespmem:s26+$0x15000] =	vst v3;
	v2 =	vadd.f32 v2, v5;
	v5 =	vld [tilespmem:s26+$0x5040]  }
0x52: {  	v7 =	vld [tilespmem:s26+$0xD040]  }
.Ltmp5:
0x53: {  	[tilespmem:s26+$0x15010] =	vst v2;
	v0 =	vadd.f32 v0, v4;
	v2 =	vld [tilespmem:s26+$0x5050];
	(pc) =	sbr.rel @p1 .LBB2_4-.Ltmp5, $4  }
0x54: {  	v3 =	vld [tilespmem:s26+$0xD050]  }
0x55: {  	[tilespmem:s26+$0x15020] =	vst v0;
	v6 =	vadd.f32 v1, v6;
	v0 =	vld [tilespmem:s26+$0x5060]  }
0x56: {  	s28 =	sshra.s32 s29, $0x2;
	v4 =	vld [tilespmem:s26+$0xD060]  }
0x57: {  	s29 =	sadd.s32 $0x200, s29;
	v1 =	vld [tilespmem:s28+$0x5070];
	[tilespmem:s26+$0x15030] =	vst v6;
	v5 =	vadd.f32 v7, v5  }
0x58: {  	v6 =	vld [tilespmem:s28+$0xD070]  }
0x59: {  	v7 =	vld [tilespmem:s28+$0x5000];
	[tilespmem:s26+$0x15040] =	vst v5;
	v2 =	vadd.f32 v3, v2  }
0x5a: {  	v51 =	vld [tilespmem:s28+$0xD000]  }
0x5b: {  	v5 =	vld [tilespmem:s28+$0x5010];
	[tilespmem:s26+$0x15050] =	vst v2;
	v0 =	vadd.f32 v4, v0  }
0x5c: {  	v2 =	vld [tilespmem:s28+$0xD010]  }
0x5d: {  	v52 =	vld [tilespmem:s28+$0x5020];
	[tilespmem:s26+$0x15060] =	vst v0  }
0x5e: {  	v54 =	vld [tilespmem:s28+$0xD020]  }
0x5f: {  	v55 =	vld [tilespmem:s28+$0x5030]  }
0x60: {  	v56 =	vld [tilespmem:s28+$0xD030]  }
0x61: {  	v57 =	vld [tilespmem:s28+$0x5040]  }
0x62: {  	v58 =	vld [tilespmem:s28+$0xD040]  }
0x63: {  	v59 =	vld [tilespmem:s28+$0x5050]  }
0x64: {  	v53 =	vadd.f32 v6, v1;
	v60 =	vld [tilespmem:s28+$0xD050]  }
0x65: {  	v61 =	vld [tilespmem:s28+$0x5060];
	v3 =	vadd.f32 v51, v7  }
0x66: {  	v62 =	vld [tilespmem:s28+$0xD060];
	[tilespmem:s28+$0x15070] =	vst v53;
	v2 =	vadd.f32 v2, v5  }
0x67: {  	[tilespmem:s28+$0x15000] =	vst v3;
	v1 =	vadd.f32 v54, v52  }
0x68: {  	[tilespmem:s28+$0x15010] =	vst v2;
	v0 =	vadd.f32 v56, v55  }
0x69: {  	v3 =	vadd.f32 v58, v57;
	[tilespmem:s28+$0x15020] =	vst v1  }
0x6a: {  	v63 =	vadd.f32 v60, v59;
	[tilespmem:s28+$0x15030] =	vst v0  }
0x6b: {  	s31 =	sadd.s32 s3, s25;
	[tilespmem:s28+$0x15040] =	vst v3;
	v1 =	vadd.f32 v62, v61  }
0x6c: {  	s26 =	sshll.u32 s31, $0xB;
	[tilespmem:s28+$0x15050] =	vst v63  }
0x6d: {  	s26 =	sadd.s32 s6, s26;
	[tilespmem:s28+$0x15060] =	vst v1  }
0x6e: {  	[hbm4b:s26+s2] =	stream.linear.scatter [tilespmem:s17], [sflag:$0x3], $0x4000, $0x38;
	[tilespmem:$0x1D000] =	vst v63  }
.LBB2_6:
0x6f: {  	s25 =	sadd.s32 $0x2, s25  }
.Ltmp6:
0x70: {  	p1 =	sge.u32 s25, s7;
	(pc) =	sbr.rel @p0 .LBB2_10-.Ltmp6, $4  }
0x71: {  	s25 =	sshll.u32 @!p1 s25, $0x7;
	s26 =	simm.s32 @!p1 $0x80;
	s28 =	simm.s32 @!p1 $0x5000  }
0x72: {  	[tilespmem:s28], [sflag:$0x1] =	stream.indirect.gather @!p1 [hbm4b:s4+s26], $0x80, s25, s26, $0xb8;
	[tilespmem:$0x1D000] =	vst v63  }
0x73: {  	s25 =	sadd.s32 @!p1 $0x2800, s25;
	s28 =	simm.s32 @!p1 $0xD000  }
0x74: {  	[tilespmem:s28], [sflag:$0x1] =	stream.indirect.gather @!p1 [hbm4b:s5+s26], $0x80, s25, s26, $0xb8;
	[tilespmem:$0x1D000] =	vst v63  }
0x75: {  	_ =	swait.ge [sflag:s18], $0x4000  }
0x76: {  	[sflag:s18] =	ssyncset.done $0x0  }
0x77: {  	[sflag:s18] =	ssyncadd.s32 $0xFFFFC000  }
0x78: {  	_ =	swait.ge [sflag:s18], $0x4000  }
0x79: {  	p0 =	seq.s32 s23, $0x0;
	[sflag:s18] =	ssyncset.done $0x0  }
0x7a: {  	s25 =	simm.s32 @!p0 $0x4;
	[sflag:s18] =	ssyncadd.s32 $0xFFFFC000  }
0x7b: {  	_ =	swait.ge @!p0 [sflag:s25], $0x4000  }
0x7c: {  	[sflag:s25] =	ssyncset.done @!p0 $0x0  }
0x7d: {  	[sflag:s25] =	ssyncadd.s32 @!p0 $0xFFFFC000;
	s25 =	simm.s32 $0x0  }
0x7e: {  	v0 =	vld [tilespmem:s25+$0x9070]  }
0x7f: {  	v1 =	vld [tilespmem:s25+$0x11070]  }
0x80: {  	v2 =	vld [tilespmem:s25+$0x9000]  }
0x81: {  	v3 =	vld [tilespmem:s25+$0x11000]  }
0x82: {  	v4 =	vld [tilespmem:s25+$0x9010]  }
0x83: {  	v5 =	vld [tilespmem:s25+$0x11010]  }
0x84: {  	v6 =	vld [tilespmem:s25+$0x9020]  }
0x85: {  	v7 =	vld [tilespmem:s25+$0x9030]  }
0x86: {  	v0 =	vadd.f32 v1, v0;
	v1 =	vld [tilespmem:s25+$0x11020]  }
0x87: {  	v8 =	vld [tilespmem:s25+$0x11030]  }
0x88: {  	v9 =	vld [tilespmem:s25+$0x11040];
	v2 =	vadd.f32 v3, v2  }
0x89: {  	[tilespmem:s25+$0x19070] =	vst v0;
	v0 =	vadd.f32 v5, v4;
	v5 =	vld [tilespmem:s25+$0x9040]  }
0x8a: {  	v3 =	vld [tilespmem:s25+$0x11050];
	[tilespmem:s25+$0x19000] =	vst v2  }
0x8b: {  	v2 =	vld [tilespmem:s25+$0x9050];
	[tilespmem:s25+$0x19010] =	vst v0;
	v0 =	vadd.f32 v1, v6  }
0x8c: {  	v4 =	vld [tilespmem:s25+$0x11060];
	v6 =	vadd.f32 v8, v7  }
0x8d: {  	s26 =	simm.s32 $0x80;
	[tilespmem:s25+$0x19020] =	vst v0;
	v0 =	vld [tilespmem:s25+$0x9060]  }
0x8e: {  	s28 =	simm.s32 $0x400;
	v5 =	vadd.f32 v9, v5;
	v1 =	vld [tilespmem:s26+$0x9070];
	[tilespmem:s25+$0x19030] =	vst v6  }
.LBB2_8:
0x8f: {  	p0 =	sne.s32 s28, $0xFE00;
	v6 =	vld [tilespmem:s26+$0x11070]  }
0x90: {  	v7 =	vld [tilespmem:s26+$0x9000];
	[tilespmem:s25+$0x19040] =	vst v5;
	v2 =	vadd.f32 v3, v2  }
0x91: {  	v3 =	vld [tilespmem:s26+$0x11000]  }
0x92: {  	v5 =	vld [tilespmem:s26+$0x9010];
	[tilespmem:s25+$0x19050] =	vst v2;
	v0 =	vadd.f32 v4, v0  }
0x93: {  	v2 =	vld [tilespmem:s26+$0x11010]  }
0x94: {  	v4 =	vld [tilespmem:s26+$0x9020];
	v1 =	vadd.f32 v6, v1;
	[tilespmem:s25+$0x19060] =	vst v0;
	s25 =	smov.u32 s26  }
0x95: {  	v0 =	vld [tilespmem:s25+$0x11020]  }
0x96: {  	v3 =	vadd.f32 v3, v7;
	v6 =	vld [tilespmem:s25+$0x9030];
	[tilespmem:s25+$0x19070] =	vst v1  }
0x97: {  	v1 =	vld [tilespmem:s25+$0x11030]  }
0x98: {  	[tilespmem:s25+$0x19000] =	vst v3;
	v2 =	vadd.f32 v2, v5;
	v5 =	vld [tilespmem:s25+$0x9040]  }
0x99: {  	v7 =	vld [tilespmem:s25+$0x11040]  }
.Ltmp7:
0x9a: {  	[tilespmem:s25+$0x19010] =	vst v2;
	v0 =	vadd.f32 v0, v4;
	v2 =	vld [tilespmem:s25+$0x9050];
	(pc) =	sbr.rel @p0 .LBB2_8-.Ltmp7, $4  }
0x9b: {  	v3 =	vld [tilespmem:s25+$0x11050]  }
0x9c: {  	[tilespmem:s25+$0x19020] =	vst v0;
	v6 =	vadd.f32 v1, v6;
	v0 =	vld [tilespmem:s25+$0x9060]  }
0x9d: {  	s26 =	sshra.s32 s28, $0x2;
	v4 =	vld [tilespmem:s25+$0x11060]  }
0x9e: {  	s28 =	sadd.s32 $0x200, s28;
	v1 =	vld [tilespmem:s26+$0x9070];
	[tilespmem:s25+$0x19030] =	vst v6;
	v5 =	vadd.f32 v7, v5  }
0x9f: {  	v6 =	vld [tilespmem:s26+$0x11070]  }
0xa0: {  	v7 =	vld [tilespmem:s26+$0x9000];
	[tilespmem:s25+$0x19040] =	vst v5;
	v2 =	vadd.f32 v3, v2  }
0xa1: {  	v51 =	vld [tilespmem:s26+$0x11000]  }
0xa2: {  	v5 =	vld [tilespmem:s26+$0x9010];
	[tilespmem:s25+$0x19050] =	vst v2;
	v0 =	vadd.f32 v4, v0  }
0xa3: {  	v2 =	vld [tilespmem:s26+$0x11010]  }
0xa4: {  	v52 =	vld [tilespmem:s26+$0x9020];
	[tilespmem:s25+$0x19060] =	vst v0  }
0xa5: {  	v54 =	vld [tilespmem:s26+$0x11020]  }
0xa6: {  	v55 =	vld [tilespmem:s26+$0x9030]  }
0xa7: {  	v56 =	vld [tilespmem:s26+$0x11030]  }
0xa8: {  	v57 =	vld [tilespmem:s26+$0x9040]  }
0xa9: {  	v58 =	vld [tilespmem:s26+$0x11040]  }
0xaa: {  	v59 =	vld [tilespmem:s26+$0x9050]  }
0xab: {  	v53 =	vadd.f32 v6, v1;
	v60 =	vld [tilespmem:s26+$0x11050]  }
0xac: {  	v61 =	vld [tilespmem:s26+$0x9060];
	v3 =	vadd.f32 v51, v7  }
0xad: {  	v62 =	vld [tilespmem:s26+$0x11060];
	[tilespmem:s26+$0x19070] =	vst v53;
	v2 =	vadd.f32 v2, v5  }
0xae: {  	[tilespmem:s26+$0x19000] =	vst v3;
	v1 =	vadd.f32 v54, v52  }
0xaf: {  	[tilespmem:s26+$0x19010] =	vst v2;
	v0 =	vadd.f32 v56, v55  }
0xb0: {  	v3 =	vadd.f32 v58, v57;
	[tilespmem:s26+$0x19020] =	vst v1  }
.Ltmp8:
0xb1: {  	s24 =	sadd.s32 s3, s24;
	v63 =	vadd.f32 v60, v59;
	[tilespmem:s26+$0x19030] =	vst v0;
	(pc) =	sbr.rel .LBB2_10-.Ltmp8, $4  }
0xb2: {  	s24 =	sshll.u32 s24, $0xB;
	[tilespmem:s26+$0x19040] =	vst v3;
	v1 =	vadd.f32 v62, v61  }
0xb3: {  	s24 =	sand.u32 $0x1FFFF800, s24;
	[tilespmem:s26+$0x19050] =	vst v63  }
0xb4: {  	s24 =	sadd.s32 s6, s24;
	[tilespmem:s26+$0x19060] =	vst v1  }
0xb5: {  	[hbm4b:s24+s2] =	stream.linear.scatter [tilespmem:s19], [sflag:$0x4], $0x4000, $0x38;
	[tilespmem:$0x1D000] =	vst v63  }
.LBB2_12:
0xb6: {  	_ =	sfence.sel $0x180000  }
0xb7: {  	[bflag:$0x0] =	sbarrier.arrive $0xFFFF  }
0xb8: {  	p0 =	sne.s32 s0, $0x0;
	_ =	strace $0x9000004A  }
0xb9: {  	s0 =	sadd.s32 @!p0 $0x100000, s1;
	[bflag:$0x2] =	sbarrier.arrive $0xFFFF  }
0xba: {  	[sflag:s0] =	ssyncadd.tile.s32 @!p0 $0x1;
	_ =	shalt  }
.Lfunc_end2:
_tile_overlayer_lowered:
.L_overlay_start_2:
0xbb: {  	(tag) =	ssettag $0x2  }
0xbc: {  	s0 =	rddreg [dreg:$0x0];
	s2 =	stileid.u32  }
0xbd: {  	s1 =	rddreg [dreg:$0x1];
	p0 =	sne.s32 s2, $0x0  }
0xbe: {  	s3 =	rddreg [dreg:$0x2];
	[bflag:$0x3] =	sbarrier.arrive $0xFFFF;
	s2 =	simm.s32 @!p0 $0x1C05  }
0xbf: {  	[timem:s3], [sflag:s2] =	dma.local @!p0 [hbm:s0], s1  }
0xc0: {  	s0 =	simm.s32 @!p0 $0x5  }
0xc1: {  	_ =	swait.ge @!p0 [sflag:s0], s1  }
0xc2: {  	s1 =	ssub.s32 @!p0 $0x0, s1;
	[sflag:s0] =	ssyncset.done @!p0 $0x0  }
0xc3: {  	[sflag:s0] =	ssyncadd.s32 @!p0 s1  }
0xc4: {  	[bflag:$0x3] =	sbarrier.arrive $0xFFFF  }
0xc5: {  	_ =	shalt  }

// kernel: kernel.19.cloned.1.call-start
scs
__scs_entry_jumppad:
0x0: {  	(pc) =	sbr.rel $0x88, $3  }
0x1: {  	(tag) =	ssettag $0x0;
	lr =	simm.s32 $0x1  }
0x2: {  	[smem:$0x3F88] =	sst lr;
	_ =	strace $0xD0000000  }
0x3: {  	_ = 	snop  }
0x4: {  	_ = 	snop  }
0x5: {  	_ = 	snop  }
0x6: {  	_ = 	snop  }
0x7: {  	_ = 	snop  }
__scs_overlays_trampoline_lowered:
0x8: {  	[smem:$0x3F97] =	sst s0  }
0x9: {  	[smem:$0x3F98] =	sst s1  }
0xa: {  	[smem:$0x3F99] =	sst s2  }
0xb: {  	[smem:$0x3F9A] =	sst s3  }
0xc: {  	[smem:$0x3F9B] =	sst s4  }
0xd: {  	[smem:$0x3F9C] =	sst s5  }
0xe: {  	[smem:$0x3F9D] =	sst s6  }
0xf: {  	[smem:$0x3F9E] =	sst s7  }
0x10: {  	[smem:$0x3F9F] =	sst s8  }
0x11: {  	[smem:$0x3FA0] =	sst s9;
	s0 =	simm.s32 @!p0 $0x0  }
0x12: {  	s1 =	sld [smem:$0x3F86];
	s0 =	simm.s32 @p0 $0x1  }
0x13: {  	[smem:$0x3FA1] =	sst s0;
	s0 =	simm.s32 @!p1 $0x0  }
0x14: {  	s2 =	sld [smem:$0x3F85];
	s0 =	simm.s32 @p1 $0x1  }
0x15: {  	[smem:$0x3FA2] =	sst s0;
	s0 =	simm.s32 @!p2 $0x0  }
0x16: {  	s3 =	sld [smem:$0x3FDB];
	s0 =	simm.s32 @p2 $0x1  }
0x17: {  	s4 =	simm.s32 $0x1BF5;
	[smem:$0x3FA4] =	sst s0  }
0x18: {  	s0 =	sld [smem:$0x3F87];
	_ =	swait.ge [sflag:s4], $0x0  }
0x19: {  	s7 =	sld [smem:$0x3F88]  }
0x1a: {  	s8 =	sadd.s32 $0xFFFFE003, lr  }
0x1b: {  	s9 =	sadd.s32 $0xFFFFFEF7, lr;
	s5 =	simm.s32 $0xFFFFFFFF;
	p2 =	slt.u32 s8, $0xFFFFF086  }
0x1c: {  	p1 =	slt.u32 s9, $0xF7A;
	s5 =	simm.s32 @!p2 $0x0  }
0x1d: {  	s5 =	simm.s32 @p1 $0x1;
	p0 =	seq.s32 s7, s2  }
0x1e: {  	s7 =	smul.u32 @!p0 $0xF7A, s2;
	p2 =	seq.s32 @!p0 s5, $0x0  }
0x1f: {  	s9 =	smul.u32 $0xF7A, s1;
	s8 =	simm.s32 @!p0 $0x1BF5;
	p2 =	por !p2, p0  }
0x20: {  	[sflag:s8] =	ssyncset.s32 @!p0 $0xFFFFF086;
	s6 =	sadd.s32 @!p0 s3, s7;
	s7 =	simm.s32 @!p0 $0x108  }
0x21: {  	s3 =	sadd.s32 s3, s9;
	s6 =	sadd.s32 @!p0 $0x88, s6;
	s7 =	simm.s32 @p2 $0x1082  }
0x22: {  	[simem:s7], [sflag:s8] =	dma.local @!p0 [hbm:s6], $0xF7A  }
0x23: {  	s9 =	sor.u32 $0xD0000000, s2;
	s6 =	simm.s32 $0x108;
	_ =	swait.ge @!p0 [sflag:s8], $0x0  }
0x24: {  	s3 =	sadd.s32 $0x88, s3;
	s6 =	simm.s32 @!p1 $0x1082;
	[sflag:s4] =	ssyncset.s32 $0xFFFFF086  }
0x25: {  	[simem:s6], [sflag:s4] =	dma.local [hbm:s3], $0xF7A  }
0x26: {  	[smem:$0x3F88] =	sst s1;
	(tag) =	ssettag s2;
	_ =	strace s9  }
0x27: {  	s1 =	sld [smem:$0x3F98]  }
0x28: {  	s2 =	sld [smem:$0x3F99]  }
0x29: {  	s4 =	sld [smem:$0x3F9B]  }
0x2a: {  	p0 =	seq.s32 s5, $0x0;
	s5 =	sld [smem:$0x3F9C]  }
0x2b: {  	s6 =	sld [smem:$0x3F9D]  }
0x2c: {  	s7 =	sld [smem:$0x3F9E]  }
0x2d: {  	s3 =	simm.s32 $0x108;
	s8 =	sld [smem:$0x3F9F]  }
0x2e: {  	s3 =	simm.s32 @!p0 $0x1082;
	s9 =	sld [smem:$0x3FA0]  }
0x2f: {  	lr =	sadd.s32 s0, s3;
	s0 =	sld [smem:$0x3F97]  }
0x30: {  	s3 =	sld [smem:$0x3F9A]  }
0x31: {  	[smem:$0x3FA3] =	sst s10  }
0x32: {  	s10 =	sld [smem:$0x3FA1];
	_ =	sdelay $0x3  }
0x33: {  	p0 =	seq.s32 s10, $0x1;
	s10 =	sld [smem:$0x3FA3];
	_ =	sdelay $0x3  }
0x34: {  	[smem:$0x3FA3] =	sst s10  }
0x35: {  	s10 =	sld [smem:$0x3FA2];
	_ =	sdelay $0x3  }
0x36: {  	p1 =	seq.s32 s10, $0x1;
	s10 =	sld [smem:$0x3FA3];
	_ =	sdelay $0x3  }
0x37: {  	[smem:$0x3FA3] =	sst s10  }
0x38: {  	s10 =	sld [smem:$0x3FA4]  }
0x39: {  	_ = 	snop;
	(pc) =	sbr.ind lr, $3  }
0x3a: {  	_ = 	snop  }
0x3b: {  	_ = 	snop  }
0x3c: {  	p2 =	seq.s32 s10, $0x1;
	s10 =	sld [smem:$0x3FA3]  }
0x3d: {  	_ =	shalt  }
0x3e: {  	_ =	shalt  }
0x3f: {  	_ =	shalt  }
0x40: {  	_ =	shalt  }
0x41: {  	_ =	shalt  }
0x42: {  	_ =	shalt  }
0x43: {  	_ =	shalt  }
0x44: {  	_ =	shalt  }
0x45: {  	_ =	shalt  }
0x46: {  	_ =	shalt  }
0x47: {  	_ =	shalt  }
0x48: {  	_ =	shalt  }
0x49: {  	_ =	shalt  }
0x4a: {  	_ =	shalt  }
0x4b: {  	_ =	shalt  }
0x4c: {  	_ =	shalt  }
0x4d: {  	_ =	shalt  }
0x4e: {  	_ =	shalt  }
0x4f: {  	_ =	shalt  }
0x50: {  	_ =	shalt  }
0x51: {  	_ =	shalt  }
0x52: {  	_ =	shalt  }
0x53: {  	_ =	shalt  }
0x54: {  	_ =	shalt  }
0x55: {  	_ =	shalt  }
0x56: {  	_ =	shalt  }
0x57: {  	_ =	shalt  }
0x58: {  	_ =	shalt  }
0x59: {  	_ =	shalt  }
0x5a: {  	_ =	shalt  }
0x5b: {  	_ =	shalt  }
0x5c: {  	_ =	shalt  }
0x5d: {  	_ =	shalt  }
0x5e: {  	_ =	shalt  }
0x5f: {  	_ =	shalt  }
0x60: {  	_ =	shalt  }
0x61: {  	_ =	shalt  }
0x62: {  	_ =	shalt  }
0x63: {  	_ =	shalt  }
0x64: {  	_ =	shalt  }
0x65: {  	_ =	shalt  }
0x66: {  	_ =	shalt  }
0x67: {  	_ =	shalt  }
0x68: {  	_ =	shalt  }
0x69: {  	_ =	shalt  }
0x6a: {  	_ =	shalt  }
0x6b: {  	_ =	shalt  }
0x6c: {  	_ =	shalt  }
0x6d: {  	_ =	shalt  }
0x6e: {  	_ =	shalt  }
0x6f: {  	_ =	shalt  }
0x70: {  	_ =	shalt  }
0x71: {  	_ =	shalt  }
0x72: {  	_ =	shalt  }
0x73: {  	_ =	shalt  }
0x74: {  	_ =	shalt  }
0x75: {  	_ =	shalt  }
0x76: {  	_ =	shalt  }
0x77: {  	_ =	shalt  }
0x78: {  	_ =	shalt  }
0x79: {  	_ =	shalt  }
0x7a: {  	_ =	shalt  }
0x7b: {  	_ =	shalt  }
0x7c: {  	_ =	shalt  }
0x7d: {  	_ =	shalt  }
0x7e: {  	_ =	shalt  }
0x7f: {  	_ =	shalt  }
0x80: {  	_ =	shalt  }
0x81: {  	_ =	shalt  }
0x82: {  	_ =	shalt  }
0x83: {  	_ =	shalt  }
0x84: {  	_ =	shalt  }
0x85: {  	_ =	shalt  }
0x86: {  	_ =	shalt  }
0x87: {  	_ =	shalt  }
.Lfunc_end0:
.L_simem_size_0:
called_computation.2_lowered:
.L_overlay_start_0:
0x88: {  	s2 =	sld [smem:$0x3FD9]  }
0x89: {  	s3 =	sld [smem:$0x3FFE];
	_ =	sdelay $0x1  }
0x8a: {  	s1 =	srdreg.scid  }
0x8b: {  	s0 =	sand.u32 $0x1, s1  }
0x8c: {  	s16 =	sshll.u32 s0, $0xA;
	s2 =	sadd.s32 s3, s2  }
0x8d: {  	s2 =	sadd.s32 s2, s16  }
0x8e: {  	[smem:$0x3FAF] =	sst s2  }
0x8f: {  	_ = 	snop  }
0x90: {  	(tm) =	ssettm $0x1  }
0x91: {  	s17 =	sld [smem:$0x3FFB];
	_ =	sdelay $0x3  }
0x92: {  	_ =	strace s17  }
0x93: {  	s2 =	sld [smem:$0x3FFC];
	_ =	sdelay $0x3  }
0x94: {  	_ =	strace s2  }
0x95: {  	s2 =	sld [smem:$0x3FFD];
	_ =	sdelay $0x3  }
0x96: {  	_ =	strace s2  }
0x97: {  	_ =	strace $0x8FFFFFFF  }
0x98: {  	s18 =	sld [smem:$0x3FDB];
	_ =	sdelay $0x1  }
0x99: {  	s19 =	simm.s32 $_scs_section_size  }
0x9a: {  	s4 =	simm.s32 $_size__tile_overlayer_lowered;
	s5 =	simm.s32 $_tile_overlayer_lowered  }
0x9b: {  	s22 =	simm.s32 $0x1BFF;
	s21 =	sshll.u32 s5, $0x1;
	s2 =	sadd.s32 s19, s18  }
0x9c: {  	s6 =	simm.s32 $0x0;
	s20 =	sshll.u32 s4, $0x1;
	s4 =	sadd.s32 s21, s2  }
0x9d: {  	[timem:s6], [sflag:s22] =	dma.local [hbm:s4], s20  }
0x9e: {  	_ =	swait.ge [sflag:s22], s20  }
0x9f: {  	s3 =	ssub.s32 $0x0, s20;
	[sflag:s22] =	ssyncset.done $0x0  }
0xa0: {  	[sflag:s22] =	ssyncadd.s32 s3;
	_ =	sdelay $0x1  }
0xa1: {  	s23 =	simm.s32 $0x1B8B  }
0xa2: {  	_ =	swait.ge [sflag:s23], $0x1  }
0xa3: {  	[sflag:s23] =	ssyncset.done $0x0  }
0xa4: {  	s25 =	simm.s32 $0x1B8E;
	s24 =	sld [smem:$0x3FFE];
	[sflag:s23] =	ssyncadd.s32 $0xFFFFFFFF  }
0xa5: {  	s26 =	simm.s32 $execute0_lowered;
	[smem:$0x3FD2] =	sst s25  }
0xa6: {  	s4 =	sshll.u32 s26, $0x1;
	_ =	strace $0x8000004C;
	[dreg:$0x1] =	wrdreg $0xFFFFFFFF  }
0xa7: {  	s28 =	simm.s32 $_size_execute0_lowered;
	s2 =	sadd.s32 s2, s4;
	[dreg:$0x0] =	wrdreg $0x0  }
0xa8: {  	s4 =	sshll.u32 s28, $0x1;
	[dreg:$0x2] =	wrdreg s2  }
0xa9: {  	[dreg:$0x3] =	wrdreg s4  }
0xaa: {  	[dreg:$0x4] =	wrdreg $0xC0  }
0xab: {  	_ =	task [dreg:s6], $0x5FFFF  }
0xac: {  	[dreg:$0x1] =	wrdreg $0xFFFFFFFF  }
0xad: {  	[dreg:$0x0] =	wrdreg $0x60  }
0xae: {  	[dreg:$0x2] =	wrdreg s24  }
0xaf: {  	[dreg:$0x3] =	wrdreg $0xA2000  }
0xb0: {  	[dreg:$0x4] =	wrdreg $0x9  }
0xb1: {  	_ =	task.clear_ibuf [dreg:s6], $0x5FFFF;
	_ =	strace $0x9000004C  }
0xb2: {  	s29 =	simm.s32 $0x9;
	_ =	strace $0x8000004E  }
0xb3: {  	_ =	swait.ge [sflag:s29], $0x1  }
0xb4: {  	[sflag:s29] =	ssyncadd.s32 $0xFFFFFFFF  }
0xb5: {  	_ =	strace $0x9000004E  }
0xb6: {  	_ =	sfence  }
0xb7: {  	s30 =	sld [smem:$0x0];
	_ =	sdelay $0x2  }
0xb8: {  	s31 =	sshll.u32 s1, $0xD;
	s1 =	sshrl.u32 s1, $0x2  }
0xb9: {  	s3 =	sand.u32 $0x4000, s31;
	s1 =	sadd.s32 s1, s30  }
0xba: {  	s0 =	sor.u32 s3, s0;
	s1 =	sshll.u32 s1, $0x11  }
0xbb: {  	s0 =	sor.u32 s1, s0  }
0xbc: {  	s0 =	sadd.s32 $0x8F2B, s0  }
0xbd: {  	[sflag:s0] =	ssyncadd.remote.s32 $0x1  }
0xbe: {  	_ =	sfence.sel $0xFFFF  }
0xbf: {  	[dreg:$0x0] =	wrdreg $0xFFFFFFFF;
	(pc) =	sbr.abs _section_cstart, $3  }
0xc0: {  	[dreg:$0x1] =	wrdreg $0xFFFFFFFF  }
0xc1: {  	_ =	task.clear_ibuf [dreg:s6], $0x2FFFF;
	_ =	strace $0x9FFFFFFF  }
0xc2: {  	(tm) =	ssettm $0x7FFFFFFF  }
0xc3: {  	_ =	shalt  }
tec
execute0_lowered:
.L_overlay_start_1:
0x0: {  	(tag) =	ssettag $0x1  }
0x1: {  	s0 =	rddreg [dreg:$0x0]  }
0x2: {  	s1 =	rddreg [dreg:$0x1]  }
0x3: {  	s2 =	simm.s32 $0x0;
	s8 =	stileid.u32;
	s7 =	srdreg.scid  }
0x4: {  	s28 =	simm.s32 $0x4;
	s29 =	simm.s32 $0x2;
	s30 =	simm.s32 $0x180  }
0x5: {  	s31 =	simm.s32 $0x2A00;
	[smem:$0x7FF] =	sst s2;
	s3 =	sadd.s32 $0xE0600, s0  }
0x6: {  	s4 =	sadd.s32 $0xEE0000, s0;
	s10 =	smul.u32 $0x13800, s8;
	s5 =	sadd.s32 $0x1AC00, s0  }
0x7: {  	s6 =	sadd.s32 $0x2A600, s0;
	s11 =	sand.u32 $0x1, s7;
	s26 =	smul.u32 $0x4E000, s8  }
0x8: {  	s12 =	sadd.s32 $0x88400, s0;
	s15 =	sshll.u32 s8, $0x1;
	s18 =	sadd.s32 $0x138000, s1  }
0x9: {  	p0 =	sne.s32 s8, $0x0;
	_ =	strace $0x8000004D;
	s13 =	ssub.s32 $0x2, s11  }
0xa: {  	s7 =	sor.u32 s11, s15;
	s15 =	sshll.u32 s8, $0x6;
	s11 =	smul.u32 $0x138800, s11  }
0xb: {  	[dreg:$0x4] =	wrdreg s18;
	s9 =	sshrl.u32 s10, $0x3;
	s14 =	sshrl.u32 s13, $0x1  }
0xc: {  	s16 =	sshrl.u32 s26, $0x2;
	s17 =	sshll.u32 s7, $0x4;
	s9 =	sadd.s32 s9, s0  }
0xd: {  	s19 =	ssub.s32 s13, s14;
	s20 =	sadd.s32 s16, s1;
	s0 =	sadd.s32 $0x88200, s0  }
0xe: {  	s16 =	smul.u32 $0x500, s7;
	s21 =	sadd.s32 s5, s17;
	[dreg:$0x5] =	wrdreg s0  }
0xf: {  	s22 =	sadd.s32 s6, s17;
	s24 =	sadd.s32 s10, s11;
	[dreg:$0x6] =	wrdreg s21  }
0x10: {  	s25 =	sshrl.u32 s11, $0x3;
	s9 =	sadd.s32 $0x61200, s9;
	[dreg:$0x7] =	wrdreg s22  }
0x11: {  	s0 =	sshrl.u32 s24, $0x3;
	s26 =	sadd.s32 s12, s25;
	s19 =	smax.u32 s19, $0x1  }
0x12: {  	s20 =	sshrl.u32 s20, $0x3;
	s21 =	simm.s32 $0x3;
	s22 =	simm.s32 $0x100  }
.Ltmp0:
0x13: {  	s24 =	simm.s32 $0x200;
	[dreg:$0x3] =	wrdreg s9;
	(pc) =	sbr.rel .LBB2_1-.Ltmp0, $4  }
0x14: {  	s9 =	sor.u32 $0x1C03, s15;
	s23 =	sadd.s32 s4, s16;
	s15 =	sor.u32 $0x40, s7  }
0x15: {  	s16 =	sand.u32 $0x70, s17;
	s0 =	sadd.s32 s12, s0;
	[dreg:$0x8] =	wrdreg s23  }
0x16: {  	[dreg:$0x9] =	wrdreg s0;
	s0 =	sadd.s32 $0x27000, s26;
	s23 =	simm.s32 $0x50  }
0x17: {  	s26 =	simm.s32 $0x1;
	[dreg:$0xa] =	wrdreg s0;
	s0 =	simm.s32 $0x0  }
.LBB2_9:
0x18: {  	[bflag:$0x0] =	sbarrier.arrive $0xFFFF  }
0x19: {  	s8 =	rddreg [dreg:$0x9]  }
0x1a: {  	[hbm:s8], [sflag:s9] =	dma.local [spmem:s20], $0x2700  }
0x1b: {  	_ =	swait.ge [sflag:s21], $0x2700  }
0x1c: {  	s0 =	sadd.s32 $0x1, s0;
	[sflag:s21] =	ssyncset.done $0x0  }
0x1d: {  	p1 =	sne.s32 s0, s19;
	s8 =	rddreg [dreg:$0xa];
	[sflag:s21] =	ssyncadd.s32 $0xFFFFD900  }
0x1e: {  	[hbm:s8], [sflag:s9] =	dma.local @!p0 [spmem:s25], $0x100  }
.Ltmp1:
0x1f: {  	_ = 	snop;
	(pc) =	sbr.rel @!p1 .LBB2_10-.Ltmp1, $4  }
0x20: {  	s8 =	simm.s32 @!p0 $0x3  }
0x21: {  	_ =	swait.ge @!p0 [sflag:s8], $0x100  }
0x22: {  	[sflag:s8] =	ssyncset.done @!p0 $0x0  }
0x23: {  	[sflag:s8] =	ssyncadd.s32 @!p0 $0xFFFFFF00  }
.LBB2_1:
0x24: {  	s8 =	rddreg [dreg:$0x3]  }
0x25: {  	[spmem:s20], [sflag:s9] =	dma.local [hbm:s8], $0x2700  }
0x26: {  	_ =	swait.ge [sflag:s21], $0x2700  }
0x27: {  	[sflag:s21] =	ssyncset.done $0x0;
	s8 =	rddreg [dreg:$0x4]  }
0x28: {  	[sflag:s21] =	ssyncadd.s32 $0xFFFFD900;
	s25 =	sshrl.u32 @!p0 s8, $0x3;
	s8 =	rddreg [dreg:$0x5]  }
0x29: {  	[spmem:s25], [sflag:s9] =	dma.local @!p0 [hbm:s8], $0x100  }
0x2a: {  	s8 =	simm.s32 @!p0 $0x3  }
0x2b: {  	_ =	swait.ge @!p0 [sflag:s8], $0x100  }
0x2c: {  	[sflag:s8] =	ssyncset.done @!p0 $0x0  }
0x2d: {  	[sflag:s8] =	ssyncadd.s32 @!p0 $0xFFFFFF00  }
0x2e: {  	[bflag:$0x0] =	sbarrier.arrive $0xFFFF  }
0x2f: {  	s14 =	rddreg [dreg:$0x6]  }
0x30: {  	[tilespmem:s2], [sflag:$0x3] =	stream.linear.gather [hbm4b:s14+s2], $0x80, $0x38;
	[tilespmem:$0x1DA80] =	vst v63  }
0x31: {  	_ =	swait.ge [sflag:s21], $0x80  }
0x32: {  	[sflag:s21] =	ssyncset.done $0x0  }
0x33: {  	s17 =	rddreg [dreg:$0x7];
	[sflag:s21] =	ssyncadd.s32 $0xFFFFFF80  }
0x34: {  	[tilespmem:s22], [sflag:$0x3] =	stream.linear.gather [hbm4b:s17+s2], $0x80, $0x38;
	[tilespmem:$0x1DA80] =	vst v63  }
0x35: {  	_ =	swait.ge [sflag:s21], $0x80  }
.Ltmp2:
0x36: {  	[sflag:s21] =	ssyncset.done $0x0;
	(pc) =	sbr.rel .LBB2_2-.Ltmp2, $4  }
0x37: {  	[sflag:s21] =	ssyncadd.s32 $0xFFFFFF80  }
0x38: {  	[tilespmem:s24], [sflag:$0x1] =	stream.indirect.gather [hbm4b:s3+s23], $0x80, s2, s23, $0xb8;
	[tilespmem:$0x1DA80] =	vst v63  }
0x39: {  	s10 =	simm.s32 $0x5200;
	s8 =	simm.s32 $0x0;
	s18 =	rddreg [dreg:$0x8]  }
0x3a: {  	[tilespmem:s10], [sflag:$0x1] =	stream.linear.gather [hbm4b:s18+s2], $0x2800, $0x38;
	[tilespmem:$0x1DA80] =	vst v63  }
.LBB2_8:
0x3b: {  	s8 =	sadd.s32 $0x1, s8  }
0x3c: {  	p1 =	sne.s32 s8, $0x3F  }
.Ltmp3:
0x3d: {  	_ = 	snop;
	(pc) =	sbr.rel @!p1 .LBB2_9-.Ltmp3, $1  }
0x3e: {  	_ =	sdelay $0x3  }
.LBB2_2:
0x3f: {  	s10 =	sshll.u32 s8, $0x6  }
0x40: {  	s11 =	sor.u32 $0x20, s10  }
0x41: {  	p1 =	sgt.u32 s11, $0xF9F  }
0x42: {  	s11 =	sor.u32 @!p1 s7, s11  }
0x43: {  	s12 =	sshll.u32 @!p1 s11, $0x4  }
0x44: {  	s12 =	sand.u32 @!p1 $0xFF80, s12  }
0x45: {  	s12 =	sor.u32 @!p1 s16, s12  }
0x46: {  	s14 =	simm.s32 @!p1 $0x0;
	s17 =	simm.s32 @!p1 $0x80;
	s13 =	sadd.s32 @!p1 s5, s12  }
0x47: {  	[tilespmem:s17], [sflag:$0x4] =	stream.linear.gather @!p1 [hbm4b:s13+s14], $0x80, $0x38;
	[tilespmem:$0x1DA80] =	vst v63  }
0x48: {  	s13 =	simm.s32 @!p1 $0x4  }
0x49: {  	_ =	swait.ge @!p1 [sflag:s13], $0x80  }
0x4a: {  	[sflag:s13] =	ssyncset.done @!p1 $0x0  }
0x4b: {  	s18 =	simm.s32 @!p1 $0x180;
	s12 =	sadd.s32 @!p1 s6, s12;
	[sflag:s13] =	ssyncadd.s32 @!p1 $0xFFFFFF80  }
0x4c: {  	[tilespmem:s18], [sflag:$0x4] =	stream.linear.gather @!p1 [hbm4b:s12+s14], $0x80, $0x38;
	[tilespmem:$0x1DA80] =	vst v63  }
0x4d: {  	_ =	swait.ge @!p1 [sflag:s13], $0x80  }
0x4e: {  	s11 =	smul.u32 @!p1 $0x500, s11;
	[sflag:s13] =	ssyncset.done @!p1 $0x0  }
0x4f: {  	s12 =	simm.s32 @!p1 $0x50;
	[sflag:s13] =	ssyncadd.s32 @!p1 $0xFFFFFF80;
	s13 =	simm.s32 @!p1 $0x2A00  }
0x50: {  	[tilespmem:s13], [sflag:$0x2] =	stream.indirect.gather @!p1 [hbm4b:s3+s12], $0x80, s17, s12, $0xb8;
	[tilespmem:$0x1DA80] =	vst v63  }
0x51: {  	s11 =	sadd.s32 @!p1 s4, s11;
	s12 =	simm.s32 @!p1 $0x7A00  }
0x52: {  	[tilespmem:s12], [sflag:$0x2] =	stream.linear.gather @!p1 [hbm4b:s11+s14], $0x2800, $0x38;
	[tilespmem:$0x1DA80] =	vst v63  }
0x53: {  	_ =	swait.ge [sflag:s26], $0x2800  }
0x54: {  	[sflag:s26] =	ssyncset.done $0x0  }
0x55: {  	[sflag:s26] =	ssyncadd.s32 $0xFFFFD800  }
0x56: {  	_ =	swait.ge [sflag:s26], $0x2800  }
0x57: {  	[sflag:s26] =	ssyncset.done $0x0  }
0x58: {  	s11 =	simm.s32 $0x0;
	[sflag:s26] =	ssyncadd.s32 $0xFFFFD800  }
0x59: {  	v6 =	vld [tilespmem:s11+$0x5200]  }
0x5a: {  	v11 =	vld [tilespmem:s11+$0x5210]  }
0x5b: {  	v5 =	vld [tilespmem:s11+$0x5220]  }
0x5c: {  	v4 =	vld [tilespmem:s11+$0x5230]  }
0x5d: {  	v3 =	vld [tilespmem:s11+$0x5240]  }
0x5e: {  	v2 =	vld [tilespmem:s11+$0x5250]  }
0x5f: {  	v1 =	vld [tilespmem:s11+$0x5260]  }
0x60: {  	v0 =	vld [tilespmem:s11+$0x5270]  }
0x61: {  	v12 =	vld [tilespmem:s11+$0x200]  }
0x62: {  	v13 =	vld [tilespmem:s11+$0x210]  }
0x63: {  	v10 =	vld [tilespmem:s11+$0x220]  }
0x64: {  	v9 =	vld [tilespmem:s11+$0x230]  }
0x65: {  	v8 =	vld [tilespmem:s11+$0x240]  }
0x66: {  	v7 =	vld [tilespmem:s11+$0x250];
	v12 =	vadd.f32 v6, v12  }
0x67: {  	s12 =	simm.s32 $0x200;
	v11 =	vadd.f32 v11, v13;
	v6 =	vld [tilespmem:s11+$0x260]  }
.LBB2_3:
0x68: {  	s13 =	sshra.s32 s12, $0x2;
	p2 =	sne.s32 s12, $0x9E00;
	v12 =	vmax.f32 v12, $0.0e+00;
	v5 =	vadd.f32 v5, v10;
	v10 =	vld [tilespmem:s11+$0x270]  }
0x69: {  	v13 =	vld [tilespmem:s13+$0x5200];
	[tilespmem:s11+$0x200] =	vst v12;
	v11 =	vmax.f32 v11, $0.0e+00;
	v4 =	vadd.f32 v4, v9  }
0x6a: {  	v14 =	vld [tilespmem:s13+$0x5210];
	[tilespmem:s11+$0x210] =	vst v11;
	v9 =	vmax.f32 v5, $0.0e+00;
	v3 =	vadd.f32 v3, v8  }
0x6b: {  	v5 =	vld [tilespmem:s13+$0x5220];
	[tilespmem:s11+$0x220] =	vst v9;
	v8 =	vmax.f32 v4, $0.0e+00;
	v2 =	vadd.f32 v2, v7  }
0x6c: {  	v4 =	vld [tilespmem:s13+$0x5230];
	[tilespmem:s11+$0x230] =	vst v8;
	v7 =	vmax.f32 v3, $0.0e+00;
	v1 =	vadd.f32 v1, v6  }
0x6d: {  	v3 =	vld [tilespmem:s13+$0x5240];
	[tilespmem:s11+$0x240] =	vst v7;
	v6 =	vmax.f32 v2, $0.0e+00;
	v0 =	vadd.f32 v0, v10  }
0x6e: {  	v2 =	vld [tilespmem:s13+$0x5250];
	[tilespmem:s11+$0x250] =	vst v6;
	v6 =	vmax.f32 v1, $0.0e+00  }
0x6f: {  	v1 =	vld [tilespmem:s13+$0x5260];
	[tilespmem:s11+$0x260] =	vst v6;
	v6 =	vmax.f32 v0, $0.0e+00  }
0x70: {  	v0 =	vld [tilespmem:s13+$0x5270];
	[tilespmem:s11+$0x270] =	vst v6;
	s11 =	smov.u32 s13  }
0x71: {  	v6 =	vld [tilespmem:s11+$0x200]  }
0x72: {  	v11 =	vld [tilespmem:s11+$0x210]  }
.Ltmp4:
0x73: {  	v10 =	vld [tilespmem:s11+$0x220];
	(pc) =	sbr.rel @p2 .LBB2_3-.Ltmp4, $4  }
0x74: {  	v9 =	vld [tilespmem:s11+$0x230]  }
0x75: {  	v8 =	vld [tilespmem:s11+$0x240]  }
0x76: {  	v12 =	vadd.f32 v13, v6;
	v7 =	vld [tilespmem:s11+$0x250]  }
0x77: {  	s12 =	sadd.s32 $0x200, s12;
	v11 =	vadd.f32 v14, v11;
	v6 =	vld [tilespmem:s11+$0x260]  }
0x78: {  	v12 =	vmax.f32 v12, $0.0e+00;
	v5 =	vadd.f32 v5, v10;
	v63 =	vld [tilespmem:s11+$0x270]  }
0x79: {  	[tilespmem:s11+$0x200] =	vst v12;
	v11 =	vmax.f32 v11, $0.0e+00;
	v4 =	vadd.f32 v4, v9  }
0x7a: {  	[tilespmem:s11+$0x210] =	vst v11;
	v5 =	vmax.f32 v5, $0.0e+00;
	v3 =	vadd.f32 v3, v8  }
0x7b: {  	[tilespmem:s11+$0x220] =	vst v5;
	v4 =	vmax.f32 v4, $0.0e+00;
	v2 =	vadd.f32 v2, v7  }
0x7c: {  	[tilespmem:s11+$0x230] =	vst v4;
	v3 =	vmax.f32 v3, $0.0e+00;
	v1 =	vadd.f32 v1, v6  }
0x7d: {  	[tilespmem:s11+$0x240] =	vst v3;
	v2 =	vmax.f32 v2, $0.0e+00;
	v0 =	vadd.f32 v0, v63  }
0x7e: {  	p2 =	seq.s32 s8, $0x3E;
	[tilespmem:s11+$0x250] =	vst v2;
	v1 =	vmax.f32 v1, $0.0e+00  }
0x7f: {  	s10 =	sadd.s32 @!p2 s15, s10;
	[tilespmem:s11+$0x260] =	vst v1;
	v0 =	vmax.f32 v0, $0.0e+00  }
0x80: {  	[tilespmem:s11+$0x270] =	vst v0;
	s11 =	sshll.u32 @!p2 s10, $0x4  }
0x81: {  	[spmem:s1] =	stream.indirect.scatter.add.f32 [tilespmem:s24], [sflag:$0x4], $0x80, s22, s23, $0xb8;
	[tilespmem:$0x1DA80] =	vst v63  }
0x82: {  	s11 =	sand.u32 @!p2 $0x1FD80, s11;
	_ =	swait.ge [sflag:s28], $0x2800  }
0x83: {  	s11 =	sor.u32 @!p2 s16, s11;
	[sflag:s28] =	ssyncset.done $0x0  }
0x84: {  	s13 =	simm.s32 @!p2 $0x0;
	s12 =	sadd.s32 @!p2 s5, s11;
	[sflag:s28] =	ssyncadd.s32 $0xFFFFD800  }
0x85: {  	[tilespmem:s13], [sflag:$0x4] =	stream.linear.gather @!p2 [hbm4b:s12+s13], $0x80, $0x38;
	[tilespmem:$0x1DA80] =	vst v63  }
0x86: {  	s12 =	simm.s32 @!p2 $0x4  }
0x87: {  	_ =	swait.ge @!p2 [sflag:s12], $0x80  }
0x88: {  	[sflag:s12] =	ssyncset.done @!p2 $0x0  }
0x89: {  	s14 =	simm.s32 @!p2 $0x100;
	s11 =	sadd.s32 @!p2 s6, s11;
	[sflag:s12] =	ssyncadd.s32 @!p2 $0xFFFFFF80  }
0x8a: {  	[tilespmem:s14], [sflag:$0x4] =	stream.linear.gather @!p2 [hbm4b:s11+s13], $0x80, $0x38;
	[tilespmem:$0x1DA80] =	vst v63  }
0x8b: {  	s10 =	smul.u32 @!p2 $0x500, s10;
	_ =	swait.ge @!p2 [sflag:s12], $0x80  }
.Ltmp5:
0x8c: {  	[sflag:s12] =	ssyncset.done @!p2 $0x0;
	(pc) =	sbr.rel @p1 .LBB2_8-.Ltmp5, $4  }
0x8d: {  	s11 =	simm.s32 @!p2 $0x50;
	[sflag:s12] =	ssyncadd.s32 @!p2 $0xFFFFFF80;
	s12 =	simm.s32 @!p2 $0x200  }
0x8e: {  	[tilespmem:s12], [sflag:$0x1] =	stream.indirect.gather @!p2 [hbm4b:s3+s11], $0x80, s13, s11, $0xb8;
	[tilespmem:$0x1DA80] =	vst v63  }
0x8f: {  	s10 =	sadd.s32 @!p2 s4, s10;
	s11 =	simm.s32 @!p2 $0x5200  }
0x90: {  	[tilespmem:s11], [sflag:$0x1] =	stream.linear.gather @!p2 [hbm4b:s10+s13], $0x2800, $0x38;
	[tilespmem:$0x1DA80] =	vst v63  }
0x91: {  	_ =	swait.ge [sflag:s29], $0x2800  }
0x92: {  	[sflag:s29] =	ssyncset.done $0x0  }
0x93: {  	[sflag:s29] =	ssyncadd.s32 $0xFFFFD800  }
0x94: {  	_ =	swait.ge [sflag:s29], $0x2800  }
0x95: {  	[sflag:s29] =	ssyncset.done $0x0  }
0x96: {  	s10 =	simm.s32 $0x0;
	[sflag:s29] =	ssyncadd.s32 $0xFFFFD800  }
0x97: {  	v6 =	vld [tilespmem:s10+$0x7A00]  }
0x98: {  	v11 =	vld [tilespmem:s10+$0x7A10]  }
0x99: {  	v5 =	vld [tilespmem:s10+$0x7A20]  }
0x9a: {  	v4 =	vld [tilespmem:s10+$0x7A30]  }
0x9b: {  	v3 =	vld [tilespmem:s10+$0x7A40]  }
0x9c: {  	v2 =	vld [tilespmem:s10+$0x7A50]  }
0x9d: {  	v1 =	vld [tilespmem:s10+$0x7A60]  }
0x9e: {  	v0 =	vld [tilespmem:s10+$0x7A70]  }
0x9f: {  	v12 =	vld [tilespmem:s10+$0x2A00]  }
0xa0: {  	v13 =	vld [tilespmem:s10+$0x2A10]  }
0xa1: {  	v10 =	vld [tilespmem:s10+$0x2A20]  }
0xa2: {  	v9 =	vld [tilespmem:s10+$0x2A30]  }
0xa3: {  	v8 =	vld [tilespmem:s10+$0x2A40]  }
0xa4: {  	v7 =	vld [tilespmem:s10+$0x2A50];
	v12 =	vadd.f32 v6, v12  }
0xa5: {  	s11 =	simm.s32 $0x200;
	v11 =	vadd.f32 v11, v13;
	v6 =	vld [tilespmem:s10+$0x2A60]  }
.LBB2_6:
0xa6: {  	s12 =	sshra.s32 s11, $0x2;
	p1 =	sne.s32 s11, $0x9E00;
	v12 =	vmax.f32 v12, $0.0e+00;
	v5 =	vadd.f32 v5, v10;
	v10 =	vld [tilespmem:s10+$0x2A70]  }
0xa7: {  	v13 =	vld [tilespmem:s12+$0x7A00];
	[tilespmem:s10+$0x2A00] =	vst v12;
	v11 =	vmax.f32 v11, $0.0e+00;
	v4 =	vadd.f32 v4, v9  }
0xa8: {  	v14 =	vld [tilespmem:s12+$0x7A10];
	[tilespmem:s10+$0x2A10] =	vst v11;
	v9 =	vmax.f32 v5, $0.0e+00;
	v3 =	vadd.f32 v3, v8  }
0xa9: {  	v5 =	vld [tilespmem:s12+$0x7A20];
	[tilespmem:s10+$0x2A20] =	vst v9;
	v8 =	vmax.f32 v4, $0.0e+00;
	v2 =	vadd.f32 v2, v7  }
0xaa: {  	v4 =	vld [tilespmem:s12+$0x7A30];
	[tilespmem:s10+$0x2A30] =	vst v8;
	v7 =	vmax.f32 v3, $0.0e+00;
	v1 =	vadd.f32 v1, v6  }
0xab: {  	v3 =	vld [tilespmem:s12+$0x7A40];
	[tilespmem:s10+$0x2A40] =	vst v7;
	v6 =	vmax.f32 v2, $0.0e+00;
	v0 =	vadd.f32 v0, v10  }
0xac: {  	v2 =	vld [tilespmem:s12+$0x7A50];
	[tilespmem:s10+$0x2A50] =	vst v6;
	v6 =	vmax.f32 v1, $0.0e+00  }
0xad: {  	v1 =	vld [tilespmem:s12+$0x7A60];
	[tilespmem:s10+$0x2A60] =	vst v6;
	v6 =	vmax.f32 v0, $0.0e+00  }
0xae: {  	v0 =	vld [tilespmem:s12+$0x7A70];
	[tilespmem:s10+$0x2A70] =	vst v6;
	s10 =	smov.u32 s12  }
0xaf: {  	v6 =	vld [tilespmem:s10+$0x2A00]  }
0xb0: {  	v11 =	vld [tilespmem:s10+$0x2A10]  }
.Ltmp6:
0xb1: {  	v10 =	vld [tilespmem:s10+$0x2A20];
	(pc) =	sbr.rel @p1 .LBB2_6-.Ltmp6, $4  }
0xb2: {  	v9 =	vld [tilespmem:s10+$0x2A30]  }
0xb3: {  	v8 =	vld [tilespmem:s10+$0x2A40]  }
0xb4: {  	v12 =	vadd.f32 v13, v6;
	v7 =	vld [tilespmem:s10+$0x2A50]  }
0xb5: {  	s11 =	sadd.s32 $0x200, s11;
	v11 =	vadd.f32 v14, v11;
	v6 =	vld [tilespmem:s10+$0x2A60]  }
0xb6: {  	v12 =	vmax.f32 v12, $0.0e+00;
	v5 =	vadd.f32 v5, v10;
	v63 =	vld [tilespmem:s10+$0x2A70]  }
0xb7: {  	[tilespmem:s10+$0x2A00] =	vst v12;
	v11 =	vmax.f32 v11, $0.0e+00;
	v4 =	vadd.f32 v4, v9  }
0xb8: {  	[tilespmem:s10+$0x2A10] =	vst v11;
	v5 =	vmax.f32 v5, $0.0e+00;
	v3 =	vadd.f32 v3, v8  }
0xb9: {  	[tilespmem:s10+$0x2A20] =	vst v5;
	v4 =	vmax.f32 v4, $0.0e+00;
	v2 =	vadd.f32 v2, v7  }
0xba: {  	[tilespmem:s10+$0x2A30] =	vst v4;
	v3 =	vmax.f32 v3, $0.0e+00;
	v1 =	vadd.f32 v1, v6  }
0xbb: {  	[tilespmem:s10+$0x2A40] =	vst v3;
	v2 =	vmax.f32 v2, $0.0e+00;
	v0 =	vadd.f32 v0, v63  }
0xbc: {  	[tilespmem:s10+$0x2A50] =	vst v2;
	v1 =	vmax.f32 v1, $0.0e+00  }
0xbd: {  	[tilespmem:s10+$0x2A60] =	vst v1;
	v0 =	vmax.f32 v0, $0.0e+00  }
.Ltmp7:
0xbe: {  	[tilespmem:s10+$0x2A70] =	vst v0;
	(pc) =	sbr.rel .LBB2_8-.Ltmp7, $4  }
0xbf: {  	[spmem:s1] =	stream.indirect.scatter.add.f32 [tilespmem:s31], [sflag:$0x3], $0x80, s30, s23, $0xb8;
	[tilespmem:$0x1DA80] =	vst v63  }
0xc0: {  	_ =	swait.ge [sflag:s21], $0x2800  }
0xc1: {  	[sflag:s21] =	ssyncset.done $0x0  }
0xc2: {  	[sflag:s21] =	ssyncadd.s32 $0xFFFFD800  }
.LBB2_10:
0xc3: {  	_ =	sfence.sel $0x180000  }
0xc4: {  	[bflag:$0x0] =	sbarrier.arrive $0xFFFF  }
0xc5: {  	_ =	strace $0x9000004D  }
0xc6: {  	[bflag:$0x2] =	sbarrier.arrive $0xFFFF  }
0xc7: {  	s0 =	rddreg [dreg:$0x2]  }
0xc8: {  	s0 =	sadd.s32 @!p0 $0x100000, s0  }
0xc9: {  	[sflag:s0] =	ssyncadd.tile.s32 @!p0 $0x1;
	_ =	shalt  }
.Lfunc_end2:
_tile_overlayer_lowered:
.L_overlay_start_2:
0xca: {  	(tag) =	ssettag $0x2  }
0xcb: {  	s0 =	rddreg [dreg:$0x0];
	s2 =	stileid.u32  }
0xcc: {  	s1 =	rddreg [dreg:$0x1];
	p0 =	sne.s32 s2, $0x0  }
0xcd: {  	s3 =	rddreg [dreg:$0x2];
	[bflag:$0x3] =	sbarrier.arrive $0xFFFF;
	s2 =	simm.s32 @!p0 $0x1C03  }
0xce: {  	[timem:s3], [sflag:s2] =	dma.local @!p0 [hbm:s0], s1  }
0xcf: {  	s0 =	simm.s32 @!p0 $0x3  }
0xd0: {  	_ =	swait.ge @!p0 [sflag:s0], s1  }
0xd1: {  	s1 =	ssub.s32 @!p0 $0x0, s1;
	[sflag:s0] =	ssyncset.done @!p0 $0x0  }
0xd2: {  	[sflag:s0] =	ssyncadd.s32 @!p0 s1  }
0xd3: {  	[bflag:$0x3] =	sbarrier.arrive $0xFFFF  }
0xd4: {  	_ =	shalt  }

// kernel: kernel.22.cloned.1.call-start
scs
__scs_entry_jumppad:
0x0: {  	(pc) =	sbr.rel $0x88, $3  }
0x1: {  	(tag) =	ssettag $0x0;
	lr =	simm.s32 $0x1  }
0x2: {  	[smem:$0x3F88] =	sst lr;
	_ =	strace $0xD0000000  }
0x3: {  	_ = 	snop  }
0x4: {  	_ = 	snop  }
0x5: {  	_ = 	snop  }
0x6: {  	_ = 	snop  }
0x7: {  	_ = 	snop  }
__scs_overlays_trampoline_lowered:
0x8: {  	[smem:$0x3F97] =	sst s0  }
0x9: {  	[smem:$0x3F98] =	sst s1  }
0xa: {  	[smem:$0x3F99] =	sst s2  }
0xb: {  	[smem:$0x3F9A] =	sst s3  }
0xc: {  	[smem:$0x3F9B] =	sst s4  }
0xd: {  	[smem:$0x3F9C] =	sst s5  }
0xe: {  	[smem:$0x3F9D] =	sst s6  }
0xf: {  	[smem:$0x3F9E] =	sst s7  }
0x10: {  	[smem:$0x3F9F] =	sst s8  }
0x11: {  	[smem:$0x3FA0] =	sst s9;
	s0 =	simm.s32 @!p0 $0x0  }
0x12: {  	s1 =	sld [smem:$0x3F86];
	s0 =	simm.s32 @p0 $0x1  }
0x13: {  	[smem:$0x3FA1] =	sst s0;
	s0 =	simm.s32 @!p1 $0x0  }
0x14: {  	s2 =	sld [smem:$0x3F85];
	s0 =	simm.s32 @p1 $0x1  }
0x15: {  	[smem:$0x3FA2] =	sst s0;
	s0 =	simm.s32 @!p2 $0x0  }
0x16: {  	s3 =	sld [smem:$0x3FDB];
	s0 =	simm.s32 @p2 $0x1  }
0x17: {  	s4 =	simm.s32 $0x1BF5;
	[smem:$0x3FA4] =	sst s0  }
0x18: {  	s0 =	sld [smem:$0x3F87];
	_ =	swait.ge [sflag:s4], $0x0  }
0x19: {  	s7 =	sld [smem:$0x3F88]  }
0x1a: {  	s8 =	sadd.s32 $0xFFFFE003, lr  }
0x1b: {  	s9 =	sadd.s32 $0xFFFFFEF7, lr;
	s5 =	simm.s32 $0xFFFFFFFF;
	p2 =	slt.u32 s8, $0xFFFFF086  }
0x1c: {  	p1 =	slt.u32 s9, $0xF7A;
	s5 =	simm.s32 @!p2 $0x0  }
0x1d: {  	s5 =	simm.s32 @p1 $0x1;
	p0 =	seq.s32 s7, s2  }
0x1e: {  	s7 =	smul.u32 @!p0 $0xF7A, s2;
	p2 =	seq.s32 @!p0 s5, $0x0  }
0x1f: {  	s9 =	smul.u32 $0xF7A, s1;
	s8 =	simm.s32 @!p0 $0x1BF5;
	p2 =	por !p2, p0  }
0x20: {  	[sflag:s8] =	ssyncset.s32 @!p0 $0xFFFFF086;
	s6 =	sadd.s32 @!p0 s3, s7;
	s7 =	simm.s32 @!p0 $0x108  }
0x21: {  	s3 =	sadd.s32 s3, s9;
	s6 =	sadd.s32 @!p0 $0x88, s6;
	s7 =	simm.s32 @p2 $0x1082  }
0x22: {  	[simem:s7], [sflag:s8] =	dma.local @!p0 [hbm:s6], $0xF7A  }
0x23: {  	s9 =	sor.u32 $0xD0000000, s2;
	s6 =	simm.s32 $0x108;
	_ =	swait.ge @!p0 [sflag:s8], $0x0  }
0x24: {  	s3 =	sadd.s32 $0x88, s3;
	s6 =	simm.s32 @!p1 $0x1082;
	[sflag:s4] =	ssyncset.s32 $0xFFFFF086  }
0x25: {  	[simem:s6], [sflag:s4] =	dma.local [hbm:s3], $0xF7A  }
0x26: {  	[smem:$0x3F88] =	sst s1;
	(tag) =	ssettag s2;
	_ =	strace s9  }
0x27: {  	s1 =	sld [smem:$0x3F98]  }
0x28: {  	s2 =	sld [smem:$0x3F99]  }
0x29: {  	s4 =	sld [smem:$0x3F9B]  }
0x2a: {  	p0 =	seq.s32 s5, $0x0;
	s5 =	sld [smem:$0x3F9C]  }
0x2b: {  	s6 =	sld [smem:$0x3F9D]  }
0x2c: {  	s7 =	sld [smem:$0x3F9E]  }
0x2d: {  	s3 =	simm.s32 $0x108;
	s8 =	sld [smem:$0x3F9F]  }
0x2e: {  	s3 =	simm.s32 @!p0 $0x1082;
	s9 =	sld [smem:$0x3FA0]  }
0x2f: {  	lr =	sadd.s32 s0, s3;
	s0 =	sld [smem:$0x3F97]  }
0x30: {  	s3 =	sld [smem:$0x3F9A]  }
0x31: {  	[smem:$0x3FA3] =	sst s10  }
0x32: {  	s10 =	sld [smem:$0x3FA1];
	_ =	sdelay $0x3  }
0x33: {  	p0 =	seq.s32 s10, $0x1;
	s10 =	sld [smem:$0x3FA3];
	_ =	sdelay $0x3  }
0x34: {  	[smem:$0x3FA3] =	sst s10  }
0x35: {  	s10 =	sld [smem:$0x3FA2];
	_ =	sdelay $0x3  }
0x36: {  	p1 =	seq.s32 s10, $0x1;
	s10 =	sld [smem:$0x3FA3];
	_ =	sdelay $0x3  }
0x37: {  	[smem:$0x3FA3] =	sst s10  }
0x38: {  	s10 =	sld [smem:$0x3FA4]  }
0x39: {  	_ = 	snop;
	(pc) =	sbr.ind lr, $3  }
0x3a: {  	_ = 	snop  }
0x3b: {  	_ = 	snop  }
0x3c: {  	p2 =	seq.s32 s10, $0x1;
	s10 =	sld [smem:$0x3FA3]  }
0x3d: {  	_ =	shalt  }
0x3e: {  	_ =	shalt  }
0x3f: {  	_ =	shalt  }
0x40: {  	_ =	shalt  }
0x41: {  	_ =	shalt  }
0x42: {  	_ =	shalt  }
0x43: {  	_ =	shalt  }
0x44: {  	_ =	shalt  }
0x45: {  	_ =	shalt  }
0x46: {  	_ =	shalt  }
0x47: {  	_ =	shalt  }
0x48: {  	_ =	shalt  }
0x49: {  	_ =	shalt  }
0x4a: {  	_ =	shalt  }
0x4b: {  	_ =	shalt  }
0x4c: {  	_ =	shalt  }
0x4d: {  	_ =	shalt  }
0x4e: {  	_ =	shalt  }
0x4f: {  	_ =	shalt  }
0x50: {  	_ =	shalt  }
0x51: {  	_ =	shalt  }
0x52: {  	_ =	shalt  }
0x53: {  	_ =	shalt  }
0x54: {  	_ =	shalt  }
0x55: {  	_ =	shalt  }
0x56: {  	_ =	shalt  }
0x57: {  	_ =	shalt  }
0x58: {  	_ =	shalt  }
0x59: {  	_ =	shalt  }
0x5a: {  	_ =	shalt  }
0x5b: {  	_ =	shalt  }
0x5c: {  	_ =	shalt  }
0x5d: {  	_ =	shalt  }
0x5e: {  	_ =	shalt  }
0x5f: {  	_ =	shalt  }
0x60: {  	_ =	shalt  }
0x61: {  	_ =	shalt  }
0x62: {  	_ =	shalt  }
0x63: {  	_ =	shalt  }
0x64: {  	_ =	shalt  }
0x65: {  	_ =	shalt  }
0x66: {  	_ =	shalt  }
0x67: {  	_ =	shalt  }
0x68: {  	_ =	shalt  }
0x69: {  	_ =	shalt  }
0x6a: {  	_ =	shalt  }
0x6b: {  	_ =	shalt  }
0x6c: {  	_ =	shalt  }
0x6d: {  	_ =	shalt  }
0x6e: {  	_ =	shalt  }
0x6f: {  	_ =	shalt  }
0x70: {  	_ =	shalt  }
0x71: {  	_ =	shalt  }
0x72: {  	_ =	shalt  }
0x73: {  	_ =	shalt  }
0x74: {  	_ =	shalt  }
0x75: {  	_ =	shalt  }
0x76: {  	_ =	shalt  }
0x77: {  	_ =	shalt  }
0x78: {  	_ =	shalt  }
0x79: {  	_ =	shalt  }
0x7a: {  	_ =	shalt  }
0x7b: {  	_ =	shalt  }
0x7c: {  	_ =	shalt  }
0x7d: {  	_ =	shalt  }
0x7e: {  	_ =	shalt  }
0x7f: {  	_ =	shalt  }
0x80: {  	_ =	shalt  }
0x81: {  	_ =	shalt  }
0x82: {  	_ =	shalt  }
0x83: {  	_ =	shalt  }
0x84: {  	_ =	shalt  }
0x85: {  	_ =	shalt  }
0x86: {  	_ =	shalt  }
0x87: {  	_ =	shalt  }
.Lfunc_end0:
.L_simem_size_0:
called_computation.3_lowered:
.L_overlay_start_0:
0x88: {  	s2 =	sld [smem:$0x3FD9]  }
0x89: {  	s3 =	sld [smem:$0x3FFE];
	_ =	sdelay $0x1  }
0x8a: {  	s1 =	srdreg.scid  }
0x8b: {  	s0 =	sand.u32 $0x1, s1  }
0x8c: {  	s17 =	sshll.u32 s0, $0xA;
	s2 =	sadd.s32 s3, s2  }
0x8d: {  	s2 =	sadd.s32 s2, s17  }
0x8e: {  	[smem:$0x3FAF] =	sst s2  }
0x8f: {  	_ = 	snop  }
0x90: {  	s2 =	sld [smem:$0x3FD0];
	(tm) =	ssettm $0x1  }
0x91: {  	s18 =	sld [smem:$0x3FFB];
	_ =	sdelay $0x3  }
0x92: {  	_ =	strace s18  }
0x93: {  	s3 =	sld [smem:$0x3FFC];
	_ =	sdelay $0x3  }
0x94: {  	_ =	strace s3  }
0x95: {  	s3 =	sld [smem:$0x3FFD];
	_ =	sdelay $0x3  }
0x96: {  	_ =	strace s3  }
0x97: {  	_ =	strace $0x8FFFFFFF  }
0x98: {  	s19 =	sld [smem:$0x3FDB];
	_ =	sdelay $0x1  }
0x99: {  	s4 =	simm.s32 $_scs_section_size  }
0x9a: {  	s5 =	simm.s32 $_size__tile_overlayer_lowered;
	s6 =	simm.s32 $_tile_overlayer_lowered  }
0x9b: {  	s22 =	simm.s32 $0x1BFF;
	s21 =	sshll.u32 s6, $0x1;
	s3 =	sadd.s32 s4, s19  }
0x9c: {  	s7 =	simm.s32 $0x0;
	s20 =	sshll.u32 s5, $0x1;
	s5 =	sadd.s32 s21, s3  }
0x9d: {  	[timem:s7], [sflag:s22] =	dma.local [hbm:s5], s20  }
0x9e: {  	_ =	swait.ge [sflag:s22], s20  }
0x9f: {  	s4 =	ssub.s32 $0x0, s20;
	[sflag:s22] =	ssyncset.done $0x0  }
0xa0: {  	[sflag:s22] =	ssyncadd.s32 s4;
	_ =	sdelay $0x1  }
0xa1: {  	s23 =	simm.s32 $0x1B8B  }
0xa2: {  	_ =	swait.ge [sflag:s23], $0x1  }
0xa3: {  	[sflag:s23] =	ssyncset.done $0x0  }
0xa4: {  	s25 =	simm.s32 $0x1B8E;
	s24 =	sld [smem:$0x3FFE];
	[sflag:s23] =	ssyncadd.s32 $0xFFFFFFFF  }
0xa5: {  	s26 =	simm.s32 $execute0_lowered;
	[smem:$0x3FD2] =	sst s25  }
0xa6: {  	s5 =	sshll.u32 s26, $0x1;
	_ =	strace $0x8000004F;
	[dreg:$0x1] =	wrdreg $0xFFFFFFFF  }
0xa7: {  	s28 =	simm.s32 $_size_execute0_lowered;
	s3 =	sadd.s32 s3, s5;
	[dreg:$0x0] =	wrdreg $0x0  }
0xa8: {  	s5 =	sshll.u32 s28, $0x1;
	[dreg:$0x2] =	wrdreg s3  }
0xa9: {  	[dreg:$0x3] =	wrdreg s5  }
0xaa: {  	[dreg:$0x4] =	wrdreg $0xC0  }
0xab: {  	_ =	task [dreg:s7], $0x5FFFF  }
0xac: {  	[dreg:$0x1] =	wrdreg $0xFFFFFFFF  }
0xad: {  	[dreg:$0x0] =	wrdreg $0x60  }
0xae: {  	[dreg:$0x2] =	wrdreg s24  }
0xaf: {  	[dreg:$0x3] =	wrdreg s2  }
0xb0: {  	[dreg:$0x4] =	wrdreg $0x9  }
0xb1: {  	_ =	task.clear_ibuf [dreg:s7], $0x5FFFF;
	_ =	strace $0x9000004F  }
0xb2: {  	s29 =	simm.s32 $0x9;
	_ =	strace $0x80000051  }
0xb3: {  	_ =	swait.ge [sflag:s29], $0x1  }
0xb4: {  	[sflag:s29] =	ssyncadd.s32 $0xFFFFFFFF  }
0xb5: {  	_ =	strace $0x90000051  }
0xb6: {  	_ =	sfence  }
0xb7: {  	s30 =	sld [smem:$0x0];
	_ =	sdelay $0x2  }
0xb8: {  	s31 =	sshll.u32 s1, $0xD;
	s1 =	sshrl.u32 s1, $0x2  }
0xb9: {  	s3 =	sand.u32 $0x4000, s31;
	s1 =	sadd.s32 s1, s30  }
0xba: {  	s0 =	sor.u32 s3, s0;
	s1 =	sshll.u32 s1, $0x11  }
0xbb: {  	s0 =	sor.u32 s1, s0  }
0xbc: {  	s0 =	sadd.s32 $0x8F2B, s0  }
0xbd: {  	[sflag:s0] =	ssyncadd.remote.s32 $0x1  }
0xbe: {  	_ =	sfence.sel $0xFFFF  }
0xbf: {  	[dreg:$0x0] =	wrdreg $0xFFFFFFFF;
	(pc) =	sbr.abs _section_cstart, $3  }
0xc0: {  	[dreg:$0x1] =	wrdreg $0xFFFFFFFF  }
0xc1: {  	_ =	task.clear_ibuf [dreg:s7], $0x2FFFF;
	_ =	strace $0x9FFFFFFF  }
0xc2: {  	(tm) =	ssettm $0x7FFFFFFF  }
0xc3: {  	_ =	shalt  }
tec
execute0_lowered:
.L_overlay_start_1:
0x0: {  	(tag) =	ssettag $0x1  }
0x1: {  	s6 =	rddreg [dreg:$0x0]  }
0x2: {  	s8 =	rddreg [dreg:$0x1]  }
0x3: {  	s0 =	rddreg [dreg:$0x2];
	s3 =	srdreg.scid  }
0x4: {  	s2 =	simm.s32 $0x0;
	s1 =	stileid.u32;
	s12 =	simm.s32 $0x80  }
0x5: {  	s13 =	simm.s32 $0x2000;
	s14 =	simm.s32 $0xA000;
	s15 =	simm.s32 $0x6000  }
0x6: {  	s16 =	simm.s32 $0xE000;
	s17 =	simm.s32 $0x1;
	s18 =	simm.s32 $0x12000  }
0x7: {  	s19 =	simm.s32 $0x2;
	s20 =	simm.s32 $0x16000;
	s21 =	simm.s32 $0x3  }
0x8: {  	s22 =	simm.s32 $0x4;
	s23 =	simm.s32 $0x0;
	s7 =	sand.u32 $0x1, s3  }
0x9: {  	[smem:$0x7FF] =	sst s2;
	s4 =	sshll.u32 s1, $0x6;
	s5 =	sshll.u32 s7, $0x5  }
0xa: {  	s3 =	sadd.s32 $0x17000, s6;
	s7 =	ssub.s32 $0x2, s7;
	s4 =	sor.u32 s5, s4  }
0xb: {  	_ =	strace $0x80000050;
	s11 =	sshrl.u32 s7, $0x1;
	s9 =	sshll.u32 s4, $0x4  }
0xc: {  	s5 =	sadd.s32 $0x3E200, s6;
	s11 =	ssub.s32 s7, s11;
	s10 =	sadd.s32 s9, s6  }
0xd: {  	s6 =	sadd.s32 $0x65400, s6;
	s8 =	sadd.s32 s8, s9;
	s9 =	smax.u32 s11, $0x1  }
0xe: {  	s11 =	simm.s32 $0x1000;
	s7 =	sadd.s32 $0x13000, s10;
	s10 =	simm.s32 $0x5  }
.LBB2_1:
0xf: {  	[tilespmem:s2], [sflag:$0x5] =	stream.linear.gather [hbm4b:s7+s2], $0x1000, $0x38;
	[tilespmem:$0x1A000] =	vst v63  }
0x10: {  	_ =	swait.ge [sflag:s10], $0x1000  }
0x11: {  	[sflag:s10] =	ssyncset.done $0x0  }
0x12: {  	[sflag:s10] =	ssyncadd.s32 $0xFFFFF000  }
0x13: {  	[tilespmem:s11], [sflag:$0x5] =	stream.linear.gather [hbm4b:s8+s2], $0x1000, $0x38;
	[tilespmem:$0x1A000] =	vst v63  }
0x14: {  	_ =	swait.ge [sflag:s10], $0x1000  }
0x15: {  	[sflag:s10] =	ssyncset.done $0x0  }
0x16: {  	[sflag:s10] =	ssyncadd.s32 $0xFFFFF000  }
0x17: {  	[tilespmem:s13], [sflag:$0x1] =	stream.indirect.gather [hbm4b:s3+s12], $0x80, s2, s12, $0xb8;
	[tilespmem:$0x1A000] =	vst v63  }
0x18: {  	s24 =	simm.s32 $0x0  }
0x19: {  	[tilespmem:s14], [sflag:$0x1] =	stream.indirect.gather [hbm4b:s5+s12], $0x80, s11, s12, $0xb8;
	[tilespmem:$0x1A000] =	vst v63  }
.LBB2_2:
0x1a: {  	s25 =	sshllo.u32 s24, $0x1  }
0x1b: {  	s26 =	sshll.u32 s25, $0x7  }
0x1c: {  	[tilespmem:s15], [sflag:$0x2] =	stream.indirect.gather [hbm4b:s3+s12], $0x80, s26, s12, $0xb8;
	[tilespmem:$0x1A000] =	vst v63  }
0x1d: {  	s26 =	sadd.s32 $0x1000, s26  }
0x1e: {  	[tilespmem:s16], [sflag:$0x2] =	stream.indirect.gather [hbm4b:s5+s12], $0x80, s26, s12, $0xb8;
	[tilespmem:$0x1A000] =	vst v63  }
0x1f: {  	_ =	swait.ge [sflag:s17], $0x4000  }
0x20: {  	[sflag:s17] =	ssyncset.done $0x0  }
0x21: {  	[sflag:s17] =	ssyncadd.s32 $0xFFFFC000  }
0x22: {  	_ =	swait.ge [sflag:s17], $0x4000  }
0x23: {  	p0 =	seq.s32 s24, $0x0;
	[sflag:s17] =	ssyncset.done $0x0  }
0x24: {  	s26 =	simm.s32 @!p0 $0x3;
	[sflag:s17] =	ssyncadd.s32 $0xFFFFC000  }
0x25: {  	_ =	swait.ge @!p0 [sflag:s26], $0x4000  }
0x26: {  	[sflag:s26] =	ssyncset.done @!p0 $0x0  }
0x27: {  	[sflag:s26] =	ssyncadd.s32 @!p0 $0xFFFFC000;
	s26 =	simm.s32 $0x0  }
0x28: {  	v0 =	vld [tilespmem:s26+$0x2070]  }
0x29: {  	v1 =	vld [tilespmem:s26+$0xA070]  }
0x2a: {  	v2 =	vld [tilespmem:s26+$0x2000]  }
0x2b: {  	v3 =	vld [tilespmem:s26+$0xA000]  }
0x2c: {  	v4 =	vld [tilespmem:s26+$0x2010]  }
0x2d: {  	v5 =	vld [tilespmem:s26+$0xA010]  }
0x2e: {  	v6 =	vld [tilespmem:s26+$0x2020]  }
0x2f: {  	v7 =	vld [tilespmem:s26+$0x2030]  }
0x30: {  	v0 =	vadd.f32 v1, v0;
	v1 =	vld [tilespmem:s26+$0xA020]  }
0x31: {  	v8 =	vld [tilespmem:s26+$0xA030]  }
0x32: {  	v9 =	vld [tilespmem:s26+$0xA040];
	v2 =	vadd.f32 v3, v2  }
0x33: {  	[tilespmem:s26+$0x12070] =	vst v0;
	v0 =	vadd.f32 v5, v4;
	v5 =	vld [tilespmem:s26+$0x2040]  }
0x34: {  	v3 =	vld [tilespmem:s26+$0xA050];
	[tilespmem:s26+$0x12000] =	vst v2  }
0x35: {  	v2 =	vld [tilespmem:s26+$0x2050];
	[tilespmem:s26+$0x12010] =	vst v0;
	v0 =	vadd.f32 v1, v6  }
0x36: {  	v4 =	vld [tilespmem:s26+$0xA060];
	v6 =	vadd.f32 v8, v7  }
0x37: {  	s29 =	simm.s32 $0x80;
	[tilespmem:s26+$0x12020] =	vst v0;
	v0 =	vld [tilespmem:s26+$0x2060]  }
0x38: {  	s28 =	sshll.u32 s24, $0x1;
	s30 =	simm.s32 $0x400;
	v5 =	vadd.f32 v9, v5;
	v1 =	vld [tilespmem:s29+$0x2070];
	[tilespmem:s26+$0x12030] =	vst v6  }
.LBB2_3:
0x39: {  	p1 =	sne.s32 s30, $0xFE00;
	v6 =	vld [tilespmem:s29+$0xA070]  }
0x3a: {  	v7 =	vld [tilespmem:s29+$0x2000];
	[tilespmem:s26+$0x12040] =	vst v5;
	v2 =	vadd.f32 v3, v2  }
0x3b: {  	v3 =	vld [tilespmem:s29+$0xA000]  }
0x3c: {  	v5 =	vld [tilespmem:s29+$0x2010];
	[tilespmem:s26+$0x12050] =	vst v2;
	v0 =	vadd.f32 v4, v0  }
0x3d: {  	v2 =	vld [tilespmem:s29+$0xA010]  }
0x3e: {  	v4 =	vld [tilespmem:s29+$0x2020];
	v1 =	vadd.f32 v6, v1;
	[tilespmem:s26+$0x12060] =	vst v0;
	s26 =	smov.u32 s29  }
0x3f: {  	v0 =	vld [tilespmem:s26+$0xA020]  }
0x40: {  	v3 =	vadd.f32 v3, v7;
	v6 =	vld [tilespmem:s26+$0x2030];
	[tilespmem:s26+$0x12070] =	vst v1  }
0x41: {  	v1 =	vld [tilespmem:s26+$0xA030]  }
0x42: {  	[tilespmem:s26+$0x12000] =	vst v3;
	v2 =	vadd.f32 v2, v5;
	v5 =	vld [tilespmem:s26+$0x2040]  }
0x43: {  	v7 =	vld [tilespmem:s26+$0xA040]  }
.Ltmp0:
0x44: {  	[tilespmem:s26+$0x12010] =	vst v2;
	v0 =	vadd.f32 v0, v4;
	v2 =	vld [tilespmem:s26+$0x2050];
	(pc) =	sbr.rel @p1 .LBB2_3-.Ltmp0, $4  }
0x45: {  	v3 =	vld [tilespmem:s26+$0xA050]  }
0x46: {  	[tilespmem:s26+$0x12020] =	vst v0;
	v6 =	vadd.f32 v1, v6;
	v0 =	vld [tilespmem:s26+$0x2060]  }
0x47: {  	s29 =	sshra.s32 s30, $0x2;
	v4 =	vld [tilespmem:s26+$0xA060]  }
0x48: {  	s30 =	sadd.s32 $0x200, s30;
	v1 =	vld [tilespmem:s29+$0x2070];
	[tilespmem:s26+$0x12030] =	vst v6;
	v5 =	vadd.f32 v7, v5  }
0x49: {  	v6 =	vld [tilespmem:s29+$0xA070]  }
0x4a: {  	v7 =	vld [tilespmem:s29+$0x2000];
	[tilespmem:s26+$0x12040] =	vst v5;
	v2 =	vadd.f32 v3, v2  }
0x4b: {  	v3 =	vld [tilespmem:s29+$0xA000]  }
0x4c: {  	v5 =	vld [tilespmem:s29+$0x2010];
	[tilespmem:s26+$0x12050] =	vst v2;
	v0 =	vadd.f32 v4, v0  }
0x4d: {  	v2 =	vld [tilespmem:s29+$0xA010]  }
0x4e: {  	v4 =	vld [tilespmem:s29+$0x2020];
	[tilespmem:s26+$0x12060] =	vst v0  }
0x4f: {  	v0 =	vadd.f32 v6, v1;
	v1 =	vld [tilespmem:s29+$0xA020]  }
0x50: {  	v6 =	vld [tilespmem:s29+$0x2030]  }
0x51: {  	v3 =	vadd.f32 v3, v7;
	[tilespmem:s29+$0x12070] =	vst v0;
	v0 =	vld [tilespmem:s29+$0xA030]  }
0x52: {  	v7 =	vld [tilespmem:s29+$0xA060]  }
0x53: {  	[tilespmem:s29+$0x12000] =	vst v3;
	v2 =	vadd.f32 v2, v5;
	v3 =	vld [tilespmem:s29+$0x2040]  }
0x54: {  	v5 =	vld [tilespmem:s29+$0xA040]  }
0x55: {  	[tilespmem:s29+$0x12010] =	vst v2;
	v1 =	vadd.f32 v1, v4;
	v2 =	vld [tilespmem:s29+$0x2050]  }
0x56: {  	v4 =	vld [tilespmem:s29+$0xA050]  }
0x57: {  	[tilespmem:s29+$0x12020] =	vst v1;
	v1 =	vld [tilespmem:s29+$0x2060];
	_ =	sdelay $0x1  }
0x58: {  	v0 =	vadd.f32 v0, v6  }
0x59: {  	v3 =	vadd.f32 v5, v3  }
0x5a: {  	[tilespmem:s29+$0x12030] =	vst v0;
	v0 =	vadd.f32 v4, v2  }
0x5b: {  	s31 =	sadd.s32 s4, s28;
	[tilespmem:s29+$0x12040] =	vst v3;
	v1 =	vadd.f32 v7, v1  }
0x5c: {  	s26 =	sshll.u32 s31, $0xB;
	[tilespmem:s29+$0x12050] =	vst v0  }
0x5d: {  	p1 =	seq.s32 s24, $0xF;
	s26 =	sadd.s32 s6, s26;
	[tilespmem:s29+$0x12060] =	vst v1  }
0x5e: {  	[hbm4b:s26+s2] =	stream.linear.scatter [tilespmem:s18], [sflag:$0x3], $0x4000, $0x38;
	[tilespmem:$0x1A000] =	vst v63  }
0x5f: {  	s26 =	sshll.u32 @!p1 s24, $0x8  }
0x60: {  	s30 =	simm.s32 @!p1 $0x2000;
	s29 =	simm.s32 @!p1 $0x80;
	s28 =	sadd.s32 @!p1 $0x100, s26  }
0x61: {  	[tilespmem:s30], [sflag:$0x1] =	stream.indirect.gather @!p1 [hbm4b:s3+s29], $0x80, s28, s29, $0xb8;
	[tilespmem:$0x1A000] =	vst v63  }
0x62: {  	s26 =	sadd.s32 @!p1 $0x1100, s26;
	s28 =	simm.s32 @!p1 $0xA000  }
0x63: {  	[tilespmem:s28], [sflag:$0x1] =	stream.indirect.gather @!p1 [hbm4b:s5+s29], $0x80, s26, s29, $0xb8;
	[tilespmem:$0x1A000] =	vst v63  }
0x64: {  	_ =	swait.ge [sflag:s19], $0x4000  }
0x65: {  	[sflag:s19] =	ssyncset.done $0x0  }
0x66: {  	[sflag:s19] =	ssyncadd.s32 $0xFFFFC000  }
0x67: {  	_ =	swait.ge [sflag:s19], $0x4000  }
0x68: {  	[sflag:s19] =	ssyncset.done $0x0  }
0x69: {  	s26 =	simm.s32 @!p0 $0x4;
	[sflag:s19] =	ssyncadd.s32 $0xFFFFC000  }
0x6a: {  	_ =	swait.ge @!p0 [sflag:s26], $0x4000  }
0x6b: {  	[sflag:s26] =	ssyncset.done @!p0 $0x0  }
0x6c: {  	[sflag:s26] =	ssyncadd.s32 @!p0 $0xFFFFC000;
	s26 =	simm.s32 $0x0  }
0x6d: {  	v0 =	vld [tilespmem:s26+$0x6070]  }
0x6e: {  	v1 =	vld [tilespmem:s26+$0xE070]  }
0x6f: {  	v2 =	vld [tilespmem:s26+$0x6000]  }
0x70: {  	v3 =	vld [tilespmem:s26+$0xE000]  }
0x71: {  	v4 =	vld [tilespmem:s26+$0x6010]  }
0x72: {  	v5 =	vld [tilespmem:s26+$0xE010]  }
0x73: {  	v6 =	vld [tilespmem:s26+$0x6020]  }
0x74: {  	v7 =	vld [tilespmem:s26+$0x6030]  }
0x75: {  	v0 =	vadd.f32 v1, v0;
	v1 =	vld [tilespmem:s26+$0xE020]  }
0x76: {  	v8 =	vld [tilespmem:s26+$0xE030]  }
0x77: {  	v9 =	vld [tilespmem:s26+$0xE040];
	v2 =	vadd.f32 v3, v2  }
0x78: {  	[tilespmem:s26+$0x16070] =	vst v0;
	v0 =	vadd.f32 v5, v4;
	v5 =	vld [tilespmem:s26+$0x6040]  }
0x79: {  	v3 =	vld [tilespmem:s26+$0xE050];
	[tilespmem:s26+$0x16000] =	vst v2  }
0x7a: {  	v2 =	vld [tilespmem:s26+$0x6050];
	[tilespmem:s26+$0x16010] =	vst v0;
	v0 =	vadd.f32 v1, v6  }
0x7b: {  	v4 =	vld [tilespmem:s26+$0xE060];
	v6 =	vadd.f32 v8, v7  }
0x7c: {  	s28 =	simm.s32 $0x80;
	[tilespmem:s26+$0x16020] =	vst v0;
	v0 =	vld [tilespmem:s26+$0x6060]  }
0x7d: {  	s29 =	simm.s32 $0x400;
	v5 =	vadd.f32 v9, v5;
	v1 =	vld [tilespmem:s28+$0x6070];
	[tilespmem:s26+$0x16030] =	vst v6  }
.LBB2_5:
0x7e: {  	p0 =	sne.s32 s29, $0xFE00;
	v6 =	vld [tilespmem:s28+$0xE070]  }
0x7f: {  	v7 =	vld [tilespmem:s28+$0x6000];
	[tilespmem:s26+$0x16040] =	vst v5;
	v2 =	vadd.f32 v3, v2  }
0x80: {  	v3 =	vld [tilespmem:s28+$0xE000]  }
0x81: {  	v5 =	vld [tilespmem:s28+$0x6010];
	[tilespmem:s26+$0x16050] =	vst v2;
	v0 =	vadd.f32 v4, v0  }
0x82: {  	v2 =	vld [tilespmem:s28+$0xE010]  }
0x83: {  	v4 =	vld [tilespmem:s28+$0x6020];
	v1 =	vadd.f32 v6, v1;
	[tilespmem:s26+$0x16060] =	vst v0;
	s26 =	smov.u32 s28  }
0x84: {  	v0 =	vld [tilespmem:s26+$0xE020]  }
0x85: {  	v3 =	vadd.f32 v3, v7;
	v6 =	vld [tilespmem:s26+$0x6030];
	[tilespmem:s26+$0x16070] =	vst v1  }
0x86: {  	v1 =	vld [tilespmem:s26+$0xE030]  }
0x87: {  	[tilespmem:s26+$0x16000] =	vst v3;
	v2 =	vadd.f32 v2, v5;
	v5 =	vld [tilespmem:s26+$0x6040]  }
0x88: {  	v7 =	vld [tilespmem:s26+$0xE040]  }
.Ltmp1:
0x89: {  	[tilespmem:s26+$0x16010] =	vst v2;
	v0 =	vadd.f32 v0, v4;
	v2 =	vld [tilespmem:s26+$0x6050];
	(pc) =	sbr.rel @p0 .LBB2_5-.Ltmp1, $4  }
0x8a: {  	v3 =	vld [tilespmem:s26+$0xE050]  }
0x8b: {  	[tilespmem:s26+$0x16020] =	vst v0;
	v6 =	vadd.f32 v1, v6;
	v0 =	vld [tilespmem:s26+$0x6060]  }
0x8c: {  	s28 =	sshra.s32 s29, $0x2;
	v4 =	vld [tilespmem:s26+$0xE060]  }
0x8d: {  	s29 =	sadd.s32 $0x200, s29;
	v1 =	vld [tilespmem:s28+$0x6070];
	[tilespmem:s26+$0x16030] =	vst v6;
	v5 =	vadd.f32 v7, v5  }
0x8e: {  	v6 =	vld [tilespmem:s28+$0xE070]  }
0x8f: {  	v7 =	vld [tilespmem:s28+$0x6000];
	[tilespmem:s26+$0x16040] =	vst v5;
	v2 =	vadd.f32 v3, v2  }
0x90: {  	v51 =	vld [tilespmem:s28+$0xE000]  }
0x91: {  	v5 =	vld [tilespmem:s28+$0x6010];
	[tilespmem:s26+$0x16050] =	vst v2;
	v0 =	vadd.f32 v4, v0  }
0x92: {  	v2 =	vld [tilespmem:s28+$0xE010]  }
0x93: {  	v52 =	vld [tilespmem:s28+$0x6020];
	[tilespmem:s26+$0x16060] =	vst v0  }
0x94: {  	v54 =	vld [tilespmem:s28+$0xE020]  }
0x95: {  	v55 =	vld [tilespmem:s28+$0x6030]  }
0x96: {  	v56 =	vld [tilespmem:s28+$0xE030]  }
0x97: {  	v57 =	vld [tilespmem:s28+$0x6040]  }
0x98: {  	v58 =	vld [tilespmem:s28+$0xE040]  }
0x99: {  	v59 =	vld [tilespmem:s28+$0x6050]  }
0x9a: {  	v53 =	vadd.f32 v6, v1;
	v60 =	vld [tilespmem:s28+$0xE050]  }
0x9b: {  	v61 =	vld [tilespmem:s28+$0x6060];
	v3 =	vadd.f32 v51, v7  }
0x9c: {  	v62 =	vld [tilespmem:s28+$0xE060];
	[tilespmem:s28+$0x16070] =	vst v53;
	v2 =	vadd.f32 v2, v5  }
0x9d: {  	[tilespmem:s28+$0x16000] =	vst v3;
	v1 =	vadd.f32 v54, v52  }
0x9e: {  	s24 =	sadd.s32 $0x1, s24;
	[tilespmem:s28+$0x16010] =	vst v2;
	v0 =	vadd.f32 v56, v55  }
0x9f: {  	p0 =	sne.s32 s24, $0x10;
	v3 =	vadd.f32 v58, v57;
	[tilespmem:s28+$0x16020] =	vst v1  }
.Ltmp2:
0xa0: {  	v63 =	vadd.f32 v60, v59;
	[tilespmem:s28+$0x16030] =	vst v0;
	(pc) =	sbr.rel @p0 .LBB2_2-.Ltmp2, $4  }
0xa1: {  	s25 =	sadd.s32 s4, s25;
	[tilespmem:s28+$0x16040] =	vst v3;
	v1 =	vadd.f32 v62, v61  }
0xa2: {  	s25 =	sshll.u32 s25, $0xB;
	[tilespmem:s28+$0x16050] =	vst v63  }
0xa3: {  	s25 =	sadd.s32 s6, s25;
	[tilespmem:s28+$0x16060] =	vst v1  }
0xa4: {  	[hbm4b:s25+s2] =	stream.linear.scatter [tilespmem:s20], [sflag:$0x4], $0x4000, $0x38;
	[tilespmem:$0x1A000] =	vst v63  }
0xa5: {  	s23 =	sadd.s32 $0x1, s23  }
0xa6: {  	_ =	swait.ge [sflag:s21], $0x4000;
	p0 =	sne.s32 s23, s9  }
.Ltmp3:
0xa7: {  	[sflag:s21] =	ssyncset.done $0x0;
	(pc) =	sbr.rel @p0 .LBB2_1-.Ltmp3, $4  }
0xa8: {  	[sflag:s21] =	ssyncadd.s32 $0xFFFFC000  }
0xa9: {  	_ =	swait.ge [sflag:s22], $0x4000  }
0xaa: {  	[sflag:s22] =	ssyncset.done $0x0  }
0xab: {  	[sflag:s22] =	ssyncadd.s32 $0xFFFFC000  }
0xac: {  	_ =	sfence.sel $0x180000  }
0xad: {  	[bflag:$0x0] =	sbarrier.arrive $0xFFFF  }
0xae: {  	p0 =	sne.s32 s1, $0x0;
	_ =	strace $0x90000050  }
0xaf: {  	s0 =	sadd.s32 @!p0 $0x100000, s0;
	[bflag:$0x2] =	sbarrier.arrive $0xFFFF  }
0xb0: {  	[sflag:s0] =	ssyncadd.tile.s32 @!p0 $0x1;
	_ =	shalt  }
.Lfunc_end2:
_tile_overlayer_lowered:
.L_overlay_start_2:
0xb1: {  	(tag) =	ssettag $0x2  }
0xb2: {  	s0 =	rddreg [dreg:$0x0];
	s2 =	stileid.u32  }
0xb3: {  	s1 =	rddreg [dreg:$0x1];
	p0 =	sne.s32 s2, $0x0  }
0xb4: {  	s3 =	rddreg [dreg:$0x2];
	[bflag:$0x3] =	sbarrier.arrive $0xFFFF;
	s2 =	simm.s32 @!p0 $0x1C05  }
0xb5: {  	[timem:s3], [sflag:s2] =	dma.local @!p0 [hbm:s0], s1  }
0xb6: {  	s0 =	simm.s32 @!p0 $0x5  }
0xb7: {  	_ =	swait.ge @!p0 [sflag:s0], s1  }
0xb8: {  	s1 =	ssub.s32 @!p0 $0x0, s1;
	[sflag:s0] =	ssyncset.done @!p0 $0x0  }
0xb9: {  	[sflag:s0] =	ssyncadd.s32 @!p0 s1  }
0xba: {  	[bflag:$0x3] =	sbarrier.arrive $0xFFFF  }
0xbb: {  	_ =	shalt  }

</sc_bundles>
